<compile_context>
chip_gen: v7x
topology: tpu7x:2x2x1
jax: 0.10.2.dev20260603
libtpu: 0.0.44.dev20260713+nightly
codegen_flags: <defaults>
</compile_context>

<pallas_src>
import functools

import jax
import jax.numpy as jnp
from jax import lax
from jax.experimental import pallas as pl
from jax.experimental.pallas import tpu as pltpu
from jax.experimental.pallas import tpu_sc as plsc

NC = 2
NS = 16
LANES = 16

CH = 128
UNROLL = 6


def _ceil_div(a, b):
    return (a + b - 1) // b


def _mesh():
    return plsc.VectorSubcoreMesh(core_axis_name="c", subcore_axis_name="s",
                                  num_cores=NC, num_subcores=NS)


def _zero_rows(buf, ref, row0, rows):
    full, rem = divmod(rows, CH)

    def chunk(j, _):
        pltpu.sync_copy(buf, ref.at[pl.ds(row0 + j * CH, CH)])
        return 0

    lax.fori_loop(0, full, chunk, 0)
    if rem:
        pltpu.sync_copy(buf.at[pl.ds(0, rem)],
                        ref.at[pl.ds(row0 + full * CH, rem)])


def _tile_range(total, workers, wid):
    lo = total // workers
    extra = total % workers
    start = wid * lo + jnp.minimum(wid, extra)
    count = lo + jnp.where(wid < extra, 1, 0)
    return start, count, lo + (1 if extra else 0)




def _make_deg_kernel(nchunks, half, deg_rows):
    lo = nchunks // NS
    max_ct = lo + (1 if nchunks % NS else 0)
    main = (lo // UNROLL) * UNROLL
    tile_rows = deg_rows // NS
    trash = half

    @functools.partial(
        pl.kernel,
        out_type=jax.ShapeDtypeStruct((NC * deg_rows, LANES), jnp.float32),
        mesh=_mesh(),
        compiler_params=pltpu.CompilerParams(use_tc_tiling_on_sc=False),
        scratch_types=[
            pltpu.VMEM((UNROLL, CH), jnp.int32),
            pltpu.VMEM((CH, LANES), jnp.float32),
            pltpu.VMEM((CH, LANES), jnp.float32),
            pltpu.VMEM_SHARED((deg_rows, LANES), jnp.float32),
        ] + [pltpu.SemaphoreType.DMA] * (2 * UNROLL),
    )
    def deg_kernel(dst_hbm, deg_out, idx_buf, ones_buf, zeros_buf, deg_sp,
                   *sems):
        isems = sems[:UNROLL]
        ssems = sems[UNROLL:]
        cid = lax.axis_index("c")
        sid = lax.axis_index("s")
        base = cid * half
        start, count, _ = _tile_range(nchunks, NS, sid)

        ones = jnp.full((LANES,), 1.0, dtype=jnp.float32)
        zeros = jnp.zeros((LANES,), dtype=jnp.float32)

        def init_row(r, _):
            ones_buf[r, :] = ones
            zeros_buf[r, :] = zeros
            return 0

        lax.fori_loop(0, CH, init_row, 0)
        _zero_rows(zeros_buf, deg_sp, sid * tile_rows, tile_rows)
        plsc.subcore_barrier()

        def remap_row(u):
            for q in range(CH // LANES):
                dloc = idx_buf[u, pl.ds(q * LANES, LANES)] - base
                ok = (dloc >= 0) & (dloc < half)
                idx_buf[u, pl.ds(q * LANES, LANES)] = jnp.where(ok, dloc,
                                                                trash)

        def step(t, _):
            c0 = (start + t * UNROLL) * CH
            ldescs = [
                pltpu.async_copy(dst_hbm.at[pl.ds(c0 + u * CH, CH)],
                                 idx_buf.at[u], isems[u])
                for u in range(UNROLL)
            ]
            sdescs = []
            for u in range(UNROLL):
                ldescs[u].wait()
                remap_row(u)
                sdescs.append(pltpu.async_copy(
                    ones_buf, deg_sp.at[idx_buf.at[u]], ssems[u], add=True))
            for sd in sdescs:
                sd.wait()
            return 0

        lax.fori_loop(0, main // UNROLL, step, 0)
        for j in range(main, max_ct):
            @pl.when(j < count)
            def _():
                pltpu.sync_copy(dst_hbm.at[pl.ds((start + j) * CH, CH)],
                                idx_buf.at[0])
                remap_row(0)
                pltpu.sync_copy(ones_buf, deg_sp.at[idx_buf.at[0]], add=True)
        plsc.subcore_barrier()

        pltpu.sync_copy(
            deg_sp.at[pl.ds(sid * tile_rows, tile_rows)],
            deg_out.at[pl.ds(cid * deg_rows + sid * tile_rows, tile_rows)])

    return deg_kernel




def _make_edge_kernel(nchunks, acc_rows, d):
    per_sc = nchunks // NC
    lo = per_sc // NS
    max_ct = lo + (1 if per_sc % NS else 0)
    main = (lo // UNROLL) * UNROLL
    tile_rows = acc_rows // NS

    @functools.partial(
        pl.kernel,
        out_type=jax.ShapeDtypeStruct((NC * acc_rows, d), jnp.bfloat16),
        mesh=_mesh(),
        compiler_params=pltpu.CompilerParams(use_tc_tiling_on_sc=False),
        scratch_types=[
            pltpu.VMEM((UNROLL, CH), jnp.int32),
            pltpu.VMEM((UNROLL, CH), jnp.int32),
            pltpu.VMEM((CH, d), jnp.bfloat16),
            pltpu.VMEM_SHARED((acc_rows, d), jnp.bfloat16),
        ] + [pltpu.VMEM((CH, d), jnp.bfloat16)] * UNROLL
          + [pltpu.SemaphoreType.DMA] * (3 * UNROLL),
    )
    def edge_kernel(src_hbm, dst_hbm, gbf_hbm, acc_out,
                    src_buf, dst_buf, zeros_buf, acc_sp, *rows_and_sems):
        rows = rows_and_sems[:UNROLL]
        isems = rows_and_sems[UNROLL:2 * UNROLL]
        gsems = rows_and_sems[2 * UNROLL:3 * UNROLL]
        ssems = rows_and_sems[3 * UNROLL:]
        cid = lax.axis_index("c")
        sid = lax.axis_index("s")
        start, count, _ = _tile_range(per_sc, NS, sid)
        start = cid * per_sc + start

        zeros = jnp.zeros((2 * LANES,), dtype=jnp.bfloat16)

        def init_row(r, _):
            for q in range(d // (2 * LANES)):
                zeros_buf[r, pl.ds(q * 2 * LANES, 2 * LANES)] = zeros
            return 0

        lax.fori_loop(0, CH, init_row, 0)
        _zero_rows(zeros_buf, acc_sp, sid * tile_rows, tile_rows)
        plsc.subcore_barrier()

        def step(t, _):
            c0 = (start + t * UNROLL) * CH
            ldescs = []
            for u in range(UNROLL):
                ldescs.append(pltpu.async_copy(
                    src_hbm.at[pl.ds(c0 + u * CH, CH)],
                    src_buf.at[u], isems[u]))
                ldescs.append(pltpu.async_copy(
                    dst_hbm.at[pl.ds(c0 + u * CH, CH)],
                    dst_buf.at[u], ssems[u]))
            gdescs = []
            for u in range(UNROLL):
                ldescs[2 * u].wait()
                gdescs.append(pltpu.async_copy(
                    gbf_hbm.at[src_buf.at[u]], rows[u], gsems[u]))
            sdescs = []
            for u in range(UNROLL):
                ldescs[2 * u + 1].wait()
                gdescs[u].wait()
                sdescs.append(pltpu.async_copy(
                    rows[u], acc_sp.at[dst_buf.at[u]], ssems[u], add=True))
            for sd in sdescs:
                sd.wait()
            return 0

        lax.fori_loop(0, main // UNROLL, step, 0)
        for j in range(main, max_ct):
            @pl.when(j < count)
            def _():
                pltpu.sync_copy(src_hbm.at[pl.ds((start + j) * CH, CH)],
                                src_buf.at[0])
                pltpu.sync_copy(dst_hbm.at[pl.ds((start + j) * CH, CH)],
                                dst_buf.at[0])
                pltpu.async_copy(gbf_hbm.at[src_buf.at[0]], rows[0],
                                 gsems[0]).wait()
                pltpu.sync_copy(rows[0], acc_sp.at[dst_buf.at[0]], add=True)
        plsc.subcore_barrier()

        pltpu.sync_copy(
            acc_sp.at[pl.ds(sid * tile_rows, tile_rows)],
            acc_out.at[pl.ds(cid * acc_rows + sid * tile_rows, tile_rows)])

    return edge_kernel




def _pre_body(x_ref, w_ref, deg_ref, g_ref, gbf_ref, dinv_ref):
    deg = deg_ref[...] + 1.0
    dinv = lax.rsqrt(deg)
    dinv_ref[...] = dinv
    g = jnp.dot(x_ref[...], w_ref[...],
                preferred_element_type=jnp.float32) * dinv
    g_ref[...] = g
    gbf_ref[...] = g.astype(jnp.bfloat16)


def _post_body(a0_ref, a1_ref, g_ref, dinv_ref, b_ref, o_ref):
    acc = (a0_ref[...].astype(jnp.float32)
           + a1_ref[...].astype(jnp.float32))
    o_ref[...] = jnp.tanh((acc + g_ref[...]) * dinv_ref[...] + b_ref[...])


BN = 128


def kernel(x, edge_index, W, b):
    n, d_in = x.shape
    d_out = W.shape[1]
    e = edge_index.shape[1]

    nb = _ceil_div(n, BN)
    npad = nb * BN

    assert e % CH == 0 and (e // CH) % NC == 0 and n % 2 == 0
    nchunks = e // CH
    half = n // 2
    deg_rows = _ceil_div(half + 1, NS) * NS
    acc_rows = _ceil_div(n, NS) * NS

    src = edge_index[0]
    dst = edge_index[1]

    deg_kernel = _make_deg_kernel(nchunks, half, deg_rows)
    deg_parts = deg_kernel(dst)
    degw = deg_parts.reshape(NC, deg_rows, LANES)
    deg = jnp.concatenate([degw[0, :half, 0:1], degw[1, :half, 0:1]], axis=0)

    g, gbf, dinv = pl.pallas_call(
        _pre_body,
        grid=(nb,),
        in_specs=[
            pl.BlockSpec((BN, d_in), lambda i: (i, 0)),
            pl.BlockSpec((d_in, d_out), lambda i: (0, 0)),
            pl.BlockSpec((BN, 1), lambda i: (i, 0)),
        ],
        out_specs=[
            pl.BlockSpec((BN, d_out), lambda i: (i, 0)),
            pl.BlockSpec((BN, d_out), lambda i: (i, 0)),
            pl.BlockSpec((BN, 1), lambda i: (i, 0)),
        ],
        out_shape=[
            jax.ShapeDtypeStruct((npad, d_out), jnp.float32),
            jax.ShapeDtypeStruct((npad, d_out), jnp.bfloat16),
            jax.ShapeDtypeStruct((npad, 1), jnp.float32),
        ],
    )(x, W, deg)

    edge_kernel = _make_edge_kernel(nchunks, acc_rows, d_out)
    accp = edge_kernel(src, dst, gbf).reshape(NC, acc_rows, d_out)

    out = pl.pallas_call(
        _post_body,
        grid=(nb,),
        in_specs=[
            pl.BlockSpec((BN, d_out), lambda i: (i, 0)),
            pl.BlockSpec((BN, d_out), lambda i: (i, 0)),
            pl.BlockSpec((BN, d_out), lambda i: (i, 0)),
            pl.BlockSpec((BN, 1), lambda i: (i, 0)),
            pl.BlockSpec((1, d_out), lambda i: (0, 0)),
        ],
        out_specs=pl.BlockSpec((BN, d_out), lambda i: (i, 0)),
        out_shape=jax.ShapeDtypeStruct((n, d_out), jnp.float32),
    )(accp[0], accp[1], g, dinv, b.reshape(1, d_out))

    return out

# --- scband reference (transcript-rebuilt; emitter-appended) ---
"""Pipeline reference for scband-my-model-21955872817591 (READ-ONLY COPY).

The authoritative reference and input builder live on the scoring server;
editing this copy changes nothing except your own understanding.
"""

import jax, jax.numpy as jnp
import numpy as np

N = 50000
E = 800000
D_IN = 64
D_OUT = 64


def setup_inputs(seed: int = 0) -> dict:
    key = jax.random.key(seed)
    k1, k2, k3, k4 = jax.random.split(key, 4)
    x = jax.random.normal(k1, (N, D_IN), dtype=jnp.float32)
    edge_index = jax.random.randint(k2, (2, E), 0, N, dtype=jnp.int32)
    std = float(np.sqrt(2.0 / (D_IN + D_OUT)))
    W = jax.random.normal(k3, (D_IN, D_OUT), dtype=jnp.float32) * std
    b = jax.random.normal(k4, (D_OUT,), dtype=jnp.float32) * std
    return {"x": x, "edge_index": edge_index, "W": W, "b": b}


def reference(x, edge_index, W, b):
    # Faithful GCNConv (torch_geometric) with add_self_loops=True, symmetric norm,
    # followed by tanh as in GraphConv.forward / MyModel.new_gcn.
    n = x.shape[0]
    loop = jnp.arange(n, dtype=edge_index.dtype)
    src = jnp.concatenate([edge_index[0], loop])
    dst = jnp.concatenate([edge_index[1], loop])
    # linear transform first (GCNConv applies weight before propagation)
    h = x @ W
    # degree computed on destination nodes with unit edge weights (incl. self loops)
    deg = jnp.zeros((n,), dtype=x.dtype).at[dst].add(1.0)
    deg_inv_sqrt = jnp.where(deg > 0, jax.lax.rsqrt(jnp.maximum(deg, 1e-12)), 0.0)
    norm = deg_inv_sqrt[src] * deg_inv_sqrt[dst]
    # gather messages from source nodes, scale, scatter-add into destination nodes
    msgs = h[src] * norm[:, None]
    out = jnp.zeros((n, h.shape[1]), dtype=x.dtype).at[dst].add(msgs)
    out = out + b
    return jnp.tanh(out)

if __name__ == "__main__":
    import jax
    _d = setup_inputs()
    print(jax.jit(kernel)(*tuple(_d.values())))

</pallas_src>

<mosaic_0001>
#map = affine_map<(d0, d1) -> (0)>
#map1 = affine_map<(d0, d1) -> (0, 0)>
module attributes {stable_mosaic.version = 14 : i64} {
  func.func @deg_kernel(%arg0: i32, %arg1: i32, %arg2: memref<800000xi32, #tpu.memory_space<hbm>>, %arg3: memref<50016x16xf32, #tpu.memory_space<hbm>>, %arg4: memref<6x128xi32, #tpu.memory_space<vmem>>, %arg5: memref<128x16xf32, #tpu.memory_space<vmem>>, %arg6: memref<128x16xf32, #tpu.memory_space<vmem>>, %arg7: memref<25008x16xf32, #tpu.memory_space<vmem_shared>>, %arg8: memref<!tpu.dma_semaphore, #tpu.memory_space<semaphore_mem>>, %arg9: memref<!tpu.dma_semaphore, #tpu.memory_space<semaphore_mem>>, %arg10: memref<!tpu.dma_semaphore, #tpu.memory_space<semaphore_mem>>, %arg11: memref<!tpu.dma_semaphore, #tpu.memory_space<semaphore_mem>>, %arg12: memref<!tpu.dma_semaphore, #tpu.memory_space<semaphore_mem>>, %arg13: memref<!tpu.dma_semaphore, #tpu.memory_space<semaphore_mem>>, %arg14: memref<!tpu.dma_semaphore, #tpu.memory_space<semaphore_mem>>, %arg15: memref<!tpu.dma_semaphore, #tpu.memory_space<semaphore_mem>>, %arg16: memref<!tpu.dma_semaphore, #tpu.memory_space<semaphore_mem>>, %arg17: memref<!tpu.dma_semaphore, #tpu.memory_space<semaphore_mem>>, %arg18: memref<!tpu.dma_semaphore, #tpu.memory_space<semaphore_mem>>, %arg19: memref<!tpu.dma_semaphore, #tpu.memory_space<semaphore_mem>>) attributes {dimension_semantics = [#tpu.dimension_semantics<core_parallel>, #tpu.dimension_semantics<subcore_parallel>], iteration_bounds = array<i64: 2, 16>, scalar_prefetch = 0 : i64, scratch_operands = 16 : i64, tpu.core_type = #tpu.core_type<sc_vector_subcore>, window_params = [{transform_indices = #map}, {transform_indices = #map1}]} {
    %mul3A = arith.constant 25000 : i32
    %mul3A_0 = arith.muli %arg0, %mul3A : i32
    %mul3A_1 = arith.constant 390 : i32
    %mul3A_2 = arith.muli %arg1, %mul3A_1 : i32
    %min3A = arith.constant 10 : i32
    %min3A_3 = arith.minsi %arg1, %min3A : i32
    %add3A = arith.addi %mul3A_2, %min3A_3 : i32
    %lt3A = arith.constant 10 : i32
    %lt3A_4 = arith.cmpi slt, %arg1, %lt3A : i32
    %jit3A = arith.constant 1 : i32
    %jit3A_5 = arith.constant 0 : i32
    %select_n3A = arith.select %lt3A_4, %jit3A, %jit3A_5 : i32
    %add3A_6 = arith.constant 390 : i32
    %add3A_7 = arith.addi %add3A_6, %select_n3A : i32
    %broadcast_in_dim3A = arith.constant 1.000000e+00 : f32
    %broadcast_in_dim3A_8 = vector.broadcast %broadcast_in_dim3A : f32 to vector<16xf32>
    %broadcast_in_dim3A_9 = arith.constant 0.000000e+00 : f32
    %broadcast_in_dim3A_10 = vector.broadcast %broadcast_in_dim3A_9 : f32 to vector<16xf32>
    %scan3A = arith.constant 0 : i32
    %scan3A_11 = arith.constant 0 : i32
    %scan3A_12 = arith.constant 128 : i32
    %scan3A_13 = arith.addi %scan3A_11, %scan3A_12 : i32
    %scan3A_14 = arith.constant 1 : i32
    %scan3A_15 = scf.for %scan3A_45 = %scan3A_11 to %scan3A_13 step %scan3A_14 iter_args(%scan3A_46 = %scan3A) -> (i32)  : i32 {
      %swap3A = arith.index_cast %scan3A_45 : i32 to index
      %swap3A_47 = arith.constant 0 : index
      %swap3A_48 = tpu.vector_load %arg5[%swap3A, %swap3A_47] {strides = array<i32>} : memref<128x16xf32, #tpu.memory_space<vmem>>, vector<1x16xf32>,
      %swap3A_49 = vector.shape_cast %swap3A_48 : vector<1x16xf32> to vector<16xf32>
      %swap3A_50 = vector.shape_cast %broadcast_in_dim3A_8 : vector<16xf32> to vector<1x16xf32>
      tpu.vector_store %arg5[%swap3A, %swap3A_47], %swap3A_50 {strides = array<i32>} : memref<128x16xf32, #tpu.memory_space<vmem>>, vector<1x16xf32>,
      %swap3A_51 = arith.index_cast %scan3A_45 : i32 to index
      %swap3A_52 = arith.constant 0 : index
      %swap3A_53 = tpu.vector_load %arg6[%swap3A_51, %swap3A_52] {strides = array<i32>} : memref<128x16xf32, #tpu.memory_space<vmem>>, vector<1x16xf32>,
      %swap3A_54 = vector.shape_cast %swap3A_53 : vector<1x16xf32> to vector<16xf32>
      %swap3A_55 = vector.shape_cast %broadcast_in_dim3A_10 : vector<16xf32> to vector<1x16xf32>
      tpu.vector_store %arg6[%swap3A_51, %swap3A_52], %swap3A_55 {strides = array<i32>} : memref<128x16xf32, #tpu.memory_space<vmem>>, vector<1x16xf32>,
      %scan3A_56 = arith.constant 0 : i32
      scf.yield %scan3A_56 : i32
    }
    %scan3A_16 = arith.constant 128 : i32
    %mul3A_17 = arith.constant 1563 : i32
    %mul3A_18 = arith.muli %arg1, %mul3A_17 : i32
    %scan3A_19 = arith.constant 0 : i32
    %scan3A_20 = arith.constant 0 : i32
    %scan3A_21 = arith.constant 12 : i32
    %scan3A_22 = arith.addi %scan3A_20, %scan3A_21 : i32
    %scan3A_23 = arith.constant 1 : i32
    %scan3A_24 = scf.for %scan3A_45 = %scan3A_20 to %scan3A_22 step %scan3A_23 iter_args(%scan3A_46 = %scan3A_19) -> (i32)  : i32 {
      %mul3A_47 = arith.constant 128 : i32
      %mul3A_48 = arith.muli %scan3A_45, %mul3A_47 : i32
      %add3A_49 = arith.addi %mul3A_18, %mul3A_48 : i32
      "tpu.region"() ({
        %run_scoped3A = tpu.sem_alloc : memref<!tpu.dma_semaphore, #tpu.memory_space<semaphore_mem>>
        %dma_start3A = arith.constant 0 : i32
        %dma_start3A_51 = tpu.memref_slice %arg7[%add3A_49, %dma_start3A] : memref<25008x16xf32, #tpu.memory_space<vmem_shared>> -> memref<128x16xf32, #tpu.memory_space<vmem_shared>>
        %dma_start3A_52 = arith.constant 0 : i32
        %dma_start3A_53 = tpu.memref_slice %arg7[%add3A_49, %dma_start3A_52] : memref<25008x16xf32, #tpu.memory_space<vmem_shared>> -> memref<128x16xf32, #tpu.memory_space<vmem_shared>>
        tpu.enqueue_dma source(%arg6 : memref<128x16xf32, #tpu.memory_space<vmem>>) target(%dma_start3A_53 : memref<128x16xf32, #tpu.memory_space<vmem_shared>>) target_semaphore(%run_scoped3A : memref<!tpu.dma_semaphore, #tpu.memory_space<semaphore_mem>>)
        %dma_wait3A = arith.constant 0 : i32
        %dma_wait3A_54 = tpu.memref_slice %arg7[%add3A_49, %dma_wait3A] : memref<25008x16xf32, #tpu.memory_space<vmem_shared>> -> memref<128x16xf32, #tpu.memory_space<vmem_shared>>
        %dma_wait3A_55 = arith.constant 0 : i32
        %dma_wait3A_56 = tpu.memref_slice %arg7[%add3A_49, %dma_wait3A_55] : memref<25008x16xf32, #tpu.memory_space<vmem_shared>> -> memref<128x16xf32, #tpu.memory_space<vmem_shared>>
        tpu.wait_dma2 semaphore(%run_scoped3A : memref<!tpu.dma_semaphore, #tpu.memory_space<semaphore_mem>>) src(%arg6 : memref<128x16xf32, #tpu.memory_space<vmem>>) dst(%dma_wait3A_56 : memref<128x16xf32, #tpu.memory_space<vmem_shared>>)
        tpu.yield
      }) : () -> ()
      %scan3A_50 = arith.constant 0 : i32
      scf.yield %scan3A_50 : i32
    }
    %scan3A_25 = arith.constant 12 : i32
    %add3A_26 = arith.constant 1536 : i32
    %add3A_27 = arith.addi %mul3A_18, %add3A_26 : i32
    "tpu.region"() ({
      %run_scoped3A = tpu.sem_alloc : memref<!tpu.dma_semaphore, #tpu.memory_space<semaphore_mem>>
      %dma_start3A = arith.constant 0 : i32
      %dma_start3A_45 = arith.constant 0 : i32
      %dma_start3A_46 = tpu.memref_slice %arg6[%dma_start3A, %dma_start3A_45] : memref<128x16xf32, #tpu.memory_space<vmem>> -> memref<27x16xf32, #tpu.memory_space<vmem>>
      %dma_start3A_47 = arith.constant 0 : i32
      %dma_start3A_48 = tpu.memref_slice %arg7[%add3A_27, %dma_start3A_47] : memref<25008x16xf32, #tpu.memory_space<vmem_shared>> -> memref<27x16xf32, #tpu.memory_space<vmem_shared>>
      %dma_start3A_49 = arith.constant 0 : i32
      %dma_start3A_50 = tpu.memref_slice %arg7[%add3A_27, %dma_start3A_49] : memref<25008x16xf32, #tpu.memory_space<vmem_shared>> -> memref<27x16xf32, #tpu.memory_space<vmem_shared>>
      %dma_start3A_51 = arith.constant 0 : i32
      %dma_start3A_52 = arith.constant 0 : i32
      %dma_start3A_53 = tpu.memref_slice %arg6[%dma_start3A_51, %dma_start3A_52] : memref<128x16xf32, #tpu.memory_space<vmem>> -> memref<27x16xf32, #tpu.memory_space<vmem>>
      tpu.enqueue_dma source(%dma_start3A_53 : memref<27x16xf32, #tpu.memory_space<vmem>>) target(%dma_start3A_50 : memref<27x16xf32, #tpu.memory_space<vmem_shared>>) target_semaphore(%run_scoped3A : memref<!tpu.dma_semaphore, #tpu.memory_space<semaphore_mem>>)
      %dma_wait3A = arith.constant 0 : i32
      %dma_wait3A_54 = arith.constant 0 : i32
      %dma_wait3A_55 = tpu.memref_slice %arg6[%dma_wait3A, %dma_wait3A_54] : memref<128x16xf32, #tpu.memory_space<vmem>> -> memref<27x16xf32, #tpu.memory_space<vmem>>
      %dma_wait3A_56 = arith.constant 0 : i32
      %dma_wait3A_57 = tpu.memref_slice %arg7[%add3A_27, %dma_wait3A_56] : memref<25008x16xf32, #tpu.memory_space<vmem_shared>> -> memref<27x16xf32, #tpu.memory_space<vmem_shared>>
      %dma_wait3A_58 = arith.constant 0 : i32
      %dma_wait3A_59 = tpu.memref_slice %arg7[%add3A_27, %dma_wait3A_58] : memref<25008x16xf32, #tpu.memory_space<vmem_shared>> -> memref<27x16xf32, #tpu.memory_space<vmem_shared>>
      %dma_wait3A_60 = arith.constant 0 : i32
      %dma_wait3A_61 = arith.constant 0 : i32
      %dma_wait3A_62 = tpu.memref_slice %arg6[%dma_wait3A_60, %dma_wait3A_61] : memref<128x16xf32, #tpu.memory_space<vmem>> -> memref<27x16xf32, #tpu.memory_space<vmem>>
      tpu.wait_dma2 semaphore(%run_scoped3A : memref<!tpu.dma_semaphore, #tpu.memory_space<semaphore_mem>>) src(%dma_wait3A_62 : memref<27x16xf32, #tpu.memory_space<vmem>>) dst(%dma_wait3A_59 : memref<27x16xf32, #tpu.memory_space<vmem_shared>>)
      tpu.yield
    }) : () -> ()
    %barrier3A = arith.constant 0 : index
    tpu.barrier barrier_id(%barrier3A)
    %scan3A_28 = arith.constant 0 : i32
    %scan3A_29 = arith.constant 0 : i32
    %scan3A_30 = arith.constant 65 : i32
    %scan3A_31 = arith.addi %scan3A_29, %scan3A_30 : i32
    %scan3A_32 = arith.constant 1 : i32
    %scan3A_33 = scf.for %scan3A_45 = %scan3A_29 to %scan3A_31 step %scan3A_32 iter_args(%scan3A_46 = %scan3A_28) -> (i32)  : i32 {
      %mul3A_47 = arith.constant 6 : i32
      %mul3A_48 = arith.muli %scan3A_45, %mul3A_47 : i32
      %add3A_49 = arith.addi %add3A, %mul3A_48 : i32
      %mul3A_50 = arith.constant 128 : i32
      %mul3A_51 = arith.muli %add3A_49, %mul3A_50 : i32
      %add3A_52 = arith.constant 0 : i32
      %add3A_53 = arith.addi %mul3A_51, %add3A_52 : i32
      %dma_start3A = arith.constant 0 : i32
      %dma_start3A_54 = arith.constant 0 : i32
      %dma_start3A_55 = tpu.memref_slice %arg4[%dma_start3A, %dma_start3A_54] : memref<6x128xi32, #tpu.memory_space<vmem>> -> memref<1x128xi32, #tpu.memory_space<vmem>>
      %dma_start3A_56 = tpu.memref_squeeze %dma_start3A_55 : memref<1x128xi32, #tpu.memory_space<vmem>> -> memref<128xi32, #tpu.memory_space<vmem>>
      %dma_start3A_57 = tpu.memref_slice %arg2[%add3A_53] : memref<800000xi32, #tpu.memory_space<hbm>> -> memref<128xi32, #tpu.memory_space<hbm>>
      %dma_start3A_58 = arith.constant 0 : i32
      %dma_start3A_59 = tpu.memref_slice %arg4[%dma_start3A, %dma_start3A_58] : memref<6x128xi32, #tpu.memory_space<vmem>> -> memref<1x128xi32, #tpu.memory_space<vmem>>
      %dma_start3A_60 = tpu.memref_squeeze %dma_start3A_59 : memref<1x128xi32, #tpu.memory_space<vmem>> -> memref<128xi32, #tpu.memory_space<vmem>>
      %dma_start3A_61 = tpu.memref_slice %arg2[%add3A_53] : memref<800000xi32, #tpu.memory_space<hbm>> -> memref<128xi32, #tpu.memory_space<hbm>>
      tpu.enqueue_dma source(%dma_start3A_61 : memref<128xi32, #tpu.memory_space<hbm>>) target(%dma_start3A_60 : memref<128xi32, #tpu.memory_space<vmem>>) target_semaphore(%arg8 : memref<!tpu.dma_semaphore, #tpu.memory_space<semaphore_mem>>)
      %add3A_62 = arith.constant 128 : i32
      %add3A_63 = arith.addi %mul3A_51, %add3A_62 : i32
      %dma_start3A_64 = arith.constant 1 : i32
      %dma_start3A_65 = arith.constant 0 : i32
      %dma_start3A_66 = tpu.memref_slice %arg4[%dma_start3A_64, %dma_start3A_65] : memref<6x128xi32, #tpu.memory_space<vmem>> -> memref<1x128xi32, #tpu.memory_space<vmem>>
      %dma_start3A_67 = tpu.memref_squeeze %dma_start3A_66 : memref<1x128xi32, #tpu.memory_space<vmem>> -> memref<128xi32, #tpu.memory_space<vmem>>
      %dma_start3A_68 = tpu.memref_slice %arg2[%add3A_63] : memref<800000xi32, #tpu.memory_space<hbm>> -> memref<128xi32, #tpu.memory_space<hbm>>
      %dma_start3A_69 = arith.constant 0 : i32
      %dma_start3A_70 = tpu.memref_slice %arg4[%dma_start3A_64, %dma_start3A_69] : memref<6x128xi32, #tpu.memory_space<vmem>> -> memref<1x128xi32, #tpu.memory_space<vmem>>
      %dma_start3A_71 = tpu.memref_squeeze %dma_start3A_70 : memref<1x128xi32, #tpu.memory_space<vmem>> -> memref<128xi32, #tpu.memory_space<vmem>>
      %dma_start3A_72 = tpu.memref_slice %arg2[%add3A_63] : memref<800000xi32, #tpu.memory_space<hbm>> -> memref<128xi32, #tpu.memory_space<hbm>>
      tpu.enqueue_dma source(%dma_start3A_72 : memref<128xi32, #tpu.memory_space<hbm>>) target(%dma_start3A_71 : memref<128xi32, #tpu.memory_space<vmem>>) target_semaphore(%arg9 : memref<!tpu.dma_semaphore, #tpu.memory_space<semaphore_mem>>)
      %add3A_73 = arith.constant 256 : i32
      %add3A_74 = arith.addi %mul3A_51, %add3A_73 : i32
      %dma_start3A_75 = arith.constant 2 : i32
      %dma_start3A_76 = arith.constant 0 : i32
      %dma_start3A_77 = tpu.memref_slice %arg4[%dma_start3A_75, %dma_start3A_76] : memref<6x128xi32, #tpu.memory_space<vmem>> -> memref<1x128xi32, #tpu.memory_space<vmem>>
      %dma_start3A_78 = tpu.memref_squeeze %dma_start3A_77 : memref<1x128xi32, #tpu.memory_space<vmem>> -> memref<128xi32, #tpu.memory_space<vmem>>
      %dma_start3A_79 = tpu.memref_slice %arg2[%add3A_74] : memref<800000xi32, #tpu.memory_space<hbm>> -> memref<128xi32, #tpu.memory_space<hbm>>
      %dma_start3A_80 = arith.constant 0 : i32
      %dma_start3A_81 = tpu.memref_slice %arg4[%dma_start3A_75, %dma_start3A_80] : memref<6x128xi32, #tpu.memory_space<vmem>> -> memref<1x128xi32, #tpu.memory_space<vmem>>
      %dma_start3A_82 = tpu.memref_squeeze %dma_start3A_81 : memref<1x128xi32, #tpu.memory_space<vmem>> -> memref<128xi32, #tpu.memory_space<vmem>>
      %dma_start3A_83 = tpu.memref_slice %arg2[%add3A_74] : memref<800000xi32, #tpu.memory_space<hbm>> -> memref<128xi32, #tpu.memory_space<hbm>>
      tpu.enqueue_dma source(%dma_start3A_83 : memref<128xi32, #tpu.memory_space<hbm>>) target(%dma_start3A_82 : memref<128xi32, #tpu.memory_space<vmem>>) target_semaphore(%arg10 : memref<!tpu.dma_semaphore, #tpu.memory_space<semaphore_mem>>)
      %add3A_84 = arith.constant 384 : i32
      %add3A_85 = arith.addi %mul3A_51, %add3A_84 : i32
      %dma_start3A_86 = arith.constant 3 : i32
      %dma_start3A_87 = arith.constant 0 : i32
      %dma_start3A_88 = tpu.memref_slice %arg4[%dma_start3A_86, %dma_start3A_87] : memref<6x128xi32, #tpu.memory_space<vmem>> -> memref<1x128xi32, #tpu.memory_space<vmem>>
      %dma_start3A_89 = tpu.memref_squeeze %dma_start3A_88 : memref<1x128xi32, #tpu.memory_space<vmem>> -> memref<128xi32, #tpu.memory_space<vmem>>
      %dma_start3A_90 = tpu.memref_slice %arg2[%add3A_85] : memref<800000xi32, #tpu.memory_space<hbm>> -> memref<128xi32, #tpu.memory_space<hbm>>
      %dma_start3A_91 = arith.constant 0 : i32
      %dma_start3A_92 = tpu.memref_slice %arg4[%dma_start3A_86, %dma_start3A_91] : memref<6x128xi32, #tpu.memory_space<vmem>> -> memref<1x128xi32, #tpu.memory_space<vmem>>
      %dma_start3A_93 = tpu.memref_squeeze %dma_start3A_92 : memref<1x128xi32, #tpu.memory_space<vmem>> -> memref<128xi32, #tpu.memory_space<vmem>>
      %dma_start3A_94 = tpu.memref_slice %arg2[%add3A_85] : memref<800000xi32, #tpu.memory_space<hbm>> -> memref<128xi32, #tpu.memory_space<hbm>>
      tpu.enqueue_dma source(%dma_start3A_94 : memref<128xi32, #tpu.memory_space<hbm>>) target(%dma_start3A_93 : memref<128xi32, #tpu.memory_space<vmem>>) target_semaphore(%arg11 : memref<!tpu.dma_semaphore, #tpu.memory_space<semaphore_mem>>)
      %add3A_95 = arith.constant 512 : i32
      %add3A_96 = arith.addi %mul3A_51, %add3A_95 : i32
      %dma_start3A_97 = arith.constant 4 : i32
      %dma_start3A_98 = arith.constant 0 : i32
      %dma_start3A_99 = tpu.memref_slice %arg4[%dma_start3A_97, %dma_start3A_98] : memref<6x128xi32, #tpu.memory_space<vmem>> -> memref<1x128xi32, #tpu.memory_space<vmem>>
      %dma_start3A_100 = tpu.memref_squeeze %dma_start3A_99 : memref<1x128xi32, #tpu.memory_space<vmem>> -> memref<128xi32, #tpu.memory_space<vmem>>
      %dma_start3A_101 = tpu.memref_slice %arg2[%add3A_96] : memref<800000xi32, #tpu.memory_space<hbm>> -> memref<128xi32, #tpu.memory_space<hbm>>
      %dma_start3A_102 = arith.constant 0 : i32
      %dma_start3A_103 = tpu.memref_slice %arg4[%dma_start3A_97, %dma_start3A_102] : memref<6x128xi32, #tpu.memory_space<vmem>> -> memref<1x128xi32, #tpu.memory_space<vmem>>
      %dma_start3A_104 = tpu.memref_squeeze %dma_start3A_103 : memref<1x128xi32, #tpu.memory_space<vmem>> -> memref<128xi32, #tpu.memory_space<vmem>>
      %dma_start3A_105 = tpu.memref_slice %arg2[%add3A_96] : memref<800000xi32, #tpu.memory_space<hbm>> -> memref<128xi32, #tpu.memory_space<hbm>>
      tpu.enqueue_dma source(%dma_start3A_105 : memref<128xi32, #tpu.memory_space<hbm>>) target(%dma_start3A_104 : memref<128xi32, #tpu.memory_space<vmem>>) target_semaphore(%arg12 : memref<!tpu.dma_semaphore, #tpu.memory_space<semaphore_mem>>)
      %add3A_106 = arith.constant 640 : i32
      %add3A_107 = arith.addi %mul3A_51, %add3A_106 : i32
      %dma_start3A_108 = arith.constant 5 : i32
      %dma_start3A_109 = arith.constant 0 : i32
      %dma_start3A_110 = tpu.memref_slice %arg4[%dma_start3A_108, %dma_start3A_109] : memref<6x128xi32, #tpu.memory_space<vmem>> -> memref<1x128xi32, #tpu.memory_space<vmem>>
      %dma_start3A_111 = tpu.memref_squeeze %dma_start3A_110 : memref<1x128xi32, #tpu.memory_space<vmem>> -> memref<128xi32, #tpu.memory_space<vmem>>
      %dma_start3A_112 = tpu.memref_slice %arg2[%add3A_107] : memref<800000xi32, #tpu.memory_space<hbm>> -> memref<128xi32, #tpu.memory_space<hbm>>
      %dma_start3A_113 = arith.constant 0 : i32
      %dma_start3A_114 = tpu.memref_slice %arg4[%dma_start3A_108, %dma_start3A_113] : memref<6x128xi32, #tpu.memory_space<vmem>> -> memref<1x128xi32, #tpu.memory_space<vmem>>
      %dma_start3A_115 = tpu.memref_squeeze %dma_start3A_114 : memref<1x128xi32, #tpu.memory_space<vmem>> -> memref<128xi32, #tpu.memory_space<vmem>>
      %dma_start3A_116 = tpu.memref_slice %arg2[%add3A_107] : memref<800000xi32, #tpu.memory_space<hbm>> -> memref<128xi32, #tpu.memory_space<hbm>>
      tpu.enqueue_dma source(%dma_start3A_116 : memref<128xi32, #tpu.memory_space<hbm>>) target(%dma_start3A_115 : memref<128xi32, #tpu.memory_space<vmem>>) target_semaphore(%arg13 : memref<!tpu.dma_semaphore, #tpu.memory_space<semaphore_mem>>)
      %dma_wait3A = arith.constant 0 : i32
      %dma_wait3A_117 = arith.constant 0 : i32
      %dma_wait3A_118 = tpu.memref_slice %arg4[%dma_wait3A, %dma_wait3A_117] : memref<6x128xi32, #tpu.memory_space<vmem>> -> memref<1x128xi32, #tpu.memory_space<vmem>>
      %dma_wait3A_119 = tpu.memref_squeeze %dma_wait3A_118 : memref<1x128xi32, #tpu.memory_space<vmem>> -> memref<128xi32, #tpu.memory_space<vmem>>
      %dma_wait3A_120 = tpu.memref_slice %arg2[%add3A_53] : memref<800000xi32, #tpu.memory_space<hbm>> -> memref<128xi32, #tpu.memory_space<hbm>>
      %dma_wait3A_121 = arith.constant 0 : i32
      %dma_wait3A_122 = tpu.memref_slice %arg4[%dma_wait3A, %dma_wait3A_121] : memref<6x128xi32, #tpu.memory_space<vmem>> -> memref<1x128xi32, #tpu.memory_space<vmem>>
      %dma_wait3A_123 = tpu.memref_squeeze %dma_wait3A_122 : memref<1x128xi32, #tpu.memory_space<vmem>> -> memref<128xi32, #tpu.memory_space<vmem>>
      %dma_wait3A_124 = tpu.memref_slice %arg2[%add3A_53] : memref<800000xi32, #tpu.memory_space<hbm>> -> memref<128xi32, #tpu.memory_space<hbm>>
      tpu.wait_dma2 semaphore(%arg8 : memref<!tpu.dma_semaphore, #tpu.memory_space<semaphore_mem>>) src(%dma_wait3A_124 : memref<128xi32, #tpu.memory_space<hbm>>) dst(%dma_wait3A_123 : memref<128xi32, #tpu.memory_space<vmem>>)
      %get3A = arith.constant 0 : i32
      %get3A_125 = arith.index_cast %get3A : i32 to index
      %get3A_126 = arith.constant 0 : index
      %get3A_127 = tpu.vector_load %arg4[%get3A_125, %get3A_126] {strides = array<i32>} : memref<6x128xi32, #tpu.memory_space<vmem>>, vector<1x16xi32>,
      %get3A_128 = vector.shape_cast %get3A_127 : vector<1x16xi32> to vector<16xi32>
      %sub3A = vector.broadcast %mul3A_0 : i32 to vector<16xi32>
      %sub3A_129 = arith.subi %get3A_128, %sub3A : vector<16xi32>
      %ge3A = arith.constant 0 : i32
      %ge3A_130 = vector.broadcast %ge3A : i32 to vector<16xi32>
      %ge3A_131 = arith.cmpi sge, %sub3A_129, %ge3A_130 : vector<16xi32>
      %lt3A_132 = arith.constant 25000 : i32
      %lt3A_133 = vector.broadcast %lt3A_132 : i32 to vector<16xi32>
      %lt3A_134 = arith.cmpi slt, %sub3A_129, %lt3A_133 : vector<16xi32>
      %and3A = arith.andi %ge3A_131, %lt3A_134 : vector<16xi1>
      %jit3A_135 = arith.constant 25000 : i32
      %broadcast_in_dim3A_136 = vector.broadcast %jit3A_135 : i32 to vector<16xi32>
      %select_n3A_137 = arith.select %and3A, %sub3A_129, %broadcast_in_dim3A_136 : vector<16xi1>, vector<16xi32>
      %swap3A = arith.constant 0 : i32
      %swap3A_138 = arith.index_cast %swap3A : i32 to index
      %swap3A_139 = arith.constant 0 : index
      %swap3A_140 = tpu.vector_load %arg4[%swap3A_138, %swap3A_139] {strides = array<i32>} : memref<6x128xi32, #tpu.memory_space<vmem>>, vector<1x16xi32>,
      %swap3A_141 = vector.shape_cast %swap3A_140 : vector<1x16xi32> to vector<16xi32>
      %swap3A_142 = vector.shape_cast %select_n3A_137 : vector<16xi32> to vector<1x16xi32>
      tpu.vector_store %arg4[%swap3A_138, %swap3A_139], %swap3A_142 {strides = array<i32>} : memref<6x128xi32, #tpu.memory_space<vmem>>, vector<1x16xi32>,
      %get3A_143 = arith.constant 0 : i32
      %get3A_144 = arith.index_cast %get3A_143 : i32 to index
      %get3A_145 = arith.constant 16 : index
      %get3A_146 = tpu.vector_load %arg4[%get3A_144, %get3A_145] {strides = array<i32>} : memref<6x128xi32, #tpu.memory_space<vmem>>, vector<1x16xi32>,
      %get3A_147 = vector.shape_cast %get3A_146 : vector<1x16xi32> to vector<16xi32>
      %sub3A_148 = vector.broadcast %mul3A_0 : i32 to vector<16xi32>
      %sub3A_149 = arith.subi %get3A_147, %sub3A_148 : vector<16xi32>
      %ge3A_150 = arith.constant 0 : i32
      %ge3A_151 = vector.broadcast %ge3A_150 : i32 to vector<16xi32>
      %ge3A_152 = arith.cmpi sge, %sub3A_149, %ge3A_151 : vector<16xi32>
      %lt3A_153 = arith.constant 25000 : i32
      %lt3A_154 = vector.broadcast %lt3A_153 : i32 to vector<16xi32>
      %lt3A_155 = arith.cmpi slt, %sub3A_149, %lt3A_154 : vector<16xi32>
      %and3A_156 = arith.andi %ge3A_152, %lt3A_155 : vector<16xi1>
      %jit3A_157 = arith.constant 25000 : i32
      %broadcast_in_dim3A_158 = vector.broadcast %jit3A_157 : i32 to vector<16xi32>
      %select_n3A_159 = arith.select %and3A_156, %sub3A_149, %broadcast_in_dim3A_158 : vector<16xi1>, vector<16xi32>
      %swap3A_160 = arith.constant 0 : i32
      %swap3A_161 = arith.index_cast %swap3A_160 : i32 to index
      %swap3A_162 = arith.constant 16 : index
      %swap3A_163 = tpu.vector_load %arg4[%swap3A_161, %swap3A_162] {strides = array<i32>} : memref<6x128xi32, #tpu.memory_space<vmem>>, vector<1x16xi32>,
      %swap3A_164 = vector.shape_cast %swap3A_163 : vector<1x16xi32> to vector<16xi32>
      %swap3A_165 = vector.shape_cast %select_n3A_159 : vector<16xi32> to vector<1x16xi32>
      tpu.vector_store %arg4[%swap3A_161, %swap3A_162], %swap3A_165 {strides = array<i32>} : memref<6x128xi32, #tpu.memory_space<vmem>>, vector<1x16xi32>,
      %get3A_166 = arith.constant 0 : i32
      %get3A_167 = arith.index_cast %get3A_166 : i32 to index
      %get3A_168 = arith.constant 32 : index
      %get3A_169 = tpu.vector_load %arg4[%get3A_167, %get3A_168] {strides = array<i32>} : memref<6x128xi32, #tpu.memory_space<vmem>>, vector<1x16xi32>,
      %get3A_170 = vector.shape_cast %get3A_169 : vector<1x16xi32> to vector<16xi32>
      %sub3A_171 = vector.broadcast %mul3A_0 : i32 to vector<16xi32>
      %sub3A_172 = arith.subi %get3A_170, %sub3A_171 : vector<16xi32>
      %ge3A_173 = arith.constant 0 : i32
      %ge3A_174 = vector.broadcast %ge3A_173 : i32 to vector<16xi32>
      %ge3A_175 = arith.cmpi sge, %sub3A_172, %ge3A_174 : vector<16xi32>
      %lt3A_176 = arith.constant 25000 : i32
      %lt3A_177 = vector.broadcast %lt3A_176 : i32 to vector<16xi32>
      %lt3A_178 = arith.cmpi slt, %sub3A_172, %lt3A_177 : vector<16xi32>
      %and3A_179 = arith.andi %ge3A_175, %lt3A_178 : vector<16xi1>
      %jit3A_180 = arith.constant 25000 : i32
      %broadcast_in_dim3A_181 = vector.broadcast %jit3A_180 : i32 to vector<16xi32>
      %select_n3A_182 = arith.select %and3A_179, %sub3A_172, %broadcast_in_dim3A_181 : vector<16xi1>, vector<16xi32>
      %swap3A_183 = arith.constant 0 : i32
      %swap3A_184 = arith.index_cast %swap3A_183 : i32 to index
      %swap3A_185 = arith.constant 32 : index
      %swap3A_186 = tpu.vector_load %arg4[%swap3A_184, %swap3A_185] {strides = array<i32>} : memref<6x128xi32, #tpu.memory_space<vmem>>, vector<1x16xi32>,
      %swap3A_187 = vector.shape_cast %swap3A_186 : vector<1x16xi32> to vector<16xi32>
      %swap3A_188 = vector.shape_cast %select_n3A_182 : vector<16xi32> to vector<1x16xi32>
      tpu.vector_store %arg4[%swap3A_184, %swap3A_185], %swap3A_188 {strides = array<i32>} : memref<6x128xi32, #tpu.memory_space<vmem>>, vector<1x16xi32>,
      %get3A_189 = arith.constant 0 : i32
      %get3A_190 = arith.index_cast %get3A_189 : i32 to index
      %get3A_191 = arith.constant 48 : index
      %get3A_192 = tpu.vector_load %arg4[%get3A_190, %get3A_191] {strides = array<i32>} : memref<6x128xi32, #tpu.memory_space<vmem>>, vector<1x16xi32>,
      %get3A_193 = vector.shape_cast %get3A_192 : vector<1x16xi32> to vector<16xi32>
      %sub3A_194 = vector.broadcast %mul3A_0 : i32 to vector<16xi32>
      %sub3A_195 = arith.subi %get3A_193, %sub3A_194 : vector<16xi32>
      %ge3A_196 = arith.constant 0 : i32
      %ge3A_197 = vector.broadcast %ge3A_196 : i32 to vector<16xi32>
      %ge3A_198 = arith.cmpi sge, %sub3A_195, %ge3A_197 : vector<16xi32>
      %lt3A_199 = arith.constant 25000 : i32
      %lt3A_200 = vector.broadcast %lt3A_199 : i32 to vector<16xi32>
      %lt3A_201 = arith.cmpi slt, %sub3A_195, %lt3A_200 : vector<16xi32>
      %and3A_202 = arith.andi %ge3A_198, %lt3A_201 : vector<16xi1>
      %jit3A_203 = arith.constant 25000 : i32
      %broadcast_in_dim3A_204 = vector.broadcast %jit3A_203 : i32 to vector<16xi32>
      %select_n3A_205 = arith.select %and3A_202, %sub3A_195, %broadcast_in_dim3A_204 : vector<16xi1>, vector<16xi32>
      %swap3A_206 = arith.constant 0 : i32
      %swap3A_207 = arith.index_cast %swap3A_206 : i32 to index
      %swap3A_208 = arith.constant 48 : index
      %swap3A_209 = tpu.vector_load %arg4[%swap3A_207, %swap3A_208] {strides = array<i32>} : memref<6x128xi32, #tpu.memory_space<vmem>>, vector<1x16xi32>,
      %swap3A_210 = vector.shape_cast %swap3A_209 : vector<1x16xi32> to vector<16xi32>
      %swap3A_211 = vector.shape_cast %select_n3A_205 : vector<16xi32> to vector<1x16xi32>
      tpu.vector_store %arg4[%swap3A_207, %swap3A_208], %swap3A_211 {strides = array<i32>} : memref<6x128xi32, #tpu.memory_space<vmem>>, vector<1x16xi32>,
      %get3A_212 = arith.constant 0 : i32
      %get3A_213 = arith.index_cast %get3A_212 : i32 to index
      %get3A_214 = arith.constant 64 : index
      %get3A_215 = tpu.vector_load %arg4[%get3A_213, %get3A_214] {strides = array<i32>} : memref<6x128xi32, #tpu.memory_space<vmem>>, vector<1x16xi32>,
      %get3A_216 = vector.shape_cast %get3A_215 : vector<1x16xi32> to vector<16xi32>
      %sub3A_217 = vector.broadcast %mul3A_0 : i32 to vector<16xi32>
      %sub3A_218 = arith.subi %get3A_216, %sub3A_217 : vector<16xi32>
      %ge3A_219 = arith.constant 0 : i32
      %ge3A_220 = vector.broadcast %ge3A_219 : i32 to vector<16xi32>
      %ge3A_221 = arith.cmpi sge, %sub3A_218, %ge3A_220 : vector<16xi32>
      %lt3A_222 = arith.constant 25000 : i32
      %lt3A_223 = vector.broadcast %lt3A_222 : i32 to vector<16xi32>
      %lt3A_224 = arith.cmpi slt, %sub3A_218, %lt3A_223 : vector<16xi32>
      %and3A_225 = arith.andi %ge3A_221, %lt3A_224 : vector<16xi1>
      %jit3A_226 = arith.constant 25000 : i32
      %broadcast_in_dim3A_227 = vector.broadcast %jit3A_226 : i32 to vector<16xi32>
      %select_n3A_228 = arith.select %and3A_225, %sub3A_218, %broadcast_in_dim3A_227 : vector<16xi1>, vector<16xi32>
      %swap3A_229 = arith.constant 0 : i32
      %swap3A_230 = arith.index_cast %swap3A_229 : i32 to index
      %swap3A_231 = arith.constant 64 : index
      %swap3A_232 = tpu.vector_load %arg4[%swap3A_230, %swap3A_231] {strides = array<i32>} : memref<6x128xi32, #tpu.memory_space<vmem>>, vector<1x16xi32>,
      %swap3A_233 = vector.shape_cast %swap3A_232 : vector<1x16xi32> to vector<16xi32>
      %swap3A_234 = vector.shape_cast %select_n3A_228 : vector<16xi32> to vector<1x16xi32>
      tpu.vector_store %arg4[%swap3A_230, %swap3A_231], %swap3A_234 {strides = array<i32>} : memref<6x128xi32, #tpu.memory_space<vmem>>, vector<1x16xi32>,
      %get3A_235 = arith.constant 0 : i32
      %get3A_236 = arith.index_cast %get3A_235 : i32 to index
      %get3A_237 = arith.constant 80 : index
      %get3A_238 = tpu.vector_load %arg4[%get3A_236, %get3A_237] {strides = array<i32>} : memref<6x128xi32, #tpu.memory_space<vmem>>, vector<1x16xi32>,
      %get3A_239 = vector.shape_cast %get3A_238 : vector<1x16xi32> to vector<16xi32>
      %sub3A_240 = vector.broadcast %mul3A_0 : i32 to vector<16xi32>
      %sub3A_241 = arith.subi %get3A_239, %sub3A_240 : vector<16xi32>
      %ge3A_242 = arith.constant 0 : i32
      %ge3A_243 = vector.broadcast %ge3A_242 : i32 to vector<16xi32>
      %ge3A_244 = arith.cmpi sge, %sub3A_241, %ge3A_243 : vector<16xi32>
      %lt3A_245 = arith.constant 25000 : i32
      %lt3A_246 = vector.broadcast %lt3A_245 : i32 to vector<16xi32>
      %lt3A_247 = arith.cmpi slt, %sub3A_241, %lt3A_246 : vector<16xi32>
      %and3A_248 = arith.andi %ge3A_244, %lt3A_247 : vector<16xi1>
      %jit3A_249 = arith.constant 25000 : i32
      %broadcast_in_dim3A_250 = vector.broadcast %jit3A_249 : i32 to vector<16xi32>
      %select_n3A_251 = arith.select %and3A_248, %sub3A_241, %broadcast_in_dim3A_250 : vector<16xi1>, vector<16xi32>
      %swap3A_252 = arith.constant 0 : i32
      %swap3A_253 = arith.index_cast %swap3A_252 : i32 to index
      %swap3A_254 = arith.constant 80 : index
      %swap3A_255 = tpu.vector_load %arg4[%swap3A_253, %swap3A_254] {strides = array<i32>} : memref<6x128xi32, #tpu.memory_space<vmem>>, vector<1x16xi32>,
      %swap3A_256 = vector.shape_cast %swap3A_255 : vector<1x16xi32> to vector<16xi32>
      %swap3A_257 = vector.shape_cast %select_n3A_251 : vector<16xi32> to vector<1x16xi32>
      tpu.vector_store %arg4[%swap3A_253, %swap3A_254], %swap3A_257 {strides = array<i32>} : memref<6x128xi32, #tpu.memory_space<vmem>>, vector<1x16xi32>,
      %get3A_258 = arith.constant 0 : i32
      %get3A_259 = arith.index_cast %get3A_258 : i32 to index
      %get3A_260 = arith.constant 96 : index
      %get3A_261 = tpu.vector_load %arg4[%get3A_259, %get3A_260] {strides = array<i32>} : memref<6x128xi32, #tpu.memory_space<vmem>>, vector<1x16xi32>,
      %get3A_262 = vector.shape_cast %get3A_261 : vector<1x16xi32> to vector<16xi32>
      %sub3A_263 = vector.broadcast %mul3A_0 : i32 to vector<16xi32>
      %sub3A_264 = arith.subi %get3A_262, %sub3A_263 : vector<16xi32>
      %ge3A_265 = arith.constant 0 : i32
      %ge3A_266 = vector.broadcast %ge3A_265 : i32 to vector<16xi32>
      %ge3A_267 = arith.cmpi sge, %sub3A_264, %ge3A_266 : vector<16xi32>
      %lt3A_268 = arith.constant 25000 : i32
      %lt3A_269 = vector.broadcast %lt3A_268 : i32 to vector<16xi32>
      %lt3A_270 = arith.cmpi slt, %sub3A_264, %lt3A_269 : vector<16xi32>
      %and3A_271 = arith.andi %ge3A_267, %lt3A_270 : vector<16xi1>
      %jit3A_272 = arith.constant 25000 : i32
      %broadcast_in_dim3A_273 = vector.broadcast %jit3A_272 : i32 to vector<16xi32>
      %select_n3A_274 = arith.select %and3A_271, %sub3A_264, %broadcast_in_dim3A_273 : vector<16xi1>, vector<16xi32>
      %swap3A_275 = arith.constant 0 : i32
      %swap3A_276 = arith.index_cast %swap3A_275 : i32 to index
      %swap3A_277 = arith.constant 96 : index
      %swap3A_278 = tpu.vector_load %arg4[%swap3A_276, %swap3A_277] {strides = array<i32>} : memref<6x128xi32, #tpu.memory_space<vmem>>, vector<1x16xi32>,
      %swap3A_279 = vector.shape_cast %swap3A_278 : vector<1x16xi32> to vector<16xi32>
      %swap3A_280 = vector.shape_cast %select_n3A_274 : vector<16xi32> to vector<1x16xi32>
      tpu.vector_store %arg4[%swap3A_276, %swap3A_277], %swap3A_280 {strides = array<i32>} : memref<6x128xi32, #tpu.memory_space<vmem>>, vector<1x16xi32>,
      %get3A_281 = arith.constant 0 : i32
      %get3A_282 = arith.index_cast %get3A_281 : i32 to index
      %get3A_283 = arith.constant 112 : index
      %get3A_284 = tpu.vector_load %arg4[%get3A_282, %get3A_283] {strides = array<i32>} : memref<6x128xi32, #tpu.memory_space<vmem>>, vector<1x16xi32>,
      %get3A_285 = vector.shape_cast %get3A_284 : vector<1x16xi32> to vector<16xi32>
      %sub3A_286 = vector.broadcast %mul3A_0 : i32 to vector<16xi32>
      %sub3A_287 = arith.subi %get3A_285, %sub3A_286 : vector<16xi32>
      %ge3A_288 = arith.constant 0 : i32
      %ge3A_289 = vector.broadcast %ge3A_288 : i32 to vector<16xi32>
      %ge3A_290 = arith.cmpi sge, %sub3A_287, %ge3A_289 : vector<16xi32>
      %lt3A_291 = arith.constant 25000 : i32
      %lt3A_292 = vector.broadcast %lt3A_291 : i32 to vector<16xi32>
      %lt3A_293 = arith.cmpi slt, %sub3A_287, %lt3A_292 : vector<16xi32>
      %and3A_294 = arith.andi %ge3A_290, %lt3A_293 : vector<16xi1>
      %jit3A_295 = arith.constant 25000 : i32
      %broadcast_in_dim3A_296 = vector.broadcast %jit3A_295 : i32 to vector<16xi32>
      %select_n3A_297 = arith.select %and3A_294, %sub3A_287, %broadcast_in_dim3A_296 : vector<16xi1>, vector<16xi32>
      %swap3A_298 = arith.constant 0 : i32
      %swap3A_299 = arith.index_cast %swap3A_298 : i32 to index
      %swap3A_300 = arith.constant 112 : index
      %swap3A_301 = tpu.vector_load %arg4[%swap3A_299, %swap3A_300] {strides = array<i32>} : memref<6x128xi32, #tpu.memory_space<vmem>>, vector<1x16xi32>,
      %swap3A_302 = vector.shape_cast %swap3A_301 : vector<1x16xi32> to vector<16xi32>
      %swap3A_303 = vector.shape_cast %select_n3A_297 : vector<16xi32> to vector<1x16xi32>
      tpu.vector_store %arg4[%swap3A_299, %swap3A_300], %swap3A_303 {strides = array<i32>} : memref<6x128xi32, #tpu.memory_space<vmem>>, vector<1x16xi32>,
      %dma_start3A_304 = arith.constant 0 : i32
      %dma_start3A_305 = arith.constant 0 : i32
      %dma_start3A_306 = tpu.memref_slice %arg4[%dma_start3A_304, %dma_start3A_305] : memref<6x128xi32, #tpu.memory_space<vmem>> -> memref<1x128xi32, #tpu.memory_space<vmem>>
      %dma_start3A_307 = tpu.memref_squeeze %dma_start3A_306 : memref<1x128xi32, #tpu.memory_space<vmem>> -> memref<128xi32, #tpu.memory_space<vmem>>
      %dma_start3A_308 = arith.constant 0 : i32
      %dma_start3A_309 = arith.constant 0 : i32
      %dma_start3A_310 = tpu.memref_slice %arg7[%dma_start3A_308, %dma_start3A_309] : memref<25008x16xf32, #tpu.memory_space<vmem_shared>> -> memref<25008x16xf32, #tpu.memory_space<vmem_shared>>
      tpu.enqueue_indirect_dma source(%arg5 : memref<128x16xf32, #tpu.memory_space<vmem>>) target(%dma_start3A_310 : memref<25008x16xf32, #tpu.memory_space<vmem_shared>>) offsets(%dma_start3A_307 : memref<128xi32, #tpu.memory_space<vmem>>) semaphore(%arg14 : memref<!tpu.dma_semaphore, #tpu.memory_space<semaphore_mem>>) {add = true}
      %dma_wait3A_311 = arith.constant 1 : i32
      %dma_wait3A_312 = arith.constant 0 : i32
      %dma_wait3A_313 = tpu.memref_slice %arg4[%dma_wait3A_311, %dma_wait3A_312] : memref<6x128xi32, #tpu.memory_space<vmem>> -> memref<1x128xi32, #tpu.memory_space<vmem>>
      %dma_wait3A_314 = tpu.memref_squeeze %dma_wait3A_313 : memref<1x128xi32, #tpu.memory_space<vmem>> -> memref<128xi32, #tpu.memory_space<vmem>>
      %dma_wait3A_315 = tpu.memref_slice %arg2[%add3A_63] : memref<800000xi32, #tpu.memory_space<hbm>> -> memref<128xi32, #tpu.memory_space<hbm>>
      %dma_wait3A_316 = arith.constant 0 : i32
      %dma_wait3A_317 = tpu.memref_slice %arg4[%dma_wait3A_311, %dma_wait3A_316] : memref<6x128xi32, #tpu.memory_space<vmem>> -> memref<1x128xi32, #tpu.memory_space<vmem>>
      %dma_wait3A_318 = tpu.memref_squeeze %dma_wait3A_317 : memref<1x128xi32, #tpu.memory_space<vmem>> -> memref<128xi32, #tpu.memory_space<vmem>>
      %dma_wait3A_319 = tpu.memref_slice %arg2[%add3A_63] : memref<800000xi32, #tpu.memory_space<hbm>> -> memref<128xi32, #tpu.memory_space<hbm>>
      tpu.wait_dma2 semaphore(%arg9 : memref<!tpu.dma_semaphore, #tpu.memory_space<semaphore_mem>>) src(%dma_wait3A_319 : memref<128xi32, #tpu.memory_space<hbm>>) dst(%dma_wait3A_318 : memref<128xi32, #tpu.memory_space<vmem>>)
      %get3A_320 = arith.constant 1 : i32
      %get3A_321 = arith.index_cast %get3A_320 : i32 to index
      %get3A_322 = arith.constant 0 : index
      %get3A_323 = tpu.vector_load %arg4[%get3A_321, %get3A_322] {strides = array<i32>} : memref<6x128xi32, #tpu.memory_space<vmem>>, vector<1x16xi32>,
      %get3A_324 = vector.shape_cast %get3A_323 : vector<1x16xi32> to vector<16xi32>
      %sub3A_325 = vector.broadcast %mul3A_0 : i32 to vector<16xi32>
      %sub3A_326 = arith.subi %get3A_324, %sub3A_325 : vector<16xi32>
      %ge3A_327 = arith.constant 0 : i32
      %ge3A_328 = vector.broadcast %ge3A_327 : i32 to vector<16xi32>
      %ge3A_329 = arith.cmpi sge, %sub3A_326, %ge3A_328 : vector<16xi32>
      %lt3A_330 = arith.constant 25000 : i32
      %lt3A_331 = vector.broadcast %lt3A_330 : i32 to vector<16xi32>
      %lt3A_332 = arith.cmpi slt, %sub3A_326, %lt3A_331 : vector<16xi32>
      %and3A_333 = arith.andi %ge3A_329, %lt3A_332 : vector<16xi1>
      %jit3A_334 = arith.constant 25000 : i32
      %broadcast_in_dim3A_335 = vector.broadcast %jit3A_334 : i32 to vector<16xi32>
      %select_n3A_336 = arith.select %and3A_333, %sub3A_326, %broadcast_in_dim3A_335 : vector<16xi1>, vector<16xi32>
      %swap3A_337 = arith.constant 1 : i32
      %swap3A_338 = arith.index_cast %swap3A_337 : i32 to index
      %swap3A_339 = arith.constant 0 : index
      %swap3A_340 = tpu.vector_load %arg4[%swap3A_338, %swap3A_339] {strides = array<i32>} : memref<6x128xi32, #tpu.memory_space<vmem>>, vector<1x16xi32>,
      %swap3A_341 = vector.shape_cast %swap3A_340 : vector<1x16xi32> to vector<16xi32>
      %swap3A_342 = vector.shape_cast %select_n3A_336 : vector<16xi32> to vector<1x16xi32>
      tpu.vector_store %arg4[%swap3A_338, %swap3A_339], %swap3A_342 {strides = array<i32>} : memref<6x128xi32, #tpu.memory_space<vmem>>, vector<1x16xi32>,
      %get3A_343 = arith.constant 1 : i32
      %get3A_344 = arith.index_cast %get3A_343 : i32 to index
      %get3A_345 = arith.constant 16 : index
      %get3A_346 = tpu.vector_load %arg4[%get3A_344, %get3A_345] {strides = array<i32>} : memref<6x128xi32, #tpu.memory_space<vmem>>, vector<1x16xi32>,
      %get3A_347 = vector.shape_cast %get3A_346 : vector<1x16xi32> to vector<16xi32>
      %sub3A_348 = vector.broadcast %mul3A_0 : i32 to vector<16xi32>
      %sub3A_349 = arith.subi %get3A_347, %sub3A_348 : vector<16xi32>
      %ge3A_350 = arith.constant 0 : i32
      %ge3A_351 = vector.broadcast %ge3A_350 : i32 to vector<16xi32>
      %ge3A_352 = arith.cmpi sge, %sub3A_349, %ge3A_351 : vector<16xi32>
      %lt3A_353 = arith.constant 25000 : i32
      %lt3A_354 = vector.broadcast %lt3A_353 : i32 to vector<16xi32>
      %lt3A_355 = arith.cmpi slt, %sub3A_349, %lt3A_354 : vector<16xi32>
      %and3A_356 = arith.andi %ge3A_352, %lt3A_355 : vector<16xi1>
      %jit3A_357 = arith.constant 25000 : i32
      %broadcast_in_dim3A_358 = vector.broadcast %jit3A_357 : i32 to vector<16xi32>
      %select_n3A_359 = arith.select %and3A_356, %sub3A_349, %broadcast_in_dim3A_358 : vector<16xi1>, vector<16xi32>
      %swap3A_360 = arith.constant 1 : i32
      %swap3A_361 = arith.index_cast %swap3A_360 : i32 to index
      %swap3A_362 = arith.constant 16 : index
      %swap3A_363 = tpu.vector_load %arg4[%swap3A_361, %swap3A_362] {strides = array<i32>} : memref<6x128xi32, #tpu.memory_space<vmem>>, vector<1x16xi32>,
      %swap3A_364 = vector.shape_cast %swap3A_363 : vector<1x16xi32> to vector<16xi32>
      %swap3A_365 = vector.shape_cast %select_n3A_359 : vector<16xi32> to vector<1x16xi32>
      tpu.vector_store %arg4[%swap3A_361, %swap3A_362], %swap3A_365 {strides = array<i32>} : memref<6x128xi32, #tpu.memory_space<vmem>>, vector<1x16xi32>,
      %get3A_366 = arith.constant 1 : i32
      %get3A_367 = arith.index_cast %get3A_366 : i32 to index
      %get3A_368 = arith.constant 32 : index
      %get3A_369 = tpu.vector_load %arg4[%get3A_367, %get3A_368] {strides = array<i32>} : memref<6x128xi32, #tpu.memory_space<vmem>>, vector<1x16xi32>,
      %get3A_370 = vector.shape_cast %get3A_369 : vector<1x16xi32> to vector<16xi32>
      %sub3A_371 = vector.broadcast %mul3A_0 : i32 to vector<16xi32>
      %sub3A_372 = arith.subi %get3A_370, %sub3A_371 : vector<16xi32>
      %ge3A_373 = arith.constant 0 : i32
      %ge3A_374 = vector.broadcast %ge3A_373 : i32 to vector<16xi32>
      %ge3A_375 = arith.cmpi sge, %sub3A_372, %ge3A_374 : vector<16xi32>
      %lt3A_376 = arith.constant 25000 : i32
      %lt3A_377 = vector.broadcast %lt3A_376 : i32 to vector<16xi32>
      %lt3A_378 = arith.cmpi slt, %sub3A_372, %lt3A_377 : vector<16xi32>
      %and3A_379 = arith.andi %ge3A_375, %lt3A_378 : vector<16xi1>
      %jit3A_380 = arith.constant 25000 : i32
      %broadcast_in_dim3A_381 = vector.broadcast %jit3A_380 : i32 to vector<16xi32>
      %select_n3A_382 = arith.select %and3A_379, %sub3A_372, %broadcast_in_dim3A_381 : vector<16xi1>, vector<16xi32>
      %swap3A_383 = arith.constant 1 : i32
      %swap3A_384 = arith.index_cast %swap3A_383 : i32 to index
      %swap3A_385 = arith.constant 32 : index
      %swap3A_386 = tpu.vector_load %arg4[%swap3A_384, %swap3A_385] {strides = array<i32>} : memref<6x128xi32, #tpu.memory_space<vmem>>, vector<1x16xi32>,
      %swap3A_387 = vector.shape_cast %swap3A_386 : vector<1x16xi32> to vector<16xi32>
      %swap3A_388 = vector.shape_cast %select_n3A_382 : vector<16xi32> to vector<1x16xi32>
      tpu.vector_store %arg4[%swap3A_384, %swap3A_385], %swap3A_388 {strides = array<i32>} : memref<6x128xi32, #tpu.memory_space<vmem>>, vector<1x16xi32>,
      %get3A_389 = arith.constant 1 : i32
      %get3A_390 = arith.index_cast %get3A_389 : i32 to index
      %get3A_391 = arith.constant 48 : index
      %get3A_392 = tpu.vector_load %arg4[%get3A_390, %get3A_391] {strides = array<i32>} : memref<6x128xi32, #tpu.memory_space<vmem>>, vector<1x16xi32>,
      %get3A_393 = vector.shape_cast %get3A_392 : vector<1x16xi32> to vector<16xi32>
      %sub3A_394 = vector.broadcast %mul3A_0 : i32 to vector<16xi32>
      %sub3A_395 = arith.subi %get3A_393, %sub3A_394 : vector<16xi32>
      %ge3A_396 = arith.constant 0 : i32
      %ge3A_397 = vector.broadcast %ge3A_396 : i32 to vector<16xi32>
      %ge3A_398 = arith.cmpi sge, %sub3A_395, %ge3A_397 : vector<16xi32>
      %lt3A_399 = arith.constant 25000 : i32
      %lt3A_400 = vector.broadcast %lt3A_399 : i32 to vector<16xi32>
      %lt3A_401 = arith.cmpi slt, %sub3A_395, %lt3A_400 : vector<16xi32>
      %and3A_402 = arith.andi %ge3A_398, %lt3A_401 : vector<16xi1>
      %jit3A_403 = arith.constant 25000 : i32
      %broadcast_in_dim3A_404 = vector.broadcast %jit3A_403 : i32 to vector<16xi32>
      %select_n3A_405 = arith.select %and3A_402, %sub3A_395, %broadcast_in_dim3A_404 : vector<16xi1>, vector<16xi32>
      %swap3A_406 = arith.constant 1 : i32
      %swap3A_407 = arith.index_cast %swap3A_406 : i32 to index
      %swap3A_408 = arith.constant 48 : index
      %swap3A_409 = tpu.vector_load %arg4[%swap3A_407, %swap3A_408] {strides = array<i32>} : memref<6x128xi32, #tpu.memory_space<vmem>>, vector<1x16xi32>,
      %swap3A_410 = vector.shape_cast %swap3A_409 : vector<1x16xi32> to vector<16xi32>
      %swap3A_411 = vector.shape_cast %select_n3A_405 : vector<16xi32> to vector<1x16xi32>
      tpu.vector_store %arg4[%swap3A_407, %swap3A_408], %swap3A_411 {strides = array<i32>} : memref<6x128xi32, #tpu.memory_space<vmem>>, vector<1x16xi32>,
      %get3A_412 = arith.constant 1 : i32
      %get3A_413 = arith.index_cast %get3A_412 : i32 to index
      %get3A_414 = arith.constant 64 : index
      %get3A_415 = tpu.vector_load %arg4[%get3A_413, %get3A_414] {strides = array<i32>} : memref<6x128xi32, #tpu.memory_space<vmem>>, vector<1x16xi32>,
      %get3A_416 = vector.shape_cast %get3A_415 : vector<1x16xi32> to vector<16xi32>
      %sub3A_417 = vector.broadcast %mul3A_0 : i32 to vector<16xi32>
      %sub3A_418 = arith.subi %get3A_416, %sub3A_417 : vector<16xi32>
      %ge3A_419 = arith.constant 0 : i32
      %ge3A_420 = vector.broadcast %ge3A_419 : i32 to vector<16xi32>
      %ge3A_421 = arith.cmpi sge, %sub3A_418, %ge3A_420 : vector<16xi32>
      %lt3A_422 = arith.constant 25000 : i32
      %lt3A_423 = vector.broadcast %lt3A_422 : i32 to vector<16xi32>
      %lt3A_424 = arith.cmpi slt, %sub3A_418, %lt3A_423 : vector<16xi32>
      %and3A_425 = arith.andi %ge3A_421, %lt3A_424 : vector<16xi1>
      %jit3A_426 = arith.constant 25000 : i32
      %broadcast_in_dim3A_427 = vector.broadcast %jit3A_426 : i32 to vector<16xi32>
      %select_n3A_428 = arith.select %and3A_425, %sub3A_418, %broadcast_in_dim3A_427 : vector<16xi1>, vector<16xi32>
      %swap3A_429 = arith.constant 1 : i32
      %swap3A_430 = arith.index_cast %swap3A_429 : i32 to index
      %swap3A_431 = arith.constant 64 : index
      %swap3A_432 = tpu.vector_load %arg4[%swap3A_430, %swap3A_431] {strides = array<i32>} : memref<6x128xi32, #tpu.memory_space<vmem>>, vector<1x16xi32>,
      %swap3A_433 = vector.shape_cast %swap3A_432 : vector<1x16xi32> to vector<16xi32>
      %swap3A_434 = vector.shape_cast %select_n3A_428 : vector<16xi32> to vector<1x16xi32>
      tpu.vector_store %arg4[%swap3A_430, %swap3A_431], %swap3A_434 {strides = array<i32>} : memref<6x128xi32, #tpu.memory_space<vmem>>, vector<1x16xi32>,
      %get3A_435 = arith.constant 1 : i32
      %get3A_436 = arith.index_cast %get3A_435 : i32 to index
      %get3A_437 = arith.constant 80 : index
      %get3A_438 = tpu.vector_load %arg4[%get3A_436, %get3A_437] {strides = array<i32>} : memref<6x128xi32, #tpu.memory_space<vmem>>, vector<1x16xi32>,
      %get3A_439 = vector.shape_cast %get3A_438 : vector<1x16xi32> to vector<16xi32>
      %sub3A_440 = vector.broadcast %mul3A_0 : i32 to vector<16xi32>
      %sub3A_441 = arith.subi %get3A_439, %sub3A_440 : vector<16xi32>
      %ge3A_442 = arith.constant 0 : i32
      %ge3A_443 = vector.broadcast %ge3A_442 : i32 to vector<16xi32>
      %ge3A_444 = arith.cmpi sge, %sub3A_441, %ge3A_443 : vector<16xi32>
      %lt3A_445 = arith.constant 25000 : i32
      %lt3A_446 = vector.broadcast %lt3A_445 : i32 to vector<16xi32>
      %lt3A_447 = arith.cmpi slt, %sub3A_441, %lt3A_446 : vector<16xi32>
      %and3A_448 = arith.andi %ge3A_444, %lt3A_447 : vector<16xi1>
      %jit3A_449 = arith.constant 25000 : i32
      %broadcast_in_dim3A_450 = vector.broadcast %jit3A_449 : i32 to vector<16xi32>
      %select_n3A_451 = arith.select %and3A_448, %sub3A_441, %broadcast_in_dim3A_450 : vector<16xi1>, vector<16xi32>
      %swap3A_452 = arith.constant 1 : i32
      %swap3A_453 = arith.index_cast %swap3A_452 : i32 to index
      %swap3A_454 = arith.constant 80 : index
      %swap3A_455 = tpu.vector_load %arg4[%swap3A_453, %swap3A_454] {strides = array<i32>} : memref<6x128xi32, #tpu.memory_space<vmem>>, vector<1x16xi32>,
      %swap3A_456 = vector.shape_cast %swap3A_455 : vector<1x16xi32> to vector<16xi32>
      %swap3A_457 = vector.shape_cast %select_n3A_451 : vector<16xi32> to vector<1x16xi32>
      tpu.vector_store %arg4[%swap3A_453, %swap3A_454], %swap3A_457 {strides = array<i32>} : memref<6x128xi32, #tpu.memory_space<vmem>>, vector<1x16xi32>,
      %get3A_458 = arith.constant 1 : i32
      %get3A_459 = arith.index_cast %get3A_458 : i32 to index
      %get3A_460 = arith.constant 96 : index
      %get3A_461 = tpu.vector_load %arg4[%get3A_459, %get3A_460] {strides = array<i32>} : memref<6x128xi32, #tpu.memory_space<vmem>>, vector<1x16xi32>,
      %get3A_462 = vector.shape_cast %get3A_461 : vector<1x16xi32> to vector<16xi32>
      %sub3A_463 = vector.broadcast %mul3A_0 : i32 to vector<16xi32>
      %sub3A_464 = arith.subi %get3A_462, %sub3A_463 : vector<16xi32>
      %ge3A_465 = arith.constant 0 : i32
      %ge3A_466 = vector.broadcast %ge3A_465 : i32 to vector<16xi32>
      %ge3A_467 = arith.cmpi sge, %sub3A_464, %ge3A_466 : vector<16xi32>
      %lt3A_468 = arith.constant 25000 : i32
      %lt3A_469 = vector.broadcast %lt3A_468 : i32 to vector<16xi32>
      %lt3A_470 = arith.cmpi slt, %sub3A_464, %lt3A_469 : vector<16xi32>
      %and3A_471 = arith.andi %ge3A_467, %lt3A_470 : vector<16xi1>
      %jit3A_472 = arith.constant 25000 : i32
      %broadcast_in_dim3A_473 = vector.broadcast %jit3A_472 : i32 to vector<16xi32>
      %select_n3A_474 = arith.select %and3A_471, %sub3A_464, %broadcast_in_dim3A_473 : vector<16xi1>, vector<16xi32>
      %swap3A_475 = arith.constant 1 : i32
      %swap3A_476 = arith.index_cast %swap3A_475 : i32 to index
      %swap3A_477 = arith.constant 96 : index
      %swap3A_478 = tpu.vector_load %arg4[%swap3A_476, %swap3A_477] {strides = array<i32>} : memref<6x128xi32, #tpu.memory_space<vmem>>, vector<1x16xi32>,
      %swap3A_479 = vector.shape_cast %swap3A_478 : vector<1x16xi32> to vector<16xi32>
      %swap3A_480 = vector.shape_cast %select_n3A_474 : vector<16xi32> to vector<1x16xi32>
      tpu.vector_store %arg4[%swap3A_476, %swap3A_477], %swap3A_480 {strides = array<i32>} : memref<6x128xi32, #tpu.memory_space<vmem>>, vector<1x16xi32>,
      %get3A_481 = arith.constant 1 : i32
      %get3A_482 = arith.index_cast %get3A_481 : i32 to index
      %get3A_483 = arith.constant 112 : index
      %get3A_484 = tpu.vector_load %arg4[%get3A_482, %get3A_483] {strides = array<i32>} : memref<6x128xi32, #tpu.memory_space<vmem>>, vector<1x16xi32>,
      %get3A_485 = vector.shape_cast %get3A_484 : vector<1x16xi32> to vector<16xi32>
      %sub3A_486 = vector.broadcast %mul3A_0 : i32 to vector<16xi32>
      %sub3A_487 = arith.subi %get3A_485, %sub3A_486 : vector<16xi32>
      %ge3A_488 = arith.constant 0 : i32
      %ge3A_489 = vector.broadcast %ge3A_488 : i32 to vector<16xi32>
      %ge3A_490 = arith.cmpi sge, %sub3A_487, %ge3A_489 : vector<16xi32>
      %lt3A_491 = arith.constant 25000 : i32
      %lt3A_492 = vector.broadcast %lt3A_491 : i32 to vector<16xi32>
      %lt3A_493 = arith.cmpi slt, %sub3A_487, %lt3A_492 : vector<16xi32>
      %and3A_494 = arith.andi %ge3A_490, %lt3A_493 : vector<16xi1>
      %jit3A_495 = arith.constant 25000 : i32
      %broadcast_in_dim3A_496 = vector.broadcast %jit3A_495 : i32 to vector<16xi32>
      %select_n3A_497 = arith.select %and3A_494, %sub3A_487, %broadcast_in_dim3A_496 : vector<16xi1>, vector<16xi32>
      %swap3A_498 = arith.constant 1 : i32
      %swap3A_499 = arith.index_cast %swap3A_498 : i32 to index
      %swap3A_500 = arith.constant 112 : index
      %swap3A_501 = tpu.vector_load %arg4[%swap3A_499, %swap3A_500] {strides = array<i32>} : memref<6x128xi32, #tpu.memory_space<vmem>>, vector<1x16xi32>,
      %swap3A_502 = vector.shape_cast %swap3A_501 : vector<1x16xi32> to vector<16xi32>
      %swap3A_503 = vector.shape_cast %select_n3A_497 : vector<16xi32> to vector<1x16xi32>
      tpu.vector_store %arg4[%swap3A_499, %swap3A_500], %swap3A_503 {strides = array<i32>} : memref<6x128xi32, #tpu.memory_space<vmem>>, vector<1x16xi32>,
      %dma_start3A_504 = arith.constant 1 : i32
      %dma_start3A_505 = arith.constant 0 : i32
      %dma_start3A_506 = tpu.memref_slice %arg4[%dma_start3A_504, %dma_start3A_505] : memref<6x128xi32, #tpu.memory_space<vmem>> -> memref<1x128xi32, #tpu.memory_space<vmem>>
      %dma_start3A_507 = tpu.memref_squeeze %dma_start3A_506 : memref<1x128xi32, #tpu.memory_space<vmem>> -> memref<128xi32, #tpu.memory_space<vmem>>
      %dma_start3A_508 = arith.constant 0 : i32
      %dma_start3A_509 = arith.constant 0 : i32
      %dma_start3A_510 = tpu.memref_slice %arg7[%dma_start3A_508, %dma_start3A_509] : memref<25008x16xf32, #tpu.memory_space<vmem_shared>> -> memref<25008x16xf32, #tpu.memory_space<vmem_shared>>
      tpu.enqueue_indirect_dma source(%arg5 : memref<128x16xf32, #tpu.memory_space<vmem>>) target(%dma_start3A_510 : memref<25008x16xf32, #tpu.memory_space<vmem_shared>>) offsets(%dma_start3A_507 : memref<128xi32, #tpu.memory_space<vmem>>) semaphore(%arg15 : memref<!tpu.dma_semaphore, #tpu.memory_space<semaphore_mem>>) {add = true}
      %dma_wait3A_511 = arith.constant 2 : i32
      %dma_wait3A_512 = arith.constant 0 : i32
      %dma_wait3A_513 = tpu.memref_slice %arg4[%dma_wait3A_511, %dma_wait3A_512] : memref<6x128xi32, #tpu.memory_space<vmem>> -> memref<1x128xi32, #tpu.memory_space<vmem>>
      %dma_wait3A_514 = tpu.memref_squeeze %dma_wait3A_513 : memref<1x128xi32, #tpu.memory_space<vmem>> -> memref<128xi32, #tpu.memory_space<vmem>>
      %dma_wait3A_515 = tpu.memref_slice %arg2[%add3A_74] : memref<800000xi32, #tpu.memory_space<hbm>> -> memref<128xi32, #tpu.memory_space<hbm>>
      %dma_wait3A_516 = arith.constant 0 : i32
      %dma_wait3A_517 = tpu.memref_slice %arg4[%dma_wait3A_511, %dma_wait3A_516] : memref<6x128xi32, #tpu.memory_space<vmem>> -> memref<1x128xi32, #tpu.memory_space<vmem>>
      %dma_wait3A_518 = tpu.memref_squeeze %dma_wait3A_517 : memref<1x128xi32, #tpu.memory_space<vmem>> -> memref<128xi32, #tpu.memory_space<vmem>>
      %dma_wait3A_519 = tpu.memref_slice %arg2[%add3A_74] : memref<800000xi32, #tpu.memory_space<hbm>> -> memref<128xi32, #tpu.memory_space<hbm>>
      tpu.wait_dma2 semaphore(%arg10 : memref<!tpu.dma_semaphore, #tpu.memory_space<semaphore_mem>>) src(%dma_wait3A_519 : memref<128xi32, #tpu.memory_space<hbm>>) dst(%dma_wait3A_518 : memref<128xi32, #tpu.memory_space<vmem>>)
      %get3A_520 = arith.constant 2 : i32
      %get3A_521 = arith.index_cast %get3A_520 : i32 to index
      %get3A_522 = arith.constant 0 : index
      %get3A_523 = tpu.vector_load %arg4[%get3A_521, %get3A_522] {strides = array<i32>} : memref<6x128xi32, #tpu.memory_space<vmem>>, vector<1x16xi32>,
      %get3A_524 = vector.shape_cast %get3A_523 : vector<1x16xi32> to vector<16xi32>
      %sub3A_525 = vector.broadcast %mul3A_0 : i32 to vector<16xi32>
      %sub3A_526 = arith.subi %get3A_524, %sub3A_525 : vector<16xi32>
      %ge3A_527 = arith.constant 0 : i32
      %ge3A_528 = vector.broadcast %ge3A_527 : i32 to vector<16xi32>
      %ge3A_529 = arith.cmpi sge, %sub3A_526, %ge3A_528 : vector<16xi32>
      %lt3A_530 = arith.constant 25000 : i32
      %lt3A_531 = vector.broadcast %lt3A_530 : i32 to vector<16xi32>
      %lt3A_532 = arith.cmpi slt, %sub3A_526, %lt3A_531 : vector<16xi32>
      %and3A_533 = arith.andi %ge3A_529, %lt3A_532 : vector<16xi1>
      %jit3A_534 = arith.constant 25000 : i32
      %broadcast_in_dim3A_535 = vector.broadcast %jit3A_534 : i32 to vector<16xi32>
      %select_n3A_536 = arith.select %and3A_533, %sub3A_526, %broadcast_in_dim3A_535 : vector<16xi1>, vector<16xi32>
      %swap3A_537 = arith.constant 2 : i32
      %swap3A_538 = arith.index_cast %swap3A_537 : i32 to index
      %swap3A_539 = arith.constant 0 : index
      %swap3A_540 = tpu.vector_load %arg4[%swap3A_538, %swap3A_539] {strides = array<i32>} : memref<6x128xi32, #tpu.memory_space<vmem>>, vector<1x16xi32>,
      %swap3A_541 = vector.shape_cast %swap3A_540 : vector<1x16xi32> to vector<16xi32>
      %swap3A_542 = vector.shape_cast %select_n3A_536 : vector<16xi32> to vector<1x16xi32>
      tpu.vector_store %arg4[%swap3A_538, %swap3A_539], %swap3A_542 {strides = array<i32>} : memref<6x128xi32, #tpu.memory_space<vmem>>, vector<1x16xi32>,
      %get3A_543 = arith.constant 2 : i32
      %get3A_544 = arith.index_cast %get3A_543 : i32 to index
      %get3A_545 = arith.constant 16 : index
      %get3A_546 = tpu.vector_load %arg4[%get3A_544, %get3A_545] {strides = array<i32>} : memref<6x128xi32, #tpu.memory_space<vmem>>, vector<1x16xi32>,
      %get3A_547 = vector.shape_cast %get3A_546 : vector<1x16xi32> to vector<16xi32>
      %sub3A_548 = vector.broadcast %mul3A_0 : i32 to vector<16xi32>
      %sub3A_549 = arith.subi %get3A_547, %sub3A_548 : vector<16xi32>
      %ge3A_550 = arith.constant 0 : i32
      %ge3A_551 = vector.broadcast %ge3A_550 : i32 to vector<16xi32>
      %ge3A_552 = arith.cmpi sge, %sub3A_549, %ge3A_551 : vector<16xi32>
      %lt3A_553 = arith.constant 25000 : i32
      %lt3A_554 = vector.broadcast %lt3A_553 : i32 to vector<16xi32>
      %lt3A_555 = arith.cmpi slt, %sub3A_549, %lt3A_554 : vector<16xi32>
      %and3A_556 = arith.andi %ge3A_552, %lt3A_555 : vector<16xi1>
      %jit3A_557 = arith.constant 25000 : i32
      %broadcast_in_dim3A_558 = vector.broadcast %jit3A_557 : i32 to vector<16xi32>
      %select_n3A_559 = arith.select %and3A_556, %sub3A_549, %broadcast_in_dim3A_558 : vector<16xi1>, vector<16xi32>
      %swap3A_560 = arith.constant 2 : i32
      %swap3A_561 = arith.index_cast %swap3A_560 : i32 to index
      %swap3A_562 = arith.constant 16 : index
      %swap3A_563 = tpu.vector_load %arg4[%swap3A_561, %swap3A_562] {strides = array<i32>} : memref<6x128xi32, #tpu.memory_space<vmem>>, vector<1x16xi32>,
      %swap3A_564 = vector.shape_cast %swap3A_563 : vector<1x16xi32> to vector<16xi32>
      %swap3A_565 = vector.shape_cast %select_n3A_559 : vector<16xi32> to vector<1x16xi32>
      tpu.vector_store %arg4[%swap3A_561, %swap3A_562], %swap3A_565 {strides = array<i32>} : memref<6x128xi32, #tpu.memory_space<vmem>>, vector<1x16xi32>,
      %get3A_566 = arith.constant 2 : i32
      %get3A_567 = arith.index_cast %get3A_566 : i32 to index
      %get3A_568 = arith.constant 32 : index
      %get3A_569 = tpu.vector_load %arg4[%get3A_567, %get3A_568] {strides = array<i32>} : memref<6x128xi32, #tpu.memory_space<vmem>>, vector<1x16xi32>,
      %get3A_570 = vector.shape_cast %get3A_569 : vector<1x16xi32> to vector<16xi32>
      %sub3A_571 = vector.broadcast %mul3A_0 : i32 to vector<16xi32>
      %sub3A_572 = arith.subi %get3A_570, %sub3A_571 : vector<16xi32>
      %ge3A_573 = arith.constant 0 : i32
      %ge3A_574 = vector.broadcast %ge3A_573 : i32 to vector<16xi32>
      %ge3A_575 = arith.cmpi sge, %sub3A_572, %ge3A_574 : vector<16xi32>
      %lt3A_576 = arith.constant 25000 : i32
      %lt3A_577 = vector.broadcast %lt3A_576 : i32 to vector<16xi32>
      %lt3A_578 = arith.cmpi slt, %sub3A_572, %lt3A_577 : vector<16xi32>
      %and3A_579 = arith.andi %ge3A_575, %lt3A_578 : vector<16xi1>
      %jit3A_580 = arith.constant 25000 : i32
      %broadcast_in_dim3A_581 = vector.broadcast %jit3A_580 : i32 to vector<16xi32>
      %select_n3A_582 = arith.select %and3A_579, %sub3A_572, %broadcast_in_dim3A_581 : vector<16xi1>, vector<16xi32>
      %swap3A_583 = arith.constant 2 : i32
      %swap3A_584 = arith.index_cast %swap3A_583 : i32 to index
      %swap3A_585 = arith.constant 32 : index
      %swap3A_586 = tpu.vector_load %arg4[%swap3A_584, %swap3A_585] {strides = array<i32>} : memref<6x128xi32, #tpu.memory_space<vmem>>, vector<1x16xi32>,
      %swap3A_587 = vector.shape_cast %swap3A_586 : vector<1x16xi32> to vector<16xi32>
      %swap3A_588 = vector.shape_cast %select_n3A_582 : vector<16xi32> to vector<1x16xi32>
      tpu.vector_store %arg4[%swap3A_584, %swap3A_585], %swap3A_588 {strides = array<i32>} : memref<6x128xi32, #tpu.memory_space<vmem>>, vector<1x16xi32>,
      %get3A_589 = arith.constant 2 : i32
      %get3A_590 = arith.index_cast %get3A_589 : i32 to index
      %get3A_591 = arith.constant 48 : index
      %get3A_592 = tpu.vector_load %arg4[%get3A_590, %get3A_591] {strides = array<i32>} : memref<6x128xi32, #tpu.memory_space<vmem>>, vector<1x16xi32>,
      %get3A_593 = vector.shape_cast %get3A_592 : vector<1x16xi32> to vector<16xi32>
      %sub3A_594 = vector.broadcast %mul3A_0 : i32 to vector<16xi32>
      %sub3A_595 = arith.subi %get3A_593, %sub3A_594 : vector<16xi32>
      %ge3A_596 = arith.constant 0 : i32
      %ge3A_597 = vector.broadcast %ge3A_596 : i32 to vector<16xi32>
      %ge3A_598 = arith.cmpi sge, %sub3A_595, %ge3A_597 : vector<16xi32>
      %lt3A_599 = arith.constant 25000 : i32
      %lt3A_600 = vector.broadcast %lt3A_599 : i32 to vector<16xi32>
      %lt3A_601 = arith.cmpi slt, %sub3A_595, %lt3A_600 : vector<16xi32>
      %and3A_602 = arith.andi %ge3A_598, %lt3A_601 : vector<16xi1>
      %jit3A_603 = arith.constant 25000 : i32
      %broadcast_in_dim3A_604 = vector.broadcast %jit3A_603 : i32 to vector<16xi32>
      %select_n3A_605 = arith.select %and3A_602, %sub3A_595, %broadcast_in_dim3A_604 : vector<16xi1>, vector<16xi32>
      %swap3A_606 = arith.constant 2 : i32
      %swap3A_607 = arith.index_cast %swap3A_606 : i32 to index
      %swap3A_608 = arith.constant 48 : index
      %swap3A_609 = tpu.vector_load %arg4[%swap3A_607, %swap3A_608] {strides = array<i32>} : memref<6x128xi32, #tpu.memory_space<vmem>>, vector<1x16xi32>,
      %swap3A_610 = vector.shape_cast %swap3A_609 : vector<1x16xi32> to vector<16xi32>
      %swap3A_611 = vector.shape_cast %select_n3A_605 : vector<16xi32> to vector<1x16xi32>
      tpu.vector_store %arg4[%swap3A_607, %swap3A_608], %swap3A_611 {strides = array<i32>} : memref<6x128xi32, #tpu.memory_space<vmem>>, vector<1x16xi32>,
      %get3A_612 = arith.constant 2 : i32
      %get3A_613 = arith.index_cast %get3A_612 : i32 to index
      %get3A_614 = arith.constant 64 : index
      %get3A_615 = tpu.vector_load %arg4[%get3A_613, %get3A_614] {strides = array<i32>} : memref<6x128xi32, #tpu.memory_space<vmem>>, vector<1x16xi32>,
      %get3A_616 = vector.shape_cast %get3A_615 : vector<1x16xi32> to vector<16xi32>
      %sub3A_617 = vector.broadcast %mul3A_0 : i32 to vector<16xi32>
      %sub3A_618 = arith.subi %get3A_616, %sub3A_617 : vector<16xi32>
      %ge3A_619 = arith.constant 0 : i32
      %ge3A_620 = vector.broadcast %ge3A_619 : i32 to vector<16xi32>
      %ge3A_621 = arith.cmpi sge, %sub3A_618, %ge3A_620 : vector<16xi32>
      %lt3A_622 = arith.constant 25000 : i32
      %lt3A_623 = vector.broadcast %lt3A_622 : i32 to vector<16xi32>
      %lt3A_624 = arith.cmpi slt, %sub3A_618, %lt3A_623 : vector<16xi32>
      %and3A_625 = arith.andi %ge3A_621, %lt3A_624 : vector<16xi1>
      %jit3A_626 = arith.constant 25000 : i32
      %broadcast_in_dim3A_627 = vector.broadcast %jit3A_626 : i32 to vector<16xi32>
      %select_n3A_628 = arith.select %and3A_625, %sub3A_618, %broadcast_in_dim3A_627 : vector<16xi1>, vector<16xi32>
      %swap3A_629 = arith.constant 2 : i32
      %swap3A_630 = arith.index_cast %swap3A_629 : i32 to index
      %swap3A_631 = arith.constant 64 : index
      %swap3A_632 = tpu.vector_load %arg4[%swap3A_630, %swap3A_631] {strides = array<i32>} : memref<6x128xi32, #tpu.memory_space<vmem>>, vector<1x16xi32>,
      %swap3A_633 = vector.shape_cast %swap3A_632 : vector<1x16xi32> to vector<16xi32>
      %swap3A_634 = vector.shape_cast %select_n3A_628 : vector<16xi32> to vector<1x16xi32>
      tpu.vector_store %arg4[%swap3A_630, %swap3A_631], %swap3A_634 {strides = array<i32>} : memref<6x128xi32, #tpu.memory_space<vmem>>, vector<1x16xi32>,
      %get3A_635 = arith.constant 2 : i32
      %get3A_636 = arith.index_cast %get3A_635 : i32 to index
      %get3A_637 = arith.constant 80 : index
      %get3A_638 = tpu.vector_load %arg4[%get3A_636, %get3A_637] {strides = array<i32>} : memref<6x128xi32, #tpu.memory_space<vmem>>, vector<1x16xi32>,
      %get3A_639 = vector.shape_cast %get3A_638 : vector<1x16xi32> to vector<16xi32>
      %sub3A_640 = vector.broadcast %mul3A_0 : i32 to vector<16xi32>
      %sub3A_641 = arith.subi %get3A_639, %sub3A_640 : vector<16xi32>
      %ge3A_642 = arith.constant 0 : i32
      %ge3A_643 = vector.broadcast %ge3A_642 : i32 to vector<16xi32>
      %ge3A_644 = arith.cmpi sge, %sub3A_641, %ge3A_643 : vector<16xi32>
      %lt3A_645 = arith.constant 25000 : i32
      %lt3A_646 = vector.broadcast %lt3A_645 : i32 to vector<16xi32>
      %lt3A_647 = arith.cmpi slt, %sub3A_641, %lt3A_646 : vector<16xi32>
      %and3A_648 = arith.andi %ge3A_644, %lt3A_647 : vector<16xi1>
      %jit3A_649 = arith.constant 25000 : i32
      %broadcast_in_dim3A_650 = vector.broadcast %jit3A_649 : i32 to vector<16xi32>
      %select_n3A_651 = arith.select %and3A_648, %sub3A_641, %broadcast_in_dim3A_650 : vector<16xi1>, vector<16xi32>
      %swap3A_652 = arith.constant 2 : i32
      %swap3A_653 = arith.index_cast %swap3A_652 : i32 to index
      %swap3A_654 = arith.constant 80 : index
      %swap3A_655 = tpu.vector_load %arg4[%swap3A_653, %swap3A_654] {strides = array<i32>} : memref<6x128xi32, #tpu.memory_space<vmem>>, vector<1x16xi32>,
      %swap3A_656 = vector.shape_cast %swap3A_655 : vector<1x16xi32> to vector<16xi32>
      %swap3A_657 = vector.shape_cast %select_n3A_651 : vector<16xi32> to vector<1x16xi32>
      tpu.vector_store %arg4[%swap3A_653, %swap3A_654], %swap3A_657 {strides = array<i32>} : memref<6x128xi32, #tpu.memory_space<vmem>>, vector<1x16xi32>,
      %get3A_658 = arith.constant 2 : i32
      %get3A_659 = arith.index_cast %get3A_658 : i32 to index
      %get3A_660 = arith.constant 96 : index
      %get3A_661 = tpu.vector_load %arg4[%get3A_659, %get3A_660] {strides = array<i32>} : memref<6x128xi32, #tpu.memory_space<vmem>>, vector<1x16xi32>,
      %get3A_662 = vector.shape_cast %get3A_661 : vector<1x16xi32> to vector<16xi32>
      %sub3A_663 = vector.broadcast %mul3A_0 : i32 to vector<16xi32>
      %sub3A_664 = arith.subi %get3A_662, %sub3A_663 : vector<16xi32>
      %ge3A_665 = arith.constant 0 : i32
      %ge3A_666 = vector.broadcast %ge3A_665 : i32 to vector<16xi32>
      %ge3A_667 = arith.cmpi sge, %sub3A_664, %ge3A_666 : vector<16xi32>
      %lt3A_668 = arith.constant 25000 : i32
      %lt3A_669 = vector.broadcast %lt3A_668 : i32 to vector<16xi32>
      %lt3A_670 = arith.cmpi slt, %sub3A_664, %lt3A_669 : vector<16xi32>
      %and3A_671 = arith.andi %ge3A_667, %lt3A_670 : vector<16xi1>
      %jit3A_672 = arith.constant 25000 : i32
      %broadcast_in_dim3A_673 = vector.broadcast %jit3A_672 : i32 to vector<16xi32>
      %select_n3A_674 = arith.select %and3A_671, %sub3A_664, %broadcast_in_dim3A_673 : vector<16xi1>, vector<16xi32>
      %swap3A_675 = arith.constant 2 : i32
      %swap3A_676 = arith.index_cast %swap3A_675 : i32 to index
      %swap3A_677 = arith.constant 96 : index
      %swap3A_678 = tpu.vector_load %arg4[%swap3A_676, %swap3A_677] {strides = array<i32>} : memref<6x128xi32, #tpu.memory_space<vmem>>, vector<1x16xi32>,
      %swap3A_679 = vector.shape_cast %swap3A_678 : vector<1x16xi32> to vector<16xi32>
      %swap3A_680 = vector.shape_cast %select_n3A_674 : vector<16xi32> to vector<1x16xi32>
      tpu.vector_store %arg4[%swap3A_676, %swap3A_677], %swap3A_680 {strides = array<i32>} : memref<6x128xi32, #tpu.memory_space<vmem>>, vector<1x16xi32>,
      %get3A_681 = arith.constant 2 : i32
      %get3A_682 = arith.index_cast %get3A_681 : i32 to index
      %get3A_683 = arith.constant 112 : index
      %get3A_684 = tpu.vector_load %arg4[%get3A_682, %get3A_683] {strides = array<i32>} : memref<6x128xi32, #tpu.memory_space<vmem>>, vector<1x16xi32>,
      %get3A_685 = vector.shape_cast %get3A_684 : vector<1x16xi32> to vector<16xi32>
      %sub3A_686 = vector.broadcast %mul3A_0 : i32 to vector<16xi32>
      %sub3A_687 = arith.subi %get3A_685, %sub3A_686 : vector<16xi32>
      %ge3A_688 = arith.constant 0 : i32
      %ge3A_689 = vector.broadcast %ge3A_688 : i32 to vector<16xi32>
      %ge3A_690 = arith.cmpi sge, %sub3A_687, %ge3A_689 : vector<16xi32>
      %lt3A_691 = arith.constant 25000 : i32
      %lt3A_692 = vector.broadcast %lt3A_691 : i32 to vector<16xi32>
      %lt3A_693 = arith.cmpi slt, %sub3A_687, %lt3A_692 : vector<16xi32>
      %and3A_694 = arith.andi %ge3A_690, %lt3A_693 : vector<16xi1>
      %jit3A_695 = arith.constant 25000 : i32
      %broadcast_in_dim3A_696 = vector.broadcast %jit3A_695 : i32 to vector<16xi32>
      %select_n3A_697 = arith.select %and3A_694, %sub3A_687, %broadcast_in_dim3A_696 : vector<16xi1>, vector<16xi32>
      %swap3A_698 = arith.constant 2 : i32
      %swap3A_699 = arith.index_cast %swap3A_698 : i32 to index
      %swap3A_700 = arith.constant 112 : index
      %swap3A_701 = tpu.vector_load %arg4[%swap3A_699, %swap3A_700] {strides = array<i32>} : memref<6x128xi32, #tpu.memory_space<vmem>>, vector<1x16xi32>,
      %swap3A_702 = vector.shape_cast %swap3A_701 : vector<1x16xi32> to vector<16xi32>
      %swap3A_703 = vector.shape_cast %select_n3A_697 : vector<16xi32> to vector<1x16xi32>
      tpu.vector_store %arg4[%swap3A_699, %swap3A_700], %swap3A_703 {strides = array<i32>} : memref<6x128xi32, #tpu.memory_space<vmem>>, vector<1x16xi32>,
      %dma_start3A_704 = arith.constant 2 : i32
      %dma_start3A_705 = arith.constant 0 : i32
      %dma_start3A_706 = tpu.memref_slice %arg4[%dma_start3A_704, %dma_start3A_705] : memref<6x128xi32, #tpu.memory_space<vmem>> -> memref<1x128xi32, #tpu.memory_space<vmem>>
      %dma_start3A_707 = tpu.memref_squeeze %dma_start3A_706 : memref<1x128xi32, #tpu.memory_space<vmem>> -> memref<128xi32, #tpu.memory_space<vmem>>
      %dma_start3A_708 = arith.constant 0 : i32
      %dma_start3A_709 = arith.constant 0 : i32
      %dma_start3A_710 = tpu.memref_slice %arg7[%dma_start3A_708, %dma_start3A_709] : memref<25008x16xf32, #tpu.memory_space<vmem_shared>> -> memref<25008x16xf32, #tpu.memory_space<vmem_shared>>
      tpu.enqueue_indirect_dma source(%arg5 : memref<128x16xf32, #tpu.memory_space<vmem>>) target(%dma_start3A_710 : memref<25008x16xf32, #tpu.memory_space<vmem_shared>>) offsets(%dma_start3A_707 : memref<128xi32, #tpu.memory_space<vmem>>) semaphore(%arg16 : memref<!tpu.dma_semaphore, #tpu.memory_space<semaphore_mem>>) {add = true}
      %dma_wait3A_711 = arith.constant 3 : i32
      %dma_wait3A_712 = arith.constant 0 : i32
      %dma_wait3A_713 = tpu.memref_slice %arg4[%dma_wait3A_711, %dma_wait3A_712] : memref<6x128xi32, #tpu.memory_space<vmem>> -> memref<1x128xi32, #tpu.memory_space<vmem>>
      %dma_wait3A_714 = tpu.memref_squeeze %dma_wait3A_713 : memref<1x128xi32, #tpu.memory_space<vmem>> -> memref<128xi32, #tpu.memory_space<vmem>>
      %dma_wait3A_715 = tpu.memref_slice %arg2[%add3A_85] : memref<800000xi32, #tpu.memory_space<hbm>> -> memref<128xi32, #tpu.memory_space<hbm>>
      %dma_wait3A_716 = arith.constant 0 : i32
      %dma_wait3A_717 = tpu.memref_slice %arg4[%dma_wait3A_711, %dma_wait3A_716] : memref<6x128xi32, #tpu.memory_space<vmem>> -> memref<1x128xi32, #tpu.memory_space<vmem>>
      %dma_wait3A_718 = tpu.memref_squeeze %dma_wait3A_717 : memref<1x128xi32, #tpu.memory_space<vmem>> -> memref<128xi32, #tpu.memory_space<vmem>>
      %dma_wait3A_719 = tpu.memref_slice %arg2[%add3A_85] : memref<800000xi32, #tpu.memory_space<hbm>> -> memref<128xi32, #tpu.memory_space<hbm>>
      tpu.wait_dma2 semaphore(%arg11 : memref<!tpu.dma_semaphore, #tpu.memory_space<semaphore_mem>>) src(%dma_wait3A_719 : memref<128xi32, #tpu.memory_space<hbm>>) dst(%dma_wait3A_718 : memref<128xi32, #tpu.memory_space<vmem>>)
      %get3A_720 = arith.constant 3 : i32
      %get3A_721 = arith.index_cast %get3A_720 : i32 to index
      %get3A_722 = arith.constant 0 : index
      %get3A_723 = tpu.vector_load %arg4[%get3A_721, %get3A_722] {strides = array<i32>} : memref<6x128xi32, #tpu.memory_space<vmem>>, vector<1x16xi32>,
      %get3A_724 = vector.shape_cast %get3A_723 : vector<1x16xi32> to vector<16xi32>
      %sub3A_725 = vector.broadcast %mul3A_0 : i32 to vector<16xi32>
      %sub3A_726 = arith.subi %get3A_724, %sub3A_725 : vector<16xi32>
      %ge3A_727 = arith.constant 0 : i32
      %ge3A_728 = vector.broadcast %ge3A_727 : i32 to vector<16xi32>
      %ge3A_729 = arith.cmpi sge, %sub3A_726, %ge3A_728 : vector<16xi32>
      %lt3A_730 = arith.constant 25000 : i32
      %lt3A_731 = vector.broadcast %lt3A_730 : i32 to vector<16xi32>
      %lt3A_732 = arith.cmpi slt, %sub3A_726, %lt3A_731 : vector<16xi32>
      %and3A_733 = arith.andi %ge3A_729, %lt3A_732 : vector<16xi1>
      %jit3A_734 = arith.constant 25000 : i32
      %broadcast_in_dim3A_735 = vector.broadcast %jit3A_734 : i32 to vector<16xi32>
      %select_n3A_736 = arith.select %and3A_733, %sub3A_726, %broadcast_in_dim3A_735 : vector<16xi1>, vector<16xi32>
      %swap3A_737 = arith.constant 3 : i32
      %swap3A_738 = arith.index_cast %swap3A_737 : i32 to index
      %swap3A_739 = arith.constant 0 : index
      %swap3A_740 = tpu.vector_load %arg4[%swap3A_738, %swap3A_739] {strides = array<i32>} : memref<6x128xi32, #tpu.memory_space<vmem>>, vector<1x16xi32>,
      %swap3A_741 = vector.shape_cast %swap3A_740 : vector<1x16xi32> to vector<16xi32>
      %swap3A_742 = vector.shape_cast %select_n3A_736 : vector<16xi32> to vector<1x16xi32>
      tpu.vector_store %arg4[%swap3A_738, %swap3A_739], %swap3A_742 {strides = array<i32>} : memref<6x128xi32, #tpu.memory_space<vmem>>, vector<1x16xi32>,
      %get3A_743 = arith.constant 3 : i32
      %get3A_744 = arith.index_cast %get3A_743 : i32 to index
      %get3A_745 = arith.constant 16 : index
      %get3A_746 = tpu.vector_load %arg4[%get3A_744, %get3A_745] {strides = array<i32>} : memref<6x128xi32, #tpu.memory_space<vmem>>, vector<1x16xi32>,
      %get3A_747 = vector.shape_cast %get3A_746 : vector<1x16xi32> to vector<16xi32>
      %sub3A_748 = vector.broadcast %mul3A_0 : i32 to vector<16xi32>
      %sub3A_749 = arith.subi %get3A_747, %sub3A_748 : vector<16xi32>
      %ge3A_750 = arith.constant 0 : i32
      %ge3A_751 = vector.broadcast %ge3A_750 : i32 to vector<16xi32>
      %ge3A_752 = arith.cmpi sge, %sub3A_749, %ge3A_751 : vector<16xi32>
      %lt3A_753 = arith.constant 25000 : i32
      %lt3A_754 = vector.broadcast %lt3A_753 : i32 to vector<16xi32>
      %lt3A_755 = arith.cmpi slt, %sub3A_749, %lt3A_754 : vector<16xi32>
      %and3A_756 = arith.andi %ge3A_752, %lt3A_755 : vector<16xi1>
      %jit3A_757 = arith.constant 25000 : i32
      %broadcast_in_dim3A_758 = vector.broadcast %jit3A_757 : i32 to vector<16xi32>
      %select_n3A_759 = arith.select %and3A_756, %sub3A_749, %broadcast_in_dim3A_758 : vector<16xi1>, vector<16xi32>
      %swap3A_760 = arith.constant 3 : i32
      %swap3A_761 = arith.index_cast %swap3A_760 : i32 to index
      %swap3A_762 = arith.constant 16 : index
      %swap3A_763 = tpu.vector_load %arg4[%swap3A_761, %swap3A_762] {strides = array<i32>} : memref<6x128xi32, #tpu.memory_space<vmem>>, vector<1x16xi32>,
      %swap3A_764 = vector.shape_cast %swap3A_763 : vector<1x16xi32> to vector<16xi32>
      %swap3A_765 = vector.shape_cast %select_n3A_759 : vector<16xi32> to vector<1x16xi32>
      tpu.vector_store %arg4[%swap3A_761, %swap3A_762], %swap3A_765 {strides = array<i32>} : memref<6x128xi32, #tpu.memory_space<vmem>>, vector<1x16xi32>,
      %get3A_766 = arith.constant 3 : i32
      %get3A_767 = arith.index_cast %get3A_766 : i32 to index
      %get3A_768 = arith.constant 32 : index
      %get3A_769 = tpu.vector_load %arg4[%get3A_767, %get3A_768] {strides = array<i32>} : memref<6x128xi32, #tpu.memory_space<vmem>>, vector<1x16xi32>,
      %get3A_770 = vector.shape_cast %get3A_769 : vector<1x16xi32> to vector<16xi32>
      %sub3A_771 = vector.broadcast %mul3A_0 : i32 to vector<16xi32>
      %sub3A_772 = arith.subi %get3A_770, %sub3A_771 : vector<16xi32>
      %ge3A_773 = arith.constant 0 : i32
      %ge3A_774 = vector.broadcast %ge3A_773 : i32 to vector<16xi32>
      %ge3A_775 = arith.cmpi sge, %sub3A_772, %ge3A_774 : vector<16xi32>
      %lt3A_776 = arith.constant 25000 : i32
      %lt3A_777 = vector.broadcast %lt3A_776 : i32 to vector<16xi32>
      %lt3A_778 = arith.cmpi slt, %sub3A_772, %lt3A_777 : vector<16xi32>
      %and3A_779 = arith.andi %ge3A_775, %lt3A_778 : vector<16xi1>
      %jit3A_780 = arith.constant 25000 : i32
      %broadcast_in_dim3A_781 = vector.broadcast %jit3A_780 : i32 to vector<16xi32>
      %select_n3A_782 = arith.select %and3A_779, %sub3A_772, %broadcast_in_dim3A_781 : vector<16xi1>, vector<16xi32>
      %swap3A_783 = arith.constant 3 : i32
      %swap3A_784 = arith.index_cast %swap3A_783 : i32 to index
      %swap3A_785 = arith.constant 32 : index
      %swap3A_786 = tpu.vector_load %arg4[%swap3A_784, %swap3A_785] {strides = array<i32>} : memref<6x128xi32, #tpu.memory_space<vmem>>, vector<1x16xi32>,
      %swap3A_787 = vector.shape_cast %swap3A_786 : vector<1x16xi32> to vector<16xi32>
      %swap3A_788 = vector.shape_cast %select_n3A_782 : vector<16xi32> to vector<1x16xi32>
      tpu.vector_store %arg4[%swap3A_784, %swap3A_785], %swap3A_788 {strides = array<i32>} : memref<6x128xi32, #tpu.memory_space<vmem>>, vector<1x16xi32>,
      %get3A_789 = arith.constant 3 : i32
      %get3A_790 = arith.index_cast %get3A_789 : i32 to index
      %get3A_791 = arith.constant 48 : index
      %get3A_792 = tpu.vector_load %arg4[%get3A_790, %get3A_791] {strides = array<i32>} : memref<6x128xi32, #tpu.memory_space<vmem>>, vector<1x16xi32>,
      %get3A_793 = vector.shape_cast %get3A_792 : vector<1x16xi32> to vector<16xi32>
      %sub3A_794 = vector.broadcast %mul3A_0 : i32 to vector<16xi32>
      %sub3A_795 = arith.subi %get3A_793, %sub3A_794 : vector<16xi32>
      %ge3A_796 = arith.constant 0 : i32
      %ge3A_797 = vector.broadcast %ge3A_796 : i32 to vector<16xi32>
      %ge3A_798 = arith.cmpi sge, %sub3A_795, %ge3A_797 : vector<16xi32>
      %lt3A_799 = arith.constant 25000 : i32
      %lt3A_800 = vector.broadcast %lt3A_799 : i32 to vector<16xi32>
      %lt3A_801 = arith.cmpi slt, %sub3A_795, %lt3A_800 : vector<16xi32>
      %and3A_802 = arith.andi %ge3A_798, %lt3A_801 : vector<16xi1>
      %jit3A_803 = arith.constant 25000 : i32
      %broadcast_in_dim3A_804 = vector.broadcast %jit3A_803 : i32 to vector<16xi32>
      %select_n3A_805 = arith.select %and3A_802, %sub3A_795, %broadcast_in_dim3A_804 : vector<16xi1>, vector<16xi32>
      %swap3A_806 = arith.constant 3 : i32
      %swap3A_807 = arith.index_cast %swap3A_806 : i32 to index
      %swap3A_808 = arith.constant 48 : index
      %swap3A_809 = tpu.vector_load %arg4[%swap3A_807, %swap3A_808] {strides = array<i32>} : memref<6x128xi32, #tpu.memory_space<vmem>>, vector<1x16xi32>,
      %swap3A_810 = vector.shape_cast %swap3A_809 : vector<1x16xi32> to vector<16xi32>
      %swap3A_811 = vector.shape_cast %select_n3A_805 : vector<16xi32> to vector<1x16xi32>
      tpu.vector_store %arg4[%swap3A_807, %swap3A_808], %swap3A_811 {strides = array<i32>} : memref<6x128xi32, #tpu.memory_space<vmem>>, vector<1x16xi32>,
      %get3A_812 = arith.constant 3 : i32
      %get3A_813 = arith.index_cast %get3A_812 : i32 to index
      %get3A_814 = arith.constant 64 : index
      %get3A_815 = tpu.vector_load %arg4[%get3A_813, %get3A_814] {strides = array<i32>} : memref<6x128xi32, #tpu.memory_space<vmem>>, vector<1x16xi32>,
      %get3A_816 = vector.shape_cast %get3A_815 : vector<1x16xi32> to vector<16xi32>
      %sub3A_817 = vector.broadcast %mul3A_0 : i32 to vector<16xi32>
      %sub3A_818 = arith.subi %get3A_816, %sub3A_817 : vector<16xi32>
      %ge3A_819 = arith.constant 0 : i32
      %ge3A_820 = vector.broadcast %ge3A_819 : i32 to vector<16xi32>
      %ge3A_821 = arith.cmpi sge, %sub3A_818, %ge3A_820 : vector<16xi32>
      %lt3A_822 = arith.constant 25000 : i32
      %lt3A_823 = vector.broadcast %lt3A_822 : i32 to vector<16xi32>
      %lt3A_824 = arith.cmpi slt, %sub3A_818, %lt3A_823 : vector<16xi32>
      %and3A_825 = arith.andi %ge3A_821, %lt3A_824 : vector<16xi1>
      %jit3A_826 = arith.constant 25000 : i32
      %broadcast_in_dim3A_827 = vector.broadcast %jit3A_826 : i32 to vector<16xi32>
      %select_n3A_828 = arith.select %and3A_825, %sub3A_818, %broadcast_in_dim3A_827 : vector<16xi1>, vector<16xi32>
      %swap3A_829 = arith.constant 3 : i32
      %swap3A_830 = arith.index_cast %swap3A_829 : i32 to index
      %swap3A_831 = arith.constant 64 : index
      %swap3A_832 = tpu.vector_load %arg4[%swap3A_830, %swap3A_831] {strides = array<i32>} : memref<6x128xi32, #tpu.memory_space<vmem>>, vector<1x16xi32>,
      %swap3A_833 = vector.shape_cast %swap3A_832 : vector<1x16xi32> to vector<16xi32>
      %swap3A_834 = vector.shape_cast %select_n3A_828 : vector<16xi32> to vector<1x16xi32>
      tpu.vector_store %arg4[%swap3A_830, %swap3A_831], %swap3A_834 {strides = array<i32>} : memref<6x128xi32, #tpu.memory_space<vmem>>, vector<1x16xi32>,
      %get3A_835 = arith.constant 3 : i32
      %get3A_836 = arith.index_cast %get3A_835 : i32 to index
      %get3A_837 = arith.constant 80 : index
      %get3A_838 = tpu.vector_load %arg4[%get3A_836, %get3A_837] {strides = array<i32>} : memref<6x128xi32, #tpu.memory_space<vmem>>, vector<1x16xi32>,
      %get3A_839 = vector.shape_cast %get3A_838 : vector<1x16xi32> to vector<16xi32>
      %sub3A_840 = vector.broadcast %mul3A_0 : i32 to vector<16xi32>
      %sub3A_841 = arith.subi %get3A_839, %sub3A_840 : vector<16xi32>
      %ge3A_842 = arith.constant 0 : i32
      %ge3A_843 = vector.broadcast %ge3A_842 : i32 to vector<16xi32>
      %ge3A_844 = arith.cmpi sge, %sub3A_841, %ge3A_843 : vector<16xi32>
      %lt3A_845 = arith.constant 25000 : i32
      %lt3A_846 = vector.broadcast %lt3A_845 : i32 to vector<16xi32>
      %lt3A_847 = arith.cmpi slt, %sub3A_841, %lt3A_846 : vector<16xi32>
      %and3A_848 = arith.andi %ge3A_844, %lt3A_847 : vector<16xi1>
      %jit3A_849 = arith.constant 25000 : i32
      %broadcast_in_dim3A_850 = vector.broadcast %jit3A_849 : i32 to vector<16xi32>
      %select_n3A_851 = arith.select %and3A_848, %sub3A_841, %broadcast_in_dim3A_850 : vector<16xi1>, vector<16xi32>
      %swap3A_852 = arith.constant 3 : i32
      %swap3A_853 = arith.index_cast %swap3A_852 : i32 to index
      %swap3A_854 = arith.constant 80 : index
      %swap3A_855 = tpu.vector_load %arg4[%swap3A_853, %swap3A_854] {strides = array<i32>} : memref<6x128xi32, #tpu.memory_space<vmem>>, vector<1x16xi32>,
      %swap3A_856 = vector.shape_cast %swap3A_855 : vector<1x16xi32> to vector<16xi32>
      %swap3A_857 = vector.shape_cast %select_n3A_851 : vector<16xi32> to vector<1x16xi32>
      tpu.vector_store %arg4[%swap3A_853, %swap3A_854], %swap3A_857 {strides = array<i32>} : memref<6x128xi32, #tpu.memory_space<vmem>>, vector<1x16xi32>,
      %get3A_858 = arith.constant 3 : i32
      %get3A_859 = arith.index_cast %get3A_858 : i32 to index
      %get3A_860 = arith.constant 96 : index
      %get3A_861 = tpu.vector_load %arg4[%get3A_859, %get3A_860] {strides = array<i32>} : memref<6x128xi32, #tpu.memory_space<vmem>>, vector<1x16xi32>,
      %get3A_862 = vector.shape_cast %get3A_861 : vector<1x16xi32> to vector<16xi32>
      %sub3A_863 = vector.broadcast %mul3A_0 : i32 to vector<16xi32>
      %sub3A_864 = arith.subi %get3A_862, %sub3A_863 : vector<16xi32>
      %ge3A_865 = arith.constant 0 : i32
      %ge3A_866 = vector.broadcast %ge3A_865 : i32 to vector<16xi32>
      %ge3A_867 = arith.cmpi sge, %sub3A_864, %ge3A_866 : vector<16xi32>
      %lt3A_868 = arith.constant 25000 : i32
      %lt3A_869 = vector.broadcast %lt3A_868 : i32 to vector<16xi32>
      %lt3A_870 = arith.cmpi slt, %sub3A_864, %lt3A_869 : vector<16xi32>
      %and3A_871 = arith.andi %ge3A_867, %lt3A_870 : vector<16xi1>
      %jit3A_872 = arith.constant 25000 : i32
      %broadcast_in_dim3A_873 = vector.broadcast %jit3A_872 : i32 to vector<16xi32>
      %select_n3A_874 = arith.select %and3A_871, %sub3A_864, %broadcast_in_dim3A_873 : vector<16xi1>, vector<16xi32>
      %swap3A_875 = arith.constant 3 : i32
      %swap3A_876 = arith.index_cast %swap3A_875 : i32 to index
      %swap3A_877 = arith.constant 96 : index
      %swap3A_878 = tpu.vector_load %arg4[%swap3A_876, %swap3A_877] {strides = array<i32>} : memref<6x128xi32, #tpu.memory_space<vmem>>, vector<1x16xi32>,
      %swap3A_879 = vector.shape_cast %swap3A_878 : vector<1x16xi32> to vector<16xi32>
      %swap3A_880 = vector.shape_cast %select_n3A_874 : vector<16xi32> to vector<1x16xi32>
      tpu.vector_store %arg4[%swap3A_876, %swap3A_877], %swap3A_880 {strides = array<i32>} : memref<6x128xi32, #tpu.memory_space<vmem>>, vector<1x16xi32>,
      %get3A_881 = arith.constant 3 : i32
      %get3A_882 = arith.index_cast %get3A_881 : i32 to index
      %get3A_883 = arith.constant 112 : index
      %get3A_884 = tpu.vector_load %arg4[%get3A_882, %get3A_883] {strides = array<i32>} : memref<6x128xi32, #tpu.memory_space<vmem>>, vector<1x16xi32>,
      %get3A_885 = vector.shape_cast %get3A_884 : vector<1x16xi32> to vector<16xi32>
      %sub3A_886 = vector.broadcast %mul3A_0 : i32 to vector<16xi32>
      %sub3A_887 = arith.subi %get3A_885, %sub3A_886 : vector<16xi32>
      %ge3A_888 = arith.constant 0 : i32
      %ge3A_889 = vector.broadcast %ge3A_888 : i32 to vector<16xi32>
      %ge3A_890 = arith.cmpi sge, %sub3A_887, %ge3A_889 : vector<16xi32>
      %lt3A_891 = arith.constant 25000 : i32
      %lt3A_892 = vector.broadcast %lt3A_891 : i32 to vector<16xi32>
      %lt3A_893 = arith.cmpi slt, %sub3A_887, %lt3A_892 : vector<16xi32>
      %and3A_894 = arith.andi %ge3A_890, %lt3A_893 : vector<16xi1>
      %jit3A_895 = arith.constant 25000 : i32
      %broadcast_in_dim3A_896 = vector.broadcast %jit3A_895 : i32 to vector<16xi32>
      %select_n3A_897 = arith.select %and3A_894, %sub3A_887, %broadcast_in_dim3A_896 : vector<16xi1>, vector<16xi32>
      %swap3A_898 = arith.constant 3 : i32
      %swap3A_899 = arith.index_cast %swap3A_898 : i32 to index
      %swap3A_900 = arith.constant 112 : index
      %swap3A_901 = tpu.vector_load %arg4[%swap3A_899, %swap3A_900] {strides = array<i32>} : memref<6x128xi32, #tpu.memory_space<vmem>>, vector<1x16xi32>,
      %swap3A_902 = vector.shape_cast %swap3A_901 : vector<1x16xi32> to vector<16xi32>
      %swap3A_903 = vector.shape_cast %select_n3A_897 : vector<16xi32> to vector<1x16xi32>
      tpu.vector_store %arg4[%swap3A_899, %swap3A_900], %swap3A_903 {strides = array<i32>} : memref<6x128xi32, #tpu.memory_space<vmem>>, vector<1x16xi32>,
      %dma_start3A_904 = arith.constant 3 : i32
      %dma_start3A_905 = arith.constant 0 : i32
      %dma_start3A_906 = tpu.memref_slice %arg4[%dma_start3A_904, %dma_start3A_905] : memref<6x128xi32, #tpu.memory_space<vmem>> -> memref<1x128xi32, #tpu.memory_space<vmem>>
      %dma_start3A_907 = tpu.memref_squeeze %dma_start3A_906 : memref<1x128xi32, #tpu.memory_space<vmem>> -> memref<128xi32, #tpu.memory_space<vmem>>
      %dma_start3A_908 = arith.constant 0 : i32
      %dma_start3A_909 = arith.constant 0 : i32
      %dma_start3A_910 = tpu.memref_slice %arg7[%dma_start3A_908, %dma_start3A_909] : memref<25008x16xf32, #tpu.memory_space<vmem_shared>> -> memref<25008x16xf32, #tpu.memory_space<vmem_shared>>
      tpu.enqueue_indirect_dma source(%arg5 : memref<128x16xf32, #tpu.memory_space<vmem>>) target(%dma_start3A_910 : memref<25008x16xf32, #tpu.memory_space<vmem_shared>>) offsets(%dma_start3A_907 : memref<128xi32, #tpu.memory_space<vmem>>) semaphore(%arg17 : memref<!tpu.dma_semaphore, #tpu.memory_space<semaphore_mem>>) {add = true}
      %dma_wait3A_911 = arith.constant 4 : i32
      %dma_wait3A_912 = arith.constant 0 : i32
      %dma_wait3A_913 = tpu.memref_slice %arg4[%dma_wait3A_911, %dma_wait3A_912] : memref<6x128xi32, #tpu.memory_space<vmem>> -> memref<1x128xi32, #tpu.memory_space<vmem>>
      %dma_wait3A_914 = tpu.memref_squeeze %dma_wait3A_913 : memref<1x128xi32, #tpu.memory_space<vmem>> -> memref<128xi32, #tpu.memory_space<vmem>>
      %dma_wait3A_915 = tpu.memref_slice %arg2[%add3A_96] : memref<800000xi32, #tpu.memory_space<hbm>> -> memref<128xi32, #tpu.memory_space<hbm>>
      %dma_wait3A_916 = arith.constant 0 : i32
      %dma_wait3A_917 = tpu.memref_slice %arg4[%dma_wait3A_911, %dma_wait3A_916] : memref<6x128xi32, #tpu.memory_space<vmem>> -> memref<1x128xi32, #tpu.memory_space<vmem>>
      %dma_wait3A_918 = tpu.memref_squeeze %dma_wait3A_917 : memref<1x128xi32, #tpu.memory_space<vmem>> -> memref<128xi32, #tpu.memory_space<vmem>>
      %dma_wait3A_919 = tpu.memref_slice %arg2[%add3A_96] : memref<800000xi32, #tpu.memory_space<hbm>> -> memref<128xi32, #tpu.memory_space<hbm>>
      tpu.wait_dma2 semaphore(%arg12 : memref<!tpu.dma_semaphore, #tpu.memory_space<semaphore_mem>>) src(%dma_wait3A_919 : memref<128xi32, #tpu.memory_space<hbm>>) dst(%dma_wait3A_918 : memref<128xi32, #tpu.memory_space<vmem>>)
      %get3A_920 = arith.constant 4 : i32
      %get3A_921 = arith.index_cast %get3A_920 : i32 to index
      %get3A_922 = arith.constant 0 : index
      %get3A_923 = tpu.vector_load %arg4[%get3A_921, %get3A_922] {strides = array<i32>} : memref<6x128xi32, #tpu.memory_space<vmem>>, vector<1x16xi32>,
      %get3A_924 = vector.shape_cast %get3A_923 : vector<1x16xi32> to vector<16xi32>
      %sub3A_925 = vector.broadcast %mul3A_0 : i32 to vector<16xi32>
      %sub3A_926 = arith.subi %get3A_924, %sub3A_925 : vector<16xi32>
      %ge3A_927 = arith.constant 0 : i32
      %ge3A_928 = vector.broadcast %ge3A_927 : i32 to vector<16xi32>
      %ge3A_929 = arith.cmpi sge, %sub3A_926, %ge3A_928 : vector<16xi32>
      %lt3A_930 = arith.constant 25000 : i32
      %lt3A_931 = vector.broadcast %lt3A_930 : i32 to vector<16xi32>
      %lt3A_932 = arith.cmpi slt, %sub3A_926, %lt3A_931 : vector<16xi32>
      %and3A_933 = arith.andi %ge3A_929, %lt3A_932 : vector<16xi1>
      %jit3A_934 = arith.constant 25000 : i32
      %broadcast_in_dim3A_935 = vector.broadcast %jit3A_934 : i32 to vector<16xi32>
      %select_n3A_936 = arith.select %and3A_933, %sub3A_926, %broadcast_in_dim3A_935 : vector<16xi1>, vector<16xi32>
      %swap3A_937 = arith.constant 4 : i32
      %swap3A_938 = arith.index_cast %swap3A_937 : i32 to index
      %swap3A_939 = arith.constant 0 : index
      %swap3A_940 = tpu.vector_load %arg4[%swap3A_938, %swap3A_939] {strides = array<i32>} : memref<6x128xi32, #tpu.memory_space<vmem>>, vector<1x16xi32>,
      %swap3A_941 = vector.shape_cast %swap3A_940 : vector<1x16xi32> to vector<16xi32>
      %swap3A_942 = vector.shape_cast %select_n3A_936 : vector<16xi32> to vector<1x16xi32>
      tpu.vector_store %arg4[%swap3A_938, %swap3A_939], %swap3A_942 {strides = array<i32>} : memref<6x128xi32, #tpu.memory_space<vmem>>, vector<1x16xi32>,
      %get3A_943 = arith.constant 4 : i32
      %get3A_944 = arith.index_cast %get3A_943 : i32 to index
      %get3A_945 = arith.constant 16 : index
      %get3A_946 = tpu.vector_load %arg4[%get3A_944, %get3A_945] {strides = array<i32>} : memref<6x128xi32, #tpu.memory_space<vmem>>, vector<1x16xi32>,
      %get3A_947 = vector.shape_cast %get3A_946 : vector<1x16xi32> to vector<16xi32>
      %sub3A_948 = vector.broadcast %mul3A_0 : i32 to vector<16xi32>
      %sub3A_949 = arith.subi %get3A_947, %sub3A_948 : vector<16xi32>
      %ge3A_950 = arith.constant 0 : i32
      %ge3A_951 = vector.broadcast %ge3A_950 : i32 to vector<16xi32>
      %ge3A_952 = arith.cmpi sge, %sub3A_949, %ge3A_951 : vector<16xi32>
      %lt3A_953 = arith.constant 25000 : i32
      %lt3A_954 = vector.broadcast %lt3A_953 : i32 to vector<16xi32>
      %lt3A_955 = arith.cmpi slt, %sub3A_949, %lt3A_954 : vector<16xi32>
      %and3A_956 = arith.andi %ge3A_952, %lt3A_955 : vector<16xi1>
      %jit3A_957 = arith.constant 25000 : i32
      %broadcast_in_dim3A_958 = vector.broadcast %jit3A_957 : i32 to vector<16xi32>
      %select_n3A_959 = arith.select %and3A_956, %sub3A_949, %broadcast_in_dim3A_958 : vector<16xi1>, vector<16xi32>
      %swap3A_960 = arith.constant 4 : i32
      %swap3A_961 = arith.index_cast %swap3A_960 : i32 to index
      %swap3A_962 = arith.constant 16 : index
      %swap3A_963 = tpu.vector_load %arg4[%swap3A_961, %swap3A_962] {strides = array<i32>} : memref<6x128xi32, #tpu.memory_space<vmem>>, vector<1x16xi32>,
      %swap3A_964 = vector.shape_cast %swap3A_963 : vector<1x16xi32> to vector<16xi32>
      %swap3A_965 = vector.shape_cast %select_n3A_959 : vector<16xi32> to vector<1x16xi32>
      tpu.vector_store %arg4[%swap3A_961, %swap3A_962], %swap3A_965 {strides = array<i32>} : memref<6x128xi32, #tpu.memory_space<vmem>>, vector<1x16xi32>,
      %get3A_966 = arith.constant 4 : i32
      %get3A_967 = arith.index_cast %get3A_966 : i32 to index
      %get3A_968 = arith.constant 32 : index
      %get3A_969 = tpu.vector_load %arg4[%get3A_967, %get3A_968] {strides = array<i32>} : memref<6x128xi32, #tpu.memory_space<vmem>>, vector<1x16xi32>,
      %get3A_970 = vector.shape_cast %get3A_969 : vector<1x16xi32> to vector<16xi32>
      %sub3A_971 = vector.broadcast %mul3A_0 : i32 to vector<16xi32>
      %sub3A_972 = arith.subi %get3A_970, %sub3A_971 : vector<16xi32>
      %ge3A_973 = arith.constant 0 : i32
      %ge3A_974 = vector.broadcast %ge3A_973 : i32 to vector<16xi32>
      %ge3A_975 = arith.cmpi sge, %sub3A_972, %ge3A_974 : vector<16xi32>
      %lt3A_976 = arith.constant 25000 : i32
      %lt3A_977 = vector.broadcast %lt3A_976 : i32 to vector<16xi32>
      %lt3A_978 = arith.cmpi slt, %sub3A_972, %lt3A_977 : vector<16xi32>
      %and3A_979 = arith.andi %ge3A_975, %lt3A_978 : vector<16xi1>
      %jit3A_980 = arith.constant 25000 : i32
      %broadcast_in_dim3A_981 = vector.broadcast %jit3A_980 : i32 to vector<16xi32>
      %select_n3A_982 = arith.select %and3A_979, %sub3A_972, %broadcast_in_dim3A_981 : vector<16xi1>, vector<16xi32>
      %swap3A_983 = arith.constant 4 : i32
      %swap3A_984 = arith.index_cast %swap3A_983 : i32 to index
      %swap3A_985 = arith.constant 32 : index
      %swap3A_986 = tpu.vector_load %arg4[%swap3A_984, %swap3A_985] {strides = array<i32>} : memref<6x128xi32, #tpu.memory_space<vmem>>, vector<1x16xi32>,
      %swap3A_987 = vector.shape_cast %swap3A_986 : vector<1x16xi32> to vector<16xi32>
      %swap3A_988 = vector.shape_cast %select_n3A_982 : vector<16xi32> to vector<1x16xi32>
      tpu.vector_store %arg4[%swap3A_984, %swap3A_985], %swap3A_988 {strides = array<i32>} : memref<6x128xi32, #tpu.memory_space<vmem>>, vector<1x16xi32>,
      %get3A_989 = arith.constant 4 : i32
      %get3A_990 = arith.index_cast %get3A_989 : i32 to index
      %get3A_991 = arith.constant 48 : index
      %get3A_992 = tpu.vector_load %arg4[%get3A_990, %get3A_991] {strides = array<i32>} : memref<6x128xi32, #tpu.memory_space<vmem>>, vector<1x16xi32>,
      %get3A_993 = vector.shape_cast %get3A_992 : vector<1x16xi32> to vector<16xi32>
      %sub3A_994 = vector.broadcast %mul3A_0 : i32 to vector<16xi32>
      %sub3A_995 = arith.subi %get3A_993, %sub3A_994 : vector<16xi32>
      %ge3A_996 = arith.constant 0 : i32
      %ge3A_997 = vector.broadcast %ge3A_996 : i32 to vector<16xi32>
      %ge3A_998 = arith.cmpi sge, %sub3A_995, %ge3A_997 : vector<16xi32>
      %lt3A_999 = arith.constant 25000 : i32
      %lt3A_1000 = vector.broadcast %lt3A_999 : i32 to vector<16xi32>
      %lt3A_1001 = arith.cmpi slt, %sub3A_995, %lt3A_1000 : vector<16xi32>
      %and3A_1002 = arith.andi %ge3A_998, %lt3A_1001 : vector<16xi1>
      %jit3A_1003 = arith.constant 25000 : i32
      %broadcast_in_dim3A_1004 = vector.broadcast %jit3A_1003 : i32 to vector<16xi32>
      %select_n3A_1005 = arith.select %and3A_1002, %sub3A_995, %broadcast_in_dim3A_1004 : vector<16xi1>, vector<16xi32>
      %swap3A_1006 = arith.constant 4 : i32
      %swap3A_1007 = arith.index_cast %swap3A_1006 : i32 to index
      %swap3A_1008 = arith.constant 48 : index
      %swap3A_1009 = tpu.vector_load %arg4[%swap3A_1007, %swap3A_1008] {strides = array<i32>} : memref<6x128xi32, #tpu.memory_space<vmem>>, vector<1x16xi32>,
      %swap3A_1010 = vector.shape_cast %swap3A_1009 : vector<1x16xi32> to vector<16xi32>
      %swap3A_1011 = vector.shape_cast %select_n3A_1005 : vector<16xi32> to vector<1x16xi32>
      tpu.vector_store %arg4[%swap3A_1007, %swap3A_1008], %swap3A_1011 {strides = array<i32>} : memref<6x128xi32, #tpu.memory_space<vmem>>, vector<1x16xi32>,
      %get3A_1012 = arith.constant 4 : i32
      %get3A_1013 = arith.index_cast %get3A_1012 : i32 to index
      %get3A_1014 = arith.constant 64 : index
      %get3A_1015 = tpu.vector_load %arg4[%get3A_1013, %get3A_1014] {strides = array<i32>} : memref<6x128xi32, #tpu.memory_space<vmem>>, vector<1x16xi32>,
      %get3A_1016 = vector.shape_cast %get3A_1015 : vector<1x16xi32> to vector<16xi32>
      %sub3A_1017 = vector.broadcast %mul3A_0 : i32 to vector<16xi32>
      %sub3A_1018 = arith.subi %get3A_1016, %sub3A_1017 : vector<16xi32>
      %ge3A_1019 = arith.constant 0 : i32
      %ge3A_1020 = vector.broadcast %ge3A_1019 : i32 to vector<16xi32>
      %ge3A_1021 = arith.cmpi sge, %sub3A_1018, %ge3A_1020 : vector<16xi32>
      %lt3A_1022 = arith.constant 25000 : i32
      %lt3A_1023 = vector.broadcast %lt3A_1022 : i32 to vector<16xi32>
      %lt3A_1024 = arith.cmpi slt, %sub3A_1018, %lt3A_1023 : vector<16xi32>
      %and3A_1025 = arith.andi %ge3A_1021, %lt3A_1024 : vector<16xi1>
      %jit3A_1026 = arith.constant 25000 : i32
      %broadcast_in_dim3A_1027 = vector.broadcast %jit3A_1026 : i32 to vector<16xi32>
      %select_n3A_1028 = arith.select %and3A_1025, %sub3A_1018, %broadcast_in_dim3A_1027 : vector<16xi1>, vector<16xi32>
      %swap3A_1029 = arith.constant 4 : i32
      %swap3A_1030 = arith.index_cast %swap3A_1029 : i32 to index
      %swap3A_1031 = arith.constant 64 : index
      %swap3A_1032 = tpu.vector_load %arg4[%swap3A_1030, %swap3A_1031] {strides = array<i32>} : memref<6x128xi32, #tpu.memory_space<vmem>>, vector<1x16xi32>,
      %swap3A_1033 = vector.shape_cast %swap3A_1032 : vector<1x16xi32> to vector<16xi32>
      %swap3A_1034 = vector.shape_cast %select_n3A_1028 : vector<16xi32> to vector<1x16xi32>
      tpu.vector_store %arg4[%swap3A_1030, %swap3A_1031], %swap3A_1034 {strides = array<i32>} : memref<6x128xi32, #tpu.memory_space<vmem>>, vector<1x16xi32>,
      %get3A_1035 = arith.constant 4 : i32
      %get3A_1036 = arith.index_cast %get3A_1035 : i32 to index
      %get3A_1037 = arith.constant 80 : index
      %get3A_1038 = tpu.vector_load %arg4[%get3A_1036, %get3A_1037] {strides = array<i32>} : memref<6x128xi32, #tpu.memory_space<vmem>>, vector<1x16xi32>,
      %get3A_1039 = vector.shape_cast %get3A_1038 : vector<1x16xi32> to vector<16xi32>
      %sub3A_1040 = vector.broadcast %mul3A_0 : i32 to vector<16xi32>
      %sub3A_1041 = arith.subi %get3A_1039, %sub3A_1040 : vector<16xi32>
      %ge3A_1042 = arith.constant 0 : i32
      %ge3A_1043 = vector.broadcast %ge3A_1042 : i32 to vector<16xi32>
      %ge3A_1044 = arith.cmpi sge, %sub3A_1041, %ge3A_1043 : vector<16xi32>
      %lt3A_1045 = arith.constant 25000 : i32
      %lt3A_1046 = vector.broadcast %lt3A_1045 : i32 to vector<16xi32>
      %lt3A_1047 = arith.cmpi slt, %sub3A_1041, %lt3A_1046 : vector<16xi32>
      %and3A_1048 = arith.andi %ge3A_1044, %lt3A_1047 : vector<16xi1>
      %jit3A_1049 = arith.constant 25000 : i32
      %broadcast_in_dim3A_1050 = vector.broadcast %jit3A_1049 : i32 to vector<16xi32>
      %select_n3A_1051 = arith.select %and3A_1048, %sub3A_1041, %broadcast_in_dim3A_1050 : vector<16xi1>, vector<16xi32>
      %swap3A_1052 = arith.constant 4 : i32
      %swap3A_1053 = arith.index_cast %swap3A_1052 : i32 to index
      %swap3A_1054 = arith.constant 80 : index
      %swap3A_1055 = tpu.vector_load %arg4[%swap3A_1053, %swap3A_1054] {strides = array<i32>} : memref<6x128xi32, #tpu.memory_space<vmem>>, vector<1x16xi32>,
      %swap3A_1056 = vector.shape_cast %swap3A_1055 : vector<1x16xi32> to vector<16xi32>
      %swap3A_1057 = vector.shape_cast %select_n3A_1051 : vector<16xi32> to vector<1x16xi32>
      tpu.vector_store %arg4[%swap3A_1053, %swap3A_1054], %swap3A_1057 {strides = array<i32>} : memref<6x128xi32, #tpu.memory_space<vmem>>, vector<1x16xi32>,
      %get3A_1058 = arith.constant 4 : i32
      %get3A_1059 = arith.index_cast %get3A_1058 : i32 to index
      %get3A_1060 = arith.constant 96 : index
      %get3A_1061 = tpu.vector_load %arg4[%get3A_1059, %get3A_1060] {strides = array<i32>} : memref<6x128xi32, #tpu.memory_space<vmem>>, vector<1x16xi32>,
      %get3A_1062 = vector.shape_cast %get3A_1061 : vector<1x16xi32> to vector<16xi32>
      %sub3A_1063 = vector.broadcast %mul3A_0 : i32 to vector<16xi32>
      %sub3A_1064 = arith.subi %get3A_1062, %sub3A_1063 : vector<16xi32>
      %ge3A_1065 = arith.constant 0 : i32
      %ge3A_1066 = vector.broadcast %ge3A_1065 : i32 to vector<16xi32>
      %ge3A_1067 = arith.cmpi sge, %sub3A_1064, %ge3A_1066 : vector<16xi32>
      %lt3A_1068 = arith.constant 25000 : i32
      %lt3A_1069 = vector.broadcast %lt3A_1068 : i32 to vector<16xi32>
      %lt3A_1070 = arith.cmpi slt, %sub3A_1064, %lt3A_1069 : vector<16xi32>
      %and3A_1071 = arith.andi %ge3A_1067, %lt3A_1070 : vector<16xi1>
      %jit3A_1072 = arith.constant 25000 : i32
      %broadcast_in_dim3A_1073 = vector.broadcast %jit3A_1072 : i32 to vector<16xi32>
      %select_n3A_1074 = arith.select %and3A_1071, %sub3A_1064, %broadcast_in_dim3A_1073 : vector<16xi1>, vector<16xi32>
      %swap3A_1075 = arith.constant 4 : i32
      %swap3A_1076 = arith.index_cast %swap3A_1075 : i32 to index
      %swap3A_1077 = arith.constant 96 : index
      %swap3A_1078 = tpu.vector_load %arg4[%swap3A_1076, %swap3A_1077] {strides = array<i32>} : memref<6x128xi32, #tpu.memory_space<vmem>>, vector<1x16xi32>,
      %swap3A_1079 = vector.shape_cast %swap3A_1078 : vector<1x16xi32> to vector<16xi32>
      %swap3A_1080 = vector.shape_cast %select_n3A_1074 : vector<16xi32> to vector<1x16xi32>
      tpu.vector_store %arg4[%swap3A_1076, %swap3A_1077], %swap3A_1080 {strides = array<i32>} : memref<6x128xi32, #tpu.memory_space<vmem>>, vector<1x16xi32>,
      %get3A_1081 = arith.constant 4 : i32
      %get3A_1082 = arith.index_cast %get3A_1081 : i32 to index
      %get3A_1083 = arith.constant 112 : index
      %get3A_1084 = tpu.vector_load %arg4[%get3A_1082, %get3A_1083] {strides = array<i32>} : memref<6x128xi32, #tpu.memory_space<vmem>>, vector<1x16xi32>,
      %get3A_1085 = vector.shape_cast %get3A_1084 : vector<1x16xi32> to vector<16xi32>
      %sub3A_1086 = vector.broadcast %mul3A_0 : i32 to vector<16xi32>
      %sub3A_1087 = arith.subi %get3A_1085, %sub3A_1086 : vector<16xi32>
      %ge3A_1088 = arith.constant 0 : i32
      %ge3A_1089 = vector.broadcast %ge3A_1088 : i32 to vector<16xi32>
      %ge3A_1090 = arith.cmpi sge, %sub3A_1087, %ge3A_1089 : vector<16xi32>
      %lt3A_1091 = arith.constant 25000 : i32
      %lt3A_1092 = vector.broadcast %lt3A_1091 : i32 to vector<16xi32>
      %lt3A_1093 = arith.cmpi slt, %sub3A_1087, %lt3A_1092 : vector<16xi32>
      %and3A_1094 = arith.andi %ge3A_1090, %lt3A_1093 : vector<16xi1>
      %jit3A_1095 = arith.constant 25000 : i32
      %broadcast_in_dim3A_1096 = vector.broadcast %jit3A_1095 : i32 to vector<16xi32>
      %select_n3A_1097 = arith.select %and3A_1094, %sub3A_1087, %broadcast_in_dim3A_1096 : vector<16xi1>, vector<16xi32>
      %swap3A_1098 = arith.constant 4 : i32
      %swap3A_1099 = arith.index_cast %swap3A_1098 : i32 to index
      %swap3A_1100 = arith.constant 112 : index
      %swap3A_1101 = tpu.vector_load %arg4[%swap3A_1099, %swap3A_1100] {strides = array<i32>} : memref<6x128xi32, #tpu.memory_space<vmem>>, vector<1x16xi32>,
      %swap3A_1102 = vector.shape_cast %swap3A_1101 : vector<1x16xi32> to vector<16xi32>
      %swap3A_1103 = vector.shape_cast %select_n3A_1097 : vector<16xi32> to vector<1x16xi32>
      tpu.vector_store %arg4[%swap3A_1099, %swap3A_1100], %swap3A_1103 {strides = array<i32>} : memref<6x128xi32, #tpu.memory_space<vmem>>, vector<1x16xi32>,
      %dma_start3A_1104 = arith.constant 4 : i32
      %dma_start3A_1105 = arith.constant 0 : i32
      %dma_start3A_1106 = tpu.memref_slice %arg4[%dma_start3A_1104, %dma_start3A_1105] : memref<6x128xi32, #tpu.memory_space<vmem>> -> memref<1x128xi32, #tpu.memory_space<vmem>>
      %dma_start3A_1107 = tpu.memref_squeeze %dma_start3A_1106 : memref<1x128xi32, #tpu.memory_space<vmem>> -> memref<128xi32, #tpu.memory_space<vmem>>
      %dma_start3A_1108 = arith.constant 0 : i32
      %dma_start3A_1109 = arith.constant 0 : i32
      %dma_start3A_1110 = tpu.memref_slice %arg7[%dma_start3A_1108, %dma_start3A_1109] : memref<25008x16xf32, #tpu.memory_space<vmem_shared>> -> memref<25008x16xf32, #tpu.memory_space<vmem_shared>>
      tpu.enqueue_indirect_dma source(%arg5 : memref<128x16xf32, #tpu.memory_space<vmem>>) target(%dma_start3A_1110 : memref<25008x16xf32, #tpu.memory_space<vmem_shared>>) offsets(%dma_start3A_1107 : memref<128xi32, #tpu.memory_space<vmem>>) semaphore(%arg18 : memref<!tpu.dma_semaphore, #tpu.memory_space<semaphore_mem>>) {add = true}
      %dma_wait3A_1111 = arith.constant 5 : i32
      %dma_wait3A_1112 = arith.constant 0 : i32
      %dma_wait3A_1113 = tpu.memref_slice %arg4[%dma_wait3A_1111, %dma_wait3A_1112] : memref<6x128xi32, #tpu.memory_space<vmem>> -> memref<1x128xi32, #tpu.memory_space<vmem>>
      %dma_wait3A_1114 = tpu.memref_squeeze %dma_wait3A_1113 : memref<1x128xi32, #tpu.memory_space<vmem>> -> memref<128xi32, #tpu.memory_space<vmem>>
      %dma_wait3A_1115 = tpu.memref_slice %arg2[%add3A_107] : memref<800000xi32, #tpu.memory_space<hbm>> -> memref<128xi32, #tpu.memory_space<hbm>>
      %dma_wait3A_1116 = arith.constant 0 : i32
      %dma_wait3A_1117 = tpu.memref_slice %arg4[%dma_wait3A_1111, %dma_wait3A_1116] : memref<6x128xi32, #tpu.memory_space<vmem>> -> memref<1x128xi32, #tpu.memory_space<vmem>>
      %dma_wait3A_1118 = tpu.memref_squeeze %dma_wait3A_1117 : memref<1x128xi32, #tpu.memory_space<vmem>> -> memref<128xi32, #tpu.memory_space<vmem>>
      %dma_wait3A_1119 = tpu.memref_slice %arg2[%add3A_107] : memref<800000xi32, #tpu.memory_space<hbm>> -> memref<128xi32, #tpu.memory_space<hbm>>
      tpu.wait_dma2 semaphore(%arg13 : memref<!tpu.dma_semaphore, #tpu.memory_space<semaphore_mem>>) src(%dma_wait3A_1119 : memref<128xi32, #tpu.memory_space<hbm>>) dst(%dma_wait3A_1118 : memref<128xi32, #tpu.memory_space<vmem>>)
      %get3A_1120 = arith.constant 5 : i32
      %get3A_1121 = arith.index_cast %get3A_1120 : i32 to index
      %get3A_1122 = arith.constant 0 : index
      %get3A_1123 = tpu.vector_load %arg4[%get3A_1121, %get3A_1122] {strides = array<i32>} : memref<6x128xi32, #tpu.memory_space<vmem>>, vector<1x16xi32>,
      %get3A_1124 = vector.shape_cast %get3A_1123 : vector<1x16xi32> to vector<16xi32>
      %sub3A_1125 = vector.broadcast %mul3A_0 : i32 to vector<16xi32>
      %sub3A_1126 = arith.subi %get3A_1124, %sub3A_1125 : vector<16xi32>
      %ge3A_1127 = arith.constant 0 : i32
      %ge3A_1128 = vector.broadcast %ge3A_1127 : i32 to vector<16xi32>
      %ge3A_1129 = arith.cmpi sge, %sub3A_1126, %ge3A_1128 : vector<16xi32>
      %lt3A_1130 = arith.constant 25000 : i32
      %lt3A_1131 = vector.broadcast %lt3A_1130 : i32 to vector<16xi32>
      %lt3A_1132 = arith.cmpi slt, %sub3A_1126, %lt3A_1131 : vector<16xi32>
      %and3A_1133 = arith.andi %ge3A_1129, %lt3A_1132 : vector<16xi1>
      %jit3A_1134 = arith.constant 25000 : i32
      %broadcast_in_dim3A_1135 = vector.broadcast %jit3A_1134 : i32 to vector<16xi32>
      %select_n3A_1136 = arith.select %and3A_1133, %sub3A_1126, %broadcast_in_dim3A_1135 : vector<16xi1>, vector<16xi32>
      %swap3A_1137 = arith.constant 5 : i32
      %swap3A_1138 = arith.index_cast %swap3A_1137 : i32 to index
      %swap3A_1139 = arith.constant 0 : index
      %swap3A_1140 = tpu.vector_load %arg4[%swap3A_1138, %swap3A_1139] {strides = array<i32>} : memref<6x128xi32, #tpu.memory_space<vmem>>, vector<1x16xi32>,
      %swap3A_1141 = vector.shape_cast %swap3A_1140 : vector<1x16xi32> to vector<16xi32>
      %swap3A_1142 = vector.shape_cast %select_n3A_1136 : vector<16xi32> to vector<1x16xi32>
      tpu.vector_store %arg4[%swap3A_1138, %swap3A_1139], %swap3A_1142 {strides = array<i32>} : memref<6x128xi32, #tpu.memory_space<vmem>>, vector<1x16xi32>,
      %get3A_1143 = arith.constant 5 : i32
      %get3A_1144 = arith.index_cast %get3A_1143 : i32 to index
      %get3A_1145 = arith.constant 16 : index
      %get3A_1146 = tpu.vector_load %arg4[%get3A_1144, %get3A_1145] {strides = array<i32>} : memref<6x128xi32, #tpu.memory_space<vmem>>, vector<1x16xi32>,
      %get3A_1147 = vector.shape_cast %get3A_1146 : vector<1x16xi32> to vector<16xi32>
      %sub3A_1148 = vector.broadcast %mul3A_0 : i32 to vector<16xi32>
      %sub3A_1149 = arith.subi %get3A_1147, %sub3A_1148 : vector<16xi32>
      %ge3A_1150 = arith.constant 0 : i32
      %ge3A_1151 = vector.broadcast %ge3A_1150 : i32 to vector<16xi32>
      %ge3A_1152 = arith.cmpi sge, %sub3A_1149, %ge3A_1151 : vector<16xi32>
      %lt3A_1153 = arith.constant 25000 : i32
      %lt3A_1154 = vector.broadcast %lt3A_1153 : i32 to vector<16xi32>
      %lt3A_1155 = arith.cmpi slt, %sub3A_1149, %lt3A_1154 : vector<16xi32>
      %and3A_1156 = arith.andi %ge3A_1152, %lt3A_1155 : vector<16xi1>
      %jit3A_1157 = arith.constant 25000 : i32
      %broadcast_in_dim3A_1158 = vector.broadcast %jit3A_1157 : i32 to vector<16xi32>
      %select_n3A_1159 = arith.select %and3A_1156, %sub3A_1149, %broadcast_in_dim3A_1158 : vector<16xi1>, vector<16xi32>
      %swap3A_1160 = arith.constant 5 : i32
      %swap3A_1161 = arith.index_cast %swap3A_1160 : i32 to index
      %swap3A_1162 = arith.constant 16 : index
      %swap3A_1163 = tpu.vector_load %arg4[%swap3A_1161, %swap3A_1162] {strides = array<i32>} : memref<6x128xi32, #tpu.memory_space<vmem>>, vector<1x16xi32>,
      %swap3A_1164 = vector.shape_cast %swap3A_1163 : vector<1x16xi32> to vector<16xi32>
      %swap3A_1165 = vector.shape_cast %select_n3A_1159 : vector<16xi32> to vector<1x16xi32>
      tpu.vector_store %arg4[%swap3A_1161, %swap3A_1162], %swap3A_1165 {strides = array<i32>} : memref<6x128xi32, #tpu.memory_space<vmem>>, vector<1x16xi32>,
      %get3A_1166 = arith.constant 5 : i32
      %get3A_1167 = arith.index_cast %get3A_1166 : i32 to index
      %get3A_1168 = arith.constant 32 : index
      %get3A_1169 = tpu.vector_load %arg4[%get3A_1167, %get3A_1168] {strides = array<i32>} : memref<6x128xi32, #tpu.memory_space<vmem>>, vector<1x16xi32>,
      %get3A_1170 = vector.shape_cast %get3A_1169 : vector<1x16xi32> to vector<16xi32>
      %sub3A_1171 = vector.broadcast %mul3A_0 : i32 to vector<16xi32>
      %sub3A_1172 = arith.subi %get3A_1170, %sub3A_1171 : vector<16xi32>
      %ge3A_1173 = arith.constant 0 : i32
      %ge3A_1174 = vector.broadcast %ge3A_1173 : i32 to vector<16xi32>
      %ge3A_1175 = arith.cmpi sge, %sub3A_1172, %ge3A_1174 : vector<16xi32>
      %lt3A_1176 = arith.constant 25000 : i32
      %lt3A_1177 = vector.broadcast %lt3A_1176 : i32 to vector<16xi32>
      %lt3A_1178 = arith.cmpi slt, %sub3A_1172, %lt3A_1177 : vector<16xi32>
      %and3A_1179 = arith.andi %ge3A_1175, %lt3A_1178 : vector<16xi1>
      %jit3A_1180 = arith.constant 25000 : i32
      %broadcast_in_dim3A_1181 = vector.broadcast %jit3A_1180 : i32 to vector<16xi32>
      %select_n3A_1182 = arith.select %and3A_1179, %sub3A_1172, %broadcast_in_dim3A_1181 : vector<16xi1>, vector<16xi32>
      %swap3A_1183 = arith.constant 5 : i32
      %swap3A_1184 = arith.index_cast %swap3A_1183 : i32 to index
      %swap3A_1185 = arith.constant 32 : index
      %swap3A_1186 = tpu.vector_load %arg4[%swap3A_1184, %swap3A_1185] {strides = array<i32>} : memref<6x128xi32, #tpu.memory_space<vmem>>, vector<1x16xi32>,
      %swap3A_1187 = vector.shape_cast %swap3A_1186 : vector<1x16xi32> to vector<16xi32>
      %swap3A_1188 = vector.shape_cast %select_n3A_1182 : vector<16xi32> to vector<1x16xi32>
      tpu.vector_store %arg4[%swap3A_1184, %swap3A_1185], %swap3A_1188 {strides = array<i32>} : memref<6x128xi32, #tpu.memory_space<vmem>>, vector<1x16xi32>,
      %get3A_1189 = arith.constant 5 : i32
      %get3A_1190 = arith.index_cast %get3A_1189 : i32 to index
      %get3A_1191 = arith.constant 48 : index
      %get3A_1192 = tpu.vector_load %arg4[%get3A_1190, %get3A_1191] {strides = array<i32>} : memref<6x128xi32, #tpu.memory_space<vmem>>, vector<1x16xi32>,
      %get3A_1193 = vector.shape_cast %get3A_1192 : vector<1x16xi32> to vector<16xi32>
      %sub3A_1194 = vector.broadcast %mul3A_0 : i32 to vector<16xi32>
      %sub3A_1195 = arith.subi %get3A_1193, %sub3A_1194 : vector<16xi32>
      %ge3A_1196 = arith.constant 0 : i32
      %ge3A_1197 = vector.broadcast %ge3A_1196 : i32 to vector<16xi32>
      %ge3A_1198 = arith.cmpi sge, %sub3A_1195, %ge3A_1197 : vector<16xi32>
      %lt3A_1199 = arith.constant 25000 : i32
      %lt3A_1200 = vector.broadcast %lt3A_1199 : i32 to vector<16xi32>
      %lt3A_1201 = arith.cmpi slt, %sub3A_1195, %lt3A_1200 : vector<16xi32>
      %and3A_1202 = arith.andi %ge3A_1198, %lt3A_1201 : vector<16xi1>
      %jit3A_1203 = arith.constant 25000 : i32
      %broadcast_in_dim3A_1204 = vector.broadcast %jit3A_1203 : i32 to vector<16xi32>
      %select_n3A_1205 = arith.select %and3A_1202, %sub3A_1195, %broadcast_in_dim3A_1204 : vector<16xi1>, vector<16xi32>
      %swap3A_1206 = arith.constant 5 : i32
      %swap3A_1207 = arith.index_cast %swap3A_1206 : i32 to index
      %swap3A_1208 = arith.constant 48 : index
      %swap3A_1209 = tpu.vector_load %arg4[%swap3A_1207, %swap3A_1208] {strides = array<i32>} : memref<6x128xi32, #tpu.memory_space<vmem>>, vector<1x16xi32>,
      %swap3A_1210 = vector.shape_cast %swap3A_1209 : vector<1x16xi32> to vector<16xi32>
      %swap3A_1211 = vector.shape_cast %select_n3A_1205 : vector<16xi32> to vector<1x16xi32>
      tpu.vector_store %arg4[%swap3A_1207, %swap3A_1208], %swap3A_1211 {strides = array<i32>} : memref<6x128xi32, #tpu.memory_space<vmem>>, vector<1x16xi32>,
      %get3A_1212 = arith.constant 5 : i32
      %get3A_1213 = arith.index_cast %get3A_1212 : i32 to index
      %get3A_1214 = arith.constant 64 : index
      %get3A_1215 = tpu.vector_load %arg4[%get3A_1213, %get3A_1214] {strides = array<i32>} : memref<6x128xi32, #tpu.memory_space<vmem>>, vector<1x16xi32>,
      %get3A_1216 = vector.shape_cast %get3A_1215 : vector<1x16xi32> to vector<16xi32>
      %sub3A_1217 = vector.broadcast %mul3A_0 : i32 to vector<16xi32>
      %sub3A_1218 = arith.subi %get3A_1216, %sub3A_1217 : vector<16xi32>
      %ge3A_1219 = arith.constant 0 : i32
      %ge3A_1220 = vector.broadcast %ge3A_1219 : i32 to vector<16xi32>
      %ge3A_1221 = arith.cmpi sge, %sub3A_1218, %ge3A_1220 : vector<16xi32>
      %lt3A_1222 = arith.constant 25000 : i32
      %lt3A_1223 = vector.broadcast %lt3A_1222 : i32 to vector<16xi32>
      %lt3A_1224 = arith.cmpi slt, %sub3A_1218, %lt3A_1223 : vector<16xi32>
      %and3A_1225 = arith.andi %ge3A_1221, %lt3A_1224 : vector<16xi1>
      %jit3A_1226 = arith.constant 25000 : i32
      %broadcast_in_dim3A_1227 = vector.broadcast %jit3A_1226 : i32 to vector<16xi32>
      %select_n3A_1228 = arith.select %and3A_1225, %sub3A_1218, %broadcast_in_dim3A_1227 : vector<16xi1>, vector<16xi32>
      %swap3A_1229 = arith.constant 5 : i32
      %swap3A_1230 = arith.index_cast %swap3A_1229 : i32 to index
      %swap3A_1231 = arith.constant 64 : index
      %swap3A_1232 = tpu.vector_load %arg4[%swap3A_1230, %swap3A_1231] {strides = array<i32>} : memref<6x128xi32, #tpu.memory_space<vmem>>, vector<1x16xi32>,
      %swap3A_1233 = vector.shape_cast %swap3A_1232 : vector<1x16xi32> to vector<16xi32>
      %swap3A_1234 = vector.shape_cast %select_n3A_1228 : vector<16xi32> to vector<1x16xi32>
      tpu.vector_store %arg4[%swap3A_1230, %swap3A_1231], %swap3A_1234 {strides = array<i32>} : memref<6x128xi32, #tpu.memory_space<vmem>>, vector<1x16xi32>,
      %get3A_1235 = arith.constant 5 : i32
      %get3A_1236 = arith.index_cast %get3A_1235 : i32 to index
      %get3A_1237 = arith.constant 80 : index
      %get3A_1238 = tpu.vector_load %arg4[%get3A_1236, %get3A_1237] {strides = array<i32>} : memref<6x128xi32, #tpu.memory_space<vmem>>, vector<1x16xi32>,
      %get3A_1239 = vector.shape_cast %get3A_1238 : vector<1x16xi32> to vector<16xi32>
      %sub3A_1240 = vector.broadcast %mul3A_0 : i32 to vector<16xi32>
      %sub3A_1241 = arith.subi %get3A_1239, %sub3A_1240 : vector<16xi32>
      %ge3A_1242 = arith.constant 0 : i32
      %ge3A_1243 = vector.broadcast %ge3A_1242 : i32 to vector<16xi32>
      %ge3A_1244 = arith.cmpi sge, %sub3A_1241, %ge3A_1243 : vector<16xi32>
      %lt3A_1245 = arith.constant 25000 : i32
      %lt3A_1246 = vector.broadcast %lt3A_1245 : i32 to vector<16xi32>
      %lt3A_1247 = arith.cmpi slt, %sub3A_1241, %lt3A_1246 : vector<16xi32>
      %and3A_1248 = arith.andi %ge3A_1244, %lt3A_1247 : vector<16xi1>
      %jit3A_1249 = arith.constant 25000 : i32
      %broadcast_in_dim3A_1250 = vector.broadcast %jit3A_1249 : i32 to vector<16xi32>
      %select_n3A_1251 = arith.select %and3A_1248, %sub3A_1241, %broadcast_in_dim3A_1250 : vector<16xi1>, vector<16xi32>
      %swap3A_1252 = arith.constant 5 : i32
      %swap3A_1253 = arith.index_cast %swap3A_1252 : i32 to index
      %swap3A_1254 = arith.constant 80 : index
      %swap3A_1255 = tpu.vector_load %arg4[%swap3A_1253, %swap3A_1254] {strides = array<i32>} : memref<6x128xi32, #tpu.memory_space<vmem>>, vector<1x16xi32>,
      %swap3A_1256 = vector.shape_cast %swap3A_1255 : vector<1x16xi32> to vector<16xi32>
      %swap3A_1257 = vector.shape_cast %select_n3A_1251 : vector<16xi32> to vector<1x16xi32>
      tpu.vector_store %arg4[%swap3A_1253, %swap3A_1254], %swap3A_1257 {strides = array<i32>} : memref<6x128xi32, #tpu.memory_space<vmem>>, vector<1x16xi32>,
      %get3A_1258 = arith.constant 5 : i32
      %get3A_1259 = arith.index_cast %get3A_1258 : i32 to index
      %get3A_1260 = arith.constant 96 : index
      %get3A_1261 = tpu.vector_load %arg4[%get3A_1259, %get3A_1260] {strides = array<i32>} : memref<6x128xi32, #tpu.memory_space<vmem>>, vector<1x16xi32>,
      %get3A_1262 = vector.shape_cast %get3A_1261 : vector<1x16xi32> to vector<16xi32>
      %sub3A_1263 = vector.broadcast %mul3A_0 : i32 to vector<16xi32>
      %sub3A_1264 = arith.subi %get3A_1262, %sub3A_1263 : vector<16xi32>
      %ge3A_1265 = arith.constant 0 : i32
      %ge3A_1266 = vector.broadcast %ge3A_1265 : i32 to vector<16xi32>
      %ge3A_1267 = arith.cmpi sge, %sub3A_1264, %ge3A_1266 : vector<16xi32>
      %lt3A_1268 = arith.constant 25000 : i32
      %lt3A_1269 = vector.broadcast %lt3A_1268 : i32 to vector<16xi32>
      %lt3A_1270 = arith.cmpi slt, %sub3A_1264, %lt3A_1269 : vector<16xi32>
      %and3A_1271 = arith.andi %ge3A_1267, %lt3A_1270 : vector<16xi1>
      %jit3A_1272 = arith.constant 25000 : i32
      %broadcast_in_dim3A_1273 = vector.broadcast %jit3A_1272 : i32 to vector<16xi32>
      %select_n3A_1274 = arith.select %and3A_1271, %sub3A_1264, %broadcast_in_dim3A_1273 : vector<16xi1>, vector<16xi32>
      %swap3A_1275 = arith.constant 5 : i32
      %swap3A_1276 = arith.index_cast %swap3A_1275 : i32 to index
      %swap3A_1277 = arith.constant 96 : index
      %swap3A_1278 = tpu.vector_load %arg4[%swap3A_1276, %swap3A_1277] {strides = array<i32>} : memref<6x128xi32, #tpu.memory_space<vmem>>, vector<1x16xi32>,
      %swap3A_1279 = vector.shape_cast %swap3A_1278 : vector<1x16xi32> to vector<16xi32>
      %swap3A_1280 = vector.shape_cast %select_n3A_1274 : vector<16xi32> to vector<1x16xi32>
      tpu.vector_store %arg4[%swap3A_1276, %swap3A_1277], %swap3A_1280 {strides = array<i32>} : memref<6x128xi32, #tpu.memory_space<vmem>>, vector<1x16xi32>,
      %get3A_1281 = arith.constant 5 : i32
      %get3A_1282 = arith.index_cast %get3A_1281 : i32 to index
      %get3A_1283 = arith.constant 112 : index
      %get3A_1284 = tpu.vector_load %arg4[%get3A_1282, %get3A_1283] {strides = array<i32>} : memref<6x128xi32, #tpu.memory_space<vmem>>, vector<1x16xi32>,
      %get3A_1285 = vector.shape_cast %get3A_1284 : vector<1x16xi32> to vector<16xi32>
      %sub3A_1286 = vector.broadcast %mul3A_0 : i32 to vector<16xi32>
      %sub3A_1287 = arith.subi %get3A_1285, %sub3A_1286 : vector<16xi32>
      %ge3A_1288 = arith.constant 0 : i32
      %ge3A_1289 = vector.broadcast %ge3A_1288 : i32 to vector<16xi32>
      %ge3A_1290 = arith.cmpi sge, %sub3A_1287, %ge3A_1289 : vector<16xi32>
      %lt3A_1291 = arith.constant 25000 : i32
      %lt3A_1292 = vector.broadcast %lt3A_1291 : i32 to vector<16xi32>
      %lt3A_1293 = arith.cmpi slt, %sub3A_1287, %lt3A_1292 : vector<16xi32>
      %and3A_1294 = arith.andi %ge3A_1290, %lt3A_1293 : vector<16xi1>
      %jit3A_1295 = arith.constant 25000 : i32
      %broadcast_in_dim3A_1296 = vector.broadcast %jit3A_1295 : i32 to vector<16xi32>
      %select_n3A_1297 = arith.select %and3A_1294, %sub3A_1287, %broadcast_in_dim3A_1296 : vector<16xi1>, vector<16xi32>
      %swap3A_1298 = arith.constant 5 : i32
      %swap3A_1299 = arith.index_cast %swap3A_1298 : i32 to index
      %swap3A_1300 = arith.constant 112 : index
      %swap3A_1301 = tpu.vector_load %arg4[%swap3A_1299, %swap3A_1300] {strides = array<i32>} : memref<6x128xi32, #tpu.memory_space<vmem>>, vector<1x16xi32>,
      %swap3A_1302 = vector.shape_cast %swap3A_1301 : vector<1x16xi32> to vector<16xi32>
      %swap3A_1303 = vector.shape_cast %select_n3A_1297 : vector<16xi32> to vector<1x16xi32>
      tpu.vector_store %arg4[%swap3A_1299, %swap3A_1300], %swap3A_1303 {strides = array<i32>} : memref<6x128xi32, #tpu.memory_space<vmem>>, vector<1x16xi32>,
      %dma_start3A_1304 = arith.constant 5 : i32
      %dma_start3A_1305 = arith.constant 0 : i32
      %dma_start3A_1306 = tpu.memref_slice %arg4[%dma_start3A_1304, %dma_start3A_1305] : memref<6x128xi32, #tpu.memory_space<vmem>> -> memref<1x128xi32, #tpu.memory_space<vmem>>
      %dma_start3A_1307 = tpu.memref_squeeze %dma_start3A_1306 : memref<1x128xi32, #tpu.memory_space<vmem>> -> memref<128xi32, #tpu.memory_space<vmem>>
      %dma_start3A_1308 = arith.constant 0 : i32
      %dma_start3A_1309 = arith.constant 0 : i32
      %dma_start3A_1310 = tpu.memref_slice %arg7[%dma_start3A_1308, %dma_start3A_1309] : memref<25008x16xf32, #tpu.memory_space<vmem_shared>> -> memref<25008x16xf32, #tpu.memory_space<vmem_shared>>
      tpu.enqueue_indirect_dma source(%arg5 : memref<128x16xf32, #tpu.memory_space<vmem>>) target(%dma_start3A_1310 : memref<25008x16xf32, #tpu.memory_space<vmem_shared>>) offsets(%dma_start3A_1307 : memref<128xi32, #tpu.memory_space<vmem>>) semaphore(%arg19 : memref<!tpu.dma_semaphore, #tpu.memory_space<semaphore_mem>>) {add = true}
      %dma_wait3A_1311 = arith.constant 0 : i32
      %dma_wait3A_1312 = arith.constant 0 : i32
      %dma_wait3A_1313 = tpu.memref_slice %arg4[%dma_wait3A_1311, %dma_wait3A_1312] : memref<6x128xi32, #tpu.memory_space<vmem>> -> memref<1x128xi32, #tpu.memory_space<vmem>>
      %dma_wait3A_1314 = tpu.memref_squeeze %dma_wait3A_1313 : memref<1x128xi32, #tpu.memory_space<vmem>> -> memref<128xi32, #tpu.memory_space<vmem>>
      %dma_wait3A_1315 = arith.constant 0 : i32
      %dma_wait3A_1316 = arith.constant 0 : i32
      %dma_wait3A_1317 = tpu.memref_slice %arg7[%dma_wait3A_1315, %dma_wait3A_1316] : memref<25008x16xf32, #tpu.memory_space<vmem_shared>> -> memref<25008x16xf32, #tpu.memory_space<vmem_shared>>
      tpu.wait_indirect_dma semaphore(%arg14 : memref<!tpu.dma_semaphore, #tpu.memory_space<semaphore_mem>>) src(%arg5 : memref<128x16xf32, #tpu.memory_space<vmem>>) dst(%dma_wait3A_1317 : memref<25008x16xf32, #tpu.memory_space<vmem_shared>>)
      %dma_wait3A_1318 = arith.constant 1 : i32
      %dma_wait3A_1319 = arith.constant 0 : i32
      %dma_wait3A_1320 = tpu.memref_slice %arg4[%dma_wait3A_1318, %dma_wait3A_1319] : memref<6x128xi32, #tpu.memory_space<vmem>> -> memref<1x128xi32, #tpu.memory_space<vmem>>
      %dma_wait3A_1321 = tpu.memref_squeeze %dma_wait3A_1320 : memref<1x128xi32, #tpu.memory_space<vmem>> -> memref<128xi32, #tpu.memory_space<vmem>>
      %dma_wait3A_1322 = arith.constant 0 : i32
      %dma_wait3A_1323 = arith.constant 0 : i32
      %dma_wait3A_1324 = tpu.memref_slice %arg7[%dma_wait3A_1322, %dma_wait3A_1323] : memref<25008x16xf32, #tpu.memory_space<vmem_shared>> -> memref<25008x16xf32, #tpu.memory_space<vmem_shared>>
      tpu.wait_indirect_dma semaphore(%arg15 : memref<!tpu.dma_semaphore, #tpu.memory_space<semaphore_mem>>) src(%arg5 : memref<128x16xf32, #tpu.memory_space<vmem>>) dst(%dma_wait3A_1324 : memref<25008x16xf32, #tpu.memory_space<vmem_shared>>)
      %dma_wait3A_1325 = arith.constant 2 : i32
      %dma_wait3A_1326 = arith.constant 0 : i32
      %dma_wait3A_1327 = tpu.memref_slice %arg4[%dma_wait3A_1325, %dma_wait3A_1326] : memref<6x128xi32, #tpu.memory_space<vmem>> -> memref<1x128xi32, #tpu.memory_space<vmem>>
      %dma_wait3A_1328 = tpu.memref_squeeze %dma_wait3A_1327 : memref<1x128xi32, #tpu.memory_space<vmem>> -> memref<128xi32, #tpu.memory_space<vmem>>
      %dma_wait3A_1329 = arith.constant 0 : i32
      %dma_wait3A_1330 = arith.constant 0 : i32
      %dma_wait3A_1331 = tpu.memref_slice %arg7[%dma_wait3A_1329, %dma_wait3A_1330] : memref<25008x16xf32, #tpu.memory_space<vmem_shared>> -> memref<25008x16xf32, #tpu.memory_space<vmem_shared>>
      tpu.wait_indirect_dma semaphore(%arg16 : memref<!tpu.dma_semaphore, #tpu.memory_space<semaphore_mem>>) src(%arg5 : memref<128x16xf32, #tpu.memory_space<vmem>>) dst(%dma_wait3A_1331 : memref<25008x16xf32, #tpu.memory_space<vmem_shared>>)
      %dma_wait3A_1332 = arith.constant 3 : i32
      %dma_wait3A_1333 = arith.constant 0 : i32
      %dma_wait3A_1334 = tpu.memref_slice %arg4[%dma_wait3A_1332, %dma_wait3A_1333] : memref<6x128xi32, #tpu.memory_space<vmem>> -> memref<1x128xi32, #tpu.memory_space<vmem>>
      %dma_wait3A_1335 = tpu.memref_squeeze %dma_wait3A_1334 : memref<1x128xi32, #tpu.memory_space<vmem>> -> memref<128xi32, #tpu.memory_space<vmem>>
      %dma_wait3A_1336 = arith.constant 0 : i32
      %dma_wait3A_1337 = arith.constant 0 : i32
      %dma_wait3A_1338 = tpu.memref_slice %arg7[%dma_wait3A_1336, %dma_wait3A_1337] : memref<25008x16xf32, #tpu.memory_space<vmem_shared>> -> memref<25008x16xf32, #tpu.memory_space<vmem_shared>>
      tpu.wait_indirect_dma semaphore(%arg17 : memref<!tpu.dma_semaphore, #tpu.memory_space<semaphore_mem>>) src(%arg5 : memref<128x16xf32, #tpu.memory_space<vmem>>) dst(%dma_wait3A_1338 : memref<25008x16xf32, #tpu.memory_space<vmem_shared>>)
      %dma_wait3A_1339 = arith.constant 4 : i32
      %dma_wait3A_1340 = arith.constant 0 : i32
      %dma_wait3A_1341 = tpu.memref_slice %arg4[%dma_wait3A_1339, %dma_wait3A_1340] : memref<6x128xi32, #tpu.memory_space<vmem>> -> memref<1x128xi32, #tpu.memory_space<vmem>>
      %dma_wait3A_1342 = tpu.memref_squeeze %dma_wait3A_1341 : memref<1x128xi32, #tpu.memory_space<vmem>> -> memref<128xi32, #tpu.memory_space<vmem>>
      %dma_wait3A_1343 = arith.constant 0 : i32
      %dma_wait3A_1344 = arith.constant 0 : i32
      %dma_wait3A_1345 = tpu.memref_slice %arg7[%dma_wait3A_1343, %dma_wait3A_1344] : memref<25008x16xf32, #tpu.memory_space<vmem_shared>> -> memref<25008x16xf32, #tpu.memory_space<vmem_shared>>
      tpu.wait_indirect_dma semaphore(%arg18 : memref<!tpu.dma_semaphore, #tpu.memory_space<semaphore_mem>>) src(%arg5 : memref<128x16xf32, #tpu.memory_space<vmem>>) dst(%dma_wait3A_1345 : memref<25008x16xf32, #tpu.memory_space<vmem_shared>>)
      %dma_wait3A_1346 = arith.constant 5 : i32
      %dma_wait3A_1347 = arith.constant 0 : i32
      %dma_wait3A_1348 = tpu.memref_slice %arg4[%dma_wait3A_1346, %dma_wait3A_1347] : memref<6x128xi32, #tpu.memory_space<vmem>> -> memref<1x128xi32, #tpu.memory_space<vmem>>
      %dma_wait3A_1349 = tpu.memref_squeeze %dma_wait3A_1348 : memref<1x128xi32, #tpu.memory_space<vmem>> -> memref<128xi32, #tpu.memory_space<vmem>>
      %dma_wait3A_1350 = arith.constant 0 : i32
      %dma_wait3A_1351 = arith.constant 0 : i32
      %dma_wait3A_1352 = tpu.memref_slice %arg7[%dma_wait3A_1350, %dma_wait3A_1351] : memref<25008x16xf32, #tpu.memory_space<vmem_shared>> -> memref<25008x16xf32, #tpu.memory_space<vmem_shared>>
      tpu.wait_indirect_dma semaphore(%arg19 : memref<!tpu.dma_semaphore, #tpu.memory_space<semaphore_mem>>) src(%arg5 : memref<128x16xf32, #tpu.memory_space<vmem>>) dst(%dma_wait3A_1352 : memref<25008x16xf32, #tpu.memory_space<vmem_shared>>)
      %scan3A_1353 = arith.constant 0 : i32
      scf.yield %scan3A_1353 : i32
    }
    %scan3A_34 = arith.constant 65 : i32
    %gt3A = arith.constant 390 : i32
    %gt3A_35 = arith.cmpi sgt, %add3A_7, %gt3A : i32
    %convert_element_type3A = arith.extui %gt3A_35 : i1 to i32
    %cond3A = arith.constant 0 : i32
    %cond3A_36 = arith.cmpi ne, %convert_element_type3A, %cond3A : i32
    scf.if %cond3A_36 {
      %add3A_45 = arith.constant 390 : i32
      %add3A_46 = arith.addi %add3A, %add3A_45 : i32
      %mul3A_47 = arith.constant 128 : i32
      %mul3A_48 = arith.muli %add3A_46, %mul3A_47 : i32
      %run_scoped3A = arith.constant 0 : i32
      "tpu.region"() ({
        %run_scoped3A_229 = tpu.sem_alloc : memref<!tpu.dma_semaphore, #tpu.memory_space<semaphore_mem>>
        %dma_start3A = arith.constant 0 : i32
        %dma_start3A_230 = tpu.memref_slice %arg4[%run_scoped3A, %dma_start3A] : memref<6x128xi32, #tpu.memory_space<vmem>> -> memref<1x128xi32, #tpu.memory_space<vmem>>
        %dma_start3A_231 = tpu.memref_squeeze %dma_start3A_230 : memref<1x128xi32, #tpu.memory_space<vmem>> -> memref<128xi32, #tpu.memory_space<vmem>>
        %dma_start3A_232 = tpu.memref_slice %arg2[%mul3A_48] : memref<800000xi32, #tpu.memory_space<hbm>> -> memref<128xi32, #tpu.memory_space<hbm>>
        %dma_start3A_233 = arith.constant 0 : i32
        %dma_start3A_234 = tpu.memref_slice %arg4[%run_scoped3A, %dma_start3A_233] : memref<6x128xi32, #tpu.memory_space<vmem>> -> memref<1x128xi32, #tpu.memory_space<vmem>>
        %dma_start3A_235 = tpu.memref_squeeze %dma_start3A_234 : memref<1x128xi32, #tpu.memory_space<vmem>> -> memref<128xi32, #tpu.memory_space<vmem>>
        %dma_start3A_236 = tpu.memref_slice %arg2[%mul3A_48] : memref<800000xi32, #tpu.memory_space<hbm>> -> memref<128xi32, #tpu.memory_space<hbm>>
        tpu.enqueue_dma source(%dma_start3A_236 : memref<128xi32, #tpu.memory_space<hbm>>) target(%dma_start3A_235 : memref<128xi32, #tpu.memory_space<vmem>>) target_semaphore(%run_scoped3A_229 : memref<!tpu.dma_semaphore, #tpu.memory_space<semaphore_mem>>)
        %dma_wait3A = arith.constant 0 : i32
        %dma_wait3A_237 = tpu.memref_slice %arg4[%run_scoped3A, %dma_wait3A] : memref<6x128xi32, #tpu.memory_space<vmem>> -> memref<1x128xi32, #tpu.memory_space<vmem>>
        %dma_wait3A_238 = tpu.memref_squeeze %dma_wait3A_237 : memref<1x128xi32, #tpu.memory_space<vmem>> -> memref<128xi32, #tpu.memory_space<vmem>>
        %dma_wait3A_239 = tpu.memref_slice %arg2[%mul3A_48] : memref<800000xi32, #tpu.memory_space<hbm>> -> memref<128xi32, #tpu.memory_space<hbm>>
        %dma_wait3A_240 = arith.constant 0 : i32
        %dma_wait3A_241 = tpu.memref_slice %arg4[%run_scoped3A, %dma_wait3A_240] : memref<6x128xi32, #tpu.memory_space<vmem>> -> memref<1x128xi32, #tpu.memory_space<vmem>>
        %dma_wait3A_242 = tpu.memref_squeeze %dma_wait3A_241 : memref<1x128xi32, #tpu.memory_space<vmem>> -> memref<128xi32, #tpu.memory_space<vmem>>
        %dma_wait3A_243 = tpu.memref_slice %arg2[%mul3A_48] : memref<800000xi32, #tpu.memory_space<hbm>> -> memref<128xi32, #tpu.memory_space<hbm>>
        tpu.wait_dma2 semaphore(%run_scoped3A_229 : memref<!tpu.dma_semaphore, #tpu.memory_space<semaphore_mem>>) src(%dma_wait3A_243 : memref<128xi32, #tpu.memory_space<hbm>>) dst(%dma_wait3A_242 : memref<128xi32, #tpu.memory_space<vmem>>)
        tpu.yield
      }) : () -> ()
      %get3A = arith.constant 0 : i32
      %get3A_49 = arith.index_cast %get3A : i32 to index
      %get3A_50 = arith.constant 0 : index
      %get3A_51 = tpu.vector_load %arg4[%get3A_49, %get3A_50] {strides = array<i32>} : memref<6x128xi32, #tpu.memory_space<vmem>>, vector<1x16xi32>,
      %get3A_52 = vector.shape_cast %get3A_51 : vector<1x16xi32> to vector<16xi32>
      %sub3A = vector.broadcast %mul3A_0 : i32 to vector<16xi32>
      %sub3A_53 = arith.subi %get3A_52, %sub3A : vector<16xi32>
      %ge3A = arith.constant 0 : i32
      %ge3A_54 = vector.broadcast %ge3A : i32 to vector<16xi32>
      %ge3A_55 = arith.cmpi sge, %sub3A_53, %ge3A_54 : vector<16xi32>
      %lt3A_56 = arith.constant 25000 : i32
      %lt3A_57 = vector.broadcast %lt3A_56 : i32 to vector<16xi32>
      %lt3A_58 = arith.cmpi slt, %sub3A_53, %lt3A_57 : vector<16xi32>
      %and3A = arith.andi %ge3A_55, %lt3A_58 : vector<16xi1>
      %jit3A_59 = arith.constant 25000 : i32
      %broadcast_in_dim3A_60 = vector.broadcast %jit3A_59 : i32 to vector<16xi32>
      %select_n3A_61 = arith.select %and3A, %sub3A_53, %broadcast_in_dim3A_60 : vector<16xi1>, vector<16xi32>
      %swap3A = arith.constant 0 : i32
      %swap3A_62 = arith.index_cast %swap3A : i32 to index
      %swap3A_63 = arith.constant 0 : index
      %swap3A_64 = tpu.vector_load %arg4[%swap3A_62, %swap3A_63] {strides = array<i32>} : memref<6x128xi32, #tpu.memory_space<vmem>>, vector<1x16xi32>,
      %swap3A_65 = vector.shape_cast %swap3A_64 : vector<1x16xi32> to vector<16xi32>
      %swap3A_66 = vector.shape_cast %select_n3A_61 : vector<16xi32> to vector<1x16xi32>
      tpu.vector_store %arg4[%swap3A_62, %swap3A_63], %swap3A_66 {strides = array<i32>} : memref<6x128xi32, #tpu.memory_space<vmem>>, vector<1x16xi32>,
      %get3A_67 = arith.constant 0 : i32
      %get3A_68 = arith.index_cast %get3A_67 : i32 to index
      %get3A_69 = arith.constant 16 : index
      %get3A_70 = tpu.vector_load %arg4[%get3A_68, %get3A_69] {strides = array<i32>} : memref<6x128xi32, #tpu.memory_space<vmem>>, vector<1x16xi32>,
      %get3A_71 = vector.shape_cast %get3A_70 : vector<1x16xi32> to vector<16xi32>
      %sub3A_72 = vector.broadcast %mul3A_0 : i32 to vector<16xi32>
      %sub3A_73 = arith.subi %get3A_71, %sub3A_72 : vector<16xi32>
      %ge3A_74 = arith.constant 0 : i32
      %ge3A_75 = vector.broadcast %ge3A_74 : i32 to vector<16xi32>
      %ge3A_76 = arith.cmpi sge, %sub3A_73, %ge3A_75 : vector<16xi32>
      %lt3A_77 = arith.constant 25000 : i32
      %lt3A_78 = vector.broadcast %lt3A_77 : i32 to vector<16xi32>
      %lt3A_79 = arith.cmpi slt, %sub3A_73, %lt3A_78 : vector<16xi32>
      %and3A_80 = arith.andi %ge3A_76, %lt3A_79 : vector<16xi1>
      %jit3A_81 = arith.constant 25000 : i32
      %broadcast_in_dim3A_82 = vector.broadcast %jit3A_81 : i32 to vector<16xi32>
      %select_n3A_83 = arith.select %and3A_80, %sub3A_73, %broadcast_in_dim3A_82 : vector<16xi1>, vector<16xi32>
      %swap3A_84 = arith.constant 0 : i32
      %swap3A_85 = arith.index_cast %swap3A_84 : i32 to index
      %swap3A_86 = arith.constant 16 : index
      %swap3A_87 = tpu.vector_load %arg4[%swap3A_85, %swap3A_86] {strides = array<i32>} : memref<6x128xi32, #tpu.memory_space<vmem>>, vector<1x16xi32>,
      %swap3A_88 = vector.shape_cast %swap3A_87 : vector<1x16xi32> to vector<16xi32>
      %swap3A_89 = vector.shape_cast %select_n3A_83 : vector<16xi32> to vector<1x16xi32>
      tpu.vector_store %arg4[%swap3A_85, %swap3A_86], %swap3A_89 {strides = array<i32>} : memref<6x128xi32, #tpu.memory_space<vmem>>, vector<1x16xi32>,
      %get3A_90 = arith.constant 0 : i32
      %get3A_91 = arith.index_cast %get3A_90 : i32 to index
      %get3A_92 = arith.constant 32 : index
      %get3A_93 = tpu.vector_load %arg4[%get3A_91, %get3A_92] {strides = array<i32>} : memref<6x128xi32, #tpu.memory_space<vmem>>, vector<1x16xi32>,
      %get3A_94 = vector.shape_cast %get3A_93 : vector<1x16xi32> to vector<16xi32>
      %sub3A_95 = vector.broadcast %mul3A_0 : i32 to vector<16xi32>
      %sub3A_96 = arith.subi %get3A_94, %sub3A_95 : vector<16xi32>
      %ge3A_97 = arith.constant 0 : i32
      %ge3A_98 = vector.broadcast %ge3A_97 : i32 to vector<16xi32>
      %ge3A_99 = arith.cmpi sge, %sub3A_96, %ge3A_98 : vector<16xi32>
      %lt3A_100 = arith.constant 25000 : i32
      %lt3A_101 = vector.broadcast %lt3A_100 : i32 to vector<16xi32>
      %lt3A_102 = arith.cmpi slt, %sub3A_96, %lt3A_101 : vector<16xi32>
      %and3A_103 = arith.andi %ge3A_99, %lt3A_102 : vector<16xi1>
      %jit3A_104 = arith.constant 25000 : i32
      %broadcast_in_dim3A_105 = vector.broadcast %jit3A_104 : i32 to vector<16xi32>
      %select_n3A_106 = arith.select %and3A_103, %sub3A_96, %broadcast_in_dim3A_105 : vector<16xi1>, vector<16xi32>
      %swap3A_107 = arith.constant 0 : i32
      %swap3A_108 = arith.index_cast %swap3A_107 : i32 to index
      %swap3A_109 = arith.constant 32 : index
      %swap3A_110 = tpu.vector_load %arg4[%swap3A_108, %swap3A_109] {strides = array<i32>} : memref<6x128xi32, #tpu.memory_space<vmem>>, vector<1x16xi32>,
      %swap3A_111 = vector.shape_cast %swap3A_110 : vector<1x16xi32> to vector<16xi32>
      %swap3A_112 = vector.shape_cast %select_n3A_106 : vector<16xi32> to vector<1x16xi32>
      tpu.vector_store %arg4[%swap3A_108, %swap3A_109], %swap3A_112 {strides = array<i32>} : memref<6x128xi32, #tpu.memory_space<vmem>>, vector<1x16xi32>,
      %get3A_113 = arith.constant 0 : i32
      %get3A_114 = arith.index_cast %get3A_113 : i32 to index
      %get3A_115 = arith.constant 48 : index
      %get3A_116 = tpu.vector_load %arg4[%get3A_114, %get3A_115] {strides = array<i32>} : memref<6x128xi32, #tpu.memory_space<vmem>>, vector<1x16xi32>,
      %get3A_117 = vector.shape_cast %get3A_116 : vector<1x16xi32> to vector<16xi32>
      %sub3A_118 = vector.broadcast %mul3A_0 : i32 to vector<16xi32>
      %sub3A_119 = arith.subi %get3A_117, %sub3A_118 : vector<16xi32>
      %ge3A_120 = arith.constant 0 : i32
      %ge3A_121 = vector.broadcast %ge3A_120 : i32 to vector<16xi32>
      %ge3A_122 = arith.cmpi sge, %sub3A_119, %ge3A_121 : vector<16xi32>
      %lt3A_123 = arith.constant 25000 : i32
      %lt3A_124 = vector.broadcast %lt3A_123 : i32 to vector<16xi32>
      %lt3A_125 = arith.cmpi slt, %sub3A_119, %lt3A_124 : vector<16xi32>
      %and3A_126 = arith.andi %ge3A_122, %lt3A_125 : vector<16xi1>
      %jit3A_127 = arith.constant 25000 : i32
      %broadcast_in_dim3A_128 = vector.broadcast %jit3A_127 : i32 to vector<16xi32>
      %select_n3A_129 = arith.select %and3A_126, %sub3A_119, %broadcast_in_dim3A_128 : vector<16xi1>, vector<16xi32>
      %swap3A_130 = arith.constant 0 : i32
      %swap3A_131 = arith.index_cast %swap3A_130 : i32 to index
      %swap3A_132 = arith.constant 48 : index
      %swap3A_133 = tpu.vector_load %arg4[%swap3A_131, %swap3A_132] {strides = array<i32>} : memref<6x128xi32, #tpu.memory_space<vmem>>, vector<1x16xi32>,
      %swap3A_134 = vector.shape_cast %swap3A_133 : vector<1x16xi32> to vector<16xi32>
      %swap3A_135 = vector.shape_cast %select_n3A_129 : vector<16xi32> to vector<1x16xi32>
      tpu.vector_store %arg4[%swap3A_131, %swap3A_132], %swap3A_135 {strides = array<i32>} : memref<6x128xi32, #tpu.memory_space<vmem>>, vector<1x16xi32>,
      %get3A_136 = arith.constant 0 : i32
      %get3A_137 = arith.index_cast %get3A_136 : i32 to index
      %get3A_138 = arith.constant 64 : index
      %get3A_139 = tpu.vector_load %arg4[%get3A_137, %get3A_138] {strides = array<i32>} : memref<6x128xi32, #tpu.memory_space<vmem>>, vector<1x16xi32>,
      %get3A_140 = vector.shape_cast %get3A_139 : vector<1x16xi32> to vector<16xi32>
      %sub3A_141 = vector.broadcast %mul3A_0 : i32 to vector<16xi32>
      %sub3A_142 = arith.subi %get3A_140, %sub3A_141 : vector<16xi32>
      %ge3A_143 = arith.constant 0 : i32
      %ge3A_144 = vector.broadcast %ge3A_143 : i32 to vector<16xi32>
      %ge3A_145 = arith.cmpi sge, %sub3A_142, %ge3A_144 : vector<16xi32>
      %lt3A_146 = arith.constant 25000 : i32
      %lt3A_147 = vector.broadcast %lt3A_146 : i32 to vector<16xi32>
      %lt3A_148 = arith.cmpi slt, %sub3A_142, %lt3A_147 : vector<16xi32>
      %and3A_149 = arith.andi %ge3A_145, %lt3A_148 : vector<16xi1>
      %jit3A_150 = arith.constant 25000 : i32
      %broadcast_in_dim3A_151 = vector.broadcast %jit3A_150 : i32 to vector<16xi32>
      %select_n3A_152 = arith.select %and3A_149, %sub3A_142, %broadcast_in_dim3A_151 : vector<16xi1>, vector<16xi32>
      %swap3A_153 = arith.constant 0 : i32
      %swap3A_154 = arith.index_cast %swap3A_153 : i32 to index
      %swap3A_155 = arith.constant 64 : index
      %swap3A_156 = tpu.vector_load %arg4[%swap3A_154, %swap3A_155] {strides = array<i32>} : memref<6x128xi32, #tpu.memory_space<vmem>>, vector<1x16xi32>,
      %swap3A_157 = vector.shape_cast %swap3A_156 : vector<1x16xi32> to vector<16xi32>
      %swap3A_158 = vector.shape_cast %select_n3A_152 : vector<16xi32> to vector<1x16xi32>
      tpu.vector_store %arg4[%swap3A_154, %swap3A_155], %swap3A_158 {strides = array<i32>} : memref<6x128xi32, #tpu.memory_space<vmem>>, vector<1x16xi32>,
      %get3A_159 = arith.constant 0 : i32
      %get3A_160 = arith.index_cast %get3A_159 : i32 to index
      %get3A_161 = arith.constant 80 : index
      %get3A_162 = tpu.vector_load %arg4[%get3A_160, %get3A_161] {strides = array<i32>} : memref<6x128xi32, #tpu.memory_space<vmem>>, vector<1x16xi32>,
      %get3A_163 = vector.shape_cast %get3A_162 : vector<1x16xi32> to vector<16xi32>
      %sub3A_164 = vector.broadcast %mul3A_0 : i32 to vector<16xi32>
      %sub3A_165 = arith.subi %get3A_163, %sub3A_164 : vector<16xi32>
      %ge3A_166 = arith.constant 0 : i32
      %ge3A_167 = vector.broadcast %ge3A_166 : i32 to vector<16xi32>
      %ge3A_168 = arith.cmpi sge, %sub3A_165, %ge3A_167 : vector<16xi32>
      %lt3A_169 = arith.constant 25000 : i32
      %lt3A_170 = vector.broadcast %lt3A_169 : i32 to vector<16xi32>
      %lt3A_171 = arith.cmpi slt, %sub3A_165, %lt3A_170 : vector<16xi32>
      %and3A_172 = arith.andi %ge3A_168, %lt3A_171 : vector<16xi1>
      %jit3A_173 = arith.constant 25000 : i32
      %broadcast_in_dim3A_174 = vector.broadcast %jit3A_173 : i32 to vector<16xi32>
      %select_n3A_175 = arith.select %and3A_172, %sub3A_165, %broadcast_in_dim3A_174 : vector<16xi1>, vector<16xi32>
      %swap3A_176 = arith.constant 0 : i32
      %swap3A_177 = arith.index_cast %swap3A_176 : i32 to index
      %swap3A_178 = arith.constant 80 : index
      %swap3A_179 = tpu.vector_load %arg4[%swap3A_177, %swap3A_178] {strides = array<i32>} : memref<6x128xi32, #tpu.memory_space<vmem>>, vector<1x16xi32>,
      %swap3A_180 = vector.shape_cast %swap3A_179 : vector<1x16xi32> to vector<16xi32>
      %swap3A_181 = vector.shape_cast %select_n3A_175 : vector<16xi32> to vector<1x16xi32>
      tpu.vector_store %arg4[%swap3A_177, %swap3A_178], %swap3A_181 {strides = array<i32>} : memref<6x128xi32, #tpu.memory_space<vmem>>, vector<1x16xi32>,
      %get3A_182 = arith.constant 0 : i32
      %get3A_183 = arith.index_cast %get3A_182 : i32 to index
      %get3A_184 = arith.constant 96 : index
      %get3A_185 = tpu.vector_load %arg4[%get3A_183, %get3A_184] {strides = array<i32>} : memref<6x128xi32, #tpu.memory_space<vmem>>, vector<1x16xi32>,
      %get3A_186 = vector.shape_cast %get3A_185 : vector<1x16xi32> to vector<16xi32>
      %sub3A_187 = vector.broadcast %mul3A_0 : i32 to vector<16xi32>
      %sub3A_188 = arith.subi %get3A_186, %sub3A_187 : vector<16xi32>
      %ge3A_189 = arith.constant 0 : i32
      %ge3A_190 = vector.broadcast %ge3A_189 : i32 to vector<16xi32>
      %ge3A_191 = arith.cmpi sge, %sub3A_188, %ge3A_190 : vector<16xi32>
      %lt3A_192 = arith.constant 25000 : i32
      %lt3A_193 = vector.broadcast %lt3A_192 : i32 to vector<16xi32>
      %lt3A_194 = arith.cmpi slt, %sub3A_188, %lt3A_193 : vector<16xi32>
      %and3A_195 = arith.andi %ge3A_191, %lt3A_194 : vector<16xi1>
      %jit3A_196 = arith.constant 25000 : i32
      %broadcast_in_dim3A_197 = vector.broadcast %jit3A_196 : i32 to vector<16xi32>
      %select_n3A_198 = arith.select %and3A_195, %sub3A_188, %broadcast_in_dim3A_197 : vector<16xi1>, vector<16xi32>
      %swap3A_199 = arith.constant 0 : i32
      %swap3A_200 = arith.index_cast %swap3A_199 : i32 to index
      %swap3A_201 = arith.constant 96 : index
      %swap3A_202 = tpu.vector_load %arg4[%swap3A_200, %swap3A_201] {strides = array<i32>} : memref<6x128xi32, #tpu.memory_space<vmem>>, vector<1x16xi32>,
      %swap3A_203 = vector.shape_cast %swap3A_202 : vector<1x16xi32> to vector<16xi32>
      %swap3A_204 = vector.shape_cast %select_n3A_198 : vector<16xi32> to vector<1x16xi32>
      tpu.vector_store %arg4[%swap3A_200, %swap3A_201], %swap3A_204 {strides = array<i32>} : memref<6x128xi32, #tpu.memory_space<vmem>>, vector<1x16xi32>,
      %get3A_205 = arith.constant 0 : i32
      %get3A_206 = arith.index_cast %get3A_205 : i32 to index
      %get3A_207 = arith.constant 112 : index
      %get3A_208 = tpu.vector_load %arg4[%get3A_206, %get3A_207] {strides = array<i32>} : memref<6x128xi32, #tpu.memory_space<vmem>>, vector<1x16xi32>,
      %get3A_209 = vector.shape_cast %get3A_208 : vector<1x16xi32> to vector<16xi32>
      %sub3A_210 = vector.broadcast %mul3A_0 : i32 to vector<16xi32>
      %sub3A_211 = arith.subi %get3A_209, %sub3A_210 : vector<16xi32>
      %ge3A_212 = arith.constant 0 : i32
      %ge3A_213 = vector.broadcast %ge3A_212 : i32 to vector<16xi32>
      %ge3A_214 = arith.cmpi sge, %sub3A_211, %ge3A_213 : vector<16xi32>
      %lt3A_215 = arith.constant 25000 : i32
      %lt3A_216 = vector.broadcast %lt3A_215 : i32 to vector<16xi32>
      %lt3A_217 = arith.cmpi slt, %sub3A_211, %lt3A_216 : vector<16xi32>
      %and3A_218 = arith.andi %ge3A_214, %lt3A_217 : vector<16xi1>
      %jit3A_219 = arith.constant 25000 : i32
      %broadcast_in_dim3A_220 = vector.broadcast %jit3A_219 : i32 to vector<16xi32>
      %select_n3A_221 = arith.select %and3A_218, %sub3A_211, %broadcast_in_dim3A_220 : vector<16xi1>, vector<16xi32>
      %swap3A_222 = arith.constant 0 : i32
      %swap3A_223 = arith.index_cast %swap3A_222 : i32 to index
      %swap3A_224 = arith.constant 112 : index
      %swap3A_225 = tpu.vector_load %arg4[%swap3A_223, %swap3A_224] {strides = array<i32>} : memref<6x128xi32, #tpu.memory_space<vmem>>, vector<1x16xi32>,
      %swap3A_226 = vector.shape_cast %swap3A_225 : vector<1x16xi32> to vector<16xi32>
      %swap3A_227 = vector.shape_cast %select_n3A_221 : vector<16xi32> to vector<1x16xi32>
      tpu.vector_store %arg4[%swap3A_223, %swap3A_224], %swap3A_227 {strides = array<i32>} : memref<6x128xi32, #tpu.memory_space<vmem>>, vector<1x16xi32>,
      %run_scoped3A_228 = arith.constant 0 : i32
      "tpu.region"() ({
        %run_scoped3A_229 = tpu.sem_alloc : memref<!tpu.dma_semaphore, #tpu.memory_space<semaphore_mem>>
        %dma_start3A = arith.constant 0 : i32
        %dma_start3A_230 = tpu.memref_slice %arg4[%run_scoped3A_228, %dma_start3A] : memref<6x128xi32, #tpu.memory_space<vmem>> -> memref<1x128xi32, #tpu.memory_space<vmem>>
        %dma_start3A_231 = tpu.memref_squeeze %dma_start3A_230 : memref<1x128xi32, #tpu.memory_space<vmem>> -> memref<128xi32, #tpu.memory_space<vmem>>
        %dma_start3A_232 = arith.constant 0 : i32
        %dma_start3A_233 = arith.constant 0 : i32
        %dma_start3A_234 = tpu.memref_slice %arg7[%dma_start3A_232, %dma_start3A_233] : memref<25008x16xf32, #tpu.memory_space<vmem_shared>> -> memref<25008x16xf32, #tpu.memory_space<vmem_shared>>
        tpu.enqueue_indirect_dma source(%arg5 : memref<128x16xf32, #tpu.memory_space<vmem>>) target(%dma_start3A_234 : memref<25008x16xf32, #tpu.memory_space<vmem_shared>>) offsets(%dma_start3A_231 : memref<128xi32, #tpu.memory_space<vmem>>) semaphore(%run_scoped3A_229 : memref<!tpu.dma_semaphore, #tpu.memory_space<semaphore_mem>>) {add = true}
        %dma_wait3A = arith.constant 0 : i32
        %dma_wait3A_235 = tpu.memref_slice %arg4[%run_scoped3A_228, %dma_wait3A] : memref<6x128xi32, #tpu.memory_space<vmem>> -> memref<1x128xi32, #tpu.memory_space<vmem>>
        %dma_wait3A_236 = tpu.memref_squeeze %dma_wait3A_235 : memref<1x128xi32, #tpu.memory_space<vmem>> -> memref<128xi32, #tpu.memory_space<vmem>>
        %dma_wait3A_237 = arith.constant 0 : i32
        %dma_wait3A_238 = arith.constant 0 : i32
        %dma_wait3A_239 = tpu.memref_slice %arg7[%dma_wait3A_237, %dma_wait3A_238] : memref<25008x16xf32, #tpu.memory_space<vmem_shared>> -> memref<25008x16xf32, #tpu.memory_space<vmem_shared>>
        tpu.wait_indirect_dma semaphore(%run_scoped3A_229 : memref<!tpu.dma_semaphore, #tpu.memory_space<semaphore_mem>>) src(%arg5 : memref<128x16xf32, #tpu.memory_space<vmem>>) dst(%dma_wait3A_239 : memref<25008x16xf32, #tpu.memory_space<vmem_shared>>)
        tpu.yield
      }) : () -> ()
    } else {
    }
    %barrier3A_37 = arith.constant 0 : index
    tpu.barrier barrier_id(%barrier3A_37)
    %mul3A_38 = arith.constant 1563 : i32
    %mul3A_39 = arith.muli %arg1, %mul3A_38 : i32
    %mul3A_40 = arith.constant 25008 : i32
    %mul3A_41 = arith.muli %arg0, %mul3A_40 : i32
    %mul3A_42 = arith.constant 1563 : i32
    %mul3A_43 = arith.muli %arg1, %mul3A_42 : i32
    %add3A_44 = arith.addi %mul3A_41, %mul3A_43 : i32
    "tpu.region"() ({
      %run_scoped3A = tpu.sem_alloc : memref<!tpu.dma_semaphore, #tpu.memory_space<semaphore_mem>>
      %dma_start3A = arith.constant 0 : i32
      %dma_start3A_45 = tpu.memref_slice %arg3[%add3A_44, %dma_start3A] : memref<50016x16xf32, #tpu.memory_space<hbm>> -> memref<1563x16xf32, #tpu.memory_space<hbm>>
      %dma_start3A_46 = arith.constant 0 : i32
      %dma_start3A_47 = tpu.memref_slice %arg7[%mul3A_39, %dma_start3A_46] : memref<25008x16xf32, #tpu.memory_space<vmem_shared>> -> memref<1563x16xf32, #tpu.memory_space<vmem_shared>>
      tpu.enqueue_dma source(%dma_start3A_47 : memref<1563x16xf32, #tpu.memory_space<vmem_shared>>) target(%dma_start3A_45 : memref<1563x16xf32, #tpu.memory_space<hbm>>) target_semaphore(%run_scoped3A : memref<!tpu.dma_semaphore, #tpu.memory_space<semaphore_mem>>)
      %dma_wait3A = arith.constant 0 : i32
      %dma_wait3A_48 = tpu.memref_slice %arg3[%add3A_44, %dma_wait3A] : memref<50016x16xf32, #tpu.memory_space<hbm>> -> memref<1563x16xf32, #tpu.memory_space<hbm>>
      %dma_wait3A_49 = arith.constant 0 : i32
      %dma_wait3A_50 = tpu.memref_slice %arg7[%mul3A_39, %dma_wait3A_49] : memref<25008x16xf32, #tpu.memory_space<vmem_shared>> -> memref<1563x16xf32, #tpu.memory_space<vmem_shared>>
      tpu.wait_dma2 semaphore(%run_scoped3A : memref<!tpu.dma_semaphore, #tpu.memory_space<semaphore_mem>>) src(%dma_wait3A_50 : memref<1563x16xf32, #tpu.memory_space<vmem_shared>>) dst(%dma_wait3A_48 : memref<1563x16xf32, #tpu.memory_space<hbm>>)
      tpu.yield
    }) : () -> ()
    return
  }
}

#map = affine_map<(d0, d1) -> (0)>
#map1 = affine_map<(d0, d1) -> (0, 0)>
module attributes {stable_mosaic.version = 14 : i64} {
  func.func @edge_kernel(%arg0: i32, %arg1: i32, %arg2: memref<800000xi32, #tpu.memory_space<hbm>>, %arg3: memref<800000xi32, #tpu.memory_space<hbm>>, %arg4: memref<50048x64xbf16, #tpu.memory_space<hbm>>, %arg5: memref<100000x64xbf16, #tpu.memory_space<hbm>>, %arg6: memref<6x128xi32, #tpu.memory_space<vmem>>, %arg7: memref<6x128xi32, #tpu.memory_space<vmem>>, %arg8: memref<128x64xbf16, #tpu.memory_space<vmem>>, %arg9: memref<50000x64xbf16, #tpu.memory_space<vmem_shared>>, %arg10: memref<128x64xbf16, #tpu.memory_space<vmem>>, %arg11: memref<128x64xbf16, #tpu.memory_space<vmem>>, %arg12: memref<128x64xbf16, #tpu.memory_space<vmem>>, %arg13: memref<128x64xbf16, #tpu.memory_space<vmem>>, %arg14: memref<128x64xbf16, #tpu.memory_space<vmem>>, %arg15: memref<128x64xbf16, #tpu.memory_space<vmem>>, %arg16: memref<!tpu.dma_semaphore, #tpu.memory_space<semaphore_mem>>, %arg17: memref<!tpu.dma_semaphore, #tpu.memory_space<semaphore_mem>>, %arg18: memref<!tpu.dma_semaphore, #tpu.memory_space<semaphore_mem>>, %arg19: memref<!tpu.dma_semaphore, #tpu.memory_space<semaphore_mem>>, %arg20: memref<!tpu.dma_semaphore, #tpu.memory_space<semaphore_mem>>, %arg21: memref<!tpu.dma_semaphore, #tpu.memory_space<semaphore_mem>>, %arg22: memref<!tpu.dma_semaphore, #tpu.memory_space<semaphore_mem>>, %arg23: memref<!tpu.dma_semaphore, #tpu.memory_space<semaphore_mem>>, %arg24: memref<!tpu.dma_semaphore, #tpu.memory_space<semaphore_mem>>, %arg25: memref<!tpu.dma_semaphore, #tpu.memory_space<semaphore_mem>>, %arg26: memref<!tpu.dma_semaphore, #tpu.memory_space<semaphore_mem>>, %arg27: memref<!tpu.dma_semaphore, #tpu.memory_space<semaphore_mem>>, %arg28: memref<!tpu.dma_semaphore, #tpu.memory_space<semaphore_mem>>, %arg29: memref<!tpu.dma_semaphore, #tpu.memory_space<semaphore_mem>>, %arg30: memref<!tpu.dma_semaphore, #tpu.memory_space<semaphore_mem>>, %arg31: memref<!tpu.dma_semaphore, #tpu.memory_space<semaphore_mem>>, %arg32: memref<!tpu.dma_semaphore, #tpu.memory_space<semaphore_mem>>, %arg33: memref<!tpu.dma_semaphore, #tpu.memory_space<semaphore_mem>>) attributes {dimension_semantics = [#tpu.dimension_semantics<core_parallel>, #tpu.dimension_semantics<subcore_parallel>], iteration_bounds = array<i64: 2, 16>, scalar_prefetch = 0 : i64, scratch_operands = 28 : i64, tpu.core_type = #tpu.core_type<sc_vector_subcore>, window_params = [{transform_indices = #map}, {transform_indices = #map}, {transform_indices = #map1}, {transform_indices = #map1}]} {
    %mul3A = arith.constant 195 : i32
    %mul3A_0 = arith.muli %arg1, %mul3A : i32
    %min3A = arith.constant 5 : i32
    %min3A_1 = arith.minsi %arg1, %min3A : i32
    %add3A = arith.addi %mul3A_0, %min3A_1 : i32
    %lt3A = arith.constant 5 : i32
    %lt3A_2 = arith.cmpi slt, %arg1, %lt3A : i32
    %jit3A = arith.constant 1 : i32
    %jit3A_3 = arith.constant 0 : i32
    %select_n3A = arith.select %lt3A_2, %jit3A, %jit3A_3 : i32
    %add3A_4 = arith.constant 195 : i32
    %add3A_5 = arith.addi %add3A_4, %select_n3A : i32
    %mul3A_6 = arith.constant 3125 : i32
    %mul3A_7 = arith.muli %arg0, %mul3A_6 : i32
    %add3A_8 = arith.addi %mul3A_7, %add3A : i32
    %broadcast_in_dim3A = arith.constant 0.000000e+00 : bf16
    %broadcast_in_dim3A_9 = vector.broadcast %broadcast_in_dim3A : bf16 to vector<32xbf16>
    %scan3A = arith.constant 0 : i32
    %scan3A_10 = arith.constant 0 : i32
    %scan3A_11 = arith.constant 128 : i32
    %scan3A_12 = arith.addi %scan3A_10, %scan3A_11 : i32
    %scan3A_13 = arith.constant 1 : i32
    %scan3A_14 = scf.for %scan3A_59 = %scan3A_10 to %scan3A_12 step %scan3A_13 iter_args(%scan3A_60 = %scan3A) -> (i32)  : i32 {
      %swap3A = arith.index_cast %scan3A_59 : i32 to index
      %swap3A_61 = arith.constant 0 : index
      %swap3A_62 = tpu.vector_load %arg8[%swap3A, %swap3A_61] {strides = array<i32>} : memref<128x64xbf16, #tpu.memory_space<vmem>>, vector<1x32xbf16>,
      %swap3A_63 = vector.shape_cast %swap3A_62 : vector<1x32xbf16> to vector<32xbf16>
      %swap3A_64 = vector.shape_cast %broadcast_in_dim3A_9 : vector<32xbf16> to vector<1x32xbf16>
      tpu.vector_store %arg8[%swap3A, %swap3A_61], %swap3A_64 {strides = array<i32>} : memref<128x64xbf16, #tpu.memory_space<vmem>>, vector<1x32xbf16>,
      %swap3A_65 = arith.index_cast %scan3A_59 : i32 to index
      %swap3A_66 = arith.constant 32 : index
      %swap3A_67 = tpu.vector_load %arg8[%swap3A_65, %swap3A_66] {strides = array<i32>} : memref<128x64xbf16, #tpu.memory_space<vmem>>, vector<1x32xbf16>,
      %swap3A_68 = vector.shape_cast %swap3A_67 : vector<1x32xbf16> to vector<32xbf16>
      %swap3A_69 = vector.shape_cast %broadcast_in_dim3A_9 : vector<32xbf16> to vector<1x32xbf16>
      tpu.vector_store %arg8[%swap3A_65, %swap3A_66], %swap3A_69 {strides = array<i32>} : memref<128x64xbf16, #tpu.memory_space<vmem>>, vector<1x32xbf16>,
      %scan3A_70 = arith.constant 0 : i32
      scf.yield %scan3A_70 : i32
    }
    %scan3A_15 = arith.constant 128 : i32
    %mul3A_16 = arith.constant 3125 : i32
    %mul3A_17 = arith.muli %arg1, %mul3A_16 : i32
    %scan3A_18 = arith.constant 0 : i32
    %scan3A_19 = arith.constant 0 : i32
    %scan3A_20 = arith.constant 24 : i32
    %scan3A_21 = arith.addi %scan3A_19, %scan3A_20 : i32
    %scan3A_22 = arith.constant 1 : i32
    %scan3A_23 = scf.for %scan3A_59 = %scan3A_19 to %scan3A_21 step %scan3A_22 iter_args(%scan3A_60 = %scan3A_18) -> (i32)  : i32 {
      %mul3A_61 = arith.constant 128 : i32
      %mul3A_62 = arith.muli %scan3A_59, %mul3A_61 : i32
      %add3A_63 = arith.addi %mul3A_17, %mul3A_62 : i32
      "tpu.region"() ({
        %run_scoped3A = tpu.sem_alloc : memref<!tpu.dma_semaphore, #tpu.memory_space<semaphore_mem>>
        %dma_start3A = arith.constant 0 : i32
        %dma_start3A_65 = tpu.memref_slice %arg9[%add3A_63, %dma_start3A] : memref<50000x64xbf16, #tpu.memory_space<vmem_shared>> -> memref<128x64xbf16, #tpu.memory_space<vmem_shared>>
        %dma_start3A_66 = arith.constant 0 : i32
        %dma_start3A_67 = tpu.memref_slice %arg9[%add3A_63, %dma_start3A_66] : memref<50000x64xbf16, #tpu.memory_space<vmem_shared>> -> memref<128x64xbf16, #tpu.memory_space<vmem_shared>>
        tpu.enqueue_dma source(%arg8 : memref<128x64xbf16, #tpu.memory_space<vmem>>) target(%dma_start3A_67 : memref<128x64xbf16, #tpu.memory_space<vmem_shared>>) target_semaphore(%run_scoped3A : memref<!tpu.dma_semaphore, #tpu.memory_space<semaphore_mem>>)
        %dma_wait3A = arith.constant 0 : i32
        %dma_wait3A_68 = tpu.memref_slice %arg9[%add3A_63, %dma_wait3A] : memref<50000x64xbf16, #tpu.memory_space<vmem_shared>> -> memref<128x64xbf16, #tpu.memory_space<vmem_shared>>
        %dma_wait3A_69 = arith.constant 0 : i32
        %dma_wait3A_70 = tpu.memref_slice %arg9[%add3A_63, %dma_wait3A_69] : memref<50000x64xbf16, #tpu.memory_space<vmem_shared>> -> memref<128x64xbf16, #tpu.memory_space<vmem_shared>>
        tpu.wait_dma2 semaphore(%run_scoped3A : memref<!tpu.dma_semaphore, #tpu.memory_space<semaphore_mem>>) src(%arg8 : memref<128x64xbf16, #tpu.memory_space<vmem>>) dst(%dma_wait3A_70 : memref<128x64xbf16, #tpu.memory_space<vmem_shared>>)
        tpu.yield
      }) : () -> ()
      %scan3A_64 = arith.constant 0 : i32
      scf.yield %scan3A_64 : i32
    }
    %scan3A_24 = arith.constant 24 : i32
    %add3A_25 = arith.constant 3072 : i32
    %add3A_26 = arith.addi %mul3A_17, %add3A_25 : i32
    "tpu.region"() ({
      %run_scoped3A = tpu.sem_alloc : memref<!tpu.dma_semaphore, #tpu.memory_space<semaphore_mem>>
      %dma_start3A = arith.constant 0 : i32
      %dma_start3A_59 = arith.constant 0 : i32
      %dma_start3A_60 = tpu.memref_slice %arg8[%dma_start3A, %dma_start3A_59] : memref<128x64xbf16, #tpu.memory_space<vmem>> -> memref<53x64xbf16, #tpu.memory_space<vmem>>
      %dma_start3A_61 = arith.constant 0 : i32
      %dma_start3A_62 = tpu.memref_slice %arg9[%add3A_26, %dma_start3A_61] : memref<50000x64xbf16, #tpu.memory_space<vmem_shared>> -> memref<53x64xbf16, #tpu.memory_space<vmem_shared>>
      %dma_start3A_63 = arith.constant 0 : i32
      %dma_start3A_64 = tpu.memref_slice %arg9[%add3A_26, %dma_start3A_63] : memref<50000x64xbf16, #tpu.memory_space<vmem_shared>> -> memref<53x64xbf16, #tpu.memory_space<vmem_shared>>
      %dma_start3A_65 = arith.constant 0 : i32
      %dma_start3A_66 = arith.constant 0 : i32
      %dma_start3A_67 = tpu.memref_slice %arg8[%dma_start3A_65, %dma_start3A_66] : memref<128x64xbf16, #tpu.memory_space<vmem>> -> memref<53x64xbf16, #tpu.memory_space<vmem>>
      tpu.enqueue_dma source(%dma_start3A_67 : memref<53x64xbf16, #tpu.memory_space<vmem>>) target(%dma_start3A_64 : memref<53x64xbf16, #tpu.memory_space<vmem_shared>>) target_semaphore(%run_scoped3A : memref<!tpu.dma_semaphore, #tpu.memory_space<semaphore_mem>>)
      %dma_wait3A = arith.constant 0 : i32
      %dma_wait3A_68 = arith.constant 0 : i32
      %dma_wait3A_69 = tpu.memref_slice %arg8[%dma_wait3A, %dma_wait3A_68] : memref<128x64xbf16, #tpu.memory_space<vmem>> -> memref<53x64xbf16, #tpu.memory_space<vmem>>
      %dma_wait3A_70 = arith.constant 0 : i32
      %dma_wait3A_71 = tpu.memref_slice %arg9[%add3A_26, %dma_wait3A_70] : memref<50000x64xbf16, #tpu.memory_space<vmem_shared>> -> memref<53x64xbf16, #tpu.memory_space<vmem_shared>>
      %dma_wait3A_72 = arith.constant 0 : i32
      %dma_wait3A_73 = tpu.memref_slice %arg9[%add3A_26, %dma_wait3A_72] : memref<50000x64xbf16, #tpu.memory_space<vmem_shared>> -> memref<53x64xbf16, #tpu.memory_space<vmem_shared>>
      %dma_wait3A_74 = arith.constant 0 : i32
      %dma_wait3A_75 = arith.constant 0 : i32
      %dma_wait3A_76 = tpu.memref_slice %arg8[%dma_wait3A_74, %dma_wait3A_75] : memref<128x64xbf16, #tpu.memory_space<vmem>> -> memref<53x64xbf16, #tpu.memory_space<vmem>>
      tpu.wait_dma2 semaphore(%run_scoped3A : memref<!tpu.dma_semaphore, #tpu.memory_space<semaphore_mem>>) src(%dma_wait3A_76 : memref<53x64xbf16, #tpu.memory_space<vmem>>) dst(%dma_wait3A_73 : memref<53x64xbf16, #tpu.memory_space<vmem_shared>>)
      tpu.yield
    }) : () -> ()
    %barrier3A = arith.constant 0 : index
    tpu.barrier barrier_id(%barrier3A)
    %scan3A_27 = arith.constant 0 : i32
    %scan3A_28 = arith.constant 0 : i32
    %scan3A_29 = arith.constant 32 : i32
    %scan3A_30 = arith.addi %scan3A_28, %scan3A_29 : i32
    %scan3A_31 = arith.constant 1 : i32
    %scan3A_32 = scf.for %scan3A_59 = %scan3A_28 to %scan3A_30 step %scan3A_31 iter_args(%scan3A_60 = %scan3A_27) -> (i32)  : i32 {
      %mul3A_61 = arith.constant 6 : i32
      %mul3A_62 = arith.muli %scan3A_59, %mul3A_61 : i32
      %add3A_63 = arith.addi %add3A_8, %mul3A_62 : i32
      %mul3A_64 = arith.constant 128 : i32
      %mul3A_65 = arith.muli %add3A_63, %mul3A_64 : i32
      %add3A_66 = arith.constant 0 : i32
      %add3A_67 = arith.addi %mul3A_65, %add3A_66 : i32
      %dma_start3A = arith.constant 0 : i32
      %dma_start3A_68 = arith.constant 0 : i32
      %dma_start3A_69 = tpu.memref_slice %arg6[%dma_start3A, %dma_start3A_68] : memref<6x128xi32, #tpu.memory_space<vmem>> -> memref<1x128xi32, #tpu.memory_space<vmem>>
      %dma_start3A_70 = tpu.memref_squeeze %dma_start3A_69 : memref<1x128xi32, #tpu.memory_space<vmem>> -> memref<128xi32, #tpu.memory_space<vmem>>
      %dma_start3A_71 = tpu.memref_slice %arg2[%add3A_67] : memref<800000xi32, #tpu.memory_space<hbm>> -> memref<128xi32, #tpu.memory_space<hbm>>
      %dma_start3A_72 = arith.constant 0 : i32
      %dma_start3A_73 = tpu.memref_slice %arg6[%dma_start3A, %dma_start3A_72] : memref<6x128xi32, #tpu.memory_space<vmem>> -> memref<1x128xi32, #tpu.memory_space<vmem>>
      %dma_start3A_74 = tpu.memref_squeeze %dma_start3A_73 : memref<1x128xi32, #tpu.memory_space<vmem>> -> memref<128xi32, #tpu.memory_space<vmem>>
      %dma_start3A_75 = tpu.memref_slice %arg2[%add3A_67] : memref<800000xi32, #tpu.memory_space<hbm>> -> memref<128xi32, #tpu.memory_space<hbm>>
      tpu.enqueue_dma source(%dma_start3A_75 : memref<128xi32, #tpu.memory_space<hbm>>) target(%dma_start3A_74 : memref<128xi32, #tpu.memory_space<vmem>>) target_semaphore(%arg16 : memref<!tpu.dma_semaphore, #tpu.memory_space<semaphore_mem>>)
      %add3A_76 = arith.constant 0 : i32
      %add3A_77 = arith.addi %mul3A_65, %add3A_76 : i32
      %dma_start3A_78 = arith.constant 0 : i32
      %dma_start3A_79 = arith.constant 0 : i32
      %dma_start3A_80 = tpu.memref_slice %arg7[%dma_start3A_78, %dma_start3A_79] : memref<6x128xi32, #tpu.memory_space<vmem>> -> memref<1x128xi32, #tpu.memory_space<vmem>>
      %dma_start3A_81 = tpu.memref_squeeze %dma_start3A_80 : memref<1x128xi32, #tpu.memory_space<vmem>> -> memref<128xi32, #tpu.memory_space<vmem>>
      %dma_start3A_82 = tpu.memref_slice %arg3[%add3A_77] : memref<800000xi32, #tpu.memory_space<hbm>> -> memref<128xi32, #tpu.memory_space<hbm>>
      %dma_start3A_83 = arith.constant 0 : i32
      %dma_start3A_84 = tpu.memref_slice %arg7[%dma_start3A_78, %dma_start3A_83] : memref<6x128xi32, #tpu.memory_space<vmem>> -> memref<1x128xi32, #tpu.memory_space<vmem>>
      %dma_start3A_85 = tpu.memref_squeeze %dma_start3A_84 : memref<1x128xi32, #tpu.memory_space<vmem>> -> memref<128xi32, #tpu.memory_space<vmem>>
      %dma_start3A_86 = tpu.memref_slice %arg3[%add3A_77] : memref<800000xi32, #tpu.memory_space<hbm>> -> memref<128xi32, #tpu.memory_space<hbm>>
      tpu.enqueue_dma source(%dma_start3A_86 : memref<128xi32, #tpu.memory_space<hbm>>) target(%dma_start3A_85 : memref<128xi32, #tpu.memory_space<vmem>>) target_semaphore(%arg28 : memref<!tpu.dma_semaphore, #tpu.memory_space<semaphore_mem>>)
      %add3A_87 = arith.constant 128 : i32
      %add3A_88 = arith.addi %mul3A_65, %add3A_87 : i32
      %dma_start3A_89 = arith.constant 1 : i32
      %dma_start3A_90 = arith.constant 0 : i32
      %dma_start3A_91 = tpu.memref_slice %arg6[%dma_start3A_89, %dma_start3A_90] : memref<6x128xi32, #tpu.memory_space<vmem>> -> memref<1x128xi32, #tpu.memory_space<vmem>>
      %dma_start3A_92 = tpu.memref_squeeze %dma_start3A_91 : memref<1x128xi32, #tpu.memory_space<vmem>> -> memref<128xi32, #tpu.memory_space<vmem>>
      %dma_start3A_93 = tpu.memref_slice %arg2[%add3A_88] : memref<800000xi32, #tpu.memory_space<hbm>> -> memref<128xi32, #tpu.memory_space<hbm>>
      %dma_start3A_94 = arith.constant 0 : i32
      %dma_start3A_95 = tpu.memref_slice %arg6[%dma_start3A_89, %dma_start3A_94] : memref<6x128xi32, #tpu.memory_space<vmem>> -> memref<1x128xi32, #tpu.memory_space<vmem>>
      %dma_start3A_96 = tpu.memref_squeeze %dma_start3A_95 : memref<1x128xi32, #tpu.memory_space<vmem>> -> memref<128xi32, #tpu.memory_space<vmem>>
      %dma_start3A_97 = tpu.memref_slice %arg2[%add3A_88] : memref<800000xi32, #tpu.memory_space<hbm>> -> memref<128xi32, #tpu.memory_space<hbm>>
      tpu.enqueue_dma source(%dma_start3A_97 : memref<128xi32, #tpu.memory_space<hbm>>) target(%dma_start3A_96 : memref<128xi32, #tpu.memory_space<vmem>>) target_semaphore(%arg17 : memref<!tpu.dma_semaphore, #tpu.memory_space<semaphore_mem>>)
      %add3A_98 = arith.constant 128 : i32
      %add3A_99 = arith.addi %mul3A_65, %add3A_98 : i32
      %dma_start3A_100 = arith.constant 1 : i32
      %dma_start3A_101 = arith.constant 0 : i32
      %dma_start3A_102 = tpu.memref_slice %arg7[%dma_start3A_100, %dma_start3A_101] : memref<6x128xi32, #tpu.memory_space<vmem>> -> memref<1x128xi32, #tpu.memory_space<vmem>>
      %dma_start3A_103 = tpu.memref_squeeze %dma_start3A_102 : memref<1x128xi32, #tpu.memory_space<vmem>> -> memref<128xi32, #tpu.memory_space<vmem>>
      %dma_start3A_104 = tpu.memref_slice %arg3[%add3A_99] : memref<800000xi32, #tpu.memory_space<hbm>> -> memref<128xi32, #tpu.memory_space<hbm>>
      %dma_start3A_105 = arith.constant 0 : i32
      %dma_start3A_106 = tpu.memref_slice %arg7[%dma_start3A_100, %dma_start3A_105] : memref<6x128xi32, #tpu.memory_space<vmem>> -> memref<1x128xi32, #tpu.memory_space<vmem>>
      %dma_start3A_107 = tpu.memref_squeeze %dma_start3A_106 : memref<1x128xi32, #tpu.memory_space<vmem>> -> memref<128xi32, #tpu.memory_space<vmem>>
      %dma_start3A_108 = tpu.memref_slice %arg3[%add3A_99] : memref<800000xi32, #tpu.memory_space<hbm>> -> memref<128xi32, #tpu.memory_space<hbm>>
      tpu.enqueue_dma source(%dma_start3A_108 : memref<128xi32, #tpu.memory_space<hbm>>) target(%dma_start3A_107 : memref<128xi32, #tpu.memory_space<vmem>>) target_semaphore(%arg29 : memref<!tpu.dma_semaphore, #tpu.memory_space<semaphore_mem>>)
      %add3A_109 = arith.constant 256 : i32
      %add3A_110 = arith.addi %mul3A_65, %add3A_109 : i32
      %dma_start3A_111 = arith.constant 2 : i32
      %dma_start3A_112 = arith.constant 0 : i32
      %dma_start3A_113 = tpu.memref_slice %arg6[%dma_start3A_111, %dma_start3A_112] : memref<6x128xi32, #tpu.memory_space<vmem>> -> memref<1x128xi32, #tpu.memory_space<vmem>>
      %dma_start3A_114 = tpu.memref_squeeze %dma_start3A_113 : memref<1x128xi32, #tpu.memory_space<vmem>> -> memref<128xi32, #tpu.memory_space<vmem>>
      %dma_start3A_115 = tpu.memref_slice %arg2[%add3A_110] : memref<800000xi32, #tpu.memory_space<hbm>> -> memref<128xi32, #tpu.memory_space<hbm>>
      %dma_start3A_116 = arith.constant 0 : i32
      %dma_start3A_117 = tpu.memref_slice %arg6[%dma_start3A_111, %dma_start3A_116] : memref<6x128xi32, #tpu.memory_space<vmem>> -> memref<1x128xi32, #tpu.memory_space<vmem>>
      %dma_start3A_118 = tpu.memref_squeeze %dma_start3A_117 : memref<1x128xi32, #tpu.memory_space<vmem>> -> memref<128xi32, #tpu.memory_space<vmem>>
      %dma_start3A_119 = tpu.memref_slice %arg2[%add3A_110] : memref<800000xi32, #tpu.memory_space<hbm>> -> memref<128xi32, #tpu.memory_space<hbm>>
      tpu.enqueue_dma source(%dma_start3A_119 : memref<128xi32, #tpu.memory_space<hbm>>) target(%dma_start3A_118 : memref<128xi32, #tpu.memory_space<vmem>>) target_semaphore(%arg18 : memref<!tpu.dma_semaphore, #tpu.memory_space<semaphore_mem>>)
      %add3A_120 = arith.constant 256 : i32
      %add3A_121 = arith.addi %mul3A_65, %add3A_120 : i32
      %dma_start3A_122 = arith.constant 2 : i32
      %dma_start3A_123 = arith.constant 0 : i32
      %dma_start3A_124 = tpu.memref_slice %arg7[%dma_start3A_122, %dma_start3A_123] : memref<6x128xi32, #tpu.memory_space<vmem>> -> memref<1x128xi32, #tpu.memory_space<vmem>>
      %dma_start3A_125 = tpu.memref_squeeze %dma_start3A_124 : memref<1x128xi32, #tpu.memory_space<vmem>> -> memref<128xi32, #tpu.memory_space<vmem>>
      %dma_start3A_126 = tpu.memref_slice %arg3[%add3A_121] : memref<800000xi32, #tpu.memory_space<hbm>> -> memref<128xi32, #tpu.memory_space<hbm>>
      %dma_start3A_127 = arith.constant 0 : i32
      %dma_start3A_128 = tpu.memref_slice %arg7[%dma_start3A_122, %dma_start3A_127] : memref<6x128xi32, #tpu.memory_space<vmem>> -> memref<1x128xi32, #tpu.memory_space<vmem>>
      %dma_start3A_129 = tpu.memref_squeeze %dma_start3A_128 : memref<1x128xi32, #tpu.memory_space<vmem>> -> memref<128xi32, #tpu.memory_space<vmem>>
      %dma_start3A_130 = tpu.memref_slice %arg3[%add3A_121] : memref<800000xi32, #tpu.memory_space<hbm>> -> memref<128xi32, #tpu.memory_space<hbm>>
      tpu.enqueue_dma source(%dma_start3A_130 : memref<128xi32, #tpu.memory_space<hbm>>) target(%dma_start3A_129 : memref<128xi32, #tpu.memory_space<vmem>>) target_semaphore(%arg30 : memref<!tpu.dma_semaphore, #tpu.memory_space<semaphore_mem>>)
      %add3A_131 = arith.constant 384 : i32
      %add3A_132 = arith.addi %mul3A_65, %add3A_131 : i32
      %dma_start3A_133 = arith.constant 3 : i32
      %dma_start3A_134 = arith.constant 0 : i32
      %dma_start3A_135 = tpu.memref_slice %arg6[%dma_start3A_133, %dma_start3A_134] : memref<6x128xi32, #tpu.memory_space<vmem>> -> memref<1x128xi32, #tpu.memory_space<vmem>>
      %dma_start3A_136 = tpu.memref_squeeze %dma_start3A_135 : memref<1x128xi32, #tpu.memory_space<vmem>> -> memref<128xi32, #tpu.memory_space<vmem>>
      %dma_start3A_137 = tpu.memref_slice %arg2[%add3A_132] : memref<800000xi32, #tpu.memory_space<hbm>> -> memref<128xi32, #tpu.memory_space<hbm>>
      %dma_start3A_138 = arith.constant 0 : i32
      %dma_start3A_139 = tpu.memref_slice %arg6[%dma_start3A_133, %dma_start3A_138] : memref<6x128xi32, #tpu.memory_space<vmem>> -> memref<1x128xi32, #tpu.memory_space<vmem>>
      %dma_start3A_140 = tpu.memref_squeeze %dma_start3A_139 : memref<1x128xi32, #tpu.memory_space<vmem>> -> memref<128xi32, #tpu.memory_space<vmem>>
      %dma_start3A_141 = tpu.memref_slice %arg2[%add3A_132] : memref<800000xi32, #tpu.memory_space<hbm>> -> memref<128xi32, #tpu.memory_space<hbm>>
      tpu.enqueue_dma source(%dma_start3A_141 : memref<128xi32, #tpu.memory_space<hbm>>) target(%dma_start3A_140 : memref<128xi32, #tpu.memory_space<vmem>>) target_semaphore(%arg19 : memref<!tpu.dma_semaphore, #tpu.memory_space<semaphore_mem>>)
      %add3A_142 = arith.constant 384 : i32
      %add3A_143 = arith.addi %mul3A_65, %add3A_142 : i32
      %dma_start3A_144 = arith.constant 3 : i32
      %dma_start3A_145 = arith.constant 0 : i32
      %dma_start3A_146 = tpu.memref_slice %arg7[%dma_start3A_144, %dma_start3A_145] : memref<6x128xi32, #tpu.memory_space<vmem>> -> memref<1x128xi32, #tpu.memory_space<vmem>>
      %dma_start3A_147 = tpu.memref_squeeze %dma_start3A_146 : memref<1x128xi32, #tpu.memory_space<vmem>> -> memref<128xi32, #tpu.memory_space<vmem>>
      %dma_start3A_148 = tpu.memref_slice %arg3[%add3A_143] : memref<800000xi32, #tpu.memory_space<hbm>> -> memref<128xi32, #tpu.memory_space<hbm>>
      %dma_start3A_149 = arith.constant 0 : i32
      %dma_start3A_150 = tpu.memref_slice %arg7[%dma_start3A_144, %dma_start3A_149] : memref<6x128xi32, #tpu.memory_space<vmem>> -> memref<1x128xi32, #tpu.memory_space<vmem>>
      %dma_start3A_151 = tpu.memref_squeeze %dma_start3A_150 : memref<1x128xi32, #tpu.memory_space<vmem>> -> memref<128xi32, #tpu.memory_space<vmem>>
      %dma_start3A_152 = tpu.memref_slice %arg3[%add3A_143] : memref<800000xi32, #tpu.memory_space<hbm>> -> memref<128xi32, #tpu.memory_space<hbm>>
      tpu.enqueue_dma source(%dma_start3A_152 : memref<128xi32, #tpu.memory_space<hbm>>) target(%dma_start3A_151 : memref<128xi32, #tpu.memory_space<vmem>>) target_semaphore(%arg31 : memref<!tpu.dma_semaphore, #tpu.memory_space<semaphore_mem>>)
      %add3A_153 = arith.constant 512 : i32
      %add3A_154 = arith.addi %mul3A_65, %add3A_153 : i32
      %dma_start3A_155 = arith.constant 4 : i32
      %dma_start3A_156 = arith.constant 0 : i32
      %dma_start3A_157 = tpu.memref_slice %arg6[%dma_start3A_155, %dma_start3A_156] : memref<6x128xi32, #tpu.memory_space<vmem>> -> memref<1x128xi32, #tpu.memory_space<vmem>>
      %dma_start3A_158 = tpu.memref_squeeze %dma_start3A_157 : memref<1x128xi32, #tpu.memory_space<vmem>> -> memref<128xi32, #tpu.memory_space<vmem>>
      %dma_start3A_159 = tpu.memref_slice %arg2[%add3A_154] : memref<800000xi32, #tpu.memory_space<hbm>> -> memref<128xi32, #tpu.memory_space<hbm>>
      %dma_start3A_160 = arith.constant 0 : i32
      %dma_start3A_161 = tpu.memref_slice %arg6[%dma_start3A_155, %dma_start3A_160] : memref<6x128xi32, #tpu.memory_space<vmem>> -> memref<1x128xi32, #tpu.memory_space<vmem>>
      %dma_start3A_162 = tpu.memref_squeeze %dma_start3A_161 : memref<1x128xi32, #tpu.memory_space<vmem>> -> memref<128xi32, #tpu.memory_space<vmem>>
      %dma_start3A_163 = tpu.memref_slice %arg2[%add3A_154] : memref<800000xi32, #tpu.memory_space<hbm>> -> memref<128xi32, #tpu.memory_space<hbm>>
      tpu.enqueue_dma source(%dma_start3A_163 : memref<128xi32, #tpu.memory_space<hbm>>) target(%dma_start3A_162 : memref<128xi32, #tpu.memory_space<vmem>>) target_semaphore(%arg20 : memref<!tpu.dma_semaphore, #tpu.memory_space<semaphore_mem>>)
      %add3A_164 = arith.constant 512 : i32
      %add3A_165 = arith.addi %mul3A_65, %add3A_164 : i32
      %dma_start3A_166 = arith.constant 4 : i32
      %dma_start3A_167 = arith.constant 0 : i32
      %dma_start3A_168 = tpu.memref_slice %arg7[%dma_start3A_166, %dma_start3A_167] : memref<6x128xi32, #tpu.memory_space<vmem>> -> memref<1x128xi32, #tpu.memory_space<vmem>>
      %dma_start3A_169 = tpu.memref_squeeze %dma_start3A_168 : memref<1x128xi32, #tpu.memory_space<vmem>> -> memref<128xi32, #tpu.memory_space<vmem>>
      %dma_start3A_170 = tpu.memref_slice %arg3[%add3A_165] : memref<800000xi32, #tpu.memory_space<hbm>> -> memref<128xi32, #tpu.memory_space<hbm>>
      %dma_start3A_171 = arith.constant 0 : i32
      %dma_start3A_172 = tpu.memref_slice %arg7[%dma_start3A_166, %dma_start3A_171] : memref<6x128xi32, #tpu.memory_space<vmem>> -> memref<1x128xi32, #tpu.memory_space<vmem>>
      %dma_start3A_173 = tpu.memref_squeeze %dma_start3A_172 : memref<1x128xi32, #tpu.memory_space<vmem>> -> memref<128xi32, #tpu.memory_space<vmem>>
      %dma_start3A_174 = tpu.memref_slice %arg3[%add3A_165] : memref<800000xi32, #tpu.memory_space<hbm>> -> memref<128xi32, #tpu.memory_space<hbm>>
      tpu.enqueue_dma source(%dma_start3A_174 : memref<128xi32, #tpu.memory_space<hbm>>) target(%dma_start3A_173 : memref<128xi32, #tpu.memory_space<vmem>>) target_semaphore(%arg32 : memref<!tpu.dma_semaphore, #tpu.memory_space<semaphore_mem>>)
      %add3A_175 = arith.constant 640 : i32
      %add3A_176 = arith.addi %mul3A_65, %add3A_175 : i32
      %dma_start3A_177 = arith.constant 5 : i32
      %dma_start3A_178 = arith.constant 0 : i32
      %dma_start3A_179 = tpu.memref_slice %arg6[%dma_start3A_177, %dma_start3A_178] : memref<6x128xi32, #tpu.memory_space<vmem>> -> memref<1x128xi32, #tpu.memory_space<vmem>>
      %dma_start3A_180 = tpu.memref_squeeze %dma_start3A_179 : memref<1x128xi32, #tpu.memory_space<vmem>> -> memref<128xi32, #tpu.memory_space<vmem>>
      %dma_start3A_181 = tpu.memref_slice %arg2[%add3A_176] : memref<800000xi32, #tpu.memory_space<hbm>> -> memref<128xi32, #tpu.memory_space<hbm>>
      %dma_start3A_182 = arith.constant 0 : i32
      %dma_start3A_183 = tpu.memref_slice %arg6[%dma_start3A_177, %dma_start3A_182] : memref<6x128xi32, #tpu.memory_space<vmem>> -> memref<1x128xi32, #tpu.memory_space<vmem>>
      %dma_start3A_184 = tpu.memref_squeeze %dma_start3A_183 : memref<1x128xi32, #tpu.memory_space<vmem>> -> memref<128xi32, #tpu.memory_space<vmem>>
      %dma_start3A_185 = tpu.memref_slice %arg2[%add3A_176] : memref<800000xi32, #tpu.memory_space<hbm>> -> memref<128xi32, #tpu.memory_space<hbm>>
      tpu.enqueue_dma source(%dma_start3A_185 : memref<128xi32, #tpu.memory_space<hbm>>) target(%dma_start3A_184 : memref<128xi32, #tpu.memory_space<vmem>>) target_semaphore(%arg21 : memref<!tpu.dma_semaphore, #tpu.memory_space<semaphore_mem>>)
      %add3A_186 = arith.constant 640 : i32
      %add3A_187 = arith.addi %mul3A_65, %add3A_186 : i32
      %dma_start3A_188 = arith.constant 5 : i32
      %dma_start3A_189 = arith.constant 0 : i32
      %dma_start3A_190 = tpu.memref_slice %arg7[%dma_start3A_188, %dma_start3A_189] : memref<6x128xi32, #tpu.memory_space<vmem>> -> memref<1x128xi32, #tpu.memory_space<vmem>>
      %dma_start3A_191 = tpu.memref_squeeze %dma_start3A_190 : memref<1x128xi32, #tpu.memory_space<vmem>> -> memref<128xi32, #tpu.memory_space<vmem>>
      %dma_start3A_192 = tpu.memref_slice %arg3[%add3A_187] : memref<800000xi32, #tpu.memory_space<hbm>> -> memref<128xi32, #tpu.memory_space<hbm>>
      %dma_start3A_193 = arith.constant 0 : i32
      %dma_start3A_194 = tpu.memref_slice %arg7[%dma_start3A_188, %dma_start3A_193] : memref<6x128xi32, #tpu.memory_space<vmem>> -> memref<1x128xi32, #tpu.memory_space<vmem>>
      %dma_start3A_195 = tpu.memref_squeeze %dma_start3A_194 : memref<1x128xi32, #tpu.memory_space<vmem>> -> memref<128xi32, #tpu.memory_space<vmem>>
      %dma_start3A_196 = tpu.memref_slice %arg3[%add3A_187] : memref<800000xi32, #tpu.memory_space<hbm>> -> memref<128xi32, #tpu.memory_space<hbm>>
      tpu.enqueue_dma source(%dma_start3A_196 : memref<128xi32, #tpu.memory_space<hbm>>) target(%dma_start3A_195 : memref<128xi32, #tpu.memory_space<vmem>>) target_semaphore(%arg33 : memref<!tpu.dma_semaphore, #tpu.memory_space<semaphore_mem>>)
      %dma_wait3A = arith.constant 0 : i32
      %dma_wait3A_197 = arith.constant 0 : i32
      %dma_wait3A_198 = tpu.memref_slice %arg6[%dma_wait3A, %dma_wait3A_197] : memref<6x128xi32, #tpu.memory_space<vmem>> -> memref<1x128xi32, #tpu.memory_space<vmem>>
      %dma_wait3A_199 = tpu.memref_squeeze %dma_wait3A_198 : memref<1x128xi32, #tpu.memory_space<vmem>> -> memref<128xi32, #tpu.memory_space<vmem>>
      %dma_wait3A_200 = tpu.memref_slice %arg2[%add3A_67] : memref<800000xi32, #tpu.memory_space<hbm>> -> memref<128xi32, #tpu.memory_space<hbm>>
      %dma_wait3A_201 = arith.constant 0 : i32
      %dma_wait3A_202 = tpu.memref_slice %arg6[%dma_wait3A, %dma_wait3A_201] : memref<6x128xi32, #tpu.memory_space<vmem>> -> memref<1x128xi32, #tpu.memory_space<vmem>>
      %dma_wait3A_203 = tpu.memref_squeeze %dma_wait3A_202 : memref<1x128xi32, #tpu.memory_space<vmem>> -> memref<128xi32, #tpu.memory_space<vmem>>
      %dma_wait3A_204 = tpu.memref_slice %arg2[%add3A_67] : memref<800000xi32, #tpu.memory_space<hbm>> -> memref<128xi32, #tpu.memory_space<hbm>>
      tpu.wait_dma2 semaphore(%arg16 : memref<!tpu.dma_semaphore, #tpu.memory_space<semaphore_mem>>) src(%dma_wait3A_204 : memref<128xi32, #tpu.memory_space<hbm>>) dst(%dma_wait3A_203 : memref<128xi32, #tpu.memory_space<vmem>>)
      %dma_start3A_205 = arith.constant 0 : i32
      %dma_start3A_206 = arith.constant 0 : i32
      %dma_start3A_207 = tpu.memref_slice %arg6[%dma_start3A_205, %dma_start3A_206] : memref<6x128xi32, #tpu.memory_space<vmem>> -> memref<1x128xi32, #tpu.memory_space<vmem>>
      %dma_start3A_208 = tpu.memref_squeeze %dma_start3A_207 : memref<1x128xi32, #tpu.memory_space<vmem>> -> memref<128xi32, #tpu.memory_space<vmem>>
      %dma_start3A_209 = arith.constant 0 : i32
      %dma_start3A_210 = arith.constant 0 : i32
      %dma_start3A_211 = tpu.memref_slice %arg4[%dma_start3A_209, %dma_start3A_210] : memref<50048x64xbf16, #tpu.memory_space<hbm>> -> memref<50048x64xbf16, #tpu.memory_space<hbm>>
      tpu.enqueue_indirect_dma source(%dma_start3A_211 : memref<50048x64xbf16, #tpu.memory_space<hbm>>) target(%arg10 : memref<128x64xbf16, #tpu.memory_space<vmem>>) offsets(%dma_start3A_208 : memref<128xi32, #tpu.memory_space<vmem>>) semaphore(%arg22 : memref<!tpu.dma_semaphore, #tpu.memory_space<semaphore_mem>>)
      %dma_wait3A_212 = arith.constant 1 : i32
      %dma_wait3A_213 = arith.constant 0 : i32
      %dma_wait3A_214 = tpu.memref_slice %arg6[%dma_wait3A_212, %dma_wait3A_213] : memref<6x128xi32, #tpu.memory_space<vmem>> -> memref<1x128xi32, #tpu.memory_space<vmem>>
      %dma_wait3A_215 = tpu.memref_squeeze %dma_wait3A_214 : memref<1x128xi32, #tpu.memory_space<vmem>> -> memref<128xi32, #tpu.memory_space<vmem>>
      %dma_wait3A_216 = tpu.memref_slice %arg2[%add3A_88] : memref<800000xi32, #tpu.memory_space<hbm>> -> memref<128xi32, #tpu.memory_space<hbm>>
      %dma_wait3A_217 = arith.constant 0 : i32
      %dma_wait3A_218 = tpu.memref_slice %arg6[%dma_wait3A_212, %dma_wait3A_217] : memref<6x128xi32, #tpu.memory_space<vmem>> -> memref<1x128xi32, #tpu.memory_space<vmem>>
      %dma_wait3A_219 = tpu.memref_squeeze %dma_wait3A_218 : memref<1x128xi32, #tpu.memory_space<vmem>> -> memref<128xi32, #tpu.memory_space<vmem>>
      %dma_wait3A_220 = tpu.memref_slice %arg2[%add3A_88] : memref<800000xi32, #tpu.memory_space<hbm>> -> memref<128xi32, #tpu.memory_space<hbm>>
      tpu.wait_dma2 semaphore(%arg17 : memref<!tpu.dma_semaphore, #tpu.memory_space<semaphore_mem>>) src(%dma_wait3A_220 : memref<128xi32, #tpu.memory_space<hbm>>) dst(%dma_wait3A_219 : memref<128xi32, #tpu.memory_space<vmem>>)
      %dma_start3A_221 = arith.constant 1 : i32
      %dma_start3A_222 = arith.constant 0 : i32
      %dma_start3A_223 = tpu.memref_slice %arg6[%dma_start3A_221, %dma_start3A_222] : memref<6x128xi32, #tpu.memory_space<vmem>> -> memref<1x128xi32, #tpu.memory_space<vmem>>
      %dma_start3A_224 = tpu.memref_squeeze %dma_start3A_223 : memref<1x128xi32, #tpu.memory_space<vmem>> -> memref<128xi32, #tpu.memory_space<vmem>>
      %dma_start3A_225 = arith.constant 0 : i32
      %dma_start3A_226 = arith.constant 0 : i32
      %dma_start3A_227 = tpu.memref_slice %arg4[%dma_start3A_225, %dma_start3A_226] : memref<50048x64xbf16, #tpu.memory_space<hbm>> -> memref<50048x64xbf16, #tpu.memory_space<hbm>>
      tpu.enqueue_indirect_dma source(%dma_start3A_227 : memref<50048x64xbf16, #tpu.memory_space<hbm>>) target(%arg11 : memref<128x64xbf16, #tpu.memory_space<vmem>>) offsets(%dma_start3A_224 : memref<128xi32, #tpu.memory_space<vmem>>) semaphore(%arg23 : memref<!tpu.dma_semaphore, #tpu.memory_space<semaphore_mem>>)
      %dma_wait3A_228 = arith.constant 2 : i32
      %dma_wait3A_229 = arith.constant 0 : i32
      %dma_wait3A_230 = tpu.memref_slice %arg6[%dma_wait3A_228, %dma_wait3A_229] : memref<6x128xi32, #tpu.memory_space<vmem>> -> memref<1x128xi32, #tpu.memory_space<vmem>>
      %dma_wait3A_231 = tpu.memref_squeeze %dma_wait3A_230 : memref<1x128xi32, #tpu.memory_space<vmem>> -> memref<128xi32, #tpu.memory_space<vmem>>
      %dma_wait3A_232 = tpu.memref_slice %arg2[%add3A_110] : memref<800000xi32, #tpu.memory_space<hbm>> -> memref<128xi32, #tpu.memory_space<hbm>>
      %dma_wait3A_233 = arith.constant 0 : i32
      %dma_wait3A_234 = tpu.memref_slice %arg6[%dma_wait3A_228, %dma_wait3A_233] : memref<6x128xi32, #tpu.memory_space<vmem>> -> memref<1x128xi32, #tpu.memory_space<vmem>>
      %dma_wait3A_235 = tpu.memref_squeeze %dma_wait3A_234 : memref<1x128xi32, #tpu.memory_space<vmem>> -> memref<128xi32, #tpu.memory_space<vmem>>
      %dma_wait3A_236 = tpu.memref_slice %arg2[%add3A_110] : memref<800000xi32, #tpu.memory_space<hbm>> -> memref<128xi32, #tpu.memory_space<hbm>>
      tpu.wait_dma2 semaphore(%arg18 : memref<!tpu.dma_semaphore, #tpu.memory_space<semaphore_mem>>) src(%dma_wait3A_236 : memref<128xi32, #tpu.memory_space<hbm>>) dst(%dma_wait3A_235 : memref<128xi32, #tpu.memory_space<vmem>>)
      %dma_start3A_237 = arith.constant 2 : i32
      %dma_start3A_238 = arith.constant 0 : i32
      %dma_start3A_239 = tpu.memref_slice %arg6[%dma_start3A_237, %dma_start3A_238] : memref<6x128xi32, #tpu.memory_space<vmem>> -> memref<1x128xi32, #tpu.memory_space<vmem>>
      %dma_start3A_240 = tpu.memref_squeeze %dma_start3A_239 : memref<1x128xi32, #tpu.memory_space<vmem>> -> memref<128xi32, #tpu.memory_space<vmem>>
      %dma_start3A_241 = arith.constant 0 : i32
      %dma_start3A_242 = arith.constant 0 : i32
      %dma_start3A_243 = tpu.memref_slice %arg4[%dma_start3A_241, %dma_start3A_242] : memref<50048x64xbf16, #tpu.memory_space<hbm>> -> memref<50048x64xbf16, #tpu.memory_space<hbm>>
      tpu.enqueue_indirect_dma source(%dma_start3A_243 : memref<50048x64xbf16, #tpu.memory_space<hbm>>) target(%arg12 : memref<128x64xbf16, #tpu.memory_space<vmem>>) offsets(%dma_start3A_240 : memref<128xi32, #tpu.memory_space<vmem>>) semaphore(%arg24 : memref<!tpu.dma_semaphore, #tpu.memory_space<semaphore_mem>>)
      %dma_wait3A_244 = arith.constant 3 : i32
      %dma_wait3A_245 = arith.constant 0 : i32
      %dma_wait3A_246 = tpu.memref_slice %arg6[%dma_wait3A_244, %dma_wait3A_245] : memref<6x128xi32, #tpu.memory_space<vmem>> -> memref<1x128xi32, #tpu.memory_space<vmem>>
      %dma_wait3A_247 = tpu.memref_squeeze %dma_wait3A_246 : memref<1x128xi32, #tpu.memory_space<vmem>> -> memref<128xi32, #tpu.memory_space<vmem>>
      %dma_wait3A_248 = tpu.memref_slice %arg2[%add3A_132] : memref<800000xi32, #tpu.memory_space<hbm>> -> memref<128xi32, #tpu.memory_space<hbm>>
      %dma_wait3A_249 = arith.constant 0 : i32
      %dma_wait3A_250 = tpu.memref_slice %arg6[%dma_wait3A_244, %dma_wait3A_249] : memref<6x128xi32, #tpu.memory_space<vmem>> -> memref<1x128xi32, #tpu.memory_space<vmem>>
      %dma_wait3A_251 = tpu.memref_squeeze %dma_wait3A_250 : memref<1x128xi32, #tpu.memory_space<vmem>> -> memref<128xi32, #tpu.memory_space<vmem>>
      %dma_wait3A_252 = tpu.memref_slice %arg2[%add3A_132] : memref<800000xi32, #tpu.memory_space<hbm>> -> memref<128xi32, #tpu.memory_space<hbm>>
      tpu.wait_dma2 semaphore(%arg19 : memref<!tpu.dma_semaphore, #tpu.memory_space<semaphore_mem>>) src(%dma_wait3A_252 : memref<128xi32, #tpu.memory_space<hbm>>) dst(%dma_wait3A_251 : memref<128xi32, #tpu.memory_space<vmem>>)
      %dma_start3A_253 = arith.constant 3 : i32
      %dma_start3A_254 = arith.constant 0 : i32
      %dma_start3A_255 = tpu.memref_slice %arg6[%dma_start3A_253, %dma_start3A_254] : memref<6x128xi32, #tpu.memory_space<vmem>> -> memref<1x128xi32, #tpu.memory_space<vmem>>
      %dma_start3A_256 = tpu.memref_squeeze %dma_start3A_255 : memref<1x128xi32, #tpu.memory_space<vmem>> -> memref<128xi32, #tpu.memory_space<vmem>>
      %dma_start3A_257 = arith.constant 0 : i32
      %dma_start3A_258 = arith.constant 0 : i32
      %dma_start3A_259 = tpu.memref_slice %arg4[%dma_start3A_257, %dma_start3A_258] : memref<50048x64xbf16, #tpu.memory_space<hbm>> -> memref<50048x64xbf16, #tpu.memory_space<hbm>>
      tpu.enqueue_indirect_dma source(%dma_start3A_259 : memref<50048x64xbf16, #tpu.memory_space<hbm>>) target(%arg13 : memref<128x64xbf16, #tpu.memory_space<vmem>>) offsets(%dma_start3A_256 : memref<128xi32, #tpu.memory_space<vmem>>) semaphore(%arg25 : memref<!tpu.dma_semaphore, #tpu.memory_space<semaphore_mem>>)
      %dma_wait3A_260 = arith.constant 4 : i32
      %dma_wait3A_261 = arith.constant 0 : i32
      %dma_wait3A_262 = tpu.memref_slice %arg6[%dma_wait3A_260, %dma_wait3A_261] : memref<6x128xi32, #tpu.memory_space<vmem>> -> memref<1x128xi32, #tpu.memory_space<vmem>>
      %dma_wait3A_263 = tpu.memref_squeeze %dma_wait3A_262 : memref<1x128xi32, #tpu.memory_space<vmem>> -> memref<128xi32, #tpu.memory_space<vmem>>
      %dma_wait3A_264 = tpu.memref_slice %arg2[%add3A_154] : memref<800000xi32, #tpu.memory_space<hbm>> -> memref<128xi32, #tpu.memory_space<hbm>>
      %dma_wait3A_265 = arith.constant 0 : i32
      %dma_wait3A_266 = tpu.memref_slice %arg6[%dma_wait3A_260, %dma_wait3A_265] : memref<6x128xi32, #tpu.memory_space<vmem>> -> memref<1x128xi32, #tpu.memory_space<vmem>>
      %dma_wait3A_267 = tpu.memref_squeeze %dma_wait3A_266 : memref<1x128xi32, #tpu.memory_space<vmem>> -> memref<128xi32, #tpu.memory_space<vmem>>
      %dma_wait3A_268 = tpu.memref_slice %arg2[%add3A_154] : memref<800000xi32, #tpu.memory_space<hbm>> -> memref<128xi32, #tpu.memory_space<hbm>>
      tpu.wait_dma2 semaphore(%arg20 : memref<!tpu.dma_semaphore, #tpu.memory_space<semaphore_mem>>) src(%dma_wait3A_268 : memref<128xi32, #tpu.memory_space<hbm>>) dst(%dma_wait3A_267 : memref<128xi32, #tpu.memory_space<vmem>>)
      %dma_start3A_269 = arith.constant 4 : i32
      %dma_start3A_270 = arith.constant 0 : i32
      %dma_start3A_271 = tpu.memref_slice %arg6[%dma_start3A_269, %dma_start3A_270] : memref<6x128xi32, #tpu.memory_space<vmem>> -> memref<1x128xi32, #tpu.memory_space<vmem>>
      %dma_start3A_272 = tpu.memref_squeeze %dma_start3A_271 : memref<1x128xi32, #tpu.memory_space<vmem>> -> memref<128xi32, #tpu.memory_space<vmem>>
      %dma_start3A_273 = arith.constant 0 : i32
      %dma_start3A_274 = arith.constant 0 : i32
      %dma_start3A_275 = tpu.memref_slice %arg4[%dma_start3A_273, %dma_start3A_274] : memref<50048x64xbf16, #tpu.memory_space<hbm>> -> memref<50048x64xbf16, #tpu.memory_space<hbm>>
      tpu.enqueue_indirect_dma source(%dma_start3A_275 : memref<50048x64xbf16, #tpu.memory_space<hbm>>) target(%arg14 : memref<128x64xbf16, #tpu.memory_space<vmem>>) offsets(%dma_start3A_272 : memref<128xi32, #tpu.memory_space<vmem>>) semaphore(%arg26 : memref<!tpu.dma_semaphore, #tpu.memory_space<semaphore_mem>>)
      %dma_wait3A_276 = arith.constant 5 : i32
      %dma_wait3A_277 = arith.constant 0 : i32
      %dma_wait3A_278 = tpu.memref_slice %arg6[%dma_wait3A_276, %dma_wait3A_277] : memref<6x128xi32, #tpu.memory_space<vmem>> -> memref<1x128xi32, #tpu.memory_space<vmem>>
      %dma_wait3A_279 = tpu.memref_squeeze %dma_wait3A_278 : memref<1x128xi32, #tpu.memory_space<vmem>> -> memref<128xi32, #tpu.memory_space<vmem>>
      %dma_wait3A_280 = tpu.memref_slice %arg2[%add3A_176] : memref<800000xi32, #tpu.memory_space<hbm>> -> memref<128xi32, #tpu.memory_space<hbm>>
      %dma_wait3A_281 = arith.constant 0 : i32
      %dma_wait3A_282 = tpu.memref_slice %arg6[%dma_wait3A_276, %dma_wait3A_281] : memref<6x128xi32, #tpu.memory_space<vmem>> -> memref<1x128xi32, #tpu.memory_space<vmem>>
      %dma_wait3A_283 = tpu.memref_squeeze %dma_wait3A_282 : memref<1x128xi32, #tpu.memory_space<vmem>> -> memref<128xi32, #tpu.memory_space<vmem>>
      %dma_wait3A_284 = tpu.memref_slice %arg2[%add3A_176] : memref<800000xi32, #tpu.memory_space<hbm>> -> memref<128xi32, #tpu.memory_space<hbm>>
      tpu.wait_dma2 semaphore(%arg21 : memref<!tpu.dma_semaphore, #tpu.memory_space<semaphore_mem>>) src(%dma_wait3A_284 : memref<128xi32, #tpu.memory_space<hbm>>) dst(%dma_wait3A_283 : memref<128xi32, #tpu.memory_space<vmem>>)
      %dma_start3A_285 = arith.constant 5 : i32
      %dma_start3A_286 = arith.constant 0 : i32
      %dma_start3A_287 = tpu.memref_slice %arg6[%dma_start3A_285, %dma_start3A_286] : memref<6x128xi32, #tpu.memory_space<vmem>> -> memref<1x128xi32, #tpu.memory_space<vmem>>
      %dma_start3A_288 = tpu.memref_squeeze %dma_start3A_287 : memref<1x128xi32, #tpu.memory_space<vmem>> -> memref<128xi32, #tpu.memory_space<vmem>>
      %dma_start3A_289 = arith.constant 0 : i32
      %dma_start3A_290 = arith.constant 0 : i32
      %dma_start3A_291 = tpu.memref_slice %arg4[%dma_start3A_289, %dma_start3A_290] : memref<50048x64xbf16, #tpu.memory_space<hbm>> -> memref<50048x64xbf16, #tpu.memory_space<hbm>>
      tpu.enqueue_indirect_dma source(%dma_start3A_291 : memref<50048x64xbf16, #tpu.memory_space<hbm>>) target(%arg15 : memref<128x64xbf16, #tpu.memory_space<vmem>>) offsets(%dma_start3A_288 : memref<128xi32, #tpu.memory_space<vmem>>) semaphore(%arg27 : memref<!tpu.dma_semaphore, #tpu.memory_space<semaphore_mem>>)
      %dma_wait3A_292 = arith.constant 0 : i32
      %dma_wait3A_293 = arith.constant 0 : i32
      %dma_wait3A_294 = tpu.memref_slice %arg7[%dma_wait3A_292, %dma_wait3A_293] : memref<6x128xi32, #tpu.memory_space<vmem>> -> memref<1x128xi32, #tpu.memory_space<vmem>>
      %dma_wait3A_295 = tpu.memref_squeeze %dma_wait3A_294 : memref<1x128xi32, #tpu.memory_space<vmem>> -> memref<128xi32, #tpu.memory_space<vmem>>
      %dma_wait3A_296 = tpu.memref_slice %arg3[%add3A_77] : memref<800000xi32, #tpu.memory_space<hbm>> -> memref<128xi32, #tpu.memory_space<hbm>>
      %dma_wait3A_297 = arith.constant 0 : i32
      %dma_wait3A_298 = tpu.memref_slice %arg7[%dma_wait3A_292, %dma_wait3A_297] : memref<6x128xi32, #tpu.memory_space<vmem>> -> memref<1x128xi32, #tpu.memory_space<vmem>>
      %dma_wait3A_299 = tpu.memref_squeeze %dma_wait3A_298 : memref<1x128xi32, #tpu.memory_space<vmem>> -> memref<128xi32, #tpu.memory_space<vmem>>
      %dma_wait3A_300 = tpu.memref_slice %arg3[%add3A_77] : memref<800000xi32, #tpu.memory_space<hbm>> -> memref<128xi32, #tpu.memory_space<hbm>>
      tpu.wait_dma2 semaphore(%arg28 : memref<!tpu.dma_semaphore, #tpu.memory_space<semaphore_mem>>) src(%dma_wait3A_300 : memref<128xi32, #tpu.memory_space<hbm>>) dst(%dma_wait3A_299 : memref<128xi32, #tpu.memory_space<vmem>>)
      %dma_wait3A_301 = arith.constant 0 : i32
      %dma_wait3A_302 = arith.constant 0 : i32
      %dma_wait3A_303 = tpu.memref_slice %arg6[%dma_wait3A_301, %dma_wait3A_302] : memref<6x128xi32, #tpu.memory_space<vmem>> -> memref<1x128xi32, #tpu.memory_space<vmem>>
      %dma_wait3A_304 = tpu.memref_squeeze %dma_wait3A_303 : memref<1x128xi32, #tpu.memory_space<vmem>> -> memref<128xi32, #tpu.memory_space<vmem>>
      %dma_wait3A_305 = arith.constant 0 : i32
      %dma_wait3A_306 = arith.constant 0 : i32
      %dma_wait3A_307 = tpu.memref_slice %arg4[%dma_wait3A_305, %dma_wait3A_306] : memref<50048x64xbf16, #tpu.memory_space<hbm>> -> memref<50048x64xbf16, #tpu.memory_space<hbm>>
      tpu.wait_indirect_dma semaphore(%arg22 : memref<!tpu.dma_semaphore, #tpu.memory_space<semaphore_mem>>) src(%dma_wait3A_307 : memref<50048x64xbf16, #tpu.memory_space<hbm>>) dst(%arg10 : memref<128x64xbf16, #tpu.memory_space<vmem>>)
      %dma_start3A_308 = arith.constant 0 : i32
      %dma_start3A_309 = arith.constant 0 : i32
      %dma_start3A_310 = tpu.memref_slice %arg7[%dma_start3A_308, %dma_start3A_309] : memref<6x128xi32, #tpu.memory_space<vmem>> -> memref<1x128xi32, #tpu.memory_space<vmem>>
      %dma_start3A_311 = tpu.memref_squeeze %dma_start3A_310 : memref<1x128xi32, #tpu.memory_space<vmem>> -> memref<128xi32, #tpu.memory_space<vmem>>
      %dma_start3A_312 = arith.constant 0 : i32
      %dma_start3A_313 = arith.constant 0 : i32
      %dma_start3A_314 = tpu.memref_slice %arg9[%dma_start3A_312, %dma_start3A_313] : memref<50000x64xbf16, #tpu.memory_space<vmem_shared>> -> memref<50000x64xbf16, #tpu.memory_space<vmem_shared>>
      tpu.enqueue_indirect_dma source(%arg10 : memref<128x64xbf16, #tpu.memory_space<vmem>>) target(%dma_start3A_314 : memref<50000x64xbf16, #tpu.memory_space<vmem_shared>>) offsets(%dma_start3A_311 : memref<128xi32, #tpu.memory_space<vmem>>) semaphore(%arg28 : memref<!tpu.dma_semaphore, #tpu.memory_space<semaphore_mem>>) {add = true}
      %dma_wait3A_315 = arith.constant 1 : i32
      %dma_wait3A_316 = arith.constant 0 : i32
      %dma_wait3A_317 = tpu.memref_slice %arg7[%dma_wait3A_315, %dma_wait3A_316] : memref<6x128xi32, #tpu.memory_space<vmem>> -> memref<1x128xi32, #tpu.memory_space<vmem>>
      %dma_wait3A_318 = tpu.memref_squeeze %dma_wait3A_317 : memref<1x128xi32, #tpu.memory_space<vmem>> -> memref<128xi32, #tpu.memory_space<vmem>>
      %dma_wait3A_319 = tpu.memref_slice %arg3[%add3A_99] : memref<800000xi32, #tpu.memory_space<hbm>> -> memref<128xi32, #tpu.memory_space<hbm>>
      %dma_wait3A_320 = arith.constant 0 : i32
      %dma_wait3A_321 = tpu.memref_slice %arg7[%dma_wait3A_315, %dma_wait3A_320] : memref<6x128xi32, #tpu.memory_space<vmem>> -> memref<1x128xi32, #tpu.memory_space<vmem>>
      %dma_wait3A_322 = tpu.memref_squeeze %dma_wait3A_321 : memref<1x128xi32, #tpu.memory_space<vmem>> -> memref<128xi32, #tpu.memory_space<vmem>>
      %dma_wait3A_323 = tpu.memref_slice %arg3[%add3A_99] : memref<800000xi32, #tpu.memory_space<hbm>> -> memref<128xi32, #tpu.memory_space<hbm>>
      tpu.wait_dma2 semaphore(%arg29 : memref<!tpu.dma_semaphore, #tpu.memory_space<semaphore_mem>>) src(%dma_wait3A_323 : memref<128xi32, #tpu.memory_space<hbm>>) dst(%dma_wait3A_322 : memref<128xi32, #tpu.memory_space<vmem>>)
      %dma_wait3A_324 = arith.constant 1 : i32
      %dma_wait3A_325 = arith.constant 0 : i32
      %dma_wait3A_326 = tpu.memref_slice %arg6[%dma_wait3A_324, %dma_wait3A_325] : memref<6x128xi32, #tpu.memory_space<vmem>> -> memref<1x128xi32, #tpu.memory_space<vmem>>
      %dma_wait3A_327 = tpu.memref_squeeze %dma_wait3A_326 : memref<1x128xi32, #tpu.memory_space<vmem>> -> memref<128xi32, #tpu.memory_space<vmem>>
      %dma_wait3A_328 = arith.constant 0 : i32
      %dma_wait3A_329 = arith.constant 0 : i32
      %dma_wait3A_330 = tpu.memref_slice %arg4[%dma_wait3A_328, %dma_wait3A_329] : memref<50048x64xbf16, #tpu.memory_space<hbm>> -> memref<50048x64xbf16, #tpu.memory_space<hbm>>
      tpu.wait_indirect_dma semaphore(%arg23 : memref<!tpu.dma_semaphore, #tpu.memory_space<semaphore_mem>>) src(%dma_wait3A_330 : memref<50048x64xbf16, #tpu.memory_space<hbm>>) dst(%arg11 : memref<128x64xbf16, #tpu.memory_space<vmem>>)
      %dma_start3A_331 = arith.constant 1 : i32
      %dma_start3A_332 = arith.constant 0 : i32
      %dma_start3A_333 = tpu.memref_slice %arg7[%dma_start3A_331, %dma_start3A_332] : memref<6x128xi32, #tpu.memory_space<vmem>> -> memref<1x128xi32, #tpu.memory_space<vmem>>
      %dma_start3A_334 = tpu.memref_squeeze %dma_start3A_333 : memref<1x128xi32, #tpu.memory_space<vmem>> -> memref<128xi32, #tpu.memory_space<vmem>>
      %dma_start3A_335 = arith.constant 0 : i32
      %dma_start3A_336 = arith.constant 0 : i32
      %dma_start3A_337 = tpu.memref_slice %arg9[%dma_start3A_335, %dma_start3A_336] : memref<50000x64xbf16, #tpu.memory_space<vmem_shared>> -> memref<50000x64xbf16, #tpu.memory_space<vmem_shared>>
      tpu.enqueue_indirect_dma source(%arg11 : memref<128x64xbf16, #tpu.memory_space<vmem>>) target(%dma_start3A_337 : memref<50000x64xbf16, #tpu.memory_space<vmem_shared>>) offsets(%dma_start3A_334 : memref<128xi32, #tpu.memory_space<vmem>>) semaphore(%arg29 : memref<!tpu.dma_semaphore, #tpu.memory_space<semaphore_mem>>) {add = true}
      %dma_wait3A_338 = arith.constant 2 : i32
      %dma_wait3A_339 = arith.constant 0 : i32
      %dma_wait3A_340 = tpu.memref_slice %arg7[%dma_wait3A_338, %dma_wait3A_339] : memref<6x128xi32, #tpu.memory_space<vmem>> -> memref<1x128xi32, #tpu.memory_space<vmem>>
      %dma_wait3A_341 = tpu.memref_squeeze %dma_wait3A_340 : memref<1x128xi32, #tpu.memory_space<vmem>> -> memref<128xi32, #tpu.memory_space<vmem>>
      %dma_wait3A_342 = tpu.memref_slice %arg3[%add3A_121] : memref<800000xi32, #tpu.memory_space<hbm>> -> memref<128xi32, #tpu.memory_space<hbm>>
      %dma_wait3A_343 = arith.constant 0 : i32
      %dma_wait3A_344 = tpu.memref_slice %arg7[%dma_wait3A_338, %dma_wait3A_343] : memref<6x128xi32, #tpu.memory_space<vmem>> -> memref<1x128xi32, #tpu.memory_space<vmem>>
      %dma_wait3A_345 = tpu.memref_squeeze %dma_wait3A_344 : memref<1x128xi32, #tpu.memory_space<vmem>> -> memref<128xi32, #tpu.memory_space<vmem>>
      %dma_wait3A_346 = tpu.memref_slice %arg3[%add3A_121] : memref<800000xi32, #tpu.memory_space<hbm>> -> memref<128xi32, #tpu.memory_space<hbm>>
      tpu.wait_dma2 semaphore(%arg30 : memref<!tpu.dma_semaphore, #tpu.memory_space<semaphore_mem>>) src(%dma_wait3A_346 : memref<128xi32, #tpu.memory_space<hbm>>) dst(%dma_wait3A_345 : memref<128xi32, #tpu.memory_space<vmem>>)
      %dma_wait3A_347 = arith.constant 2 : i32
      %dma_wait3A_348 = arith.constant 0 : i32
      %dma_wait3A_349 = tpu.memref_slice %arg6[%dma_wait3A_347, %dma_wait3A_348] : memref<6x128xi32, #tpu.memory_space<vmem>> -> memref<1x128xi32, #tpu.memory_space<vmem>>
      %dma_wait3A_350 = tpu.memref_squeeze %dma_wait3A_349 : memref<1x128xi32, #tpu.memory_space<vmem>> -> memref<128xi32, #tpu.memory_space<vmem>>
      %dma_wait3A_351 = arith.constant 0 : i32
      %dma_wait3A_352 = arith.constant 0 : i32
      %dma_wait3A_353 = tpu.memref_slice %arg4[%dma_wait3A_351, %dma_wait3A_352] : memref<50048x64xbf16, #tpu.memory_space<hbm>> -> memref<50048x64xbf16, #tpu.memory_space<hbm>>
      tpu.wait_indirect_dma semaphore(%arg24 : memref<!tpu.dma_semaphore, #tpu.memory_space<semaphore_mem>>) src(%dma_wait3A_353 : memref<50048x64xbf16, #tpu.memory_space<hbm>>) dst(%arg12 : memref<128x64xbf16, #tpu.memory_space<vmem>>)
      %dma_start3A_354 = arith.constant 2 : i32
      %dma_start3A_355 = arith.constant 0 : i32
      %dma_start3A_356 = tpu.memref_slice %arg7[%dma_start3A_354, %dma_start3A_355] : memref<6x128xi32, #tpu.memory_space<vmem>> -> memref<1x128xi32, #tpu.memory_space<vmem>>
      %dma_start3A_357 = tpu.memref_squeeze %dma_start3A_356 : memref<1x128xi32, #tpu.memory_space<vmem>> -> memref<128xi32, #tpu.memory_space<vmem>>
      %dma_start3A_358 = arith.constant 0 : i32
      %dma_start3A_359 = arith.constant 0 : i32
      %dma_start3A_360 = tpu.memref_slice %arg9[%dma_start3A_358, %dma_start3A_359] : memref<50000x64xbf16, #tpu.memory_space<vmem_shared>> -> memref<50000x64xbf16, #tpu.memory_space<vmem_shared>>
      tpu.enqueue_indirect_dma source(%arg12 : memref<128x64xbf16, #tpu.memory_space<vmem>>) target(%dma_start3A_360 : memref<50000x64xbf16, #tpu.memory_space<vmem_shared>>) offsets(%dma_start3A_357 : memref<128xi32, #tpu.memory_space<vmem>>) semaphore(%arg30 : memref<!tpu.dma_semaphore, #tpu.memory_space<semaphore_mem>>) {add = true}
      %dma_wait3A_361 = arith.constant 3 : i32
      %dma_wait3A_362 = arith.constant 0 : i32
      %dma_wait3A_363 = tpu.memref_slice %arg7[%dma_wait3A_361, %dma_wait3A_362] : memref<6x128xi32, #tpu.memory_space<vmem>> -> memref<1x128xi32, #tpu.memory_space<vmem>>
      %dma_wait3A_364 = tpu.memref_squeeze %dma_wait3A_363 : memref<1x128xi32, #tpu.memory_space<vmem>> -> memref<128xi32, #tpu.memory_space<vmem>>
      %dma_wait3A_365 = tpu.memref_slice %arg3[%add3A_143] : memref<800000xi32, #tpu.memory_space<hbm>> -> memref<128xi32, #tpu.memory_space<hbm>>
      %dma_wait3A_366 = arith.constant 0 : i32
      %dma_wait3A_367 = tpu.memref_slice %arg7[%dma_wait3A_361, %dma_wait3A_366] : memref<6x128xi32, #tpu.memory_space<vmem>> -> memref<1x128xi32, #tpu.memory_space<vmem>>
      %dma_wait3A_368 = tpu.memref_squeeze %dma_wait3A_367 : memref<1x128xi32, #tpu.memory_space<vmem>> -> memref<128xi32, #tpu.memory_space<vmem>>
      %dma_wait3A_369 = tpu.memref_slice %arg3[%add3A_143] : memref<800000xi32, #tpu.memory_space<hbm>> -> memref<128xi32, #tpu.memory_space<hbm>>
      tpu.wait_dma2 semaphore(%arg31 : memref<!tpu.dma_semaphore, #tpu.memory_space<semaphore_mem>>) src(%dma_wait3A_369 : memref<128xi32, #tpu.memory_space<hbm>>) dst(%dma_wait3A_368 : memref<128xi32, #tpu.memory_space<vmem>>)
      %dma_wait3A_370 = arith.constant 3 : i32
      %dma_wait3A_371 = arith.constant 0 : i32
      %dma_wait3A_372 = tpu.memref_slice %arg6[%dma_wait3A_370, %dma_wait3A_371] : memref<6x128xi32, #tpu.memory_space<vmem>> -> memref<1x128xi32, #tpu.memory_space<vmem>>
      %dma_wait3A_373 = tpu.memref_squeeze %dma_wait3A_372 : memref<1x128xi32, #tpu.memory_space<vmem>> -> memref<128xi32, #tpu.memory_space<vmem>>
      %dma_wait3A_374 = arith.constant 0 : i32
      %dma_wait3A_375 = arith.constant 0 : i32
      %dma_wait3A_376 = tpu.memref_slice %arg4[%dma_wait3A_374, %dma_wait3A_375] : memref<50048x64xbf16, #tpu.memory_space<hbm>> -> memref<50048x64xbf16, #tpu.memory_space<hbm>>
      tpu.wait_indirect_dma semaphore(%arg25 : memref<!tpu.dma_semaphore, #tpu.memory_space<semaphore_mem>>) src(%dma_wait3A_376 : memref<50048x64xbf16, #tpu.memory_space<hbm>>) dst(%arg13 : memref<128x64xbf16, #tpu.memory_space<vmem>>)
      %dma_start3A_377 = arith.constant 3 : i32
      %dma_start3A_378 = arith.constant 0 : i32
      %dma_start3A_379 = tpu.memref_slice %arg7[%dma_start3A_377, %dma_start3A_378] : memref<6x128xi32, #tpu.memory_space<vmem>> -> memref<1x128xi32, #tpu.memory_space<vmem>>
      %dma_start3A_380 = tpu.memref_squeeze %dma_start3A_379 : memref<1x128xi32, #tpu.memory_space<vmem>> -> memref<128xi32, #tpu.memory_space<vmem>>
      %dma_start3A_381 = arith.constant 0 : i32
      %dma_start3A_382 = arith.constant 0 : i32
      %dma_start3A_383 = tpu.memref_slice %arg9[%dma_start3A_381, %dma_start3A_382] : memref<50000x64xbf16, #tpu.memory_space<vmem_shared>> -> memref<50000x64xbf16, #tpu.memory_space<vmem_shared>>
      tpu.enqueue_indirect_dma source(%arg13 : memref<128x64xbf16, #tpu.memory_space<vmem>>) target(%dma_start3A_383 : memref<50000x64xbf16, #tpu.memory_space<vmem_shared>>) offsets(%dma_start3A_380 : memref<128xi32, #tpu.memory_space<vmem>>) semaphore(%arg31 : memref<!tpu.dma_semaphore, #tpu.memory_space<semaphore_mem>>) {add = true}
      %dma_wait3A_384 = arith.constant 4 : i32
      %dma_wait3A_385 = arith.constant 0 : i32
      %dma_wait3A_386 = tpu.memref_slice %arg7[%dma_wait3A_384, %dma_wait3A_385] : memref<6x128xi32, #tpu.memory_space<vmem>> -> memref<1x128xi32, #tpu.memory_space<vmem>>
      %dma_wait3A_387 = tpu.memref_squeeze %dma_wait3A_386 : memref<1x128xi32, #tpu.memory_space<vmem>> -> memref<128xi32, #tpu.memory_space<vmem>>
      %dma_wait3A_388 = tpu.memref_slice %arg3[%add3A_165] : memref<800000xi32, #tpu.memory_space<hbm>> -> memref<128xi32, #tpu.memory_space<hbm>>
      %dma_wait3A_389 = arith.constant 0 : i32
      %dma_wait3A_390 = tpu.memref_slice %arg7[%dma_wait3A_384, %dma_wait3A_389] : memref<6x128xi32, #tpu.memory_space<vmem>> -> memref<1x128xi32, #tpu.memory_space<vmem>>
      %dma_wait3A_391 = tpu.memref_squeeze %dma_wait3A_390 : memref<1x128xi32, #tpu.memory_space<vmem>> -> memref<128xi32, #tpu.memory_space<vmem>>
      %dma_wait3A_392 = tpu.memref_slice %arg3[%add3A_165] : memref<800000xi32, #tpu.memory_space<hbm>> -> memref<128xi32, #tpu.memory_space<hbm>>
      tpu.wait_dma2 semaphore(%arg32 : memref<!tpu.dma_semaphore, #tpu.memory_space<semaphore_mem>>) src(%dma_wait3A_392 : memref<128xi32, #tpu.memory_space<hbm>>) dst(%dma_wait3A_391 : memref<128xi32, #tpu.memory_space<vmem>>)
      %dma_wait3A_393 = arith.constant 4 : i32
      %dma_wait3A_394 = arith.constant 0 : i32
      %dma_wait3A_395 = tpu.memref_slice %arg6[%dma_wait3A_393, %dma_wait3A_394] : memref<6x128xi32, #tpu.memory_space<vmem>> -> memref<1x128xi32, #tpu.memory_space<vmem>>
      %dma_wait3A_396 = tpu.memref_squeeze %dma_wait3A_395 : memref<1x128xi32, #tpu.memory_space<vmem>> -> memref<128xi32, #tpu.memory_space<vmem>>
      %dma_wait3A_397 = arith.constant 0 : i32
      %dma_wait3A_398 = arith.constant 0 : i32
      %dma_wait3A_399 = tpu.memref_slice %arg4[%dma_wait3A_397, %dma_wait3A_398] : memref<50048x64xbf16, #tpu.memory_space<hbm>> -> memref<50048x64xbf16, #tpu.memory_space<hbm>>
      tpu.wait_indirect_dma semaphore(%arg26 : memref<!tpu.dma_semaphore, #tpu.memory_space<semaphore_mem>>) src(%dma_wait3A_399 : memref<50048x64xbf16, #tpu.memory_space<hbm>>) dst(%arg14 : memref<128x64xbf16, #tpu.memory_space<vmem>>)
      %dma_start3A_400 = arith.constant 4 : i32
      %dma_start3A_401 = arith.constant 0 : i32
      %dma_start3A_402 = tpu.memref_slice %arg7[%dma_start3A_400, %dma_start3A_401] : memref<6x128xi32, #tpu.memory_space<vmem>> -> memref<1x128xi32, #tpu.memory_space<vmem>>
      %dma_start3A_403 = tpu.memref_squeeze %dma_start3A_402 : memref<1x128xi32, #tpu.memory_space<vmem>> -> memref<128xi32, #tpu.memory_space<vmem>>
      %dma_start3A_404 = arith.constant 0 : i32
      %dma_start3A_405 = arith.constant 0 : i32
      %dma_start3A_406 = tpu.memref_slice %arg9[%dma_start3A_404, %dma_start3A_405] : memref<50000x64xbf16, #tpu.memory_space<vmem_shared>> -> memref<50000x64xbf16, #tpu.memory_space<vmem_shared>>
      tpu.enqueue_indirect_dma source(%arg14 : memref<128x64xbf16, #tpu.memory_space<vmem>>) target(%dma_start3A_406 : memref<50000x64xbf16, #tpu.memory_space<vmem_shared>>) offsets(%dma_start3A_403 : memref<128xi32, #tpu.memory_space<vmem>>) semaphore(%arg32 : memref<!tpu.dma_semaphore, #tpu.memory_space<semaphore_mem>>) {add = true}
      %dma_wait3A_407 = arith.constant 5 : i32
      %dma_wait3A_408 = arith.constant 0 : i32
      %dma_wait3A_409 = tpu.memref_slice %arg7[%dma_wait3A_407, %dma_wait3A_408] : memref<6x128xi32, #tpu.memory_space<vmem>> -> memref<1x128xi32, #tpu.memory_space<vmem>>
      %dma_wait3A_410 = tpu.memref_squeeze %dma_wait3A_409 : memref<1x128xi32, #tpu.memory_space<vmem>> -> memref<128xi32, #tpu.memory_space<vmem>>
      %dma_wait3A_411 = tpu.memref_slice %arg3[%add3A_187] : memref<800000xi32, #tpu.memory_space<hbm>> -> memref<128xi32, #tpu.memory_space<hbm>>
      %dma_wait3A_412 = arith.constant 0 : i32
      %dma_wait3A_413 = tpu.memref_slice %arg7[%dma_wait3A_407, %dma_wait3A_412] : memref<6x128xi32, #tpu.memory_space<vmem>> -> memref<1x128xi32, #tpu.memory_space<vmem>>
      %dma_wait3A_414 = tpu.memref_squeeze %dma_wait3A_413 : memref<1x128xi32, #tpu.memory_space<vmem>> -> memref<128xi32, #tpu.memory_space<vmem>>
      %dma_wait3A_415 = tpu.memref_slice %arg3[%add3A_187] : memref<800000xi32, #tpu.memory_space<hbm>> -> memref<128xi32, #tpu.memory_space<hbm>>
      tpu.wait_dma2 semaphore(%arg33 : memref<!tpu.dma_semaphore, #tpu.memory_space<semaphore_mem>>) src(%dma_wait3A_415 : memref<128xi32, #tpu.memory_space<hbm>>) dst(%dma_wait3A_414 : memref<128xi32, #tpu.memory_space<vmem>>)
      %dma_wait3A_416 = arith.constant 5 : i32
      %dma_wait3A_417 = arith.constant 0 : i32
      %dma_wait3A_418 = tpu.memref_slice %arg6[%dma_wait3A_416, %dma_wait3A_417] : memref<6x128xi32, #tpu.memory_space<vmem>> -> memref<1x128xi32, #tpu.memory_space<vmem>>
      %dma_wait3A_419 = tpu.memref_squeeze %dma_wait3A_418 : memref<1x128xi32, #tpu.memory_space<vmem>> -> memref<128xi32, #tpu.memory_space<vmem>>
      %dma_wait3A_420 = arith.constant 0 : i32
      %dma_wait3A_421 = arith.constant 0 : i32
      %dma_wait3A_422 = tpu.memref_slice %arg4[%dma_wait3A_420, %dma_wait3A_421] : memref<50048x64xbf16, #tpu.memory_space<hbm>> -> memref<50048x64xbf16, #tpu.memory_space<hbm>>
      tpu.wait_indirect_dma semaphore(%arg27 : memref<!tpu.dma_semaphore, #tpu.memory_space<semaphore_mem>>) src(%dma_wait3A_422 : memref<50048x64xbf16, #tpu.memory_space<hbm>>) dst(%arg15 : memref<128x64xbf16, #tpu.memory_space<vmem>>)
      %dma_start3A_423 = arith.constant 5 : i32
      %dma_start3A_424 = arith.constant 0 : i32
      %dma_start3A_425 = tpu.memref_slice %arg7[%dma_start3A_423, %dma_start3A_424] : memref<6x128xi32, #tpu.memory_space<vmem>> -> memref<1x128xi32, #tpu.memory_space<vmem>>
      %dma_start3A_426 = tpu.memref_squeeze %dma_start3A_425 : memref<1x128xi32, #tpu.memory_space<vmem>> -> memref<128xi32, #tpu.memory_space<vmem>>
      %dma_start3A_427 = arith.constant 0 : i32
      %dma_start3A_428 = arith.constant 0 : i32
      %dma_start3A_429 = tpu.memref_slice %arg9[%dma_start3A_427, %dma_start3A_428] : memref<50000x64xbf16, #tpu.memory_space<vmem_shared>> -> memref<50000x64xbf16, #tpu.memory_space<vmem_shared>>
      tpu.enqueue_indirect_dma source(%arg15 : memref<128x64xbf16, #tpu.memory_space<vmem>>) target(%dma_start3A_429 : memref<50000x64xbf16, #tpu.memory_space<vmem_shared>>) offsets(%dma_start3A_426 : memref<128xi32, #tpu.memory_space<vmem>>) semaphore(%arg33 : memref<!tpu.dma_semaphore, #tpu.memory_space<semaphore_mem>>) {add = true}
      %dma_wait3A_430 = arith.constant 0 : i32
      %dma_wait3A_431 = arith.constant 0 : i32
      %dma_wait3A_432 = tpu.memref_slice %arg7[%dma_wait3A_430, %dma_wait3A_431] : memref<6x128xi32, #tpu.memory_space<vmem>> -> memref<1x128xi32, #tpu.memory_space<vmem>>
      %dma_wait3A_433 = tpu.memref_squeeze %dma_wait3A_432 : memref<1x128xi32, #tpu.memory_space<vmem>> -> memref<128xi32, #tpu.memory_space<vmem>>
      %dma_wait3A_434 = arith.constant 0 : i32
      %dma_wait3A_435 = arith.constant 0 : i32
      %dma_wait3A_436 = tpu.memref_slice %arg9[%dma_wait3A_434, %dma_wait3A_435] : memref<50000x64xbf16, #tpu.memory_space<vmem_shared>> -> memref<50000x64xbf16, #tpu.memory_space<vmem_shared>>
      tpu.wait_indirect_dma semaphore(%arg28 : memref<!tpu.dma_semaphore, #tpu.memory_space<semaphore_mem>>) src(%arg10 : memref<128x64xbf16, #tpu.memory_space<vmem>>) dst(%dma_wait3A_436 : memref<50000x64xbf16, #tpu.memory_space<vmem_shared>>)
      %dma_wait3A_437 = arith.constant 1 : i32
      %dma_wait3A_438 = arith.constant 0 : i32
      %dma_wait3A_439 = tpu.memref_slice %arg7[%dma_wait3A_437, %dma_wait3A_438] : memref<6x128xi32, #tpu.memory_space<vmem>> -> memref<1x128xi32, #tpu.memory_space<vmem>>
      %dma_wait3A_440 = tpu.memref_squeeze %dma_wait3A_439 : memref<1x128xi32, #tpu.memory_space<vmem>> -> memref<128xi32, #tpu.memory_space<vmem>>
      %dma_wait3A_441 = arith.constant 0 : i32
      %dma_wait3A_442 = arith.constant 0 : i32
      %dma_wait3A_443 = tpu.memref_slice %arg9[%dma_wait3A_441, %dma_wait3A_442] : memref<50000x64xbf16, #tpu.memory_space<vmem_shared>> -> memref<50000x64xbf16, #tpu.memory_space<vmem_shared>>
      tpu.wait_indirect_dma semaphore(%arg29 : memref<!tpu.dma_semaphore, #tpu.memory_space<semaphore_mem>>) src(%arg11 : memref<128x64xbf16, #tpu.memory_space<vmem>>) dst(%dma_wait3A_443 : memref<50000x64xbf16, #tpu.memory_space<vmem_shared>>)
      %dma_wait3A_444 = arith.constant 2 : i32
      %dma_wait3A_445 = arith.constant 0 : i32
      %dma_wait3A_446 = tpu.memref_slice %arg7[%dma_wait3A_444, %dma_wait3A_445] : memref<6x128xi32, #tpu.memory_space<vmem>> -> memref<1x128xi32, #tpu.memory_space<vmem>>
      %dma_wait3A_447 = tpu.memref_squeeze %dma_wait3A_446 : memref<1x128xi32, #tpu.memory_space<vmem>> -> memref<128xi32, #tpu.memory_space<vmem>>
      %dma_wait3A_448 = arith.constant 0 : i32
      %dma_wait3A_449 = arith.constant 0 : i32
      %dma_wait3A_450 = tpu.memref_slice %arg9[%dma_wait3A_448, %dma_wait3A_449] : memref<50000x64xbf16, #tpu.memory_space<vmem_shared>> -> memref<50000x64xbf16, #tpu.memory_space<vmem_shared>>
      tpu.wait_indirect_dma semaphore(%arg30 : memref<!tpu.dma_semaphore, #tpu.memory_space<semaphore_mem>>) src(%arg12 : memref<128x64xbf16, #tpu.memory_space<vmem>>) dst(%dma_wait3A_450 : memref<50000x64xbf16, #tpu.memory_space<vmem_shared>>)
      %dma_wait3A_451 = arith.constant 3 : i32
      %dma_wait3A_452 = arith.constant 0 : i32
      %dma_wait3A_453 = tpu.memref_slice %arg7[%dma_wait3A_451, %dma_wait3A_452] : memref<6x128xi32, #tpu.memory_space<vmem>> -> memref<1x128xi32, #tpu.memory_space<vmem>>
      %dma_wait3A_454 = tpu.memref_squeeze %dma_wait3A_453 : memref<1x128xi32, #tpu.memory_space<vmem>> -> memref<128xi32, #tpu.memory_space<vmem>>
      %dma_wait3A_455 = arith.constant 0 : i32
      %dma_wait3A_456 = arith.constant 0 : i32
      %dma_wait3A_457 = tpu.memref_slice %arg9[%dma_wait3A_455, %dma_wait3A_456] : memref<50000x64xbf16, #tpu.memory_space<vmem_shared>> -> memref<50000x64xbf16, #tpu.memory_space<vmem_shared>>
      tpu.wait_indirect_dma semaphore(%arg31 : memref<!tpu.dma_semaphore, #tpu.memory_space<semaphore_mem>>) src(%arg13 : memref<128x64xbf16, #tpu.memory_space<vmem>>) dst(%dma_wait3A_457 : memref<50000x64xbf16, #tpu.memory_space<vmem_shared>>)
      %dma_wait3A_458 = arith.constant 4 : i32
      %dma_wait3A_459 = arith.constant 0 : i32
      %dma_wait3A_460 = tpu.memref_slice %arg7[%dma_wait3A_458, %dma_wait3A_459] : memref<6x128xi32, #tpu.memory_space<vmem>> -> memref<1x128xi32, #tpu.memory_space<vmem>>
      %dma_wait3A_461 = tpu.memref_squeeze %dma_wait3A_460 : memref<1x128xi32, #tpu.memory_space<vmem>> -> memref<128xi32, #tpu.memory_space<vmem>>
      %dma_wait3A_462 = arith.constant 0 : i32
      %dma_wait3A_463 = arith.constant 0 : i32
      %dma_wait3A_464 = tpu.memref_slice %arg9[%dma_wait3A_462, %dma_wait3A_463] : memref<50000x64xbf16, #tpu.memory_space<vmem_shared>> -> memref<50000x64xbf16, #tpu.memory_space<vmem_shared>>
      tpu.wait_indirect_dma semaphore(%arg32 : memref<!tpu.dma_semaphore, #tpu.memory_space<semaphore_mem>>) src(%arg14 : memref<128x64xbf16, #tpu.memory_space<vmem>>) dst(%dma_wait3A_464 : memref<50000x64xbf16, #tpu.memory_space<vmem_shared>>)
      %dma_wait3A_465 = arith.constant 5 : i32
      %dma_wait3A_466 = arith.constant 0 : i32
      %dma_wait3A_467 = tpu.memref_slice %arg7[%dma_wait3A_465, %dma_wait3A_466] : memref<6x128xi32, #tpu.memory_space<vmem>> -> memref<1x128xi32, #tpu.memory_space<vmem>>
      %dma_wait3A_468 = tpu.memref_squeeze %dma_wait3A_467 : memref<1x128xi32, #tpu.memory_space<vmem>> -> memref<128xi32, #tpu.memory_space<vmem>>
      %dma_wait3A_469 = arith.constant 0 : i32
      %dma_wait3A_470 = arith.constant 0 : i32
      %dma_wait3A_471 = tpu.memref_slice %arg9[%dma_wait3A_469, %dma_wait3A_470] : memref<50000x64xbf16, #tpu.memory_space<vmem_shared>> -> memref<50000x64xbf16, #tpu.memory_space<vmem_shared>>
      tpu.wait_indirect_dma semaphore(%arg33 : memref<!tpu.dma_semaphore, #tpu.memory_space<semaphore_mem>>) src(%arg15 : memref<128x64xbf16, #tpu.memory_space<vmem>>) dst(%dma_wait3A_471 : memref<50000x64xbf16, #tpu.memory_space<vmem_shared>>)
      %scan3A_472 = arith.constant 0 : i32
      scf.yield %scan3A_472 : i32
    }
    %scan3A_33 = arith.constant 32 : i32
    %gt3A = arith.constant 192 : i32
    %gt3A_34 = arith.cmpi sgt, %add3A_5, %gt3A : i32
    %convert_element_type3A = arith.extui %gt3A_34 : i1 to i32
    %cond3A = arith.constant 0 : i32
    %cond3A_35 = arith.cmpi ne, %convert_element_type3A, %cond3A : i32
    scf.if %cond3A_35 {
      %add3A_59 = arith.constant 192 : i32
      %add3A_60 = arith.addi %add3A_8, %add3A_59 : i32
      %mul3A_61 = arith.constant 128 : i32
      %mul3A_62 = arith.muli %add3A_60, %mul3A_61 : i32
      %run_scoped3A = arith.constant 0 : i32
      "tpu.region"() ({
        %run_scoped3A_81 = tpu.sem_alloc : memref<!tpu.dma_semaphore, #tpu.memory_space<semaphore_mem>>
        %dma_start3A_82 = arith.constant 0 : i32
        %dma_start3A_83 = tpu.memref_slice %arg6[%run_scoped3A, %dma_start3A_82] : memref<6x128xi32, #tpu.memory_space<vmem>> -> memref<1x128xi32, #tpu.memory_space<vmem>>
        %dma_start3A_84 = tpu.memref_squeeze %dma_start3A_83 : memref<1x128xi32, #tpu.memory_space<vmem>> -> memref<128xi32, #tpu.memory_space<vmem>>
        %dma_start3A_85 = tpu.memref_slice %arg2[%mul3A_62] : memref<800000xi32, #tpu.memory_space<hbm>> -> memref<128xi32, #tpu.memory_space<hbm>>
        %dma_start3A_86 = arith.constant 0 : i32
        %dma_start3A_87 = tpu.memref_slice %arg6[%run_scoped3A, %dma_start3A_86] : memref<6x128xi32, #tpu.memory_space<vmem>> -> memref<1x128xi32, #tpu.memory_space<vmem>>
        %dma_start3A_88 = tpu.memref_squeeze %dma_start3A_87 : memref<1x128xi32, #tpu.memory_space<vmem>> -> memref<128xi32, #tpu.memory_space<vmem>>
        %dma_start3A_89 = tpu.memref_slice %arg2[%mul3A_62] : memref<800000xi32, #tpu.memory_space<hbm>> -> memref<128xi32, #tpu.memory_space<hbm>>
        tpu.enqueue_dma source(%dma_start3A_89 : memref<128xi32, #tpu.memory_space<hbm>>) target(%dma_start3A_88 : memref<128xi32, #tpu.memory_space<vmem>>) target_semaphore(%run_scoped3A_81 : memref<!tpu.dma_semaphore, #tpu.memory_space<semaphore_mem>>)
        %dma_wait3A_90 = arith.constant 0 : i32
        %dma_wait3A_91 = tpu.memref_slice %arg6[%run_scoped3A, %dma_wait3A_90] : memref<6x128xi32, #tpu.memory_space<vmem>> -> memref<1x128xi32, #tpu.memory_space<vmem>>
        %dma_wait3A_92 = tpu.memref_squeeze %dma_wait3A_91 : memref<1x128xi32, #tpu.memory_space<vmem>> -> memref<128xi32, #tpu.memory_space<vmem>>
        %dma_wait3A_93 = tpu.memref_slice %arg2[%mul3A_62] : memref<800000xi32, #tpu.memory_space<hbm>> -> memref<128xi32, #tpu.memory_space<hbm>>
        %dma_wait3A_94 = arith.constant 0 : i32
        %dma_wait3A_95 = tpu.memref_slice %arg6[%run_scoped3A, %dma_wait3A_94] : memref<6x128xi32, #tpu.memory_space<vmem>> -> memref<1x128xi32, #tpu.memory_space<vmem>>
        %dma_wait3A_96 = tpu.memref_squeeze %dma_wait3A_95 : memref<1x128xi32, #tpu.memory_space<vmem>> -> memref<128xi32, #tpu.memory_space<vmem>>
        %dma_wait3A_97 = tpu.memref_slice %arg2[%mul3A_62] : memref<800000xi32, #tpu.memory_space<hbm>> -> memref<128xi32, #tpu.memory_space<hbm>>
        tpu.wait_dma2 semaphore(%run_scoped3A_81 : memref<!tpu.dma_semaphore, #tpu.memory_space<semaphore_mem>>) src(%dma_wait3A_97 : memref<128xi32, #tpu.memory_space<hbm>>) dst(%dma_wait3A_96 : memref<128xi32, #tpu.memory_space<vmem>>)
        tpu.yield
      }) : () -> ()
      %add3A_63 = arith.constant 192 : i32
      %add3A_64 = arith.addi %add3A_8, %add3A_63 : i32
      %mul3A_65 = arith.constant 128 : i32
      %mul3A_66 = arith.muli %add3A_64, %mul3A_65 : i32
      %run_scoped3A_67 = arith.constant 0 : i32
      "tpu.region"() ({
        %run_scoped3A_81 = tpu.sem_alloc : memref<!tpu.dma_semaphore, #tpu.memory_space<semaphore_mem>>
        %dma_start3A_82 = arith.constant 0 : i32
        %dma_start3A_83 = tpu.memref_slice %arg7[%run_scoped3A_67, %dma_start3A_82] : memref<6x128xi32, #tpu.memory_space<vmem>> -> memref<1x128xi32, #tpu.memory_space<vmem>>
        %dma_start3A_84 = tpu.memref_squeeze %dma_start3A_83 : memref<1x128xi32, #tpu.memory_space<vmem>> -> memref<128xi32, #tpu.memory_space<vmem>>
        %dma_start3A_85 = tpu.memref_slice %arg3[%mul3A_66] : memref<800000xi32, #tpu.memory_space<hbm>> -> memref<128xi32, #tpu.memory_space<hbm>>
        %dma_start3A_86 = arith.constant 0 : i32
        %dma_start3A_87 = tpu.memref_slice %arg7[%run_scoped3A_67, %dma_start3A_86] : memref<6x128xi32, #tpu.memory_space<vmem>> -> memref<1x128xi32, #tpu.memory_space<vmem>>
        %dma_start3A_88 = tpu.memref_squeeze %dma_start3A_87 : memref<1x128xi32, #tpu.memory_space<vmem>> -> memref<128xi32, #tpu.memory_space<vmem>>
        %dma_start3A_89 = tpu.memref_slice %arg3[%mul3A_66] : memref<800000xi32, #tpu.memory_space<hbm>> -> memref<128xi32, #tpu.memory_space<hbm>>
        tpu.enqueue_dma source(%dma_start3A_89 : memref<128xi32, #tpu.memory_space<hbm>>) target(%dma_start3A_88 : memref<128xi32, #tpu.memory_space<vmem>>) target_semaphore(%run_scoped3A_81 : memref<!tpu.dma_semaphore, #tpu.memory_space<semaphore_mem>>)
        %dma_wait3A_90 = arith.constant 0 : i32
        %dma_wait3A_91 = tpu.memref_slice %arg7[%run_scoped3A_67, %dma_wait3A_90] : memref<6x128xi32, #tpu.memory_space<vmem>> -> memref<1x128xi32, #tpu.memory_space<vmem>>
        %dma_wait3A_92 = tpu.memref_squeeze %dma_wait3A_91 : memref<1x128xi32, #tpu.memory_space<vmem>> -> memref<128xi32, #tpu.memory_space<vmem>>
        %dma_wait3A_93 = tpu.memref_slice %arg3[%mul3A_66] : memref<800000xi32, #tpu.memory_space<hbm>> -> memref<128xi32, #tpu.memory_space<hbm>>
        %dma_wait3A_94 = arith.constant 0 : i32
        %dma_wait3A_95 = tpu.memref_slice %arg7[%run_scoped3A_67, %dma_wait3A_94] : memref<6x128xi32, #tpu.memory_space<vmem>> -> memref<1x128xi32, #tpu.memory_space<vmem>>
        %dma_wait3A_96 = tpu.memref_squeeze %dma_wait3A_95 : memref<1x128xi32, #tpu.memory_space<vmem>> -> memref<128xi32, #tpu.memory_space<vmem>>
        %dma_wait3A_97 = tpu.memref_slice %arg3[%mul3A_66] : memref<800000xi32, #tpu.memory_space<hbm>> -> memref<128xi32, #tpu.memory_space<hbm>>
        tpu.wait_dma2 semaphore(%run_scoped3A_81 : memref<!tpu.dma_semaphore, #tpu.memory_space<semaphore_mem>>) src(%dma_wait3A_97 : memref<128xi32, #tpu.memory_space<hbm>>) dst(%dma_wait3A_96 : memref<128xi32, #tpu.memory_space<vmem>>)
        tpu.yield
      }) : () -> ()
      %dma_start3A = arith.constant 0 : i32
      %dma_start3A_68 = arith.constant 0 : i32
      %dma_start3A_69 = tpu.memref_slice %arg6[%dma_start3A, %dma_start3A_68] : memref<6x128xi32, #tpu.memory_space<vmem>> -> memref<1x128xi32, #tpu.memory_space<vmem>>
      %dma_start3A_70 = tpu.memref_squeeze %dma_start3A_69 : memref<1x128xi32, #tpu.memory_space<vmem>> -> memref<128xi32, #tpu.memory_space<vmem>>
      %dma_start3A_71 = arith.constant 0 : i32
      %dma_start3A_72 = arith.constant 0 : i32
      %dma_start3A_73 = tpu.memref_slice %arg4[%dma_start3A_71, %dma_start3A_72] : memref<50048x64xbf16, #tpu.memory_space<hbm>> -> memref<50048x64xbf16, #tpu.memory_space<hbm>>
      tpu.enqueue_indirect_dma source(%dma_start3A_73 : memref<50048x64xbf16, #tpu.memory_space<hbm>>) target(%arg10 : memref<128x64xbf16, #tpu.memory_space<vmem>>) offsets(%dma_start3A_70 : memref<128xi32, #tpu.memory_space<vmem>>) semaphore(%arg22 : memref<!tpu.dma_semaphore, #tpu.memory_space<semaphore_mem>>)
      %dma_wait3A = arith.constant 0 : i32
      %dma_wait3A_74 = arith.constant 0 : i32
      %dma_wait3A_75 = tpu.memref_slice %arg6[%dma_wait3A, %dma_wait3A_74] : memref<6x128xi32, #tpu.memory_space<vmem>> -> memref<1x128xi32, #tpu.memory_space<vmem>>
      %dma_wait3A_76 = tpu.memref_squeeze %dma_wait3A_75 : memref<1x128xi32, #tpu.memory_space<vmem>> -> memref<128xi32, #tpu.memory_space<vmem>>
      %dma_wait3A_77 = arith.constant 0 : i32
      %dma_wait3A_78 = arith.constant 0 : i32
      %dma_wait3A_79 = tpu.memref_slice %arg4[%dma_wait3A_77, %dma_wait3A_78] : memref<50048x64xbf16, #tpu.memory_space<hbm>> -> memref<50048x64xbf16, #tpu.memory_space<hbm>>
      tpu.wait_indirect_dma semaphore(%arg22 : memref<!tpu.dma_semaphore, #tpu.memory_space<semaphore_mem>>) src(%dma_wait3A_79 : memref<50048x64xbf16, #tpu.memory_space<hbm>>) dst(%arg10 : memref<128x64xbf16, #tpu.memory_space<vmem>>)
      %run_scoped3A_80 = arith.constant 0 : i32
      "tpu.region"() ({
        %run_scoped3A_81 = tpu.sem_alloc : memref<!tpu.dma_semaphore, #tpu.memory_space<semaphore_mem>>
        %dma_start3A_82 = arith.constant 0 : i32
        %dma_start3A_83 = tpu.memref_slice %arg7[%run_scoped3A_80, %dma_start3A_82] : memref<6x128xi32, #tpu.memory_space<vmem>> -> memref<1x128xi32, #tpu.memory_space<vmem>>
        %dma_start3A_84 = tpu.memref_squeeze %dma_start3A_83 : memref<1x128xi32, #tpu.memory_space<vmem>> -> memref<128xi32, #tpu.memory_space<vmem>>
        %dma_start3A_85 = arith.constant 0 : i32
        %dma_start3A_86 = arith.constant 0 : i32
        %dma_start3A_87 = tpu.memref_slice %arg9[%dma_start3A_85, %dma_start3A_86] : memref<50000x64xbf16, #tpu.memory_space<vmem_shared>> -> memref<50000x64xbf16, #tpu.memory_space<vmem_shared>>
        tpu.enqueue_indirect_dma source(%arg10 : memref<128x64xbf16, #tpu.memory_space<vmem>>) target(%dma_start3A_87 : memref<50000x64xbf16, #tpu.memory_space<vmem_shared>>) offsets(%dma_start3A_84 : memref<128xi32, #tpu.memory_space<vmem>>) semaphore(%run_scoped3A_81 : memref<!tpu.dma_semaphore, #tpu.memory_space<semaphore_mem>>) {add = true}
        %dma_wait3A_88 = arith.constant 0 : i32
        %dma_wait3A_89 = tpu.memref_slice %arg7[%run_scoped3A_80, %dma_wait3A_88] : memref<6x128xi32, #tpu.memory_space<vmem>> -> memref<1x128xi32, #tpu.memory_space<vmem>>
        %dma_wait3A_90 = tpu.memref_squeeze %dma_wait3A_89 : memref<1x128xi32, #tpu.memory_space<vmem>> -> memref<128xi32, #tpu.memory_space<vmem>>
        %dma_wait3A_91 = arith.constant 0 : i32
        %dma_wait3A_92 = arith.constant 0 : i32
        %dma_wait3A_93 = tpu.memref_slice %arg9[%dma_wait3A_91, %dma_wait3A_92] : memref<50000x64xbf16, #tpu.memory_space<vmem_shared>> -> memref<50000x64xbf16, #tpu.memory_space<vmem_shared>>
        tpu.wait_indirect_dma semaphore(%run_scoped3A_81 : memref<!tpu.dma_semaphore, #tpu.memory_space<semaphore_mem>>) src(%arg10 : memref<128x64xbf16, #tpu.memory_space<vmem>>) dst(%dma_wait3A_93 : memref<50000x64xbf16, #tpu.memory_space<vmem_shared>>)
        tpu.yield
      }) : () -> ()
    } else {
    }
    %gt3A_36 = arith.constant 193 : i32
    %gt3A_37 = arith.cmpi sgt, %add3A_5, %gt3A_36 : i32
    %convert_element_type3A_38 = arith.extui %gt3A_37 : i1 to i32
    %cond3A_39 = arith.constant 0 : i32
    %cond3A_40 = arith.cmpi ne, %convert_element_type3A_38, %cond3A_39 : i32
    scf.if %cond3A_40 {
      %add3A_59 = arith.constant 193 : i32
      %add3A_60 = arith.addi %add3A_8, %add3A_59 : i32
      %mul3A_61 = arith.constant 128 : i32
      %mul3A_62 = arith.muli %add3A_60, %mul3A_61 : i32
      %run_scoped3A = arith.constant 0 : i32
      "tpu.region"() ({
        %run_scoped3A_81 = tpu.sem_alloc : memref<!tpu.dma_semaphore, #tpu.memory_space<semaphore_mem>>
        %dma_start3A_82 = arith.constant 0 : i32
        %dma_start3A_83 = tpu.memref_slice %arg6[%run_scoped3A, %dma_start3A_82] : memref<6x128xi32, #tpu.memory_space<vmem>> -> memref<1x128xi32, #tpu.memory_space<vmem>>
        %dma_start3A_84 = tpu.memref_squeeze %dma_start3A_83 : memref<1x128xi32, #tpu.memory_space<vmem>> -> memref<128xi32, #tpu.memory_space<vmem>>
        %dma_start3A_85 = tpu.memref_slice %arg2[%mul3A_62] : memref<800000xi32, #tpu.memory_space<hbm>> -> memref<128xi32, #tpu.memory_space<hbm>>
        %dma_start3A_86 = arith.constant 0 : i32
        %dma_start3A_87 = tpu.memref_slice %arg6[%run_scoped3A, %dma_start3A_86] : memref<6x128xi32, #tpu.memory_space<vmem>> -> memref<1x128xi32, #tpu.memory_space<vmem>>
        %dma_start3A_88 = tpu.memref_squeeze %dma_start3A_87 : memref<1x128xi32, #tpu.memory_space<vmem>> -> memref<128xi32, #tpu.memory_space<vmem>>
        %dma_start3A_89 = tpu.memref_slice %arg2[%mul3A_62] : memref<800000xi32, #tpu.memory_space<hbm>> -> memref<128xi32, #tpu.memory_space<hbm>>
        tpu.enqueue_dma source(%dma_start3A_89 : memref<128xi32, #tpu.memory_space<hbm>>) target(%dma_start3A_88 : memref<128xi32, #tpu.memory_space<vmem>>) target_semaphore(%run_scoped3A_81 : memref<!tpu.dma_semaphore, #tpu.memory_space<semaphore_mem>>)
        %dma_wait3A_90 = arith.constant 0 : i32
        %dma_wait3A_91 = tpu.memref_slice %arg6[%run_scoped3A, %dma_wait3A_90] : memref<6x128xi32, #tpu.memory_space<vmem>> -> memref<1x128xi32, #tpu.memory_space<vmem>>
        %dma_wait3A_92 = tpu.memref_squeeze %dma_wait3A_91 : memref<1x128xi32, #tpu.memory_space<vmem>> -> memref<128xi32, #tpu.memory_space<vmem>>
        %dma_wait3A_93 = tpu.memref_slice %arg2[%mul3A_62] : memref<800000xi32, #tpu.memory_space<hbm>> -> memref<128xi32, #tpu.memory_space<hbm>>
        %dma_wait3A_94 = arith.constant 0 : i32
        %dma_wait3A_95 = tpu.memref_slice %arg6[%run_scoped3A, %dma_wait3A_94] : memref<6x128xi32, #tpu.memory_space<vmem>> -> memref<1x128xi32, #tpu.memory_space<vmem>>
        %dma_wait3A_96 = tpu.memref_squeeze %dma_wait3A_95 : memref<1x128xi32, #tpu.memory_space<vmem>> -> memref<128xi32, #tpu.memory_space<vmem>>
        %dma_wait3A_97 = tpu.memref_slice %arg2[%mul3A_62] : memref<800000xi32, #tpu.memory_space<hbm>> -> memref<128xi32, #tpu.memory_space<hbm>>
        tpu.wait_dma2 semaphore(%run_scoped3A_81 : memref<!tpu.dma_semaphore, #tpu.memory_space<semaphore_mem>>) src(%dma_wait3A_97 : memref<128xi32, #tpu.memory_space<hbm>>) dst(%dma_wait3A_96 : memref<128xi32, #tpu.memory_space<vmem>>)
        tpu.yield
      }) : () -> ()
      %add3A_63 = arith.constant 193 : i32
      %add3A_64 = arith.addi %add3A_8, %add3A_63 : i32
      %mul3A_65 = arith.constant 128 : i32
      %mul3A_66 = arith.muli %add3A_64, %mul3A_65 : i32
      %run_scoped3A_67 = arith.constant 0 : i32
      "tpu.region"() ({
        %run_scoped3A_81 = tpu.sem_alloc : memref<!tpu.dma_semaphore, #tpu.memory_space<semaphore_mem>>
        %dma_start3A_82 = arith.constant 0 : i32
        %dma_start3A_83 = tpu.memref_slice %arg7[%run_scoped3A_67, %dma_start3A_82] : memref<6x128xi32, #tpu.memory_space<vmem>> -> memref<1x128xi32, #tpu.memory_space<vmem>>
        %dma_start3A_84 = tpu.memref_squeeze %dma_start3A_83 : memref<1x128xi32, #tpu.memory_space<vmem>> -> memref<128xi32, #tpu.memory_space<vmem>>
        %dma_start3A_85 = tpu.memref_slice %arg3[%mul3A_66] : memref<800000xi32, #tpu.memory_space<hbm>> -> memref<128xi32, #tpu.memory_space<hbm>>
        %dma_start3A_86 = arith.constant 0 : i32
        %dma_start3A_87 = tpu.memref_slice %arg7[%run_scoped3A_67, %dma_start3A_86] : memref<6x128xi32, #tpu.memory_space<vmem>> -> memref<1x128xi32, #tpu.memory_space<vmem>>
        %dma_start3A_88 = tpu.memref_squeeze %dma_start3A_87 : memref<1x128xi32, #tpu.memory_space<vmem>> -> memref<128xi32, #tpu.memory_space<vmem>>
        %dma_start3A_89 = tpu.memref_slice %arg3[%mul3A_66] : memref<800000xi32, #tpu.memory_space<hbm>> -> memref<128xi32, #tpu.memory_space<hbm>>
        tpu.enqueue_dma source(%dma_start3A_89 : memref<128xi32, #tpu.memory_space<hbm>>) target(%dma_start3A_88 : memref<128xi32, #tpu.memory_space<vmem>>) target_semaphore(%run_scoped3A_81 : memref<!tpu.dma_semaphore, #tpu.memory_space<semaphore_mem>>)
        %dma_wait3A_90 = arith.constant 0 : i32
        %dma_wait3A_91 = tpu.memref_slice %arg7[%run_scoped3A_67, %dma_wait3A_90] : memref<6x128xi32, #tpu.memory_space<vmem>> -> memref<1x128xi32, #tpu.memory_space<vmem>>
        %dma_wait3A_92 = tpu.memref_squeeze %dma_wait3A_91 : memref<1x128xi32, #tpu.memory_space<vmem>> -> memref<128xi32, #tpu.memory_space<vmem>>
        %dma_wait3A_93 = tpu.memref_slice %arg3[%mul3A_66] : memref<800000xi32, #tpu.memory_space<hbm>> -> memref<128xi32, #tpu.memory_space<hbm>>
        %dma_wait3A_94 = arith.constant 0 : i32
        %dma_wait3A_95 = tpu.memref_slice %arg7[%run_scoped3A_67, %dma_wait3A_94] : memref<6x128xi32, #tpu.memory_space<vmem>> -> memref<1x128xi32, #tpu.memory_space<vmem>>
        %dma_wait3A_96 = tpu.memref_squeeze %dma_wait3A_95 : memref<1x128xi32, #tpu.memory_space<vmem>> -> memref<128xi32, #tpu.memory_space<vmem>>
        %dma_wait3A_97 = tpu.memref_slice %arg3[%mul3A_66] : memref<800000xi32, #tpu.memory_space<hbm>> -> memref<128xi32, #tpu.memory_space<hbm>>
        tpu.wait_dma2 semaphore(%run_scoped3A_81 : memref<!tpu.dma_semaphore, #tpu.memory_space<semaphore_mem>>) src(%dma_wait3A_97 : memref<128xi32, #tpu.memory_space<hbm>>) dst(%dma_wait3A_96 : memref<128xi32, #tpu.memory_space<vmem>>)
        tpu.yield
      }) : () -> ()
      %dma_start3A = arith.constant 0 : i32
      %dma_start3A_68 = arith.constant 0 : i32
      %dma_start3A_69 = tpu.memref_slice %arg6[%dma_start3A, %dma_start3A_68] : memref<6x128xi32, #tpu.memory_space<vmem>> -> memref<1x128xi32, #tpu.memory_space<vmem>>
      %dma_start3A_70 = tpu.memref_squeeze %dma_start3A_69 : memref<1x128xi32, #tpu.memory_space<vmem>> -> memref<128xi32, #tpu.memory_space<vmem>>
      %dma_start3A_71 = arith.constant 0 : i32
      %dma_start3A_72 = arith.constant 0 : i32
      %dma_start3A_73 = tpu.memref_slice %arg4[%dma_start3A_71, %dma_start3A_72] : memref<50048x64xbf16, #tpu.memory_space<hbm>> -> memref<50048x64xbf16, #tpu.memory_space<hbm>>
      tpu.enqueue_indirect_dma source(%dma_start3A_73 : memref<50048x64xbf16, #tpu.memory_space<hbm>>) target(%arg10 : memref<128x64xbf16, #tpu.memory_space<vmem>>) offsets(%dma_start3A_70 : memref<128xi32, #tpu.memory_space<vmem>>) semaphore(%arg22 : memref<!tpu.dma_semaphore, #tpu.memory_space<semaphore_mem>>)
      %dma_wait3A = arith.constant 0 : i32
      %dma_wait3A_74 = arith.constant 0 : i32
      %dma_wait3A_75 = tpu.memref_slice %arg6[%dma_wait3A, %dma_wait3A_74] : memref<6x128xi32, #tpu.memory_space<vmem>> -> memref<1x128xi32, #tpu.memory_space<vmem>>
      %dma_wait3A_76 = tpu.memref_squeeze %dma_wait3A_75 : memref<1x128xi32, #tpu.memory_space<vmem>> -> memref<128xi32, #tpu.memory_space<vmem>>
      %dma_wait3A_77 = arith.constant 0 : i32
      %dma_wait3A_78 = arith.constant 0 : i32
      %dma_wait3A_79 = tpu.memref_slice %arg4[%dma_wait3A_77, %dma_wait3A_78] : memref<50048x64xbf16, #tpu.memory_space<hbm>> -> memref<50048x64xbf16, #tpu.memory_space<hbm>>
      tpu.wait_indirect_dma semaphore(%arg22 : memref<!tpu.dma_semaphore, #tpu.memory_space<semaphore_mem>>) src(%dma_wait3A_79 : memref<50048x64xbf16, #tpu.memory_space<hbm>>) dst(%arg10 : memref<128x64xbf16, #tpu.memory_space<vmem>>)
      %run_scoped3A_80 = arith.constant 0 : i32
      "tpu.region"() ({
        %run_scoped3A_81 = tpu.sem_alloc : memref<!tpu.dma_semaphore, #tpu.memory_space<semaphore_mem>>
        %dma_start3A_82 = arith.constant 0 : i32
        %dma_start3A_83 = tpu.memref_slice %arg7[%run_scoped3A_80, %dma_start3A_82] : memref<6x128xi32, #tpu.memory_space<vmem>> -> memref<1x128xi32, #tpu.memory_space<vmem>>
        %dma_start3A_84 = tpu.memref_squeeze %dma_start3A_83 : memref<1x128xi32, #tpu.memory_space<vmem>> -> memref<128xi32, #tpu.memory_space<vmem>>
        %dma_start3A_85 = arith.constant 0 : i32
        %dma_start3A_86 = arith.constant 0 : i32
        %dma_start3A_87 = tpu.memref_slice %arg9[%dma_start3A_85, %dma_start3A_86] : memref<50000x64xbf16, #tpu.memory_space<vmem_shared>> -> memref<50000x64xbf16, #tpu.memory_space<vmem_shared>>
        tpu.enqueue_indirect_dma source(%arg10 : memref<128x64xbf16, #tpu.memory_space<vmem>>) target(%dma_start3A_87 : memref<50000x64xbf16, #tpu.memory_space<vmem_shared>>) offsets(%dma_start3A_84 : memref<128xi32, #tpu.memory_space<vmem>>) semaphore(%run_scoped3A_81 : memref<!tpu.dma_semaphore, #tpu.memory_space<semaphore_mem>>) {add = true}
        %dma_wait3A_88 = arith.constant 0 : i32
        %dma_wait3A_89 = tpu.memref_slice %arg7[%run_scoped3A_80, %dma_wait3A_88] : memref<6x128xi32, #tpu.memory_space<vmem>> -> memref<1x128xi32, #tpu.memory_space<vmem>>
        %dma_wait3A_90 = tpu.memref_squeeze %dma_wait3A_89 : memref<1x128xi32, #tpu.memory_space<vmem>> -> memref<128xi32, #tpu.memory_space<vmem>>
        %dma_wait3A_91 = arith.constant 0 : i32
        %dma_wait3A_92 = arith.constant 0 : i32
        %dma_wait3A_93 = tpu.memref_slice %arg9[%dma_wait3A_91, %dma_wait3A_92] : memref<50000x64xbf16, #tpu.memory_space<vmem_shared>> -> memref<50000x64xbf16, #tpu.memory_space<vmem_shared>>
        tpu.wait_indirect_dma semaphore(%run_scoped3A_81 : memref<!tpu.dma_semaphore, #tpu.memory_space<semaphore_mem>>) src(%arg10 : memref<128x64xbf16, #tpu.memory_space<vmem>>) dst(%dma_wait3A_93 : memref<50000x64xbf16, #tpu.memory_space<vmem_shared>>)
        tpu.yield
      }) : () -> ()
    } else {
    }
    %gt3A_41 = arith.constant 194 : i32
    %gt3A_42 = arith.cmpi sgt, %add3A_5, %gt3A_41 : i32
    %convert_element_type3A_43 = arith.extui %gt3A_42 : i1 to i32
    %cond3A_44 = arith.constant 0 : i32
    %cond3A_45 = arith.cmpi ne, %convert_element_type3A_43, %cond3A_44 : i32
    scf.if %cond3A_45 {
      %add3A_59 = arith.constant 194 : i32
      %add3A_60 = arith.addi %add3A_8, %add3A_59 : i32
      %mul3A_61 = arith.constant 128 : i32
      %mul3A_62 = arith.muli %add3A_60, %mul3A_61 : i32
      %run_scoped3A = arith.constant 0 : i32
      "tpu.region"() ({
        %run_scoped3A_81 = tpu.sem_alloc : memref<!tpu.dma_semaphore, #tpu.memory_space<semaphore_mem>>
        %dma_start3A_82 = arith.constant 0 : i32
        %dma_start3A_83 = tpu.memref_slice %arg6[%run_scoped3A, %dma_start3A_82] : memref<6x128xi32, #tpu.memory_space<vmem>> -> memref<1x128xi32, #tpu.memory_space<vmem>>
        %dma_start3A_84 = tpu.memref_squeeze %dma_start3A_83 : memref<1x128xi32, #tpu.memory_space<vmem>> -> memref<128xi32, #tpu.memory_space<vmem>>
        %dma_start3A_85 = tpu.memref_slice %arg2[%mul3A_62] : memref<800000xi32, #tpu.memory_space<hbm>> -> memref<128xi32, #tpu.memory_space<hbm>>
        %dma_start3A_86 = arith.constant 0 : i32
        %dma_start3A_87 = tpu.memref_slice %arg6[%run_scoped3A, %dma_start3A_86] : memref<6x128xi32, #tpu.memory_space<vmem>> -> memref<1x128xi32, #tpu.memory_space<vmem>>
        %dma_start3A_88 = tpu.memref_squeeze %dma_start3A_87 : memref<1x128xi32, #tpu.memory_space<vmem>> -> memref<128xi32, #tpu.memory_space<vmem>>
        %dma_start3A_89 = tpu.memref_slice %arg2[%mul3A_62] : memref<800000xi32, #tpu.memory_space<hbm>> -> memref<128xi32, #tpu.memory_space<hbm>>
        tpu.enqueue_dma source(%dma_start3A_89 : memref<128xi32, #tpu.memory_space<hbm>>) target(%dma_start3A_88 : memref<128xi32, #tpu.memory_space<vmem>>) target_semaphore(%run_scoped3A_81 : memref<!tpu.dma_semaphore, #tpu.memory_space<semaphore_mem>>)
        %dma_wait3A_90 = arith.constant 0 : i32
        %dma_wait3A_91 = tpu.memref_slice %arg6[%run_scoped3A, %dma_wait3A_90] : memref<6x128xi32, #tpu.memory_space<vmem>> -> memref<1x128xi32, #tpu.memory_space<vmem>>
        %dma_wait3A_92 = tpu.memref_squeeze %dma_wait3A_91 : memref<1x128xi32, #tpu.memory_space<vmem>> -> memref<128xi32, #tpu.memory_space<vmem>>
        %dma_wait3A_93 = tpu.memref_slice %arg2[%mul3A_62] : memref<800000xi32, #tpu.memory_space<hbm>> -> memref<128xi32, #tpu.memory_space<hbm>>
        %dma_wait3A_94 = arith.constant 0 : i32
        %dma_wait3A_95 = tpu.memref_slice %arg6[%run_scoped3A, %dma_wait3A_94] : memref<6x128xi32, #tpu.memory_space<vmem>> -> memref<1x128xi32, #tpu.memory_space<vmem>>
        %dma_wait3A_96 = tpu.memref_squeeze %dma_wait3A_95 : memref<1x128xi32, #tpu.memory_space<vmem>> -> memref<128xi32, #tpu.memory_space<vmem>>
        %dma_wait3A_97 = tpu.memref_slice %arg2[%mul3A_62] : memref<800000xi32, #tpu.memory_space<hbm>> -> memref<128xi32, #tpu.memory_space<hbm>>
        tpu.wait_dma2 semaphore(%run_scoped3A_81 : memref<!tpu.dma_semaphore, #tpu.memory_space<semaphore_mem>>) src(%dma_wait3A_97 : memref<128xi32, #tpu.memory_space<hbm>>) dst(%dma_wait3A_96 : memref<128xi32, #tpu.memory_space<vmem>>)
        tpu.yield
      }) : () -> ()
      %add3A_63 = arith.constant 194 : i32
      %add3A_64 = arith.addi %add3A_8, %add3A_63 : i32
      %mul3A_65 = arith.constant 128 : i32
      %mul3A_66 = arith.muli %add3A_64, %mul3A_65 : i32
      %run_scoped3A_67 = arith.constant 0 : i32
      "tpu.region"() ({
        %run_scoped3A_81 = tpu.sem_alloc : memref<!tpu.dma_semaphore, #tpu.memory_space<semaphore_mem>>
        %dma_start3A_82 = arith.constant 0 : i32
        %dma_start3A_83 = tpu.memref_slice %arg7[%run_scoped3A_67, %dma_start3A_82] : memref<6x128xi32, #tpu.memory_space<vmem>> -> memref<1x128xi32, #tpu.memory_space<vmem>>
        %dma_start3A_84 = tpu.memref_squeeze %dma_start3A_83 : memref<1x128xi32, #tpu.memory_space<vmem>> -> memref<128xi32, #tpu.memory_space<vmem>>
        %dma_start3A_85 = tpu.memref_slice %arg3[%mul3A_66] : memref<800000xi32, #tpu.memory_space<hbm>> -> memref<128xi32, #tpu.memory_space<hbm>>
        %dma_start3A_86 = arith.constant 0 : i32
        %dma_start3A_87 = tpu.memref_slice %arg7[%run_scoped3A_67, %dma_start3A_86] : memref<6x128xi32, #tpu.memory_space<vmem>> -> memref<1x128xi32, #tpu.memory_space<vmem>>
        %dma_start3A_88 = tpu.memref_squeeze %dma_start3A_87 : memref<1x128xi32, #tpu.memory_space<vmem>> -> memref<128xi32, #tpu.memory_space<vmem>>
        %dma_start3A_89 = tpu.memref_slice %arg3[%mul3A_66] : memref<800000xi32, #tpu.memory_space<hbm>> -> memref<128xi32, #tpu.memory_space<hbm>>
        tpu.enqueue_dma source(%dma_start3A_89 : memref<128xi32, #tpu.memory_space<hbm>>) target(%dma_start3A_88 : memref<128xi32, #tpu.memory_space<vmem>>) target_semaphore(%run_scoped3A_81 : memref<!tpu.dma_semaphore, #tpu.memory_space<semaphore_mem>>)
        %dma_wait3A_90 = arith.constant 0 : i32
        %dma_wait3A_91 = tpu.memref_slice %arg7[%run_scoped3A_67, %dma_wait3A_90] : memref<6x128xi32, #tpu.memory_space<vmem>> -> memref<1x128xi32, #tpu.memory_space<vmem>>
        %dma_wait3A_92 = tpu.memref_squeeze %dma_wait3A_91 : memref<1x128xi32, #tpu.memory_space<vmem>> -> memref<128xi32, #tpu.memory_space<vmem>>
        %dma_wait3A_93 = tpu.memref_slice %arg3[%mul3A_66] : memref<800000xi32, #tpu.memory_space<hbm>> -> memref<128xi32, #tpu.memory_space<hbm>>
        %dma_wait3A_94 = arith.constant 0 : i32
        %dma_wait3A_95 = tpu.memref_slice %arg7[%run_scoped3A_67, %dma_wait3A_94] : memref<6x128xi32, #tpu.memory_space<vmem>> -> memref<1x128xi32, #tpu.memory_space<vmem>>
        %dma_wait3A_96 = tpu.memref_squeeze %dma_wait3A_95 : memref<1x128xi32, #tpu.memory_space<vmem>> -> memref<128xi32, #tpu.memory_space<vmem>>
        %dma_wait3A_97 = tpu.memref_slice %arg3[%mul3A_66] : memref<800000xi32, #tpu.memory_space<hbm>> -> memref<128xi32, #tpu.memory_space<hbm>>
        tpu.wait_dma2 semaphore(%run_scoped3A_81 : memref<!tpu.dma_semaphore, #tpu.memory_space<semaphore_mem>>) src(%dma_wait3A_97 : memref<128xi32, #tpu.memory_space<hbm>>) dst(%dma_wait3A_96 : memref<128xi32, #tpu.memory_space<vmem>>)
        tpu.yield
      }) : () -> ()
      %dma_start3A = arith.constant 0 : i32
      %dma_start3A_68 = arith.constant 0 : i32
      %dma_start3A_69 = tpu.memref_slice %arg6[%dma_start3A, %dma_start3A_68] : memref<6x128xi32, #tpu.memory_space<vmem>> -> memref<1x128xi32, #tpu.memory_space<vmem>>
      %dma_start3A_70 = tpu.memref_squeeze %dma_start3A_69 : memref<1x128xi32, #tpu.memory_space<vmem>> -> memref<128xi32, #tpu.memory_space<vmem>>
      %dma_start3A_71 = arith.constant 0 : i32
      %dma_start3A_72 = arith.constant 0 : i32
      %dma_start3A_73 = tpu.memref_slice %arg4[%dma_start3A_71, %dma_start3A_72] : memref<50048x64xbf16, #tpu.memory_space<hbm>> -> memref<50048x64xbf16, #tpu.memory_space<hbm>>
      tpu.enqueue_indirect_dma source(%dma_start3A_73 : memref<50048x64xbf16, #tpu.memory_space<hbm>>) target(%arg10 : memref<128x64xbf16, #tpu.memory_space<vmem>>) offsets(%dma_start3A_70 : memref<128xi32, #tpu.memory_space<vmem>>) semaphore(%arg22 : memref<!tpu.dma_semaphore, #tpu.memory_space<semaphore_mem>>)
      %dma_wait3A = arith.constant 0 : i32
      %dma_wait3A_74 = arith.constant 0 : i32
      %dma_wait3A_75 = tpu.memref_slice %arg6[%dma_wait3A, %dma_wait3A_74] : memref<6x128xi32, #tpu.memory_space<vmem>> -> memref<1x128xi32, #tpu.memory_space<vmem>>
      %dma_wait3A_76 = tpu.memref_squeeze %dma_wait3A_75 : memref<1x128xi32, #tpu.memory_space<vmem>> -> memref<128xi32, #tpu.memory_space<vmem>>
      %dma_wait3A_77 = arith.constant 0 : i32
      %dma_wait3A_78 = arith.constant 0 : i32
      %dma_wait3A_79 = tpu.memref_slice %arg4[%dma_wait3A_77, %dma_wait3A_78] : memref<50048x64xbf16, #tpu.memory_space<hbm>> -> memref<50048x64xbf16, #tpu.memory_space<hbm>>
      tpu.wait_indirect_dma semaphore(%arg22 : memref<!tpu.dma_semaphore, #tpu.memory_space<semaphore_mem>>) src(%dma_wait3A_79 : memref<50048x64xbf16, #tpu.memory_space<hbm>>) dst(%arg10 : memref<128x64xbf16, #tpu.memory_space<vmem>>)
      %run_scoped3A_80 = arith.constant 0 : i32
      "tpu.region"() ({
        %run_scoped3A_81 = tpu.sem_alloc : memref<!tpu.dma_semaphore, #tpu.memory_space<semaphore_mem>>
        %dma_start3A_82 = arith.constant 0 : i32
        %dma_start3A_83 = tpu.memref_slice %arg7[%run_scoped3A_80, %dma_start3A_82] : memref<6x128xi32, #tpu.memory_space<vmem>> -> memref<1x128xi32, #tpu.memory_space<vmem>>
        %dma_start3A_84 = tpu.memref_squeeze %dma_start3A_83 : memref<1x128xi32, #tpu.memory_space<vmem>> -> memref<128xi32, #tpu.memory_space<vmem>>
        %dma_start3A_85 = arith.constant 0 : i32
        %dma_start3A_86 = arith.constant 0 : i32
        %dma_start3A_87 = tpu.memref_slice %arg9[%dma_start3A_85, %dma_start3A_86] : memref<50000x64xbf16, #tpu.memory_space<vmem_shared>> -> memref<50000x64xbf16, #tpu.memory_space<vmem_shared>>
        tpu.enqueue_indirect_dma source(%arg10 : memref<128x64xbf16, #tpu.memory_space<vmem>>) target(%dma_start3A_87 : memref<50000x64xbf16, #tpu.memory_space<vmem_shared>>) offsets(%dma_start3A_84 : memref<128xi32, #tpu.memory_space<vmem>>) semaphore(%run_scoped3A_81 : memref<!tpu.dma_semaphore, #tpu.memory_space<semaphore_mem>>) {add = true}
        %dma_wait3A_88 = arith.constant 0 : i32
        %dma_wait3A_89 = tpu.memref_slice %arg7[%run_scoped3A_80, %dma_wait3A_88] : memref<6x128xi32, #tpu.memory_space<vmem>> -> memref<1x128xi32, #tpu.memory_space<vmem>>
        %dma_wait3A_90 = tpu.memref_squeeze %dma_wait3A_89 : memref<1x128xi32, #tpu.memory_space<vmem>> -> memref<128xi32, #tpu.memory_space<vmem>>
        %dma_wait3A_91 = arith.constant 0 : i32
        %dma_wait3A_92 = arith.constant 0 : i32
        %dma_wait3A_93 = tpu.memref_slice %arg9[%dma_wait3A_91, %dma_wait3A_92] : memref<50000x64xbf16, #tpu.memory_space<vmem_shared>> -> memref<50000x64xbf16, #tpu.memory_space<vmem_shared>>
        tpu.wait_indirect_dma semaphore(%run_scoped3A_81 : memref<!tpu.dma_semaphore, #tpu.memory_space<semaphore_mem>>) src(%arg10 : memref<128x64xbf16, #tpu.memory_space<vmem>>) dst(%dma_wait3A_93 : memref<50000x64xbf16, #tpu.memory_space<vmem_shared>>)
        tpu.yield
      }) : () -> ()
    } else {
    }
    %gt3A_46 = arith.constant 195 : i32
    %gt3A_47 = arith.cmpi sgt, %add3A_5, %gt3A_46 : i32
    %convert_element_type3A_48 = arith.extui %gt3A_47 : i1 to i32
    %cond3A_49 = arith.constant 0 : i32
    %cond3A_50 = arith.cmpi ne, %convert_element_type3A_48, %cond3A_49 : i32
    scf.if %cond3A_50 {
      %add3A_59 = arith.constant 195 : i32
      %add3A_60 = arith.addi %add3A_8, %add3A_59 : i32
      %mul3A_61 = arith.constant 128 : i32
      %mul3A_62 = arith.muli %add3A_60, %mul3A_61 : i32
      %run_scoped3A = arith.constant 0 : i32
      "tpu.region"() ({
        %run_scoped3A_81 = tpu.sem_alloc : memref<!tpu.dma_semaphore, #tpu.memory_space<semaphore_mem>>
        %dma_start3A_82 = arith.constant 0 : i32
        %dma_start3A_83 = tpu.memref_slice %arg6[%run_scoped3A, %dma_start3A_82] : memref<6x128xi32, #tpu.memory_space<vmem>> -> memref<1x128xi32, #tpu.memory_space<vmem>>
        %dma_start3A_84 = tpu.memref_squeeze %dma_start3A_83 : memref<1x128xi32, #tpu.memory_space<vmem>> -> memref<128xi32, #tpu.memory_space<vmem>>
        %dma_start3A_85 = tpu.memref_slice %arg2[%mul3A_62] : memref<800000xi32, #tpu.memory_space<hbm>> -> memref<128xi32, #tpu.memory_space<hbm>>
        %dma_start3A_86 = arith.constant 0 : i32
        %dma_start3A_87 = tpu.memref_slice %arg6[%run_scoped3A, %dma_start3A_86] : memref<6x128xi32, #tpu.memory_space<vmem>> -> memref<1x128xi32, #tpu.memory_space<vmem>>
        %dma_start3A_88 = tpu.memref_squeeze %dma_start3A_87 : memref<1x128xi32, #tpu.memory_space<vmem>> -> memref<128xi32, #tpu.memory_space<vmem>>
        %dma_start3A_89 = tpu.memref_slice %arg2[%mul3A_62] : memref<800000xi32, #tpu.memory_space<hbm>> -> memref<128xi32, #tpu.memory_space<hbm>>
        tpu.enqueue_dma source(%dma_start3A_89 : memref<128xi32, #tpu.memory_space<hbm>>) target(%dma_start3A_88 : memref<128xi32, #tpu.memory_space<vmem>>) target_semaphore(%run_scoped3A_81 : memref<!tpu.dma_semaphore, #tpu.memory_space<semaphore_mem>>)
        %dma_wait3A_90 = arith.constant 0 : i32
        %dma_wait3A_91 = tpu.memref_slice %arg6[%run_scoped3A, %dma_wait3A_90] : memref<6x128xi32, #tpu.memory_space<vmem>> -> memref<1x128xi32, #tpu.memory_space<vmem>>
        %dma_wait3A_92 = tpu.memref_squeeze %dma_wait3A_91 : memref<1x128xi32, #tpu.memory_space<vmem>> -> memref<128xi32, #tpu.memory_space<vmem>>
        %dma_wait3A_93 = tpu.memref_slice %arg2[%mul3A_62] : memref<800000xi32, #tpu.memory_space<hbm>> -> memref<128xi32, #tpu.memory_space<hbm>>
        %dma_wait3A_94 = arith.constant 0 : i32
        %dma_wait3A_95 = tpu.memref_slice %arg6[%run_scoped3A, %dma_wait3A_94] : memref<6x128xi32, #tpu.memory_space<vmem>> -> memref<1x128xi32, #tpu.memory_space<vmem>>
        %dma_wait3A_96 = tpu.memref_squeeze %dma_wait3A_95 : memref<1x128xi32, #tpu.memory_space<vmem>> -> memref<128xi32, #tpu.memory_space<vmem>>
        %dma_wait3A_97 = tpu.memref_slice %arg2[%mul3A_62] : memref<800000xi32, #tpu.memory_space<hbm>> -> memref<128xi32, #tpu.memory_space<hbm>>
        tpu.wait_dma2 semaphore(%run_scoped3A_81 : memref<!tpu.dma_semaphore, #tpu.memory_space<semaphore_mem>>) src(%dma_wait3A_97 : memref<128xi32, #tpu.memory_space<hbm>>) dst(%dma_wait3A_96 : memref<128xi32, #tpu.memory_space<vmem>>)
        tpu.yield
      }) : () -> ()
      %add3A_63 = arith.constant 195 : i32
      %add3A_64 = arith.addi %add3A_8, %add3A_63 : i32
      %mul3A_65 = arith.constant 128 : i32
      %mul3A_66 = arith.muli %add3A_64, %mul3A_65 : i32
      %run_scoped3A_67 = arith.constant 0 : i32
      "tpu.region"() ({
        %run_scoped3A_81 = tpu.sem_alloc : memref<!tpu.dma_semaphore, #tpu.memory_space<semaphore_mem>>
        %dma_start3A_82 = arith.constant 0 : i32
        %dma_start3A_83 = tpu.memref_slice %arg7[%run_scoped3A_67, %dma_start3A_82] : memref<6x128xi32, #tpu.memory_space<vmem>> -> memref<1x128xi32, #tpu.memory_space<vmem>>
        %dma_start3A_84 = tpu.memref_squeeze %dma_start3A_83 : memref<1x128xi32, #tpu.memory_space<vmem>> -> memref<128xi32, #tpu.memory_space<vmem>>
        %dma_start3A_85 = tpu.memref_slice %arg3[%mul3A_66] : memref<800000xi32, #tpu.memory_space<hbm>> -> memref<128xi32, #tpu.memory_space<hbm>>
        %dma_start3A_86 = arith.constant 0 : i32
        %dma_start3A_87 = tpu.memref_slice %arg7[%run_scoped3A_67, %dma_start3A_86] : memref<6x128xi32, #tpu.memory_space<vmem>> -> memref<1x128xi32, #tpu.memory_space<vmem>>
        %dma_start3A_88 = tpu.memref_squeeze %dma_start3A_87 : memref<1x128xi32, #tpu.memory_space<vmem>> -> memref<128xi32, #tpu.memory_space<vmem>>
        %dma_start3A_89 = tpu.memref_slice %arg3[%mul3A_66] : memref<800000xi32, #tpu.memory_space<hbm>> -> memref<128xi32, #tpu.memory_space<hbm>>
        tpu.enqueue_dma source(%dma_start3A_89 : memref<128xi32, #tpu.memory_space<hbm>>) target(%dma_start3A_88 : memref<128xi32, #tpu.memory_space<vmem>>) target_semaphore(%run_scoped3A_81 : memref<!tpu.dma_semaphore, #tpu.memory_space<semaphore_mem>>)
        %dma_wait3A_90 = arith.constant 0 : i32
        %dma_wait3A_91 = tpu.memref_slice %arg7[%run_scoped3A_67, %dma_wait3A_90] : memref<6x128xi32, #tpu.memory_space<vmem>> -> memref<1x128xi32, #tpu.memory_space<vmem>>
        %dma_wait3A_92 = tpu.memref_squeeze %dma_wait3A_91 : memref<1x128xi32, #tpu.memory_space<vmem>> -> memref<128xi32, #tpu.memory_space<vmem>>
        %dma_wait3A_93 = tpu.memref_slice %arg3[%mul3A_66] : memref<800000xi32, #tpu.memory_space<hbm>> -> memref<128xi32, #tpu.memory_space<hbm>>
        %dma_wait3A_94 = arith.constant 0 : i32
        %dma_wait3A_95 = tpu.memref_slice %arg7[%run_scoped3A_67, %dma_wait3A_94] : memref<6x128xi32, #tpu.memory_space<vmem>> -> memref<1x128xi32, #tpu.memory_space<vmem>>
        %dma_wait3A_96 = tpu.memref_squeeze %dma_wait3A_95 : memref<1x128xi32, #tpu.memory_space<vmem>> -> memref<128xi32, #tpu.memory_space<vmem>>
        %dma_wait3A_97 = tpu.memref_slice %arg3[%mul3A_66] : memref<800000xi32, #tpu.memory_space<hbm>> -> memref<128xi32, #tpu.memory_space<hbm>>
        tpu.wait_dma2 semaphore(%run_scoped3A_81 : memref<!tpu.dma_semaphore, #tpu.memory_space<semaphore_mem>>) src(%dma_wait3A_97 : memref<128xi32, #tpu.memory_space<hbm>>) dst(%dma_wait3A_96 : memref<128xi32, #tpu.memory_space<vmem>>)
        tpu.yield
      }) : () -> ()
      %dma_start3A = arith.constant 0 : i32
      %dma_start3A_68 = arith.constant 0 : i32
      %dma_start3A_69 = tpu.memref_slice %arg6[%dma_start3A, %dma_start3A_68] : memref<6x128xi32, #tpu.memory_space<vmem>> -> memref<1x128xi32, #tpu.memory_space<vmem>>
      %dma_start3A_70 = tpu.memref_squeeze %dma_start3A_69 : memref<1x128xi32, #tpu.memory_space<vmem>> -> memref<128xi32, #tpu.memory_space<vmem>>
      %dma_start3A_71 = arith.constant 0 : i32
      %dma_start3A_72 = arith.constant 0 : i32
      %dma_start3A_73 = tpu.memref_slice %arg4[%dma_start3A_71, %dma_start3A_72] : memref<50048x64xbf16, #tpu.memory_space<hbm>> -> memref<50048x64xbf16, #tpu.memory_space<hbm>>
      tpu.enqueue_indirect_dma source(%dma_start3A_73 : memref<50048x64xbf16, #tpu.memory_space<hbm>>) target(%arg10 : memref<128x64xbf16, #tpu.memory_space<vmem>>) offsets(%dma_start3A_70 : memref<128xi32, #tpu.memory_space<vmem>>) semaphore(%arg22 : memref<!tpu.dma_semaphore, #tpu.memory_space<semaphore_mem>>)
      %dma_wait3A = arith.constant 0 : i32
      %dma_wait3A_74 = arith.constant 0 : i32
      %dma_wait3A_75 = tpu.memref_slice %arg6[%dma_wait3A, %dma_wait3A_74] : memref<6x128xi32, #tpu.memory_space<vmem>> -> memref<1x128xi32, #tpu.memory_space<vmem>>
      %dma_wait3A_76 = tpu.memref_squeeze %dma_wait3A_75 : memref<1x128xi32, #tpu.memory_space<vmem>> -> memref<128xi32, #tpu.memory_space<vmem>>
      %dma_wait3A_77 = arith.constant 0 : i32
      %dma_wait3A_78 = arith.constant 0 : i32
      %dma_wait3A_79 = tpu.memref_slice %arg4[%dma_wait3A_77, %dma_wait3A_78] : memref<50048x64xbf16, #tpu.memory_space<hbm>> -> memref<50048x64xbf16, #tpu.memory_space<hbm>>
      tpu.wait_indirect_dma semaphore(%arg22 : memref<!tpu.dma_semaphore, #tpu.memory_space<semaphore_mem>>) src(%dma_wait3A_79 : memref<50048x64xbf16, #tpu.memory_space<hbm>>) dst(%arg10 : memref<128x64xbf16, #tpu.memory_space<vmem>>)
      %run_scoped3A_80 = arith.constant 0 : i32
      "tpu.region"() ({
        %run_scoped3A_81 = tpu.sem_alloc : memref<!tpu.dma_semaphore, #tpu.memory_space<semaphore_mem>>
        %dma_start3A_82 = arith.constant 0 : i32
        %dma_start3A_83 = tpu.memref_slice %arg7[%run_scoped3A_80, %dma_start3A_82] : memref<6x128xi32, #tpu.memory_space<vmem>> -> memref<1x128xi32, #tpu.memory_space<vmem>>
        %dma_start3A_84 = tpu.memref_squeeze %dma_start3A_83 : memref<1x128xi32, #tpu.memory_space<vmem>> -> memref<128xi32, #tpu.memory_space<vmem>>
        %dma_start3A_85 = arith.constant 0 : i32
        %dma_start3A_86 = arith.constant 0 : i32
        %dma_start3A_87 = tpu.memref_slice %arg9[%dma_start3A_85, %dma_start3A_86] : memref<50000x64xbf16, #tpu.memory_space<vmem_shared>> -> memref<50000x64xbf16, #tpu.memory_space<vmem_shared>>
        tpu.enqueue_indirect_dma source(%arg10 : memref<128x64xbf16, #tpu.memory_space<vmem>>) target(%dma_start3A_87 : memref<50000x64xbf16, #tpu.memory_space<vmem_shared>>) offsets(%dma_start3A_84 : memref<128xi32, #tpu.memory_space<vmem>>) semaphore(%run_scoped3A_81 : memref<!tpu.dma_semaphore, #tpu.memory_space<semaphore_mem>>) {add = true}
        %dma_wait3A_88 = arith.constant 0 : i32
        %dma_wait3A_89 = tpu.memref_slice %arg7[%run_scoped3A_80, %dma_wait3A_88] : memref<6x128xi32, #tpu.memory_space<vmem>> -> memref<1x128xi32, #tpu.memory_space<vmem>>
        %dma_wait3A_90 = tpu.memref_squeeze %dma_wait3A_89 : memref<1x128xi32, #tpu.memory_space<vmem>> -> memref<128xi32, #tpu.memory_space<vmem>>
        %dma_wait3A_91 = arith.constant 0 : i32
        %dma_wait3A_92 = arith.constant 0 : i32
        %dma_wait3A_93 = tpu.memref_slice %arg9[%dma_wait3A_91, %dma_wait3A_92] : memref<50000x64xbf16, #tpu.memory_space<vmem_shared>> -> memref<50000x64xbf16, #tpu.memory_space<vmem_shared>>
        tpu.wait_indirect_dma semaphore(%run_scoped3A_81 : memref<!tpu.dma_semaphore, #tpu.memory_space<semaphore_mem>>) src(%arg10 : memref<128x64xbf16, #tpu.memory_space<vmem>>) dst(%dma_wait3A_93 : memref<50000x64xbf16, #tpu.memory_space<vmem_shared>>)
        tpu.yield
      }) : () -> ()
    } else {
    }
    %barrier3A_51 = arith.constant 0 : index
    tpu.barrier barrier_id(%barrier3A_51)
    %mul3A_52 = arith.constant 3125 : i32
    %mul3A_53 = arith.muli %arg1, %mul3A_52 : i32
    %mul3A_54 = arith.constant 50000 : i32
    %mul3A_55 = arith.muli %arg0, %mul3A_54 : i32
    %mul3A_56 = arith.constant 3125 : i32
    %mul3A_57 = arith.muli %arg1, %mul3A_56 : i32
    %add3A_58 = arith.addi %mul3A_55, %mul3A_57 : i32
    "tpu.region"() ({
      %run_scoped3A = tpu.sem_alloc : memref<!tpu.dma_semaphore, #tpu.memory_space<semaphore_mem>>
      %dma_start3A = arith.constant 0 : i32
      %dma_start3A_59 = tpu.memref_slice %arg5[%add3A_58, %dma_start3A] : memref<100000x64xbf16, #tpu.memory_space<hbm>> -> memref<3125x64xbf16, #tpu.memory_space<hbm>>
      %dma_start3A_60 = arith.constant 0 : i32
      %dma_start3A_61 = tpu.memref_slice %arg9[%mul3A_53, %dma_start3A_60] : memref<50000x64xbf16, #tpu.memory_space<vmem_shared>> -> memref<3125x64xbf16, #tpu.memory_space<vmem_shared>>
      tpu.enqueue_dma source(%dma_start3A_61 : memref<3125x64xbf16, #tpu.memory_space<vmem_shared>>) target(%dma_start3A_59 : memref<3125x64xbf16, #tpu.memory_space<hbm>>) target_semaphore(%run_scoped3A : memref<!tpu.dma_semaphore, #tpu.memory_space<semaphore_mem>>)
      %dma_wait3A = arith.constant 0 : i32
      %dma_wait3A_62 = tpu.memref_slice %arg5[%add3A_58, %dma_wait3A] : memref<100000x64xbf16, #tpu.memory_space<hbm>> -> memref<3125x64xbf16, #tpu.memory_space<hbm>>
      %dma_wait3A_63 = arith.constant 0 : i32
      %dma_wait3A_64 = tpu.memref_slice %arg9[%mul3A_53, %dma_wait3A_63] : memref<50000x64xbf16, #tpu.memory_space<vmem_shared>> -> memref<3125x64xbf16, #tpu.memory_space<vmem_shared>>
      tpu.wait_dma2 semaphore(%run_scoped3A : memref<!tpu.dma_semaphore, #tpu.memory_space<semaphore_mem>>) src(%dma_wait3A_64 : memref<3125x64xbf16, #tpu.memory_space<vmem_shared>>) dst(%dma_wait3A_62 : memref<3125x64xbf16, #tpu.memory_space<hbm>>)
      tpu.yield
    }) : () -> ()
    return
  }
}

module attributes {stable_mosaic.version = 14 : i64} {
  func.func @_pre_body(%arg0: i32, %arg1: memref<128x64xf32, #tpu.memory_space<vmem>>, %arg2: memref<64x64xf32, #tpu.memory_space<vmem>>, %arg3: memref<128x1xf32, #tpu.memory_space<vmem>>, %arg4: memref<128x64xf32, #tpu.memory_space<vmem>>, %arg5: memref<128x64xbf16, #tpu.memory_space<vmem>>, %arg6: memref<128x1xf32, #tpu.memory_space<vmem>>) attributes {dimension_semantics = [#tpu.dimension_semantics<arbitrary>], iteration_bounds = array<i64: 391>, scalar_prefetch = 0 : i64, scratch_operands = 0 : i64, tpu.core_type = #tpu.core_type<tc>, window_params = [{transform_indices = @transform_0, window_bounds = array<i64: 128, 64>}, {pipeline_mode = #tpu.pipeline_mode<synchronous>, transform_indices = @transform_1, window_bounds = array<i64: 64, 64>}, {transform_indices = @transform_2, window_bounds = array<i64: 128, 1>}, {transform_indices = @transform_3, window_bounds = array<i64: 128, 64>}, {transform_indices = @transform_4, window_bounds = array<i64: 128, 64>}, {transform_indices = @transform_5, window_bounds = array<i64: 128, 1>}]} {
    %get3A = arith.constant 0 : index
    %get3A_0 = arith.constant 0 : index
    %get3A_1 = vector.load %arg3[%get3A, %get3A_0] : memref<128x1xf32, #tpu.memory_space<vmem>>, vector<128x1xf32>
    %add3A = arith.constant 1.000000e+00 : f32
    %add3A_2 = vector.broadcast %add3A : f32 to vector<128x1xf32>
    %add3A_3 = arith.addf %get3A_1, %add3A_2 : vector<128x1xf32>
    %rsqrt3A = math.rsqrt %add3A_3 : vector<128x1xf32>
    %swap3A = arith.constant 0 : index
    %swap3A_4 = arith.constant 0 : index
    %swap3A_5 = vector.load %arg6[%swap3A, %swap3A_4] : memref<128x1xf32, #tpu.memory_space<vmem>>, vector<128x1xf32>
    tpu.vector_store %arg6[%swap3A, %swap3A_4], %rsqrt3A {strides = array<i32>} : memref<128x1xf32, #tpu.memory_space<vmem>>, vector<128x1xf32>,
    %get3A_6 = arith.constant 0 : index
    %get3A_7 = arith.constant 0 : index
    %get3A_8 = vector.load %arg1[%get3A_6, %get3A_7] : memref<128x64xf32, #tpu.memory_space<vmem>>, vector<128x64xf32>
    %get3A_9 = arith.constant 0 : index
    %get3A_10 = arith.constant 0 : index
    %get3A_11 = vector.load %arg2[%get3A_9, %get3A_10] : memref<64x64xf32, #tpu.memory_space<vmem>>, vector<64x64xf32>
    %dot_general3A = arith.constant dense<0.000000e+00> : vector<128x64xf32>
    %dot_general3A_12 = tpu.matmul %get3A_8, %get3A_11, %dot_general3A {dimension_numbers = #tpu.dot_dimension_numbers<[1], [0], [0], [1], [0, 0, 1, 1], [], []>, transpose_lhs_hint = false} : vector<128x64xf32>, vector<64x64xf32>, vector<128x64xf32> -> vector<128x64xf32>
    %mul3A = vector.broadcast %rsqrt3A : vector<128x1xf32> to vector<128x64xf32>
    %mul3A_13 = arith.mulf %dot_general3A_12, %mul3A : vector<128x64xf32>
    %swap3A_14 = arith.constant 0 : index
    %swap3A_15 = arith.constant 0 : index
    %swap3A_16 = vector.load %arg4[%swap3A_14, %swap3A_15] : memref<128x64xf32, #tpu.memory_space<vmem>>, vector<128x64xf32>
    tpu.vector_store %arg4[%swap3A_14, %swap3A_15], %mul3A_13 {strides = array<i32>} : memref<128x64xf32, #tpu.memory_space<vmem>>, vector<128x64xf32>,
    %convert_element_type3A = arith.truncf %mul3A_13 : vector<128x64xf32> to vector<128x64xbf16>
    %swap3A_17 = arith.constant 0 : index
    %swap3A_18 = arith.constant 0 : index
    %swap3A_19 = vector.load %arg5[%swap3A_17, %swap3A_18] : memref<128x64xbf16, #tpu.memory_space<vmem>>, vector<128x64xbf16>
    tpu.vector_store %arg5[%swap3A_17, %swap3A_18], %convert_element_type3A {strides = array<i32>} : memref<128x64xbf16, #tpu.memory_space<vmem>>, vector<128x64xbf16>,
    return
  }
  func.func @transform_0(%arg0: i32) -> (i32, i32) {
    %c0_i32 = arith.constant 0 : i32
    %c0_i32_0 = arith.constant 0 : i32
    return %arg0, %c0_i32 : i32, i32
  }
  func.func @transform_1(%arg0: i32) -> (i32, i32) {
    %c0_i32 = arith.constant 0 : i32
    %c0_i32_0 = arith.constant 0 : i32
    %c0_i32_1 = arith.constant 0 : i32
    return %c0_i32, %c0_i32_0 : i32, i32
  }
  func.func @transform_2(%arg0: i32) -> (i32, i32) {
    %c0_i32 = arith.constant 0 : i32
    %c0_i32_0 = arith.constant 0 : i32
    return %arg0, %c0_i32 : i32, i32
  }
  func.func @transform_3(%arg0: i32) -> (i32, i32) {
    %c0_i32 = arith.constant 0 : i32
    %c0_i32_0 = arith.constant 0 : i32
    return %arg0, %c0_i32 : i32, i32
  }
  func.func @transform_4(%arg0: i32) -> (i32, i32) {
    %c0_i32 = arith.constant 0 : i32
    %c0_i32_0 = arith.constant 0 : i32
    return %arg0, %c0_i32 : i32, i32
  }
  func.func @transform_5(%arg0: i32) -> (i32, i32) {
    %c0_i32 = arith.constant 0 : i32
    %c0_i32_0 = arith.constant 0 : i32
    return %arg0, %c0_i32 : i32, i32
  }
}

module attributes {stable_mosaic.version = 14 : i64} {
  func.func @_post_body(%arg0: i32, %arg1: memref<128x64xbf16, #tpu.memory_space<vmem>>, %arg2: memref<128x64xbf16, #tpu.memory_space<vmem>>, %arg3: memref<128x64xf32, #tpu.memory_space<vmem>>, %arg4: memref<128x1xf32, #tpu.memory_space<vmem>>, %arg5: memref<1x64xf32, #tpu.memory_space<vmem>>, %arg6: memref<128x64xf32, #tpu.memory_space<vmem>>) attributes {dimension_semantics = [#tpu.dimension_semantics<arbitrary>], iteration_bounds = array<i64: 391>, scalar_prefetch = 0 : i64, scratch_operands = 0 : i64, tpu.core_type = #tpu.core_type<tc>, window_params = [{transform_indices = @transform_0, window_bounds = array<i64: 128, 64>}, {transform_indices = @transform_1, window_bounds = array<i64: 128, 64>}, {transform_indices = @transform_2, window_bounds = array<i64: 128, 64>}, {transform_indices = @transform_3, window_bounds = array<i64: 128, 1>}, {pipeline_mode = #tpu.pipeline_mode<synchronous>, transform_indices = @transform_4, window_bounds = array<i64: 1, 64>}, {transform_indices = @transform_5, window_bounds = array<i64: 128, 64>}]} {
    %get3A = arith.constant 0 : index
    %get3A_0 = arith.constant 0 : index
    %get3A_1 = vector.load %arg1[%get3A, %get3A_0] : memref<128x64xbf16, #tpu.memory_space<vmem>>, vector<128x64xbf16>
    %convert_element_type3A = arith.extf %get3A_1 : vector<128x64xbf16> to vector<128x64xf32>
    %get3A_2 = arith.constant 0 : index
    %get3A_3 = arith.constant 0 : index
    %get3A_4 = vector.load %arg2[%get3A_2, %get3A_3] : memref<128x64xbf16, #tpu.memory_space<vmem>>, vector<128x64xbf16>
    %convert_element_type3A_5 = arith.extf %get3A_4 : vector<128x64xbf16> to vector<128x64xf32>
    %add3A = arith.addf %convert_element_type3A, %convert_element_type3A_5 : vector<128x64xf32>
    %get3A_6 = arith.constant 0 : index
    %get3A_7 = arith.constant 0 : index
    %get3A_8 = vector.load %arg3[%get3A_6, %get3A_7] : memref<128x64xf32, #tpu.memory_space<vmem>>, vector<128x64xf32>
    %add3A_9 = arith.addf %add3A, %get3A_8 : vector<128x64xf32>
    %get3A_10 = arith.constant 0 : index
    %get3A_11 = arith.constant 0 : index
    %get3A_12 = vector.load %arg4[%get3A_10, %get3A_11] : memref<128x1xf32, #tpu.memory_space<vmem>>, vector<128x1xf32>
    %mul3A = vector.broadcast %get3A_12 : vector<128x1xf32> to vector<128x64xf32>
    %mul3A_13 = arith.mulf %add3A_9, %mul3A : vector<128x64xf32>
    %get3A_14 = arith.constant 0 : index
    %get3A_15 = arith.constant 0 : index
    %get3A_16 = vector.load %arg5[%get3A_14, %get3A_15] : memref<1x64xf32, #tpu.memory_space<vmem>>, vector<1x64xf32>
    %add3A_17 = vector.broadcast %get3A_16 : vector<1x64xf32> to vector<128x64xf32>
    %add3A_18 = arith.addf %mul3A_13, %add3A_17 : vector<128x64xf32>
    %tanh3A = math.tanh %add3A_18 : vector<128x64xf32>
    %swap3A = arith.constant 0 : index
    %swap3A_19 = arith.constant 0 : index
    %swap3A_20 = vector.load %arg6[%swap3A, %swap3A_19] : memref<128x64xf32, #tpu.memory_space<vmem>>, vector<128x64xf32>
    tpu.vector_store %arg6[%swap3A, %swap3A_19], %tanh3A {strides = array<i32>} : memref<128x64xf32, #tpu.memory_space<vmem>>, vector<128x64xf32>,
    return
  }
  func.func @transform_0(%arg0: i32) -> (i32, i32) {
    %c0_i32 = arith.constant 0 : i32
    %c0_i32_0 = arith.constant 0 : i32
    return %arg0, %c0_i32 : i32, i32
  }
  func.func @transform_1(%arg0: i32) -> (i32, i32) {
    %c0_i32 = arith.constant 0 : i32
    %c0_i32_0 = arith.constant 0 : i32
    return %arg0, %c0_i32 : i32, i32
  }
  func.func @transform_2(%arg0: i32) -> (i32, i32) {
    %c0_i32 = arith.constant 0 : i32
    %c0_i32_0 = arith.constant 0 : i32
    return %arg0, %c0_i32 : i32, i32
  }
  func.func @transform_3(%arg0: i32) -> (i32, i32) {
    %c0_i32 = arith.constant 0 : i32
    %c0_i32_0 = arith.constant 0 : i32
    return %arg0, %c0_i32 : i32, i32
  }
  func.func @transform_4(%arg0: i32) -> (i32, i32) {
    %c0_i32 = arith.constant 0 : i32
    %c0_i32_0 = arith.constant 0 : i32
    %c0_i32_1 = arith.constant 0 : i32
    return %c0_i32, %c0_i32_0 : i32, i32
  }
  func.func @transform_5(%arg0: i32) -> (i32, i32) {
    %c0_i32 = arith.constant 0 : i32
    %c0_i32_0 = arith.constant 0 : i32
    return %arg0, %c0_i32 : i32, i32
  }
}

</mosaic_0001>

<sc_bundles>
// kernel: kernel.6.cloned.1.call-start
scs
__scs_entry_jumppad:
0x0: {  	(pc) =	sbr.rel $0x88, $3  }
0x1: {  	(tag) =	ssettag $0x0;
	lr =	simm.s32 $0x1  }
0x2: {  	[smem:$0x3F9D] =	sst lr;
	_ =	strace $0xD0000000  }
0x3: {  	_ = 	snop  }
0x4: {  	_ = 	snop  }
0x5: {  	_ = 	snop  }
0x6: {  	_ = 	snop  }
0x7: {  	_ = 	snop  }
__scs_overlays_trampoline_lowered:
0x8: {  	[smem:$0x3FAC] =	sst s0  }
0x9: {  	[smem:$0x3FAD] =	sst s1  }
0xa: {  	[smem:$0x3FAE] =	sst s2  }
0xb: {  	[smem:$0x3FAF] =	sst s3  }
0xc: {  	[smem:$0x3FB0] =	sst s4  }
0xd: {  	[smem:$0x3FB1] =	sst s5  }
0xe: {  	[smem:$0x3FB2] =	sst s6  }
0xf: {  	[smem:$0x3FB3] =	sst s7  }
0x10: {  	[smem:$0x3FB4] =	sst s8  }
0x11: {  	[smem:$0x3FB5] =	sst s9;
	s0 =	simm.s32 @!p0 $0x0  }
0x12: {  	s1 =	sld [smem:$0x3F9B];
	s0 =	simm.s32 @p0 $0x1  }
0x13: {  	[smem:$0x3FB6] =	sst s0;
	s0 =	simm.s32 @!p1 $0x0  }
0x14: {  	s2 =	sld [smem:$0x3F9A];
	s0 =	simm.s32 @p1 $0x1  }
0x15: {  	[smem:$0x3FB7] =	sst s0;
	s0 =	simm.s32 @!p2 $0x0  }
0x16: {  	s3 =	sld [smem:$0x3FDB];
	s0 =	simm.s32 @p2 $0x1  }
0x17: {  	s4 =	simm.s32 $0x1BF5;
	[smem:$0x3FB9] =	sst s0  }
0x18: {  	s0 =	sld [smem:$0x3F9C];
	_ =	swait.ge [sflag:s4], $0x0  }
0x19: {  	s7 =	sld [smem:$0x3F9D]  }
0x1a: {  	s8 =	sadd.s32 $0xFFFFE003, lr  }
0x1b: {  	s9 =	sadd.s32 $0xFFFFFEF7, lr;
	s5 =	simm.s32 $0xFFFFFFFF;
	p2 =	slt.u32 s8, $0xFFFFF086  }
0x1c: {  	p1 =	slt.u32 s9, $0xF7A;
	s5 =	simm.s32 @!p2 $0x0  }
0x1d: {  	s5 =	simm.s32 @p1 $0x1;
	p0 =	seq.s32 s7, s2  }
0x1e: {  	s7 =	smul.u32 @!p0 $0xF7A, s2;
	p2 =	seq.s32 @!p0 s5, $0x0  }
0x1f: {  	s9 =	smul.u32 $0xF7A, s1;
	s8 =	simm.s32 @!p0 $0x1BF5;
	p2 =	por !p2, p0  }
0x20: {  	[sflag:s8] =	ssyncset.s32 @!p0 $0xFFFFF086;
	s6 =	sadd.s32 @!p0 s3, s7;
	s7 =	simm.s32 @!p0 $0x108  }
0x21: {  	s3 =	sadd.s32 s3, s9;
	s6 =	sadd.s32 @!p0 $0x88, s6;
	s7 =	simm.s32 @p2 $0x1082  }
0x22: {  	[simem:s7], [sflag:s8] =	dma.local @!p0 [hbm:s6], $0xF7A  }
0x23: {  	s9 =	sor.u32 $0xD0000000, s2;
	s6 =	simm.s32 $0x108;
	_ =	swait.ge @!p0 [sflag:s8], $0x0  }
0x24: {  	s3 =	sadd.s32 $0x88, s3;
	s6 =	simm.s32 @!p1 $0x1082;
	[sflag:s4] =	ssyncset.s32 $0xFFFFF086  }
0x25: {  	[simem:s6], [sflag:s4] =	dma.local [hbm:s3], $0xF7A  }
0x26: {  	[smem:$0x3F9D] =	sst s1;
	(tag) =	ssettag s2;
	_ =	strace s9  }
0x27: {  	s1 =	sld [smem:$0x3FAD]  }
0x28: {  	s2 =	sld [smem:$0x3FAE]  }
0x29: {  	s4 =	sld [smem:$0x3FB0]  }
0x2a: {  	p0 =	seq.s32 s5, $0x0;
	s5 =	sld [smem:$0x3FB1]  }
0x2b: {  	s6 =	sld [smem:$0x3FB2]  }
0x2c: {  	s7 =	sld [smem:$0x3FB3]  }
0x2d: {  	s3 =	simm.s32 $0x108;
	s8 =	sld [smem:$0x3FB4]  }
0x2e: {  	s3 =	simm.s32 @!p0 $0x1082;
	s9 =	sld [smem:$0x3FB5]  }
0x2f: {  	lr =	sadd.s32 s0, s3;
	s0 =	sld [smem:$0x3FAC]  }
0x30: {  	s3 =	sld [smem:$0x3FAF]  }
0x31: {  	[smem:$0x3FB8] =	sst s10  }
0x32: {  	s10 =	sld [smem:$0x3FB6];
	_ =	sdelay $0x3  }
0x33: {  	p0 =	seq.s32 s10, $0x1;
	s10 =	sld [smem:$0x3FB8];
	_ =	sdelay $0x3  }
0x34: {  	[smem:$0x3FB8] =	sst s10  }
0x35: {  	s10 =	sld [smem:$0x3FB7];
	_ =	sdelay $0x3  }
0x36: {  	p1 =	seq.s32 s10, $0x1;
	s10 =	sld [smem:$0x3FB8];
	_ =	sdelay $0x3  }
0x37: {  	[smem:$0x3FB8] =	sst s10  }
0x38: {  	s10 =	sld [smem:$0x3FB9]  }
0x39: {  	_ = 	snop;
	(pc) =	sbr.ind lr, $3  }
0x3a: {  	_ = 	snop  }
0x3b: {  	_ = 	snop  }
0x3c: {  	p2 =	seq.s32 s10, $0x1;
	s10 =	sld [smem:$0x3FB8]  }
0x3d: {  	_ =	shalt  }
0x3e: {  	_ =	shalt  }
0x3f: {  	_ =	shalt  }
0x40: {  	_ =	shalt  }
0x41: {  	_ =	shalt  }
0x42: {  	_ =	shalt  }
0x43: {  	_ =	shalt  }
0x44: {  	_ =	shalt  }
0x45: {  	_ =	shalt  }
0x46: {  	_ =	shalt  }
0x47: {  	_ =	shalt  }
0x48: {  	_ =	shalt  }
0x49: {  	_ =	shalt  }
0x4a: {  	_ =	shalt  }
0x4b: {  	_ =	shalt  }
0x4c: {  	_ =	shalt  }
0x4d: {  	_ =	shalt  }
0x4e: {  	_ =	shalt  }
0x4f: {  	_ =	shalt  }
0x50: {  	_ =	shalt  }
0x51: {  	_ =	shalt  }
0x52: {  	_ =	shalt  }
0x53: {  	_ =	shalt  }
0x54: {  	_ =	shalt  }
0x55: {  	_ =	shalt  }
0x56: {  	_ =	shalt  }
0x57: {  	_ =	shalt  }
0x58: {  	_ =	shalt  }
0x59: {  	_ =	shalt  }
0x5a: {  	_ =	shalt  }
0x5b: {  	_ =	shalt  }
0x5c: {  	_ =	shalt  }
0x5d: {  	_ =	shalt  }
0x5e: {  	_ =	shalt  }
0x5f: {  	_ =	shalt  }
0x60: {  	_ =	shalt  }
0x61: {  	_ =	shalt  }
0x62: {  	_ =	shalt  }
0x63: {  	_ =	shalt  }
0x64: {  	_ =	shalt  }
0x65: {  	_ =	shalt  }
0x66: {  	_ =	shalt  }
0x67: {  	_ =	shalt  }
0x68: {  	_ =	shalt  }
0x69: {  	_ =	shalt  }
0x6a: {  	_ =	shalt  }
0x6b: {  	_ =	shalt  }
0x6c: {  	_ =	shalt  }
0x6d: {  	_ =	shalt  }
0x6e: {  	_ =	shalt  }
0x6f: {  	_ =	shalt  }
0x70: {  	_ =	shalt  }
0x71: {  	_ =	shalt  }
0x72: {  	_ =	shalt  }
0x73: {  	_ =	shalt  }
0x74: {  	_ =	shalt  }
0x75: {  	_ =	shalt  }
0x76: {  	_ =	shalt  }
0x77: {  	_ =	shalt  }
0x78: {  	_ =	shalt  }
0x79: {  	_ =	shalt  }
0x7a: {  	_ =	shalt  }
0x7b: {  	_ =	shalt  }
0x7c: {  	_ =	shalt  }
0x7d: {  	_ =	shalt  }
0x7e: {  	_ =	shalt  }
0x7f: {  	_ =	shalt  }
0x80: {  	_ =	shalt  }
0x81: {  	_ =	shalt  }
0x82: {  	_ =	shalt  }
0x83: {  	_ =	shalt  }
0x84: {  	_ =	shalt  }
0x85: {  	_ =	shalt  }
0x86: {  	_ =	shalt  }
0x87: {  	_ =	shalt  }
.Lfunc_end0:
.L_simem_size_0:
called_computation_lowered:
.L_overlay_start_0:
0x88: {  	s2 =	sld [smem:$0x3FD9]  }
0x89: {  	s3 =	sld [smem:$0x3FFE];
	_ =	sdelay $0x1  }
0x8a: {  	s1 =	srdreg.scid  }
0x8b: {  	s0 =	sand.u32 $0x1, s1  }
0x8c: {  	s17 =	sshll.u32 s0, $0xA;
	s2 =	sadd.s32 s3, s2  }
0x8d: {  	s2 =	sadd.s32 s2, s17  }
0x8e: {  	[smem:$0x3FC4] =	sst s2  }
0x8f: {  	_ = 	snop  }
0x90: {  	s2 =	sld [smem:$0x3FD0];
	(tm) =	ssettm $0x1  }
0x91: {  	s18 =	sld [smem:$0x3FFB];
	_ =	sdelay $0x3  }
0x92: {  	_ =	strace s18  }
0x93: {  	s3 =	sld [smem:$0x3FFC];
	_ =	sdelay $0x3  }
0x94: {  	_ =	strace s3  }
0x95: {  	s3 =	sld [smem:$0x3FFD];
	_ =	sdelay $0x3  }
0x96: {  	_ =	strace s3  }
0x97: {  	_ =	strace $0x8FFFFFFF  }
0x98: {  	s19 =	sld [smem:$0x3FDB];
	_ =	sdelay $0x1  }
0x99: {  	s4 =	simm.s32 $_scs_section_size  }
0x9a: {  	s5 =	simm.s32 $_size__tile_overlayer_lowered;
	s6 =	simm.s32 $_tile_overlayer_lowered  }
0x9b: {  	s22 =	simm.s32 $0x1BFF;
	s21 =	sshll.u32 s6, $0x1;
	s3 =	sadd.s32 s4, s19  }
0x9c: {  	s7 =	simm.s32 $0x0;
	s20 =	sshll.u32 s5, $0x1;
	s5 =	sadd.s32 s21, s3  }
0x9d: {  	[timem:s7], [sflag:s22] =	dma.local [hbm:s5], s20  }
0x9e: {  	_ =	swait.ge [sflag:s22], s20  }
0x9f: {  	s4 =	ssub.s32 $0x0, s20;
	[sflag:s22] =	ssyncset.done $0x0  }
0xa0: {  	[sflag:s22] =	ssyncadd.s32 s4;
	_ =	sdelay $0x1  }
0xa1: {  	s23 =	simm.s32 $0x1B8B  }
0xa2: {  	_ =	swait.ge [sflag:s23], $0x1  }
0xa3: {  	[sflag:s23] =	ssyncset.done $0x0  }
0xa4: {  	s25 =	simm.s32 $0x1B8E;
	s24 =	sld [smem:$0x3FFE];
	[sflag:s23] =	ssyncadd.s32 $0xFFFFFFFF  }
0xa5: {  	s26 =	simm.s32 $execute0_lowered;
	[smem:$0x3FD2] =	sst s25  }
0xa6: {  	s5 =	sshll.u32 s26, $0x1;
	_ =	strace $0x80000046;
	[dreg:$0x1] =	wrdreg $0xFFFFFFFF  }
0xa7: {  	s28 =	simm.s32 $_size_execute0_lowered;
	s3 =	sadd.s32 s3, s5;
	[dreg:$0x0] =	wrdreg $0x0  }
0xa8: {  	s5 =	sshll.u32 s28, $0x1;
	[dreg:$0x2] =	wrdreg s3  }
0xa9: {  	[dreg:$0x3] =	wrdreg s5  }
0xaa: {  	[dreg:$0x4] =	wrdreg $0xC0  }
0xab: {  	_ =	task [dreg:s7], $0x5FFFF  }
0xac: {  	[dreg:$0x1] =	wrdreg $0xFFFFFFFF  }
0xad: {  	[dreg:$0x0] =	wrdreg $0x60  }
0xae: {  	[dreg:$0x2] =	wrdreg s24  }
0xaf: {  	[dreg:$0x3] =	wrdreg s2  }
0xb0: {  	[dreg:$0x4] =	wrdreg $0x13000  }
0xb1: {  	[dreg:$0x5] =	wrdreg $0x9  }
0xb2: {  	_ =	task.clear_ibuf [dreg:s7], $0x6FFFF;
	_ =	strace $0x90000046  }
0xb3: {  	s29 =	simm.s32 $0x9;
	_ =	strace $0x80000048  }
0xb4: {  	_ =	swait.ge [sflag:s29], $0x1  }
0xb5: {  	[sflag:s29] =	ssyncadd.s32 $0xFFFFFFFF  }
0xb6: {  	_ =	strace $0x90000048  }
0xb7: {  	_ =	sfence  }
0xb8: {  	s30 =	sld [smem:$0x0];
	_ =	sdelay $0x2  }
0xb9: {  	s31 =	sshll.u32 s1, $0xD;
	s1 =	sshrl.u32 s1, $0x2  }
0xba: {  	s3 =	sand.u32 $0x4000, s31;
	s1 =	sadd.s32 s1, s30  }
0xbb: {  	s0 =	sor.u32 s3, s0;
	s1 =	sshll.u32 s1, $0x11  }
0xbc: {  	s0 =	sor.u32 s1, s0  }
0xbd: {  	s0 =	sadd.s32 $0x8F2B, s0  }
0xbe: {  	[sflag:s0] =	ssyncadd.remote.s32 $0x1  }
0xbf: {  	_ =	sfence.sel $0xFFFF  }
0xc0: {  	[dreg:$0x0] =	wrdreg $0xFFFFFFFF;
	(pc) =	sbr.abs _section_cstart, $3  }
0xc1: {  	[dreg:$0x1] =	wrdreg $0xFFFFFFFF  }
0xc2: {  	_ =	task.clear_ibuf [dreg:s7], $0x2FFFF;
	_ =	strace $0x9FFFFFFF  }
0xc3: {  	(tm) =	ssettm $0x7FFFFFFF  }
tec
execute0_lowered:
.L_overlay_start_1:
0x0: {  	(tag) =	ssettag $0x1  }
0x1: {  	s0 =	rddreg [dreg:$0x0]  }
0x2: {  	s2 =	rddreg [dreg:$0x1]  }
0x3: {  	s1 =	rddreg [dreg:$0x2]  }
0x4: {  	s3 =	simm.s32 $0x0;
	s4 =	srdreg.scid;
	s11 =	stileid.u32  }
0x5: {  	s28 =	simm.s32 $0x100;
	s29 =	simm.s32 $0x180;
	s6 =	smul.u32 $0x186, s11  }
0x6: {  	s30 =	simm.s32 $0x200;
	s31 =	simm.s32 $0x280;
	s8 =	smul.u32 $0x186C0, s11  }
0x7: {  	[smem:$0x7FF] =	sst s3;
	s4 =	sand.u32 $0x1, s4;
	s9 =	smul.u32 $0xC36, s11  }
0x8: {  	s0 =	sadd.s32 $0x1A00, s0;
	s20 =	smin.u32 s11, $0xA;
	s12 =	smul.u32 $0xC300, s11  }
0x9: {  	s15 =	smul.u32 $0x1860, s11;
	p0 =	sgt.u32 s11, $0x9;
	s11 =	simm.s32 $0x8  }
0xa: {  	s5 =	ssub.s32 $0x2, s4;
	s10 =	smul.u32 $0xC360, s4;
	s8 =	sshrl.u32 s8, $0x2  }
0xb: {  	_ =	strace $0x80000047;
	s7 =	sshrl.u32 s5, $0x1;
	s21 =	sadd.s32 s8, s1  }
0xc: {  	s22 =	sadd.s32 s9, s10;
	s8 =	sadd.s32 $0x6000, s21;
	[dreg:$0x6] =	wrdreg s21  }
0xd: {  	s5 =	ssub.s32 s5, s7;
	s2 =	sadd.s32 s2, s22;
	[dreg:$0x7] =	wrdreg s8  }
0xe: {  	s14 =	smul.u32 $0x61A8, s4;
	s23 =	smax.u32 s5, $0x1;
	[dreg:$0x9] =	wrdreg s2  }
0xf: {  	s16 =	sshll.u32 s20, $0x7;
	s24 =	sadd.s32 $0x800, s21;
	[dreg:$0xa] =	wrdreg s23  }
0x10: {  	s18 =	sshll.u32 s20, $0x4;
	s25 =	sadd.s32 $0x1000, s21;
	[dreg:$0xb] =	wrdreg s24  }
0x11: {  	s6 =	sadd.s32 s20, s6;
	s26 =	sadd.s32 $0x1800, s21;
	[dreg:$0xc] =	wrdreg s25  }
0x12: {  	s6 =	sshll.u32 s6, $0x4;
	s5 =	sadd.s32 $0x2000, s21;
	[dreg:$0xd] =	wrdreg s26  }
0x13: {  	s7 =	simm.s32 $0x4;
	s9 =	sadd.s32 $0x3800, s21;
	[dreg:$0xe] =	wrdreg s5  }
0x14: {  	v0 =	vmov s14;
	s14 =	simm.s32 $0xB;
	s10 =	sadd.s32 $0x4000, s21;
	[dreg:$0x11] =	wrdreg s9  }
0x15: {  	s6 =	sadd.s32 s6, s0;
	s13 =	sadd.s32 $0x4800, s21;
	[dreg:$0x12] =	wrdreg s10  }
0x16: {  	s17 =	sadd.s32 $0x5000, s21;
	s4 =	sadd.s32 $0x5800, s21;
	[dreg:$0x13] =	wrdreg s13  }
0x17: {  	s6 =	sadd.s32 $0x1860, s6;
	s8 =	sadd.s32 $0x3000, s21;
	[dreg:$0x14] =	wrdreg s17  }
0x18: {  	[dreg:$0x15] =	wrdreg s4;
	s2 =	sadd.s32 s16, s12;
	s5 =	sadd.s32 s15, s0  }
0x19: {  	s9 =	simm.s32 $0x6;
	s10 =	simm.s32 $0x7;
	s12 =	simm.s32 $0x9  }
0x1a: {  	s13 =	simm.s32 $0xA;
	s15 =	simm.s32 $0xC;
	[dreg:$0x8] =	wrdreg s6  }
0x1b: {  	s16 =	simm.s32 $0x0;
	s6 =	sadd.s32 $0x2800, s21;
	[dreg:$0x10] =	wrdreg s8  }
0x1c: {  	s19 =	sadd.s32 $0x80, s2;
	s5 =	sadd.s32 s18, s5;
	s21 =	sadd.s32 $0x100, s2  }
0x1d: {  	s24 =	sadd.s32 $0x180, s2;
	s25 =	sadd.s32 $0x200, s2;
	s2 =	sadd.s32 $0x280, s2  }
0x1e: {  	s8 =	simm.s32 $0x5;
	[dreg:$0xf] =	wrdreg s6;
	s20 =	sshrl.u32 s19, $0x3  }
0x1f: {  	[dreg:$0x4] =	wrdreg s5;
	s23 =	sshrl.u32 s21, $0x3;
	s5 =	sshrl.u32 s24, $0x3  }
0x20: {  	s26 =	sshrl.u32 s25, $0x3;
	s2 =	sshrl.u32 s2, $0x3;
	s24 =	simm.s32 $0xB00  }
0x21: {  	s25 =	simm.s32 $0xD;
	s6 =	simm.s32 $0x3;
	s22 =	sadd.s32 s20, s0  }
0x22: {  	s20 =	sadd.s32 s23, s0;
	s21 =	sadd.s32 s5, s0;
	s23 =	sadd.s32 s2, s0  }
0x23: {  	s2 =	simm.s32 $0x300;
	s5 =	simm.s32 $0x2;
	[dreg:$0x5] =	wrdreg s22  }
0x24: {  	v1 =	vimm.f32 $1.000000000e+00;
	v2 =	vimm.f32 $0.0e+00;
	s22 =	sadd.s32 s26, s0;
	s26 =	simm.s32 $0x80;
	s0 =	simm.s32 $0x1  }
.LBB2_1:
0x25: {  	s17 =	simm.s32 $0x40;
	s18 =	simm.s32 $0x0  }
.LBB2_2:
0x26: {  	p1 =	sne.s32 s17, $0x1FC0;
	[tilespmem:s18+$0x300] =	vst v1;
	s19 =	smov.u32 s17;
	s17 =	sadd.s32 $0x40, s17  }
.Ltmp0:
0x27: {  	[tilespmem:s18+$0xB00] =	vst v2;
	(pc) =	sbr.rel @p1 .LBB2_2-.Ltmp0, $2  }
0x28: {  	_ =	sdelay $0x2  }
0x29: {  	s18 =	sshra.s32 s19, $0x2  }
0x2a: {  	[tilespmem:s18+$0x300] =	vst v1  }
0x2b: {  	[tilespmem:s18+$0xB00] =	vst v2;
	s4 =	rddreg [dreg:$0x6]  }
0x2c: {  	[spmem:s4] =	stream.linear.scatter [tilespmem:s24], [sflag:$0xD], $0x800, $0x38;
	[tilespmem:$0x74B0] =	vst v63  }
0x2d: {  	_ =	swait.ge [sflag:s25], $0x800  }
0x2e: {  	[sflag:s25] =	ssyncset.done $0x0  }
0x2f: {  	s17 =	rddreg [dreg:$0xb];
	[sflag:s25] =	ssyncadd.s32 $0xFFFFF800  }
0x30: {  	[spmem:s17] =	stream.linear.scatter [tilespmem:s24], [sflag:$0xD], $0x800, $0x38;
	[tilespmem:$0x74B0] =	vst v63  }
0x31: {  	_ =	swait.ge [sflag:s25], $0x800  }
0x32: {  	[sflag:s25] =	ssyncset.done $0x0  }
0x33: {  	s18 =	rddreg [dreg:$0xc];
	[sflag:s25] =	ssyncadd.s32 $0xFFFFF800  }
0x34: {  	[spmem:s18] =	stream.linear.scatter [tilespmem:s24], [sflag:$0xD], $0x800, $0x38;
	[tilespmem:$0x74B0] =	vst v63  }
0x35: {  	_ =	swait.ge [sflag:s25], $0x800  }
0x36: {  	[sflag:s25] =	ssyncset.done $0x0  }
0x37: {  	s19 =	rddreg [dreg:$0xd];
	[sflag:s25] =	ssyncadd.s32 $0xFFFFF800  }
0x38: {  	[spmem:s19] =	stream.linear.scatter [tilespmem:s24], [sflag:$0xD], $0x800, $0x38;
	[tilespmem:$0x74B0] =	vst v63  }
0x39: {  	_ =	swait.ge [sflag:s25], $0x800  }
0x3a: {  	[sflag:s25] =	ssyncset.done $0x0  }
0x3b: {  	s17 =	rddreg [dreg:$0xe];
	[sflag:s25] =	ssyncadd.s32 $0xFFFFF800  }
0x3c: {  	[spmem:s17] =	stream.linear.scatter [tilespmem:s24], [sflag:$0xD], $0x800, $0x38;
	[tilespmem:$0x74B0] =	vst v63  }
0x3d: {  	_ =	swait.ge [sflag:s25], $0x800  }
0x3e: {  	[sflag:s25] =	ssyncset.done $0x0  }
0x3f: {  	s18 =	rddreg [dreg:$0xf];
	[sflag:s25] =	ssyncadd.s32 $0xFFFFF800  }
0x40: {  	[spmem:s18] =	stream.linear.scatter [tilespmem:s24], [sflag:$0xD], $0x800, $0x38;
	[tilespmem:$0x74B0] =	vst v63  }
0x41: {  	_ =	swait.ge [sflag:s25], $0x800  }
0x42: {  	[sflag:s25] =	ssyncset.done $0x0  }
0x43: {  	s19 =	rddreg [dreg:$0x10];
	[sflag:s25] =	ssyncadd.s32 $0xFFFFF800  }
0x44: {  	[spmem:s19] =	stream.linear.scatter [tilespmem:s24], [sflag:$0xD], $0x800, $0x38;
	[tilespmem:$0x74B0] =	vst v63  }
0x45: {  	_ =	swait.ge [sflag:s25], $0x800  }
0x46: {  	[sflag:s25] =	ssyncset.done $0x0  }
0x47: {  	s17 =	rddreg [dreg:$0x11];
	[sflag:s25] =	ssyncadd.s32 $0xFFFFF800  }
0x48: {  	[spmem:s17] =	stream.linear.scatter [tilespmem:s24], [sflag:$0xD], $0x800, $0x38;
	[tilespmem:$0x74B0] =	vst v63  }
0x49: {  	_ =	swait.ge [sflag:s25], $0x800  }
0x4a: {  	[sflag:s25] =	ssyncset.done $0x0  }
0x4b: {  	s18 =	rddreg [dreg:$0x12];
	[sflag:s25] =	ssyncadd.s32 $0xFFFFF800  }
0x4c: {  	[spmem:s18] =	stream.linear.scatter [tilespmem:s24], [sflag:$0xD], $0x800, $0x38;
	[tilespmem:$0x74B0] =	vst v63  }
0x4d: {  	_ =	swait.ge [sflag:s25], $0x800  }
0x4e: {  	[sflag:s25] =	ssyncset.done $0x0  }
0x4f: {  	s19 =	rddreg [dreg:$0x13];
	[sflag:s25] =	ssyncadd.s32 $0xFFFFF800  }
0x50: {  	[spmem:s19] =	stream.linear.scatter [tilespmem:s24], [sflag:$0xD], $0x800, $0x38;
	[tilespmem:$0x74B0] =	vst v63  }
0x51: {  	_ =	swait.ge [sflag:s25], $0x800  }
0x52: {  	[sflag:s25] =	ssyncset.done $0x0  }
0x53: {  	s17 =	rddreg [dreg:$0x14];
	[sflag:s25] =	ssyncadd.s32 $0xFFFFF800  }
0x54: {  	[spmem:s17] =	stream.linear.scatter [tilespmem:s24], [sflag:$0xD], $0x800, $0x38;
	[tilespmem:$0x74B0] =	vst v63  }
0x55: {  	_ =	swait.ge [sflag:s25], $0x800  }
0x56: {  	[sflag:s25] =	ssyncset.done $0x0  }
0x57: {  	s18 =	rddreg [dreg:$0x15];
	[sflag:s25] =	ssyncadd.s32 $0xFFFFF800  }
0x58: {  	[spmem:s18] =	stream.linear.scatter [tilespmem:s24], [sflag:$0xD], $0x800, $0x38;
	[tilespmem:$0x74B0] =	vst v63  }
0x59: {  	_ =	swait.ge [sflag:s25], $0x800  }
0x5a: {  	[sflag:s25] =	ssyncset.done $0x0  }
0x5b: {  	s19 =	rddreg [dreg:$0x7];
	[sflag:s25] =	ssyncadd.s32 $0xFFFFF800  }
0x5c: {  	[spmem:s19] =	stream.linear.scatter [tilespmem:s24], [sflag:$0xD], $0x1B0, $0x38;
	[tilespmem:$0x74B0] =	vst v63  }
0x5d: {  	_ =	swait.ge [sflag:s25], $0x1B0  }
0x5e: {  	[sflag:s25] =	ssyncset.done $0x0  }
0x5f: {  	[sflag:s25] =	ssyncadd.s32 $0xFFFFFE50  }
0x60: {  	s17 =	simm.s32 $0x0;
	[bflag:$0x0] =	sbarrier.arrive $0xFFFF  }
.LBB2_4:
0x61: {  	s18 =	rddreg [dreg:$0x4]  }
0x62: {  	s19 =	rddreg [dreg:$0x5];
	s18 =	sadd.s32 s17, s18  }
0x63: {  	[tilespmem:s3], [sflag:$0x1] =	stream.linear.gather [hbm4b:s18+s3], $0x80, $0x38;
	[tilespmem:$0x74B0] =	vst v63  }
0x64: {  	s19 =	sadd.s32 s17, s19  }
0x65: {  	[tilespmem:s26], [sflag:$0x2] =	stream.linear.gather [hbm4b:s19+s3], $0x80, $0x38;
	[tilespmem:$0x74B0] =	vst v63  }
0x66: {  	s4 =	sadd.s32 s17, s20  }
0x67: {  	[tilespmem:s28], [sflag:$0x3] =	stream.linear.gather [hbm4b:s4+s3], $0x80, $0x38;
	[tilespmem:$0x74B0] =	vst v63  }
0x68: {  	s19 =	sadd.s32 s17, s21  }
0x69: {  	[tilespmem:s29], [sflag:$0x4] =	stream.linear.gather [hbm4b:s19+s3], $0x80, $0x38;
	[tilespmem:$0x74B0] =	vst v63  }
0x6a: {  	s4 =	sadd.s32 s17, s22  }
0x6b: {  	[tilespmem:s30], [sflag:$0x5] =	stream.linear.gather [hbm4b:s4+s3], $0x80, $0x38;
	[tilespmem:$0x74B0] =	vst v63  }
0x6c: {  	s19 =	sadd.s32 s17, s23  }
0x6d: {  	[tilespmem:s31], [sflag:$0x6] =	stream.linear.gather [hbm4b:s19+s3], $0x80, $0x38;
	[tilespmem:$0x74B0] =	vst v63  }
0x6e: {  	_ =	swait.ge [sflag:s0], $0x80  }
0x6f: {  	[sflag:s0] =	ssyncset.done $0x0  }
0x70: {  	[sflag:s0] =	ssyncadd.s32 $0xFFFFFF80  }
0x71: {  	v3 =	vld [tilespmem:$0x0]  }
0x72: {  	v4 =	vld [tilespmem:$0x10]  }
0x73: {  	v5 =	vld [tilespmem:$0x20]  }
0x74: {  	v6 =	vld [tilespmem:$0x30]  }
0x75: {  	v7 =	vld [tilespmem:$0x40]  }
0x76: {  	v8 =	vld [tilespmem:$0x50];
	v3 =	vsub.s32 v3, v0  }
0x77: {  	v9 =	vld [tilespmem:$0x60];
	v4 =	vsub.s32 v4, v0;
	v3 =	vmin.u32 v3, $0x61A8  }
0x78: {  	v48 =	vld [tilespmem:$0x70];
	v47 =	vsub.s32 v5, v0;
	[tilespmem:$0x0] =	vst v3;
	v3 =	vmin.u32 v4, $0x61A8  }
0x79: {  	v49 =	vsub.s32 v6, v0;
	[tilespmem:$0x10] =	vst v3;
	v3 =	vmin.u32 v47, $0x61A8  }
0x7a: {  	v50 =	vsub.s32 v7, v0;
	[tilespmem:$0x20] =	vst v3;
	v3 =	vmin.u32 v49, $0x61A8  }
0x7b: {  	v51 =	vsub.s32 v8, v0;
	[tilespmem:$0x30] =	vst v3;
	v3 =	vmin.u32 v50, $0x61A8  }
0x7c: {  	v52 =	vsub.s32 v9, v0;
	[tilespmem:$0x40] =	vst v3;
	v3 =	vmin.u32 v51, $0x61A8  }
0x7d: {  	v53 =	vsub.s32 v48, v0;
	[tilespmem:$0x50] =	vst v3;
	v3 =	vmin.u32 v52, $0x61A8  }
0x7e: {  	[tilespmem:$0x60] =	vst v3;
	v3 =	vmin.u32 v53, $0x61A8  }
0x7f: {  	[tilespmem:$0x70] =	vst v3  }
0x80: {  	[spmem:s1] =	stream.indirect.scatter.add.f32 [tilespmem:s2], [sflag:$0x7], $0x10, s3, s26, $0xb8;
	[tilespmem:$0x74B0] =	vst v63  }
0x81: {  	_ =	swait.ge [sflag:s5], $0x80  }
0x82: {  	[sflag:s5] =	ssyncset.done $0x0  }
0x83: {  	[sflag:s5] =	ssyncadd.s32 $0xFFFFFF80  }
0x84: {  	v3 =	vld [tilespmem:$0x80]  }
0x85: {  	v54 =	vld [tilespmem:$0x90]  }
0x86: {  	v55 =	vld [tilespmem:$0xA0]  }
0x87: {  	v56 =	vld [tilespmem:$0xB0]  }
0x88: {  	v57 =	vld [tilespmem:$0xC0]  }
0x89: {  	v58 =	vld [tilespmem:$0xD0];
	v3 =	vsub.s32 v3, v0  }
0x8a: {  	v59 =	vld [tilespmem:$0xE0];
	v4 =	vsub.s32 v54, v0;
	v3 =	vmin.u32 v3, $0x61A8  }
0x8b: {  	v61 =	vld [tilespmem:$0xF0];
	v60 =	vsub.s32 v55, v0;
	[tilespmem:$0x80] =	vst v3;
	v3 =	vmin.u32 v4, $0x61A8  }
0x8c: {  	v62 =	vsub.s32 v56, v0;
	[tilespmem:$0x90] =	vst v3;
	v3 =	vmin.u32 v60, $0x61A8  }
0x8d: {  	v63 =	vsub.s32 v57, v0;
	[tilespmem:$0xA0] =	vst v3;
	v3 =	vmin.u32 v62, $0x61A8  }
0x8e: {  	v8 =	vsub.s32 v58, v0;
	[tilespmem:$0xB0] =	vst v3;
	v3 =	vmin.u32 v63, $0x61A8  }
0x8f: {  	v10 =	vsub.s32 v59, v0;
	[tilespmem:$0xC0] =	vst v3;
	v3 =	vmin.u32 v8, $0x61A8  }
0x90: {  	v11 =	vsub.s32 v61, v0;
	[tilespmem:$0xD0] =	vst v3;
	v3 =	vmin.u32 v10, $0x61A8  }
0x91: {  	[tilespmem:$0xE0] =	vst v3;
	v3 =	vmin.u32 v11, $0x61A8  }
0x92: {  	[tilespmem:$0xF0] =	vst v3  }
0x93: {  	[spmem:s1] =	stream.indirect.scatter.add.f32 [tilespmem:s2], [sflag:$0x8], $0x10, s26, s26, $0xb8;
	[tilespmem:$0x74B0] =	vst v63  }
0x94: {  	_ =	swait.ge [sflag:s6], $0x80  }
0x95: {  	[sflag:s6] =	ssyncset.done $0x0  }
0x96: {  	[sflag:s6] =	ssyncadd.s32 $0xFFFFFF80  }
0x97: {  	v3 =	vld [tilespmem:$0x100]  }
0x98: {  	v12 =	vld [tilespmem:$0x110]  }
0x99: {  	v13 =	vld [tilespmem:$0x120]  }
0x9a: {  	v14 =	vld [tilespmem:$0x130]  }
0x9b: {  	v15 =	vld [tilespmem:$0x140]  }
0x9c: {  	v16 =	vld [tilespmem:$0x150];
	v3 =	vsub.s32 v3, v0  }
0x9d: {  	v17 =	vld [tilespmem:$0x160];
	v4 =	vsub.s32 v12, v0;
	v3 =	vmin.u32 v3, $0x61A8  }
0x9e: {  	v19 =	vld [tilespmem:$0x170];
	v18 =	vsub.s32 v13, v0;
	[tilespmem:$0x100] =	vst v3;
	v3 =	vmin.u32 v4, $0x61A8  }
0x9f: {  	v20 =	vsub.s32 v14, v0;
	[tilespmem:$0x110] =	vst v3;
	v3 =	vmin.u32 v18, $0x61A8  }
0xa0: {  	v21 =	vsub.s32 v15, v0;
	[tilespmem:$0x120] =	vst v3;
	v3 =	vmin.u32 v20, $0x61A8  }
0xa1: {  	v22 =	vsub.s32 v16, v0;
	[tilespmem:$0x130] =	vst v3;
	v3 =	vmin.u32 v21, $0x61A8  }
0xa2: {  	v23 =	vsub.s32 v17, v0;
	[tilespmem:$0x140] =	vst v3;
	v3 =	vmin.u32 v22, $0x61A8  }
0xa3: {  	v24 =	vsub.s32 v19, v0;
	[tilespmem:$0x150] =	vst v3;
	v3 =	vmin.u32 v23, $0x61A8  }
0xa4: {  	[tilespmem:$0x160] =	vst v3;
	v3 =	vmin.u32 v24, $0x61A8  }
0xa5: {  	[tilespmem:$0x170] =	vst v3  }
0xa6: {  	[spmem:s1] =	stream.indirect.scatter.add.f32 [tilespmem:s2], [sflag:$0x9], $0x10, s28, s26, $0xb8;
	[tilespmem:$0x74B0] =	vst v63  }
0xa7: {  	_ =	swait.ge [sflag:s7], $0x80  }
0xa8: {  	[sflag:s7] =	ssyncset.done $0x0  }
0xa9: {  	[sflag:s7] =	ssyncadd.s32 $0xFFFFFF80  }
0xaa: {  	v3 =	vld [tilespmem:$0x180]  }
0xab: {  	v25 =	vld [tilespmem:$0x190]  }
0xac: {  	v26 =	vld [tilespmem:$0x1A0]  }
0xad: {  	v27 =	vld [tilespmem:$0x1B0]  }
0xae: {  	v28 =	vld [tilespmem:$0x1C0]  }
0xaf: {  	v29 =	vld [tilespmem:$0x1D0];
	v3 =	vsub.s32 v3, v0  }
0xb0: {  	v30 =	vld [tilespmem:$0x1E0];
	v4 =	vsub.s32 v25, v0;
	v3 =	vmin.u32 v3, $0x61A8  }
0xb1: {  	v32 =	vld [tilespmem:$0x1F0];
	v31 =	vsub.s32 v26, v0;
	[tilespmem:$0x180] =	vst v3;
	v3 =	vmin.u32 v4, $0x61A8  }
0xb2: {  	v33 =	vsub.s32 v27, v0;
	[tilespmem:$0x190] =	vst v3;
	v3 =	vmin.u32 v31, $0x61A8  }
0xb3: {  	v34 =	vsub.s32 v28, v0;
	[tilespmem:$0x1A0] =	vst v3;
	v3 =	vmin.u32 v33, $0x61A8  }
0xb4: {  	v35 =	vsub.s32 v29, v0;
	[tilespmem:$0x1B0] =	vst v3;
	v3 =	vmin.u32 v34, $0x61A8  }
0xb5: {  	v36 =	vsub.s32 v30, v0;
	[tilespmem:$0x1C0] =	vst v3;
	v3 =	vmin.u32 v35, $0x61A8  }
0xb6: {  	v37 =	vsub.s32 v32, v0;
	[tilespmem:$0x1D0] =	vst v3;
	v3 =	vmin.u32 v36, $0x61A8  }
0xb7: {  	[tilespmem:$0x1E0] =	vst v3;
	v3 =	vmin.u32 v37, $0x61A8  }
0xb8: {  	[tilespmem:$0x1F0] =	vst v3  }
0xb9: {  	[spmem:s1] =	stream.indirect.scatter.add.f32 [tilespmem:s2], [sflag:$0xA], $0x10, s29, s26, $0xb8;
	[tilespmem:$0x74B0] =	vst v63  }
0xba: {  	_ =	swait.ge [sflag:s8], $0x80  }
0xbb: {  	[sflag:s8] =	ssyncset.done $0x0  }
0xbc: {  	[sflag:s8] =	ssyncadd.s32 $0xFFFFFF80  }
0xbd: {  	v3 =	vld [tilespmem:$0x200]  }
0xbe: {  	v38 =	vld [tilespmem:$0x210]  }
0xbf: {  	v39 =	vld [tilespmem:$0x220]  }
0xc0: {  	v40 =	vld [tilespmem:$0x230]  }
0xc1: {  	v41 =	vld [tilespmem:$0x240]  }
0xc2: {  	v42 =	vld [tilespmem:$0x250];
	v3 =	vsub.s32 v3, v0  }
0xc3: {  	v43 =	vld [tilespmem:$0x260];
	v4 =	vsub.s32 v38, v0;
	v3 =	vmin.u32 v3, $0x61A8  }
0xc4: {  	v45 =	vld [tilespmem:$0x270];
	v44 =	vsub.s32 v39, v0;
	[tilespmem:$0x200] =	vst v3;
	v3 =	vmin.u32 v4, $0x61A8  }
0xc5: {  	v46 =	vsub.s32 v40, v0;
	[tilespmem:$0x210] =	vst v3;
	v3 =	vmin.u32 v44, $0x61A8  }
0xc6: {  	v47 =	vsub.s32 v41, v0;
	[tilespmem:$0x220] =	vst v3;
	v3 =	vmin.u32 v46, $0x61A8  }
0xc7: {  	v48 =	vsub.s32 v42, v0;
	[tilespmem:$0x230] =	vst v3;
	v3 =	vmin.u32 v47, $0x61A8  }
0xc8: {  	v49 =	vsub.s32 v43, v0;
	[tilespmem:$0x240] =	vst v3;
	v3 =	vmin.u32 v48, $0x61A8  }
0xc9: {  	v50 =	vsub.s32 v45, v0;
	[tilespmem:$0x250] =	vst v3;
	v3 =	vmin.u32 v49, $0x61A8  }
0xca: {  	[tilespmem:$0x260] =	vst v3;
	v3 =	vmin.u32 v50, $0x61A8  }
0xcb: {  	[tilespmem:$0x270] =	vst v3  }
0xcc: {  	[spmem:s1] =	stream.indirect.scatter.add.f32 [tilespmem:s2], [sflag:$0xB], $0x10, s30, s26, $0xb8;
	[tilespmem:$0x74B0] =	vst v63  }
0xcd: {  	_ =	swait.ge [sflag:s9], $0x80  }
0xce: {  	[sflag:s9] =	ssyncset.done $0x0  }
0xcf: {  	[sflag:s9] =	ssyncadd.s32 $0xFFFFFF80  }
0xd0: {  	v3 =	vld [tilespmem:$0x280]  }
0xd1: {  	v51 =	vld [tilespmem:$0x290]  }
0xd2: {  	v52 =	vld [tilespmem:$0x2A0]  }
0xd3: {  	v53 =	vld [tilespmem:$0x2B0]  }
0xd4: {  	v54 =	vld [tilespmem:$0x2C0]  }
0xd5: {  	v55 =	vld [tilespmem:$0x2D0];
	v3 =	vsub.s32 v3, v0  }
0xd6: {  	v56 =	vld [tilespmem:$0x2E0];
	v4 =	vsub.s32 v51, v0;
	v3 =	vmin.u32 v3, $0x61A8  }
0xd7: {  	v58 =	vld [tilespmem:$0x2F0];
	v57 =	vsub.s32 v52, v0;
	[tilespmem:$0x280] =	vst v3;
	v3 =	vmin.u32 v4, $0x61A8  }
0xd8: {  	v59 =	vsub.s32 v53, v0;
	[tilespmem:$0x290] =	vst v3;
	v3 =	vmin.u32 v57, $0x61A8  }
0xd9: {  	v60 =	vsub.s32 v54, v0;
	[tilespmem:$0x2A0] =	vst v3;
	v3 =	vmin.u32 v59, $0x61A8  }
0xda: {  	v61 =	vsub.s32 v55, v0;
	[tilespmem:$0x2B0] =	vst v3;
	v3 =	vmin.u32 v60, $0x61A8  }
0xdb: {  	v62 =	vsub.s32 v56, v0;
	[tilespmem:$0x2C0] =	vst v3;
	v3 =	vmin.u32 v61, $0x61A8  }
0xdc: {  	v63 =	vsub.s32 v58, v0;
	[tilespmem:$0x2D0] =	vst v3;
	v3 =	vmin.u32 v62, $0x61A8  }
0xdd: {  	[tilespmem:$0x2E0] =	vst v3;
	v3 =	vmin.u32 v63, $0x61A8  }
0xde: {  	[tilespmem:$0x2F0] =	vst v3  }
0xdf: {  	[spmem:s1] =	stream.indirect.scatter.add.f32 [tilespmem:s2], [sflag:$0xC], $0x10, s31, s26, $0xb8;
	[tilespmem:$0x74B0] =	vst v63  }
0xe0: {  	_ =	swait.ge [sflag:s10], $0x800  }
0xe1: {  	[sflag:s10] =	ssyncset.done $0x0  }
0xe2: {  	[sflag:s10] =	ssyncadd.s32 $0xFFFFF800  }
0xe3: {  	_ =	swait.ge [sflag:s11], $0x800  }
0xe4: {  	[sflag:s11] =	ssyncset.done $0x0  }
0xe5: {  	[sflag:s11] =	ssyncadd.s32 $0xFFFFF800  }
0xe6: {  	_ =	swait.ge [sflag:s12], $0x800  }
0xe7: {  	[sflag:s12] =	ssyncset.done $0x0  }
0xe8: {  	[sflag:s12] =	ssyncadd.s32 $0xFFFFF800  }
0xe9: {  	_ =	swait.ge [sflag:s13], $0x800  }
0xea: {  	[sflag:s13] =	ssyncset.done $0x0  }
0xeb: {  	[sflag:s13] =	ssyncadd.s32 $0xFFFFF800  }
0xec: {  	p1 =	sne.s32 s17, $0x1800;
	_ =	swait.ge [sflag:s14], $0x800  }
.Ltmp1:
0xed: {  	[sflag:s14] =	ssyncset.done $0x0;
	(pc) =	sbr.rel @p1 .LBB2_4-.Ltmp1, $4  }
0xee: {  	[sflag:s14] =	ssyncadd.s32 $0xFFFFF800  }
0xef: {  	_ =	swait.ge [sflag:s15], $0x800  }
0xf0: {  	[sflag:s15] =	ssyncset.done $0x0  }
0xf1: {  	s17 =	sadd.s32 $0x60, s17;
	[sflag:s15] =	ssyncadd.s32 $0xFFFFF800  }
0xf2: {  	s17 =	simm.s32 @!p0 $0x0;
	s4 =	rddreg [dreg:$0x8];
	s18 =	simm.s32 @!p0 $0xD  }
0xf3: {  	[tilespmem:s17], [sflag:$0xD] =	stream.linear.gather @!p0 [hbm4b:s4+s17], $0x80, $0x38;
	[tilespmem:$0x74B0] =	vst v63  }
0xf4: {  	_ =	swait.ge @!p0 [sflag:s18], $0x80  }
0xf5: {  	[sflag:s18] =	ssyncset.done @!p0 $0x0  }
0xf6: {  	[sflag:s18] =	ssyncadd.s32 @!p0 $0xFFFFFF80  }
0xf7: {  	v3 =	vld @!p0 [tilespmem:$0x0]  }
0xf8: {  	v4 =	vld @!p0 [tilespmem:$0x10]  }
0xf9: {  	v5 =	vld @!p0 [tilespmem:$0x20]  }
0xfa: {  	v6 =	vld @!p0 [tilespmem:$0x30]  }
0xfb: {  	v7 =	vld @!p0 [tilespmem:$0x40]  }
0xfc: {  	v8 =	vld @!p0 [tilespmem:$0x50];
	v3 =	vsub.s32 @!p0 v3, v0  }
0xfd: {  	v9 =	vld @!p0 [tilespmem:$0x60];
	v4 =	vsub.s32 @!p0 v4, v0;
	v3 =	vmin.u32 @!p0 v3, $0x61A8  }
0xfe: {  	[tilespmem:$0x0] =	vst @!p0 v3;
	v3 =	vmin.u32 @!p0 v4, $0x61A8;
	v4 =	vsub.s32 @!p0 v5, v0;
	v5 =	vld @!p0 [tilespmem:$0x70]  }
0xff: {  	[tilespmem:$0x10] =	vst @!p0 v3;
	v3 =	vmin.u32 @!p0 v4, $0x61A8;
	v4 =	vsub.s32 @!p0 v6, v0  }
0x100: {  	[tilespmem:$0x20] =	vst @!p0 v3;
	v3 =	vmin.u32 @!p0 v4, $0x61A8;
	v4 =	vsub.s32 @!p0 v7, v0  }
0x101: {  	[tilespmem:$0x30] =	vst @!p0 v3;
	v3 =	vmin.u32 @!p0 v4, $0x61A8;
	v4 =	vsub.s32 @!p0 v8, v0  }
0x102: {  	[tilespmem:$0x40] =	vst @!p0 v3;
	v3 =	vmin.u32 @!p0 v4, $0x61A8;
	v4 =	vsub.s32 @!p0 v9, v0  }
0x103: {  	[tilespmem:$0x50] =	vst @!p0 v3;
	v3 =	vmin.u32 @!p0 v4, $0x61A8;
	v4 =	vsub.s32 @!p0 v5, v0  }
0x104: {  	[tilespmem:$0x60] =	vst @!p0 v3;
	v3 =	vmin.u32 @!p0 v4, $0x61A8  }
0x105: {  	s19 =	simm.s32 @!p0 $0x80;
	s4 =	simm.s32 @!p0 $0x300;
	[tilespmem:$0x70] =	vst @!p0 v3  }
0x106: {  	[spmem:s1] =	stream.indirect.scatter.add.f32 @!p0 [tilespmem:s4], [sflag:$0xD], $0x10, s17, s19, $0xb8;
	[tilespmem:$0x74B0] =	vst v63  }
0x107: {  	_ =	swait.ge @!p0 [sflag:s18], $0x800  }
0x108: {  	[sflag:s18] =	ssyncset.done @!p0 $0x0  }
0x109: {  	[sflag:s18] =	ssyncadd.s32 @!p0 $0xFFFFF800  }
0x10a: {  	s17 =	stileid.u32;
	[bflag:$0x0] =	sbarrier.arrive $0xFFFF  }
0x10b: {  	s4 =	sshll.u32 s17, $0x6;
	s18 =	rddreg [dreg:$0x6]  }
0x10c: {  	s4 =	sor.u32 $0x1C0D, s4;
	s19 =	rddreg [dreg:$0x9];
	s17 =	sshrl.u32 s18, $0x3  }
0x10d: {  	[hbm:s19], [sflag:s4] =	dma.local [spmem:s17], $0xC36  }
0x10e: {  	_ =	swait.ge [sflag:s25], $0xC36  }
0x10f: {  	s16 =	sadd.s32 $0x1, s16;
	s19 =	rddreg [dreg:$0xa]  }
0x110: {  	p1 =	sne.s32 s16, s19  }
.Ltmp2:
0x111: {  	_ = 	snop;
	(pc) =	sbr.rel @p1 .LBB2_1-.Ltmp2, $3  }
0x112: {  	_ =	sdelay $0x1  }
0x113: {  	[sflag:s25] =	ssyncset.done $0x0  }
0x114: {  	[sflag:s25] =	ssyncadd.s32 $0xFFFFF3CA  }
0x115: {  	_ =	sfence.sel $0x180000  }
0x116: {  	[bflag:$0x0] =	sbarrier.arrive $0xFFFF  }
0x117: {  	_ =	strace $0x90000047  }
0x118: {  	s0 =	stileid.u32;
	[bflag:$0x2] =	sbarrier.arrive $0xFFFF  }
0x119: {  	p0 =	sne.s32 s0, $0x0;
	s0 =	rddreg [dreg:$0x3]  }
0x11a: {  	s0 =	sadd.s32 @!p0 $0x100000, s0  }
0x11b: {  	[sflag:s0] =	ssyncadd.tile.s32 @!p0 $0x1;
	_ =	shalt  }
.Lfunc_end2:
_tile_overlayer_lowered:
.L_overlay_start_2:
0x11c: {  	(tag) =	ssettag $0x2  }
0x11d: {  	s0 =	rddreg [dreg:$0x0];
	s2 =	stileid.u32  }
0x11e: {  	s1 =	rddreg [dreg:$0x1];
	p0 =	sne.s32 s2, $0x0  }
0x11f: {  	s3 =	rddreg [dreg:$0x2];
	[bflag:$0x3] =	sbarrier.arrive $0xFFFF;
	s2 =	simm.s32 @!p0 $0x1C0D  }
0x120: {  	[timem:s3], [sflag:s2] =	dma.local @!p0 [hbm:s0], s1  }
0x121: {  	s0 =	simm.s32 @!p0 $0xD  }
0x122: {  	_ =	swait.ge @!p0 [sflag:s0], s1  }
0x123: {  	s1 =	ssub.s32 @!p0 $0x0, s1;
	[sflag:s0] =	ssyncset.done @!p0 $0x0  }
0x124: {  	[sflag:s0] =	ssyncadd.s32 @!p0 s1  }
0x125: {  	[bflag:$0x3] =	sbarrier.arrive $0xFFFF  }
0x126: {  	_ =	shalt  }

// kernel: kernel.9.cloned.1.call-start
scs
__scs_entry_jumppad:
0x0: {  	(pc) =	sbr.rel $0x88, $3  }
0x1: {  	(tag) =	ssettag $0x0;
	lr =	simm.s32 $0x1  }
0x2: {  	[smem:$0x3F9D] =	sst lr;
	_ =	strace $0xD0000000  }
0x3: {  	_ = 	snop  }
0x4: {  	_ = 	snop  }
0x5: {  	_ = 	snop  }
0x6: {  	_ = 	snop  }
0x7: {  	_ = 	snop  }
__scs_overlays_trampoline_lowered:
0x8: {  	[smem:$0x3FAC] =	sst s0  }
0x9: {  	[smem:$0x3FAD] =	sst s1  }
0xa: {  	[smem:$0x3FAE] =	sst s2  }
0xb: {  	[smem:$0x3FAF] =	sst s3  }
0xc: {  	[smem:$0x3FB0] =	sst s4  }
0xd: {  	[smem:$0x3FB1] =	sst s5  }
0xe: {  	[smem:$0x3FB2] =	sst s6  }
0xf: {  	[smem:$0x3FB3] =	sst s7  }
0x10: {  	[smem:$0x3FB4] =	sst s8  }
0x11: {  	[smem:$0x3FB5] =	sst s9;
	s0 =	simm.s32 @!p0 $0x0  }
0x12: {  	s1 =	sld [smem:$0x3F9B];
	s0 =	simm.s32 @p0 $0x1  }
0x13: {  	[smem:$0x3FB6] =	sst s0;
	s0 =	simm.s32 @!p1 $0x0  }
0x14: {  	s2 =	sld [smem:$0x3F9A];
	s0 =	simm.s32 @p1 $0x1  }
0x15: {  	[smem:$0x3FB7] =	sst s0;
	s0 =	simm.s32 @!p2 $0x0  }
0x16: {  	s3 =	sld [smem:$0x3FDB];
	s0 =	simm.s32 @p2 $0x1  }
0x17: {  	s4 =	simm.s32 $0x1BF5;
	[smem:$0x3FB9] =	sst s0  }
0x18: {  	s0 =	sld [smem:$0x3F9C];
	_ =	swait.ge [sflag:s4], $0x0  }
0x19: {  	s7 =	sld [smem:$0x3F9D]  }
0x1a: {  	s8 =	sadd.s32 $0xFFFFE003, lr  }
0x1b: {  	s9 =	sadd.s32 $0xFFFFFEF7, lr;
	s5 =	simm.s32 $0xFFFFFFFF;
	p2 =	slt.u32 s8, $0xFFFFF086  }
0x1c: {  	p1 =	slt.u32 s9, $0xF7A;
	s5 =	simm.s32 @!p2 $0x0  }
0x1d: {  	s5 =	simm.s32 @p1 $0x1;
	p0 =	seq.s32 s7, s2  }
0x1e: {  	s7 =	smul.u32 @!p0 $0xF7A, s2;
	p2 =	seq.s32 @!p0 s5, $0x0  }
0x1f: {  	s9 =	smul.u32 $0xF7A, s1;
	s8 =	simm.s32 @!p0 $0x1BF5;
	p2 =	por !p2, p0  }
0x20: {  	[sflag:s8] =	ssyncset.s32 @!p0 $0xFFFFF086;
	s6 =	sadd.s32 @!p0 s3, s7;
	s7 =	simm.s32 @!p0 $0x108  }
0x21: {  	s3 =	sadd.s32 s3, s9;
	s6 =	sadd.s32 @!p0 $0x88, s6;
	s7 =	simm.s32 @p2 $0x1082  }
0x22: {  	[simem:s7], [sflag:s8] =	dma.local @!p0 [hbm:s6], $0xF7A  }
0x23: {  	s9 =	sor.u32 $0xD0000000, s2;
	s6 =	simm.s32 $0x108;
	_ =	swait.ge @!p0 [sflag:s8], $0x0  }
0x24: {  	s3 =	sadd.s32 $0x88, s3;
	s6 =	simm.s32 @!p1 $0x1082;
	[sflag:s4] =	ssyncset.s32 $0xFFFFF086  }
0x25: {  	[simem:s6], [sflag:s4] =	dma.local [hbm:s3], $0xF7A  }
0x26: {  	[smem:$0x3F9D] =	sst s1;
	(tag) =	ssettag s2;
	_ =	strace s9  }
0x27: {  	s1 =	sld [smem:$0x3FAD]  }
0x28: {  	s2 =	sld [smem:$0x3FAE]  }
0x29: {  	s4 =	sld [smem:$0x3FB0]  }
0x2a: {  	p0 =	seq.s32 s5, $0x0;
	s5 =	sld [smem:$0x3FB1]  }
0x2b: {  	s6 =	sld [smem:$0x3FB2]  }
0x2c: {  	s7 =	sld [smem:$0x3FB3]  }
0x2d: {  	s3 =	simm.s32 $0x108;
	s8 =	sld [smem:$0x3FB4]  }
0x2e: {  	s3 =	simm.s32 @!p0 $0x1082;
	s9 =	sld [smem:$0x3FB5]  }
0x2f: {  	lr =	sadd.s32 s0, s3;
	s0 =	sld [smem:$0x3FAC]  }
0x30: {  	s3 =	sld [smem:$0x3FAF]  }
0x31: {  	[smem:$0x3FB8] =	sst s10  }
0x32: {  	s10 =	sld [smem:$0x3FB6];
	_ =	sdelay $0x3  }
0x33: {  	p0 =	seq.s32 s10, $0x1;
	s10 =	sld [smem:$0x3FB8];
	_ =	sdelay $0x3  }
0x34: {  	[smem:$0x3FB8] =	sst s10  }
0x35: {  	s10 =	sld [smem:$0x3FB7];
	_ =	sdelay $0x3  }
0x36: {  	p1 =	seq.s32 s10, $0x1;
	s10 =	sld [smem:$0x3FB8];
	_ =	sdelay $0x3  }
0x37: {  	[smem:$0x3FB8] =	sst s10  }
0x38: {  	s10 =	sld [smem:$0x3FB9]  }
0x39: {  	_ = 	snop;
	(pc) =	sbr.ind lr, $3  }
0x3a: {  	_ = 	snop  }
0x3b: {  	_ = 	snop  }
0x3c: {  	p2 =	seq.s32 s10, $0x1;
	s10 =	sld [smem:$0x3FB8]  }
0x3d: {  	_ =	shalt  }
0x3e: {  	_ =	shalt  }
0x3f: {  	_ =	shalt  }
0x40: {  	_ =	shalt  }
0x41: {  	_ =	shalt  }
0x42: {  	_ =	shalt  }
0x43: {  	_ =	shalt  }
0x44: {  	_ =	shalt  }
0x45: {  	_ =	shalt  }
0x46: {  	_ =	shalt  }
0x47: {  	_ =	shalt  }
0x48: {  	_ =	shalt  }
0x49: {  	_ =	shalt  }
0x4a: {  	_ =	shalt  }
0x4b: {  	_ =	shalt  }
0x4c: {  	_ =	shalt  }
0x4d: {  	_ =	shalt  }
0x4e: {  	_ =	shalt  }
0x4f: {  	_ =	shalt  }
0x50: {  	_ =	shalt  }
0x51: {  	_ =	shalt  }
0x52: {  	_ =	shalt  }
0x53: {  	_ =	shalt  }
0x54: {  	_ =	shalt  }
0x55: {  	_ =	shalt  }
0x56: {  	_ =	shalt  }
0x57: {  	_ =	shalt  }
0x58: {  	_ =	shalt  }
0x59: {  	_ =	shalt  }
0x5a: {  	_ =	shalt  }
0x5b: {  	_ =	shalt  }
0x5c: {  	_ =	shalt  }
0x5d: {  	_ =	shalt  }
0x5e: {  	_ =	shalt  }
0x5f: {  	_ =	shalt  }
0x60: {  	_ =	shalt  }
0x61: {  	_ =	shalt  }
0x62: {  	_ =	shalt  }
0x63: {  	_ =	shalt  }
0x64: {  	_ =	shalt  }
0x65: {  	_ =	shalt  }
0x66: {  	_ =	shalt  }
0x67: {  	_ =	shalt  }
0x68: {  	_ =	shalt  }
0x69: {  	_ =	shalt  }
0x6a: {  	_ =	shalt  }
0x6b: {  	_ =	shalt  }
0x6c: {  	_ =	shalt  }
0x6d: {  	_ =	shalt  }
0x6e: {  	_ =	shalt  }
0x6f: {  	_ =	shalt  }
0x70: {  	_ =	shalt  }
0x71: {  	_ =	shalt  }
0x72: {  	_ =	shalt  }
0x73: {  	_ =	shalt  }
0x74: {  	_ =	shalt  }
0x75: {  	_ =	shalt  }
0x76: {  	_ =	shalt  }
0x77: {  	_ =	shalt  }
0x78: {  	_ =	shalt  }
0x79: {  	_ =	shalt  }
0x7a: {  	_ =	shalt  }
0x7b: {  	_ =	shalt  }
0x7c: {  	_ =	shalt  }
0x7d: {  	_ =	shalt  }
0x7e: {  	_ =	shalt  }
0x7f: {  	_ =	shalt  }
0x80: {  	_ =	shalt  }
0x81: {  	_ =	shalt  }
0x82: {  	_ =	shalt  }
0x83: {  	_ =	shalt  }
0x84: {  	_ =	shalt  }
0x85: {  	_ =	shalt  }
0x86: {  	_ =	shalt  }
0x87: {  	_ =	shalt  }
.Lfunc_end0:
.L_simem_size_0:
called_computation.1_lowered:
.L_overlay_start_0:
0x88: {  	s2 =	sld [smem:$0x3FD9]  }
0x89: {  	s3 =	sld [smem:$0x3FFE];
	_ =	sdelay $0x1  }
0x8a: {  	s1 =	srdreg.scid  }
0x8b: {  	s0 =	sand.u32 $0x1, s1  }
0x8c: {  	s17 =	sshll.u32 s0, $0xA;
	s2 =	sadd.s32 s3, s2  }
0x8d: {  	s2 =	sadd.s32 s2, s17  }
0x8e: {  	[smem:$0x3FC4] =	sst s2  }
0x8f: {  	_ = 	snop  }
0x90: {  	s2 =	sld [smem:$0x3FD0];
	(tm) =	ssettm $0x1  }
0x91: {  	s18 =	sld [smem:$0x3FFB];
	_ =	sdelay $0x3  }
0x92: {  	_ =	strace s18  }
0x93: {  	s3 =	sld [smem:$0x3FFC];
	_ =	sdelay $0x3  }
0x94: {  	_ =	strace s3  }
0x95: {  	s3 =	sld [smem:$0x3FFD];
	_ =	sdelay $0x3  }
0x96: {  	_ =	strace s3  }
0x97: {  	_ =	strace $0x8FFFFFFF  }
0x98: {  	s19 =	sld [smem:$0x3FDB];
	_ =	sdelay $0x1  }
0x99: {  	s4 =	simm.s32 $_scs_section_size  }
0x9a: {  	s5 =	simm.s32 $_size__tile_overlayer_lowered;
	s6 =	simm.s32 $_tile_overlayer_lowered  }
0x9b: {  	s22 =	simm.s32 $0x1BFF;
	s21 =	sshll.u32 s6, $0x1;
	s3 =	sadd.s32 s4, s19  }
0x9c: {  	s7 =	simm.s32 $0x0;
	s20 =	sshll.u32 s5, $0x1;
	s5 =	sadd.s32 s21, s3  }
0x9d: {  	[timem:s7], [sflag:s22] =	dma.local [hbm:s5], s20  }
0x9e: {  	_ =	swait.ge [sflag:s22], s20  }
0x9f: {  	s4 =	ssub.s32 $0x0, s20;
	[sflag:s22] =	ssyncset.done $0x0  }
0xa0: {  	[sflag:s22] =	ssyncadd.s32 s4;
	_ =	sdelay $0x1  }
0xa1: {  	s23 =	simm.s32 $0x1B8B  }
0xa2: {  	_ =	swait.ge [sflag:s23], $0x1  }
0xa3: {  	[sflag:s23] =	ssyncset.done $0x0  }
0xa4: {  	s25 =	simm.s32 $0x1B8E;
	s24 =	sld [smem:$0x3FFE];
	[sflag:s23] =	ssyncadd.s32 $0xFFFFFFFF  }
0xa5: {  	s26 =	simm.s32 $execute0_lowered;
	[smem:$0x3FD2] =	sst s25  }
0xa6: {  	s5 =	sshll.u32 s26, $0x1;
	_ =	strace $0x80000049;
	[dreg:$0x1] =	wrdreg $0xFFFFFFFF  }
0xa7: {  	s28 =	simm.s32 $_size_execute0_lowered;
	s3 =	sadd.s32 s3, s5;
	[dreg:$0x0] =	wrdreg $0x0  }
0xa8: {  	s5 =	sshll.u32 s28, $0x1;
	[dreg:$0x2] =	wrdreg s3  }
0xa9: {  	[dreg:$0x3] =	wrdreg s5  }
0xaa: {  	[dreg:$0x4] =	wrdreg $0xC0  }
0xab: {  	_ =	task [dreg:s7], $0x5FFFF  }
0xac: {  	[dreg:$0x1] =	wrdreg $0xFFFFFFFF  }
0xad: {  	[dreg:$0x0] =	wrdreg $0x60  }
0xae: {  	[dreg:$0x2] =	wrdreg s24  }
0xaf: {  	[dreg:$0x3] =	wrdreg s2  }
0xb0: {  	[dreg:$0x4] =	wrdreg $0x16000  }
0xb1: {  	[dreg:$0x5] =	wrdreg $0x9  }
0xb2: {  	_ =	task.clear_ibuf [dreg:s7], $0x6FFFF;
	_ =	strace $0x90000049  }
0xb3: {  	s29 =	simm.s32 $0x9;
	_ =	strace $0x8000004B  }
0xb4: {  	_ =	swait.ge [sflag:s29], $0x1  }
0xb5: {  	[sflag:s29] =	ssyncadd.s32 $0xFFFFFFFF  }
0xb6: {  	_ =	strace $0x9000004B  }
0xb7: {  	_ =	sfence  }
0xb8: {  	s30 =	sld [smem:$0x0];
	_ =	sdelay $0x2  }
0xb9: {  	s31 =	sshll.u32 s1, $0xD;
	s1 =	sshrl.u32 s1, $0x2  }
0xba: {  	s3 =	sand.u32 $0x4000, s31;
	s1 =	sadd.s32 s1, s30  }
0xbb: {  	s0 =	sor.u32 s3, s0;
	s1 =	sshll.u32 s1, $0x11  }
0xbc: {  	s0 =	sor.u32 s1, s0  }
0xbd: {  	s0 =	sadd.s32 $0x8F2B, s0  }
0xbe: {  	[sflag:s0] =	ssyncadd.remote.s32 $0x1  }
0xbf: {  	_ =	sfence.sel $0xFFFF  }
0xc0: {  	[dreg:$0x0] =	wrdreg $0xFFFFFFFF;
	(pc) =	sbr.abs _section_cstart, $3  }
0xc1: {  	[dreg:$0x1] =	wrdreg $0xFFFFFFFF  }
0xc2: {  	_ =	task.clear_ibuf [dreg:s7], $0x2FFFF;
	_ =	strace $0x9FFFFFFF  }
0xc3: {  	(tm) =	ssettm $0x7FFFFFFF  }
tec
execute0_lowered:
.L_overlay_start_1:
0x0: {  	(tag) =	ssettag $0x1  }
0x1: {  	s0 =	rddreg [dreg:$0x0]  }
0x2: {  	s2 =	rddreg [dreg:$0x1]  }
0x3: {  	s1 =	rddreg [dreg:$0x2]  }
0x4: {  	s3 =	simm.s32 $0x0;
	s4 =	srdreg.scid;
	s13 =	stileid.u32  }
0x5: {  	[smem:$0x7FF] =	sst s3;
	s5 =	sand.u32 $0x1, s4;
	s6 =	smul.u32 $0xC3, s13  }
0x6: {  	s7 =	sadd.s32 $0x1A200, s0;
	s8 =	sadd.s32 $0x1A00, s0;
	s12 =	smul.u32 $0x61A80, s13  }
0x7: {  	s11 =	smin.u32 s13, $0x5;
	s4 =	sadd.s32 $0x32A00, s0;
	s24 =	smul.u32 $0x30D4, s13  }
0x8: {  	_ =	strace $0x8000004A;
	s9 =	smul.u32 $0xC35, s5;
	s10 =	ssub.s32 $0x2, s5  }
0x9: {  	s16 =	smul.u32 $0x30D40, s5;
	s6 =	sadd.s32 s11, s6;
	s23 =	sshrl.u32 s12, $0x2  }
0xa: {  	s22 =	sshrl.u32 s10, $0x1;
	s6 =	sadd.s32 s9, s6;
	s28 =	sadd.s32 s23, s1  }
0xb: {  	s19 =	sadd.s32 s24, s16;
	s9 =	sadd.s32 $0x18000, s28;
	[dreg:$0x6] =	wrdreg s28  }
0xc: {  	s0 =	ssub.s32 s10, s22;
	s2 =	sadd.s32 s2, s19;
	[dreg:$0x7] =	wrdreg s9  }
0xd: {  	s0 =	smax.u32 s0, $0x1;
	[dreg:$0x10] =	wrdreg s2  }
0xe: {  	s21 =	sadd.s32 $0x1000, s28;
	[dreg:$0x11] =	wrdreg s0  }
0xf: {  	s22 =	sadd.s32 $0x2000, s28;
	[dreg:$0x12] =	wrdreg s21  }
0x10: {  	s24 =	sadd.s32 $0x3000, s28;
	[dreg:$0x13] =	wrdreg s22  }
0x11: {  	s10 =	sadd.s32 $0x7000, s28;
	[dreg:$0x14] =	wrdreg s24  }
0x12: {  	s12 =	sadd.s32 $0x9000, s28;
	[dreg:$0x18] =	wrdreg s10  }
0x13: {  	s16 =	sadd.s32 $0xC000, s28;
	[dreg:$0x1a] =	wrdreg s12  }
0x14: {  	s19 =	sadd.s32 $0xF000, s28;
	[dreg:$0x1d] =	wrdreg s16  }
0x15: {  	[smem:$0x7F5] =	sst s19;
	s21 =	sadd.s32 $0x11000, s28  }
0x16: {  	s6 =	sshll.u32 s6, $0x4;
	s22 =	sadd.s32 $0x12000, s28;
	[smem:$0x7F7] =	sst s21  }
0x17: {  	s25 =	sadd.s32 $0xC00, s6;
	s24 =	sadd.s32 $0x14000, s28;
	[smem:$0x7F8] =	sst s22  }
0x18: {  	s14 =	sadd.s32 s7, s25;
	[smem:$0x7FA] =	sst s24  }
0x19: {  	s26 =	sadd.s32 $0xC10, s6;
	s9 =	sadd.s32 s8, s25;
	[dreg:$0x8] =	wrdreg s14  }
0x1a: {  	s15 =	sadd.s32 $0xC20, s6;
	s30 =	sadd.s32 s7, s26;
	[dreg:$0x9] =	wrdreg s9  }
0x1b: {  	s6 =	sadd.s32 $0xC30, s6;
	s17 =	sadd.s32 s7, s15;
	[dreg:$0xa] =	wrdreg s30  }
0x1c: {  	s29 =	simm.s32 $0x8;
	s18 =	sadd.s32 s7, s6;
	[dreg:$0xc] =	wrdreg s17  }
0x1d: {  	s31 =	simm.s32 $0x500;
	s6 =	sadd.s32 s8, s6;
	[dreg:$0xe] =	wrdreg s18  }
0x1e: {  	p0 =	sgt.u32 s13, $0x4;
	s25 =	sadd.s32 $0x4000, s28;
	[dreg:$0xf] =	wrdreg s6  }
0x1f: {  	s20 =	smul.u32 $0xC350, s5;
	s14 =	sadd.s32 s8, s26;
	[dreg:$0x15] =	wrdreg s25  }
0x20: {  	s23 =	smul.u32 $0xC30, s13;
	s9 =	sadd.s32 s8, s15;
	[dreg:$0xb] =	wrdreg s14  }
0x21: {  	s0 =	sadd.s32 s20, s8;
	s8 =	sadd.s32 $0x5000, s28;
	[dreg:$0xd] =	wrdreg s9  }
0x22: {  	s30 =	sshll.u32 s11, $0x4;
	s11 =	sadd.s32 $0x8000, s28;
	[dreg:$0x16] =	wrdreg s8  }
0x23: {  	s16 =	simm.s32 $0x80;
	s15 =	sadd.s32 $0xB000, s28;
	[dreg:$0x19] =	wrdreg s11  }
0x24: {  	s2 =	simm.s32 $0x1DCA0;
	s17 =	sadd.s32 $0xD000, s28;
	[dreg:$0x1c] =	wrdreg s15  }
0x25: {  	s19 =	simm.s32 $0x11;
	s18 =	sadd.s32 $0xE000, s28;
	[dreg:$0x1e] =	wrdreg s17  }
0x26: {  	s26 =	sadd.s32 s20, s7;
	s20 =	sadd.s32 $0x10000, s28;
	[dreg:$0x1f] =	wrdreg s18  }
0x27: {  	s0 =	sadd.s32 s23, s0;
	s25 =	sadd.s32 $0x15000, s28;
	[smem:$0x7F6] =	sst s20  }
0x28: {  	s21 =	simm.s32 $0x12;
	s9 =	sadd.s32 $0x6000, s28;
	[smem:$0x7FB] =	sst s25  }
0x29: {  	s22 =	simm.s32 $0x5;
	s0 =	sadd.s32 s30, s0;
	[dreg:$0x17] =	wrdreg s9  }
0x2a: {  	s5 =	sadd.s32 s23, s26;
	s14 =	sadd.s32 $0xA000, s28;
	[dreg:$0x5] =	wrdreg s0  }
0x2b: {  	s23 =	sadd.s32 $0x13000, s28;
	s26 =	sadd.s32 $0x16000, s28;
	[dreg:$0x1b] =	wrdreg s14  }
0x2c: {  	s11 =	simm.s32 $0xD;
	s15 =	simm.s32 $0x10;
	[smem:$0x7F9] =	sst s23  }
0x2d: {  	s18 =	simm.s32 $0x4;
	s5 =	sadd.s32 s30, s5;
	[smem:$0x7FC] =	sst s26  }
0x2e: {  	s30 =	sadd.s32 $0x17000, s28;
	s14 =	simm.s32 $0xF;
	[dreg:$0x4] =	wrdreg s5  }
0x2f: {  	v0 =	vimm.bf16 $0.0e+00;
	s0 =	simm.s32 $0x0;
	[smem:$0x7FD] =	sst s30;
	s5 =	simm.s32 $0xE  }
.LBB2_1:
0x30: {  	[smem:$0x7F4] =	sst s0;
	s23 =	simm.s32 $0x80;
	s24 =	simm.s32 $0x0  }
.LBB2_2:
0x31: {  	p1 =	sne.s32 s23, $0x3F80;
	[tilespmem:s24+$0x600] =	vst v0;
	s25 =	smov.u32 s23;
	s23 =	sadd.s32 $0x80, s23  }
.Ltmp0:
0x32: {  	[tilespmem:s24+$0x610] =	vst v0;
	(pc) =	sbr.rel @p1 .LBB2_2-.Ltmp0, $2  }
0x33: {  	_ =	sdelay $0x2  }
0x34: {  	s24 =	sshra.s32 s25, $0x2  }
0x35: {  	[tilespmem:s24+$0x600] =	vst v0  }
0x36: {  	[tilespmem:s24+$0x610] =	vst v0;
	s24 =	simm.s32 $0x600;
	s25 =	simm.s32 $0x13  }
0x37: {  	[spmem:s28] =	stream.linear.scatter [tilespmem:s24], [sflag:$0x13], $0x1000, $0x38;
	[tilespmem:$0x1FCA0] =	vst v63  }
0x38: {  	_ =	swait.ge [sflag:s25], $0x1000  }
0x39: {  	[sflag:s25] =	ssyncset.done $0x0  }
0x3a: {  	s23 =	rddreg [dreg:$0x12];
	[sflag:s25] =	ssyncadd.s32 $0xFFFFF000  }
0x3b: {  	[spmem:s23] =	stream.linear.scatter [tilespmem:s24], [sflag:$0x13], $0x1000, $0x38;
	[tilespmem:$0x1FCA0] =	vst v63  }
0x3c: {  	_ =	swait.ge [sflag:s25], $0x1000  }
0x3d: {  	[sflag:s25] =	ssyncset.done $0x0  }
0x3e: {  	s12 =	rddreg [dreg:$0x13];
	[sflag:s25] =	ssyncadd.s32 $0xFFFFF000  }
0x3f: {  	[spmem:s12] =	stream.linear.scatter [tilespmem:s24], [sflag:$0x13], $0x1000, $0x38;
	[tilespmem:$0x1FCA0] =	vst v63  }
0x40: {  	_ =	swait.ge [sflag:s25], $0x1000  }
0x41: {  	[sflag:s25] =	ssyncset.done $0x0  }
0x42: {  	s13 =	rddreg [dreg:$0x14];
	[sflag:s25] =	ssyncadd.s32 $0xFFFFF000  }
0x43: {  	[spmem:s13] =	stream.linear.scatter [tilespmem:s24], [sflag:$0x13], $0x1000, $0x38;
	[tilespmem:$0x1FCA0] =	vst v63  }
0x44: {  	_ =	swait.ge [sflag:s25], $0x1000  }
0x45: {  	[sflag:s25] =	ssyncset.done $0x0  }
0x46: {  	s17 =	rddreg [dreg:$0x15];
	[sflag:s25] =	ssyncadd.s32 $0xFFFFF000  }
0x47: {  	[spmem:s17] =	stream.linear.scatter [tilespmem:s24], [sflag:$0x13], $0x1000, $0x38;
	[tilespmem:$0x1FCA0] =	vst v63  }
0x48: {  	_ =	swait.ge [sflag:s25], $0x1000  }
0x49: {  	[sflag:s25] =	ssyncset.done $0x0  }
0x4a: {  	s20 =	rddreg [dreg:$0x16];
	[sflag:s25] =	ssyncadd.s32 $0xFFFFF000  }
0x4b: {  	[spmem:s20] =	stream.linear.scatter [tilespmem:s24], [sflag:$0x13], $0x1000, $0x38;
	[tilespmem:$0x1FCA0] =	vst v63  }
0x4c: {  	_ =	swait.ge [sflag:s25], $0x1000  }
0x4d: {  	[sflag:s25] =	ssyncset.done $0x0  }
0x4e: {  	s26 =	rddreg [dreg:$0x17];
	[sflag:s25] =	ssyncadd.s32 $0xFFFFF000  }
0x4f: {  	[spmem:s26] =	stream.linear.scatter [tilespmem:s24], [sflag:$0x13], $0x1000, $0x38;
	[tilespmem:$0x1FCA0] =	vst v63  }
0x50: {  	_ =	swait.ge [sflag:s25], $0x1000  }
0x51: {  	[sflag:s25] =	ssyncset.done $0x0  }
0x52: {  	s28 =	rddreg [dreg:$0x18];
	[sflag:s25] =	ssyncadd.s32 $0xFFFFF000  }
0x53: {  	[spmem:s28] =	stream.linear.scatter [tilespmem:s24], [sflag:$0x13], $0x1000, $0x38;
	[tilespmem:$0x1FCA0] =	vst v63  }
0x54: {  	_ =	swait.ge [sflag:s25], $0x1000  }
0x55: {  	[sflag:s25] =	ssyncset.done $0x0  }
0x56: {  	s30 =	rddreg [dreg:$0x19];
	[sflag:s25] =	ssyncadd.s32 $0xFFFFF000  }
0x57: {  	[spmem:s30] =	stream.linear.scatter [tilespmem:s24], [sflag:$0x13], $0x1000, $0x38;
	[tilespmem:$0x1FCA0] =	vst v63  }
0x58: {  	_ =	swait.ge [sflag:s25], $0x1000  }
0x59: {  	[sflag:s25] =	ssyncset.done $0x0  }
0x5a: {  	s0 =	rddreg [dreg:$0x1a];
	[sflag:s25] =	ssyncadd.s32 $0xFFFFF000  }
0x5b: {  	[spmem:s0] =	stream.linear.scatter [tilespmem:s24], [sflag:$0x13], $0x1000, $0x38;
	[tilespmem:$0x1FCA0] =	vst v63  }
0x5c: {  	_ =	swait.ge [sflag:s25], $0x1000  }
0x5d: {  	[sflag:s25] =	ssyncset.done $0x0  }
0x5e: {  	s6 =	rddreg [dreg:$0x1b];
	[sflag:s25] =	ssyncadd.s32 $0xFFFFF000  }
0x5f: {  	[spmem:s6] =	stream.linear.scatter [tilespmem:s24], [sflag:$0x13], $0x1000, $0x38;
	[tilespmem:$0x1FCA0] =	vst v63  }
0x60: {  	_ =	swait.ge [sflag:s25], $0x1000  }
0x61: {  	[sflag:s25] =	ssyncset.done $0x0  }
0x62: {  	s7 =	rddreg [dreg:$0x1c];
	[sflag:s25] =	ssyncadd.s32 $0xFFFFF000  }
0x63: {  	[spmem:s7] =	stream.linear.scatter [tilespmem:s24], [sflag:$0x13], $0x1000, $0x38;
	[tilespmem:$0x1FCA0] =	vst v63  }
0x64: {  	_ =	swait.ge [sflag:s25], $0x1000  }
0x65: {  	[sflag:s25] =	ssyncset.done $0x0  }
0x66: {  	s8 =	rddreg [dreg:$0x1d];
	[sflag:s25] =	ssyncadd.s32 $0xFFFFF000  }
0x67: {  	[spmem:s8] =	stream.linear.scatter [tilespmem:s24], [sflag:$0x13], $0x1000, $0x38;
	[tilespmem:$0x1FCA0] =	vst v63  }
0x68: {  	_ =	swait.ge [sflag:s25], $0x1000  }
0x69: {  	[sflag:s25] =	ssyncset.done $0x0  }
0x6a: {  	s9 =	rddreg [dreg:$0x1e];
	[sflag:s25] =	ssyncadd.s32 $0xFFFFF000  }
0x6b: {  	[spmem:s9] =	stream.linear.scatter [tilespmem:s24], [sflag:$0x13], $0x1000, $0x38;
	[tilespmem:$0x1FCA0] =	vst v63  }
0x6c: {  	_ =	swait.ge [sflag:s25], $0x1000  }
0x6d: {  	[sflag:s25] =	ssyncset.done $0x0  }
0x6e: {  	s10 =	rddreg [dreg:$0x1f];
	[sflag:s25] =	ssyncadd.s32 $0xFFFFF000  }
0x6f: {  	[spmem:s10] =	stream.linear.scatter [tilespmem:s24], [sflag:$0x13], $0x1000, $0x38;
	[tilespmem:$0x1FCA0] =	vst v63  }
0x70: {  	_ =	swait.ge [sflag:s25], $0x1000  }
0x71: {  	s12 =	sld [smem:$0x7F5]  }
0x72: {  	[sflag:s25] =	ssyncset.done $0x0  }
0x73: {  	[sflag:s25] =	ssyncadd.s32 $0xFFFFF000  }
0x74: {  	[spmem:s12] =	stream.linear.scatter [tilespmem:s24], [sflag:$0x13], $0x1000, $0x38;
	[tilespmem:$0x1FCA0] =	vst v63  }
0x75: {  	_ =	swait.ge [sflag:s25], $0x1000  }
0x76: {  	s13 =	sld [smem:$0x7F6]  }
0x77: {  	[sflag:s25] =	ssyncset.done $0x0  }
0x78: {  	[sflag:s25] =	ssyncadd.s32 $0xFFFFF000  }
0x79: {  	[spmem:s13] =	stream.linear.scatter [tilespmem:s24], [sflag:$0x13], $0x1000, $0x38;
	[tilespmem:$0x1FCA0] =	vst v63  }
0x7a: {  	_ =	swait.ge [sflag:s25], $0x1000  }
0x7b: {  	s17 =	sld [smem:$0x7F7]  }
0x7c: {  	[sflag:s25] =	ssyncset.done $0x0  }
0x7d: {  	[sflag:s25] =	ssyncadd.s32 $0xFFFFF000  }
0x7e: {  	[spmem:s17] =	stream.linear.scatter [tilespmem:s24], [sflag:$0x13], $0x1000, $0x38;
	[tilespmem:$0x1FCA0] =	vst v63  }
0x7f: {  	_ =	swait.ge [sflag:s25], $0x1000  }
0x80: {  	s20 =	sld [smem:$0x7F8]  }
0x81: {  	[sflag:s25] =	ssyncset.done $0x0  }
0x82: {  	[sflag:s25] =	ssyncadd.s32 $0xFFFFF000  }
0x83: {  	[spmem:s20] =	stream.linear.scatter [tilespmem:s24], [sflag:$0x13], $0x1000, $0x38;
	[tilespmem:$0x1FCA0] =	vst v63  }
0x84: {  	_ =	swait.ge [sflag:s25], $0x1000  }
0x85: {  	s26 =	sld [smem:$0x7F9]  }
0x86: {  	[sflag:s25] =	ssyncset.done $0x0  }
0x87: {  	[sflag:s25] =	ssyncadd.s32 $0xFFFFF000  }
0x88: {  	[spmem:s26] =	stream.linear.scatter [tilespmem:s24], [sflag:$0x13], $0x1000, $0x38;
	[tilespmem:$0x1FCA0] =	vst v63  }
0x89: {  	_ =	swait.ge [sflag:s25], $0x1000  }
0x8a: {  	s28 =	sld [smem:$0x7FA]  }
0x8b: {  	[sflag:s25] =	ssyncset.done $0x0  }
0x8c: {  	[sflag:s25] =	ssyncadd.s32 $0xFFFFF000  }
0x8d: {  	[spmem:s28] =	stream.linear.scatter [tilespmem:s24], [sflag:$0x13], $0x1000, $0x38;
	[tilespmem:$0x1FCA0] =	vst v63  }
0x8e: {  	_ =	swait.ge [sflag:s25], $0x1000  }
0x8f: {  	s30 =	sld [smem:$0x7FB]  }
0x90: {  	[sflag:s25] =	ssyncset.done $0x0  }
0x91: {  	[sflag:s25] =	ssyncadd.s32 $0xFFFFF000  }
0x92: {  	[spmem:s30] =	stream.linear.scatter [tilespmem:s24], [sflag:$0x13], $0x1000, $0x38;
	[tilespmem:$0x1FCA0] =	vst v63  }
0x93: {  	_ =	swait.ge [sflag:s25], $0x1000  }
0x94: {  	s0 =	sld [smem:$0x7FC]  }
0x95: {  	[sflag:s25] =	ssyncset.done $0x0  }
0x96: {  	[sflag:s25] =	ssyncadd.s32 $0xFFFFF000  }
0x97: {  	[spmem:s0] =	stream.linear.scatter [tilespmem:s24], [sflag:$0x13], $0x1000, $0x38;
	[tilespmem:$0x1FCA0] =	vst v63  }
0x98: {  	_ =	swait.ge [sflag:s25], $0x1000  }
0x99: {  	s6 =	sld [smem:$0x7FD]  }
0x9a: {  	[sflag:s25] =	ssyncset.done $0x0  }
0x9b: {  	[sflag:s25] =	ssyncadd.s32 $0xFFFFF000  }
0x9c: {  	[spmem:s6] =	stream.linear.scatter [tilespmem:s24], [sflag:$0x13], $0x1000, $0x38;
	[tilespmem:$0x1FCA0] =	vst v63  }
0x9d: {  	_ =	swait.ge [sflag:s25], $0x1000  }
0x9e: {  	[sflag:s25] =	ssyncset.done $0x0  }
0x9f: {  	s7 =	rddreg [dreg:$0x7];
	[sflag:s25] =	ssyncadd.s32 $0xFFFFF000  }
0xa0: {  	[spmem:s7] =	stream.linear.scatter [tilespmem:s24], [sflag:$0x13], $0x6A0, $0x38;
	[tilespmem:$0x1FCA0] =	vst v63  }
0xa1: {  	_ =	swait.ge [sflag:s25], $0x6A0  }
0xa2: {  	[sflag:s25] =	ssyncset.done $0x0  }
0xa3: {  	[sflag:s25] =	ssyncadd.s32 $0xFFFFF960  }
0xa4: {  	[bflag:$0x0] =	sbarrier.arrive $0xFFFF  }
0xa5: {  	s8 =	rddreg [dreg:$0x4]  }
0xa6: {  	s9 =	rddreg [dreg:$0x5];
	s23 =	sadd.s32 $0x0, s8  }
0xa7: {  	[tilespmem:s3], [sflag:$0x1] =	stream.linear.gather [hbm4b:s23+s3], $0x80, $0x38;
	[tilespmem:$0x1FCA0] =	vst v63  }
0xa8: {  	s0 =	simm.s32 $0x300;
	s24 =	sadd.s32 $0x0, s9  }
0xa9: {  	[tilespmem:s0], [sflag:$0xD] =	stream.linear.gather [hbm4b:s24+s3], $0x80, $0x38;
	[tilespmem:$0x1FCA0] =	vst v63  }
0xaa: {  	s10 =	sadd.s32 $0x10, s23  }
0xab: {  	[tilespmem:s16], [sflag:$0x2] =	stream.linear.gather [hbm4b:s10+s3], $0x80, $0x38;
	[tilespmem:$0x1FCA0] =	vst v63  }
0xac: {  	s13 =	simm.s32 $0x380;
	s12 =	sadd.s32 $0x10, s24  }
0xad: {  	[tilespmem:s13], [sflag:$0xE] =	stream.linear.gather [hbm4b:s12+s3], $0x80, $0x38;
	[tilespmem:$0x1FCA0] =	vst v63  }
0xae: {  	s6 =	simm.s32 $0x100;
	s17 =	sadd.s32 $0x20, s23  }
0xaf: {  	[tilespmem:s6], [sflag:$0x3] =	stream.linear.gather [hbm4b:s17+s3], $0x80, $0x38;
	[tilespmem:$0x1FCA0] =	vst v63  }
0xb0: {  	s26 =	simm.s32 $0x400;
	s20 =	sadd.s32 $0x20, s24  }
0xb1: {  	[tilespmem:s26], [sflag:$0xF] =	stream.linear.gather [hbm4b:s20+s3], $0x80, $0x38;
	[tilespmem:$0x1FCA0] =	vst v63  }
0xb2: {  	s7 =	simm.s32 $0x180;
	s30 =	sadd.s32 $0x30, s23  }
0xb3: {  	[tilespmem:s7], [sflag:$0x4] =	stream.linear.gather [hbm4b:s30+s3], $0x80, $0x38;
	[tilespmem:$0x1FCA0] =	vst v63  }
0xb4: {  	s8 =	sadd.s32 $0x30, s24;
	s10 =	simm.s32 $0x480  }
0xb5: {  	[tilespmem:s10], [sflag:$0x10] =	stream.linear.gather [hbm4b:s8+s3], $0x80, $0x38;
	[tilespmem:$0x1FCA0] =	vst v63  }
0xb6: {  	s9 =	sadd.s32 $0x40, s23;
	s13 =	simm.s32 $0x200  }
0xb7: {  	[tilespmem:s13], [sflag:$0x5] =	stream.linear.gather [hbm4b:s9+s3], $0x80, $0x38;
	[tilespmem:$0x1FCA0] =	vst v63  }
0xb8: {  	s12 =	sadd.s32 $0x40, s24;
	s26 =	simm.s32 $0x500  }
0xb9: {  	[tilespmem:s26], [sflag:$0x11] =	stream.linear.gather [hbm4b:s12+s3], $0x80, $0x38;
	[tilespmem:$0x1FCA0] =	vst v63  }
0xba: {  	s23 =	sadd.s32 $0x50, s23;
	s20 =	simm.s32 $0x280  }
0xbb: {  	[tilespmem:s20], [sflag:$0x6] =	stream.linear.gather [hbm4b:s23+s3], $0x80, $0x38;
	[tilespmem:$0x1FCA0] =	vst v63  }
0xbc: {  	s17 =	sadd.s32 $0x50, s24;
	s24 =	simm.s32 $0x580;
	s8 =	simm.s32 $0x1  }
0xbd: {  	[tilespmem:s24], [sflag:$0x12] =	stream.linear.gather [hbm4b:s17+s3], $0x80, $0x38;
	[tilespmem:$0x1FCA0] =	vst v63  }
0xbe: {  	_ =	swait.ge [sflag:s8], $0x80  }
0xbf: {  	[sflag:s8] =	ssyncset.done $0x0  }
0xc0: {  	s9 =	simm.s32 $0x2;
	[sflag:s8] =	ssyncadd.s32 $0xFFFFFF80;
	s8 =	simm.s32 $0x19CA0  }
0xc1: {  	[tilespmem:s8], [sflag:$0x7] =	stream.indirect.gather [hbm4b:s4+s16], $0x20, s3, s16, $0xb8;
	[tilespmem:$0x1FCA0] =	vst v63  }
0xc2: {  	_ =	swait.ge [sflag:s9], $0x80  }
0xc3: {  	[sflag:s9] =	ssyncset.done $0x0  }
0xc4: {  	s23 =	simm.s32 $0x3;
	s17 =	simm.s32 $0x1ACA0;
	[sflag:s9] =	ssyncadd.s32 $0xFFFFFF80  }
0xc5: {  	[tilespmem:s17], [sflag:$0x8] =	stream.indirect.gather [hbm4b:s4+s16], $0x20, s16, s16, $0xb8;
	[tilespmem:$0x1FCA0] =	vst v63  }
0xc6: {  	_ =	swait.ge [sflag:s23], $0x80  }
0xc7: {  	[sflag:s23] =	ssyncset.done $0x0  }
0xc8: {  	s12 =	simm.s32 $0x1BCA0;
	[sflag:s23] =	ssyncadd.s32 $0xFFFFFF80  }
0xc9: {  	[tilespmem:s12], [sflag:$0x9] =	stream.indirect.gather [hbm4b:s4+s16], $0x20, s6, s16, $0xb8;
	[tilespmem:$0x1FCA0] =	vst v63  }
0xca: {  	_ =	swait.ge [sflag:s18], $0x80  }
0xcb: {  	[sflag:s18] =	ssyncset.done $0x0  }
0xcc: {  	s28 =	simm.s32 $0x1CCA0;
	[sflag:s18] =	ssyncadd.s32 $0xFFFFFF80  }
0xcd: {  	[tilespmem:s28], [sflag:$0xA] =	stream.indirect.gather [hbm4b:s4+s16], $0x20, s7, s16, $0xb8;
	[tilespmem:$0x1FCA0] =	vst v63  }
0xce: {  	_ =	swait.ge [sflag:s22], $0x80  }
0xcf: {  	[sflag:s22] =	ssyncset.done $0x0  }
0xd0: {  	[sflag:s22] =	ssyncadd.s32 $0xFFFFFF80  }
0xd1: {  	[tilespmem:s2], [sflag:$0xB] =	stream.indirect.gather [hbm4b:s4+s16], $0x20, s13, s16, $0xb8;
	[tilespmem:$0x1FCA0] =	vst v63  }
0xd2: {  	s13 =	simm.s32 $0x6  }
0xd3: {  	_ =	swait.ge [sflag:s13], $0x80  }
0xd4: {  	[sflag:s13] =	ssyncset.done $0x0  }
0xd5: {  	s2 =	simm.s32 $0x1ECA0;
	[sflag:s13] =	ssyncadd.s32 $0xFFFFFF80  }
0xd6: {  	[tilespmem:s2], [sflag:$0xC] =	stream.indirect.gather [hbm4b:s4+s16], $0x20, s20, s16, $0xb8;
	[tilespmem:$0x1FCA0] =	vst v63  }
0xd7: {  	_ =	swait.ge [sflag:s11], $0x80  }
0xd8: {  	[sflag:s11] =	ssyncset.done $0x0  }
0xd9: {  	s20 =	simm.s32 $0x7;
	[sflag:s11] =	ssyncadd.s32 $0xFFFFFF80  }
0xda: {  	_ =	swait.ge [sflag:s20], $0x1000  }
0xdb: {  	[sflag:s20] =	ssyncset.done $0x0  }
0xdc: {  	[sflag:s20] =	ssyncadd.s32 $0xFFFFF000  }
0xdd: {  	[spmem:s1] =	stream.indirect.scatter.add.bf16 [tilespmem:s8], [sflag:$0xD], $0x20, s0, s16, $0xb8;
	[tilespmem:$0x1FCA0] =	vst v63  }
0xde: {  	_ =	swait.ge [sflag:s5], $0x80  }
0xdf: {  	[sflag:s5] =	ssyncset.done $0x0  }
0xe0: {  	[sflag:s5] =	ssyncadd.s32 $0xFFFFFF80  }
0xe1: {  	_ =	swait.ge [sflag:s29], $0x1000  }
0xe2: {  	[sflag:s29] =	ssyncset.done $0x0  }
0xe3: {  	s23 =	simm.s32 $0x380;
	[sflag:s29] =	ssyncadd.s32 $0xFFFFF000  }
0xe4: {  	[spmem:s1] =	stream.indirect.scatter.add.bf16 [tilespmem:s17], [sflag:$0xE], $0x20, s23, s16, $0xb8;
	[tilespmem:$0x1FCA0] =	vst v63  }
0xe5: {  	_ =	swait.ge [sflag:s14], $0x80  }
0xe6: {  	[sflag:s14] =	ssyncset.done $0x0  }
0xe7: {  	s20 =	simm.s32 $0x9;
	[sflag:s14] =	ssyncadd.s32 $0xFFFFFF80  }
0xe8: {  	_ =	swait.ge [sflag:s20], $0x1000  }
0xe9: {  	[sflag:s20] =	ssyncset.done $0x0  }
0xea: {  	s25 =	simm.s32 $0x400;
	[sflag:s20] =	ssyncadd.s32 $0xFFFFF000  }
0xeb: {  	[spmem:s1] =	stream.indirect.scatter.add.bf16 [tilespmem:s12], [sflag:$0xF], $0x20, s25, s16, $0xb8;
	[tilespmem:$0x1FCA0] =	vst v63  }
0xec: {  	_ =	swait.ge [sflag:s15], $0x80  }
0xed: {  	[sflag:s15] =	ssyncset.done $0x0  }
0xee: {  	s25 =	simm.s32 $0xA;
	[sflag:s15] =	ssyncadd.s32 $0xFFFFFF80  }
0xef: {  	_ =	swait.ge [sflag:s25], $0x1000  }
0xf0: {  	[sflag:s25] =	ssyncset.done $0x0  }
0xf1: {  	[sflag:s25] =	ssyncadd.s32 $0xFFFFF000  }
0xf2: {  	[spmem:s1] =	stream.indirect.scatter.add.bf16 [tilespmem:s28], [sflag:$0x10], $0x20, s10, s16, $0xb8;
	[tilespmem:$0x1FCA0] =	vst v63  }
0xf3: {  	_ =	swait.ge [sflag:s19], $0x80  }
0xf4: {  	[sflag:s19] =	ssyncset.done $0x0  }
0xf5: {  	s28 =	simm.s32 $0xB;
	[sflag:s19] =	ssyncadd.s32 $0xFFFFFF80  }
0xf6: {  	_ =	swait.ge [sflag:s28], $0x1000  }
0xf7: {  	[sflag:s28] =	ssyncset.done $0x0  }
0xf8: {  	s30 =	simm.s32 $0x1DCA0;
	[sflag:s28] =	ssyncadd.s32 $0xFFFFF000  }
0xf9: {  	[spmem:s1] =	stream.indirect.scatter.add.bf16 [tilespmem:s30], [sflag:$0x11], $0x20, s26, s16, $0xb8;
	[tilespmem:$0x1FCA0] =	vst v63  }
0xfa: {  	_ =	swait.ge [sflag:s21], $0x80  }
0xfb: {  	[sflag:s21] =	ssyncset.done $0x0  }
0xfc: {  	s30 =	simm.s32 $0xC;
	[sflag:s21] =	ssyncadd.s32 $0xFFFFFF80  }
0xfd: {  	_ =	swait.ge [sflag:s30], $0x1000  }
0xfe: {  	[sflag:s30] =	ssyncset.done $0x0  }
0xff: {  	[sflag:s30] =	ssyncadd.s32 $0xFFFFF000  }
0x100: {  	[spmem:s1] =	stream.indirect.scatter.add.bf16 [tilespmem:s2], [sflag:$0x12], $0x20, s24, s16, $0xb8;
	[tilespmem:$0x1FCA0] =	vst v63  }
0x101: {  	_ =	swait.ge [sflag:s11], $0x1000  }
0x102: {  	[sflag:s11] =	ssyncset.done $0x0  }
0x103: {  	[sflag:s11] =	ssyncadd.s32 $0xFFFFF000  }
0x104: {  	_ =	swait.ge [sflag:s5], $0x1000  }
0x105: {  	[sflag:s5] =	ssyncset.done $0x0  }
0x106: {  	[sflag:s5] =	ssyncadd.s32 $0xFFFFF000  }
0x107: {  	_ =	swait.ge [sflag:s14], $0x1000  }
0x108: {  	[sflag:s14] =	ssyncset.done $0x0  }
0x109: {  	[sflag:s14] =	ssyncadd.s32 $0xFFFFF000  }
0x10a: {  	_ =	swait.ge [sflag:s15], $0x1000  }
0x10b: {  	[sflag:s15] =	ssyncset.done $0x0  }
0x10c: {  	[sflag:s15] =	ssyncadd.s32 $0xFFFFF000  }
0x10d: {  	_ =	swait.ge [sflag:s19], $0x1000  }
0x10e: {  	[sflag:s19] =	ssyncset.done $0x0  }
0x10f: {  	[sflag:s19] =	ssyncadd.s32 $0xFFFFF000  }
0x110: {  	s23 =	simm.s32 $0x60;
	_ =	swait.ge [sflag:s21], $0x1000  }
0x111: {  	s24 =	simm.s32 $0xC0;
	s25 =	rddreg [dreg:$0x4];
	[sflag:s21] =	ssyncset.done $0x0  }
.LBB2_4:
0x112: {  	[sflag:s21] =	ssyncadd.s32 $0xFFFFF000;
	s28 =	rddreg [dreg:$0x5];
	s25 =	sadd.s32 s23, s25  }
0x113: {  	[tilespmem:s3], [sflag:$0x1] =	stream.linear.gather [hbm4b:s25+s3], $0x80, $0x38;
	[tilespmem:$0x1FCA0] =	vst v63  }
0x114: {  	s30 =	smov.u32 s24;
	s0 =	simm.s32 $0x300;
	s28 =	sadd.s32 s23, s28  }
0x115: {  	[tilespmem:s0], [sflag:$0xD] =	stream.linear.gather [hbm4b:s28+s3], $0x80, $0x38;
	[tilespmem:$0x1FCA0] =	vst v63  }
0x116: {  	s23 =	smov.u32 s30;
	s30 =	sadd.s32 $0x10, s25  }
0x117: {  	[tilespmem:s16], [sflag:$0x2] =	stream.linear.gather [hbm4b:s30+s3], $0x80, $0x38;
	[tilespmem:$0x1FCA0] =	vst v63  }
0x118: {  	s0 =	simm.s32 $0x380;
	s30 =	sadd.s32 $0x10, s28  }
0x119: {  	[tilespmem:s0], [sflag:$0xE] =	stream.linear.gather [hbm4b:s30+s3], $0x80, $0x38;
	[tilespmem:$0x1FCA0] =	vst v63  }
0x11a: {  	s6 =	simm.s32 $0x100;
	s30 =	sadd.s32 $0x20, s25  }
0x11b: {  	[tilespmem:s6], [sflag:$0x3] =	stream.linear.gather [hbm4b:s30+s3], $0x80, $0x38;
	[tilespmem:$0x1FCA0] =	vst v63  }
0x11c: {  	s6 =	simm.s32 $0x400;
	s30 =	sadd.s32 $0x20, s28  }
0x11d: {  	[tilespmem:s6], [sflag:$0xF] =	stream.linear.gather [hbm4b:s30+s3], $0x80, $0x38;
	[tilespmem:$0x1FCA0] =	vst v63  }
0x11e: {  	s2 =	simm.s32 $0x180;
	s30 =	sadd.s32 $0x30, s25  }
0x11f: {  	[tilespmem:s2], [sflag:$0x4] =	stream.linear.gather [hbm4b:s30+s3], $0x80, $0x38;
	[tilespmem:$0x1FCA0] =	vst v63  }
0x120: {  	s10 =	simm.s32 $0x480;
	s30 =	sadd.s32 $0x30, s28  }
0x121: {  	[tilespmem:s10], [sflag:$0x10] =	stream.linear.gather [hbm4b:s30+s3], $0x80, $0x38;
	[tilespmem:$0x1FCA0] =	vst v63  }
0x122: {  	s7 =	simm.s32 $0x200;
	s30 =	sadd.s32 $0x40, s25  }
0x123: {  	[tilespmem:s7], [sflag:$0x5] =	stream.linear.gather [hbm4b:s30+s3], $0x80, $0x38;
	[tilespmem:$0x1FCA0] =	vst v63  }
0x124: {  	s30 =	sadd.s32 $0x40, s28  }
0x125: {  	[tilespmem:s31], [sflag:$0x11] =	stream.linear.gather [hbm4b:s30+s3], $0x80, $0x38;
	[tilespmem:$0x1FCA0] =	vst v63  }
0x126: {  	s17 =	simm.s32 $0x280;
	s25 =	sadd.s32 $0x50, s25  }
0x127: {  	[tilespmem:s17], [sflag:$0x6] =	stream.linear.gather [hbm4b:s25+s3], $0x80, $0x38;
	[tilespmem:$0x1FCA0] =	vst v63  }
0x128: {  	s26 =	simm.s32 $0x580;
	s8 =	sadd.s32 $0x50, s28  }
0x129: {  	[tilespmem:s26], [sflag:$0x12] =	stream.linear.gather [hbm4b:s8+s3], $0x80, $0x38;
	[tilespmem:$0x1FCA0] =	vst v63  }
0x12a: {  	s8 =	simm.s32 $0x1  }
0x12b: {  	_ =	swait.ge [sflag:s8], $0x80  }
0x12c: {  	[sflag:s8] =	ssyncset.done $0x0  }
0x12d: {  	s9 =	simm.s32 $0x2;
	s25 =	simm.s32 $0x19CA0;
	[sflag:s8] =	ssyncadd.s32 $0xFFFFFF80  }
0x12e: {  	[tilespmem:s25], [sflag:$0x7] =	stream.indirect.gather [hbm4b:s4+s16], $0x20, s3, s16, $0xb8;
	[tilespmem:$0x1FCA0] =	vst v63  }
0x12f: {  	_ =	swait.ge [sflag:s9], $0x80  }
0x130: {  	[sflag:s9] =	ssyncset.done $0x0  }
0x131: {  	s13 =	simm.s32 $0x1ACA0;
	s12 =	simm.s32 $0x3;
	[sflag:s9] =	ssyncadd.s32 $0xFFFFFF80  }
0x132: {  	[tilespmem:s13], [sflag:$0x8] =	stream.indirect.gather [hbm4b:s4+s16], $0x20, s16, s16, $0xb8;
	[tilespmem:$0x1FCA0] =	vst v63  }
0x133: {  	_ =	swait.ge [sflag:s12], $0x80  }
0x134: {  	[sflag:s12] =	ssyncset.done $0x0  }
0x135: {  	s30 =	simm.s32 $0x100;
	[sflag:s12] =	ssyncadd.s32 $0xFFFFFF80;
	s12 =	simm.s32 $0x1BCA0  }
0x136: {  	[tilespmem:s12], [sflag:$0x9] =	stream.indirect.gather [hbm4b:s4+s16], $0x20, s30, s16, $0xb8;
	[tilespmem:$0x1FCA0] =	vst v63  }
0x137: {  	_ =	swait.ge [sflag:s18], $0x80  }
0x138: {  	[sflag:s18] =	ssyncset.done $0x0  }
0x139: {  	s9 =	simm.s32 $0x1CCA0;
	[sflag:s18] =	ssyncadd.s32 $0xFFFFFF80  }
0x13a: {  	[tilespmem:s9], [sflag:$0xA] =	stream.indirect.gather [hbm4b:s4+s16], $0x20, s2, s16, $0xb8;
	[tilespmem:$0x1FCA0] =	vst v63  }
0x13b: {  	_ =	swait.ge [sflag:s22], $0x80  }
0x13c: {  	[sflag:s22] =	ssyncset.done $0x0  }
0x13d: {  	s8 =	simm.s32 $0x1DCA0;
	[sflag:s22] =	ssyncadd.s32 $0xFFFFFF80  }
0x13e: {  	[tilespmem:s8], [sflag:$0xB] =	stream.indirect.gather [hbm4b:s4+s16], $0x20, s7, s16, $0xb8;
	[tilespmem:$0x1FCA0] =	vst v63  }
0x13f: {  	s7 =	simm.s32 $0x6  }
0x140: {  	_ =	swait.ge [sflag:s7], $0x80  }
0x141: {  	[sflag:s7] =	ssyncset.done $0x0  }
0x142: {  	[sflag:s7] =	ssyncadd.s32 $0xFFFFFF80;
	s7 =	simm.s32 $0x1ECA0  }
0x143: {  	[tilespmem:s7], [sflag:$0xC] =	stream.indirect.gather [hbm4b:s4+s16], $0x20, s17, s16, $0xb8;
	[tilespmem:$0x1FCA0] =	vst v63  }
0x144: {  	_ =	swait.ge [sflag:s11], $0x80  }
0x145: {  	[sflag:s11] =	ssyncset.done $0x0  }
0x146: {  	s17 =	simm.s32 $0x7;
	[sflag:s11] =	ssyncadd.s32 $0xFFFFFF80  }
0x147: {  	_ =	swait.ge [sflag:s17], $0x1000  }
0x148: {  	[sflag:s17] =	ssyncset.done $0x0  }
0x149: {  	s28 =	simm.s32 $0x300;
	s2 =	smov.u32 s1;
	[sflag:s17] =	ssyncadd.s32 $0xFFFFF000  }
0x14a: {  	[spmem:s2] =	stream.indirect.scatter.add.bf16 [tilespmem:s25], [sflag:$0xD], $0x20, s28, s16, $0xb8;
	[tilespmem:$0x1FCA0] =	vst v63  }
0x14b: {  	_ =	swait.ge [sflag:s5], $0x80  }
0x14c: {  	[sflag:s5] =	ssyncset.done $0x0  }
0x14d: {  	[sflag:s5] =	ssyncadd.s32 $0xFFFFFF80  }
0x14e: {  	_ =	swait.ge [sflag:s29], $0x1000  }
0x14f: {  	[sflag:s29] =	ssyncset.done $0x0  }
0x150: {  	[sflag:s29] =	ssyncadd.s32 $0xFFFFF000  }
0x151: {  	[spmem:s2] =	stream.indirect.scatter.add.bf16 [tilespmem:s13], [sflag:$0xE], $0x20, s0, s16, $0xb8;
	[tilespmem:$0x1FCA0] =	vst v63  }
0x152: {  	_ =	swait.ge [sflag:s14], $0x80  }
0x153: {  	[sflag:s14] =	ssyncset.done $0x0  }
0x154: {  	[sflag:s14] =	ssyncadd.s32 $0xFFFFFF80  }
0x155: {  	_ =	swait.ge [sflag:s20], $0x1000  }
0x156: {  	[sflag:s20] =	ssyncset.done $0x0  }
0x157: {  	[sflag:s20] =	ssyncadd.s32 $0xFFFFF000  }
0x158: {  	[spmem:s2] =	stream.indirect.scatter.add.bf16 [tilespmem:s12], [sflag:$0xF], $0x20, s6, s16, $0xb8;
	[tilespmem:$0x1FCA0] =	vst v63  }
0x159: {  	_ =	swait.ge [sflag:s15], $0x80  }
0x15a: {  	[sflag:s15] =	ssyncset.done $0x0  }
0x15b: {  	s13 =	simm.s32 $0xA;
	[sflag:s15] =	ssyncadd.s32 $0xFFFFFF80  }
0x15c: {  	_ =	swait.ge [sflag:s13], $0x1000  }
0x15d: {  	[sflag:s13] =	ssyncset.done $0x0  }
0x15e: {  	s1 =	smov.u32 s2;
	[sflag:s13] =	ssyncadd.s32 $0xFFFFF000  }
0x15f: {  	[spmem:s1] =	stream.indirect.scatter.add.bf16 [tilespmem:s9], [sflag:$0x10], $0x20, s10, s16, $0xb8;
	[tilespmem:$0x1FCA0] =	vst v63  }
0x160: {  	_ =	swait.ge [sflag:s19], $0x80  }
0x161: {  	[sflag:s19] =	ssyncset.done $0x0  }
0x162: {  	s17 =	simm.s32 $0xB;
	[sflag:s19] =	ssyncadd.s32 $0xFFFFFF80  }
0x163: {  	_ =	swait.ge [sflag:s17], $0x1000  }
0x164: {  	[sflag:s17] =	ssyncset.done $0x0  }
0x165: {  	[sflag:s17] =	ssyncadd.s32 $0xFFFFF000  }
0x166: {  	[spmem:s1] =	stream.indirect.scatter.add.bf16 [tilespmem:s8], [sflag:$0x11], $0x20, s31, s16, $0xb8;
	[tilespmem:$0x1FCA0] =	vst v63  }
0x167: {  	_ =	swait.ge [sflag:s21], $0x80  }
0x168: {  	[sflag:s21] =	ssyncset.done $0x0  }
0x169: {  	s25 =	simm.s32 $0xC;
	[sflag:s21] =	ssyncadd.s32 $0xFFFFFF80  }
0x16a: {  	_ =	swait.ge [sflag:s25], $0x1000  }
0x16b: {  	[sflag:s25] =	ssyncset.done $0x0  }
0x16c: {  	[sflag:s25] =	ssyncadd.s32 $0xFFFFF000  }
0x16d: {  	[spmem:s1] =	stream.indirect.scatter.add.bf16 [tilespmem:s7], [sflag:$0x12], $0x20, s26, s16, $0xb8;
	[tilespmem:$0x1FCA0] =	vst v63  }
0x16e: {  	_ =	swait.ge [sflag:s11], $0x1000  }
0x16f: {  	[sflag:s11] =	ssyncset.done $0x0  }
0x170: {  	[sflag:s11] =	ssyncadd.s32 $0xFFFFF000  }
0x171: {  	_ =	swait.ge [sflag:s5], $0x1000  }
0x172: {  	[sflag:s5] =	ssyncset.done $0x0  }
0x173: {  	[sflag:s5] =	ssyncadd.s32 $0xFFFFF000  }
0x174: {  	_ =	swait.ge [sflag:s14], $0x1000  }
0x175: {  	[sflag:s14] =	ssyncset.done $0x0  }
0x176: {  	[sflag:s14] =	ssyncadd.s32 $0xFFFFF000  }
0x177: {  	_ =	swait.ge [sflag:s15], $0x1000  }
0x178: {  	[sflag:s15] =	ssyncset.done $0x0  }
0x179: {  	p1 =	sne.s32 s24, $0xBA0;
	[sflag:s15] =	ssyncadd.s32 $0xFFFFF000  }
.Ltmp1:
0x17a: {  	_ =	swait.ge [sflag:s19], $0x1000;
	(pc) =	sbr.rel @p1 .LBB2_4-.Ltmp1, $4  }
0x17b: {  	[sflag:s19] =	ssyncset.done $0x0  }
0x17c: {  	[sflag:s19] =	ssyncadd.s32 $0xFFFFF000  }
0x17d: {  	_ =	swait.ge [sflag:s21], $0x1000  }
0x17e: {  	s24 =	sadd.s32 $0x60, s24;
	s25 =	rddreg [dreg:$0x4];
	[sflag:s21] =	ssyncset.done $0x0  }
0x17f: {  	s24 =	rddreg [dreg:$0x5];
	[sflag:s21] =	ssyncadd.s32 $0xFFFFF000;
	s25 =	sadd.s32 s23, s25  }
0x180: {  	[tilespmem:s3], [sflag:$0x1] =	stream.linear.gather [hbm4b:s25+s3], $0x80, $0x38;
	[tilespmem:$0x1FCA0] =	vst v63  }
0x181: {  	s23 =	sadd.s32 s23, s24  }
0x182: {  	[tilespmem:s28], [sflag:$0xD] =	stream.linear.gather [hbm4b:s23+s3], $0x80, $0x38;
	[tilespmem:$0x1FCA0] =	vst v63  }
0x183: {  	s10 =	sadd.s32 $0x10, s25  }
0x184: {  	[tilespmem:s16], [sflag:$0x2] =	stream.linear.gather [hbm4b:s10+s3], $0x80, $0x38;
	[tilespmem:$0x1FCA0] =	vst v63  }
0x185: {  	s12 =	sadd.s32 $0x10, s23  }
0x186: {  	[tilespmem:s0], [sflag:$0xE] =	stream.linear.gather [hbm4b:s12+s3], $0x80, $0x38;
	[tilespmem:$0x1FCA0] =	vst v63  }
0x187: {  	s13 =	sadd.s32 $0x20, s25  }
0x188: {  	[tilespmem:s30], [sflag:$0x3] =	stream.linear.gather [hbm4b:s13+s3], $0x80, $0x38;
	[tilespmem:$0x1FCA0] =	vst v63  }
0x189: {  	s17 =	sadd.s32 $0x20, s23  }
0x18a: {  	[tilespmem:s6], [sflag:$0xF] =	stream.linear.gather [hbm4b:s17+s3], $0x80, $0x38;
	[tilespmem:$0x1FCA0] =	vst v63  }
0x18b: {  	s2 =	simm.s32 $0x180;
	s26 =	sadd.s32 $0x30, s25  }
0x18c: {  	[tilespmem:s2], [sflag:$0x4] =	stream.linear.gather [hbm4b:s26+s3], $0x80, $0x38;
	[tilespmem:$0x1FCA0] =	vst v63  }
0x18d: {  	s7 =	sadd.s32 $0x30, s23;
	s10 =	simm.s32 $0x480  }
0x18e: {  	[tilespmem:s10], [sflag:$0x10] =	stream.linear.gather [hbm4b:s7+s3], $0x80, $0x38;
	[tilespmem:$0x1FCA0] =	vst v63  }
0x18f: {  	s9 =	simm.s32 $0x200;
	s8 =	sadd.s32 $0x40, s25  }
0x190: {  	[tilespmem:s9], [sflag:$0x5] =	stream.linear.gather [hbm4b:s8+s3], $0x80, $0x38;
	[tilespmem:$0x1FCA0] =	vst v63  }
0x191: {  	s12 =	sadd.s32 $0x40, s23;
	s26 =	simm.s32 $0x500  }
0x192: {  	[tilespmem:s26], [sflag:$0x11] =	stream.linear.gather [hbm4b:s12+s3], $0x80, $0x38;
	[tilespmem:$0x1FCA0] =	vst v63  }
0x193: {  	s13 =	sadd.s32 $0x50, s25;
	s17 =	simm.s32 $0x280  }
0x194: {  	[tilespmem:s17], [sflag:$0x6] =	stream.linear.gather [hbm4b:s13+s3], $0x80, $0x38;
	[tilespmem:$0x1FCA0] =	vst v63  }
0x195: {  	s24 =	simm.s32 $0x580;
	s23 =	sadd.s32 $0x50, s23;
	s7 =	simm.s32 $0x1  }
0x196: {  	[tilespmem:s24], [sflag:$0x12] =	stream.linear.gather [hbm4b:s23+s3], $0x80, $0x38;
	[tilespmem:$0x1FCA0] =	vst v63  }
0x197: {  	_ =	swait.ge [sflag:s7], $0x80  }
0x198: {  	[sflag:s7] =	ssyncset.done $0x0  }
0x199: {  	s8 =	simm.s32 $0x2;
	[sflag:s7] =	ssyncadd.s32 $0xFFFFFF80;
	s7 =	simm.s32 $0x19CA0  }
0x19a: {  	[tilespmem:s7], [sflag:$0x7] =	stream.indirect.gather [hbm4b:s4+s16], $0x20, s3, s16, $0xb8;
	[tilespmem:$0x1FCA0] =	vst v63  }
0x19b: {  	_ =	swait.ge [sflag:s8], $0x80  }
0x19c: {  	[sflag:s8] =	ssyncset.done $0x0  }
0x19d: {  	s13 =	simm.s32 $0x1ACA0;
	s23 =	simm.s32 $0x3;
	[sflag:s8] =	ssyncadd.s32 $0xFFFFFF80  }
0x19e: {  	[tilespmem:s13], [sflag:$0x8] =	stream.indirect.gather [hbm4b:s4+s16], $0x20, s16, s16, $0xb8;
	[tilespmem:$0x1FCA0] =	vst v63  }
0x19f: {  	_ =	swait.ge [sflag:s23], $0x80  }
0x1a0: {  	[sflag:s23] =	ssyncset.done $0x0  }
0x1a1: {  	s25 =	simm.s32 $0x1BCA0;
	[sflag:s23] =	ssyncadd.s32 $0xFFFFFF80  }
0x1a2: {  	[tilespmem:s25], [sflag:$0x9] =	stream.indirect.gather [hbm4b:s4+s16], $0x20, s30, s16, $0xb8;
	[tilespmem:$0x1FCA0] =	vst v63  }
0x1a3: {  	_ =	swait.ge [sflag:s18], $0x80  }
0x1a4: {  	[sflag:s18] =	ssyncset.done $0x0  }
0x1a5: {  	s12 =	simm.s32 $0x1CCA0;
	[sflag:s18] =	ssyncadd.s32 $0xFFFFFF80  }
0x1a6: {  	[tilespmem:s12], [sflag:$0xA] =	stream.indirect.gather [hbm4b:s4+s16], $0x20, s2, s16, $0xb8;
	[tilespmem:$0x1FCA0] =	vst v63  }
0x1a7: {  	_ =	swait.ge [sflag:s22], $0x80  }
0x1a8: {  	[sflag:s22] =	ssyncset.done $0x0  }
0x1a9: {  	s8 =	simm.s32 $0x1DCA0;
	s30 =	simm.s32 $0x6;
	[sflag:s22] =	ssyncadd.s32 $0xFFFFFF80  }
0x1aa: {  	[tilespmem:s8], [sflag:$0xB] =	stream.indirect.gather [hbm4b:s4+s16], $0x20, s9, s16, $0xb8;
	[tilespmem:$0x1FCA0] =	vst v63  }
0x1ab: {  	_ =	swait.ge [sflag:s30], $0x80  }
0x1ac: {  	[sflag:s30] =	ssyncset.done $0x0  }
0x1ad: {  	s2 =	simm.s32 $0x1ECA0;
	[sflag:s30] =	ssyncadd.s32 $0xFFFFFF80  }
0x1ae: {  	[tilespmem:s2], [sflag:$0xC] =	stream.indirect.gather [hbm4b:s4+s16], $0x20, s17, s16, $0xb8;
	[tilespmem:$0x1FCA0] =	vst v63  }
0x1af: {  	_ =	swait.ge [sflag:s11], $0x80  }
0x1b0: {  	[sflag:s11] =	ssyncset.done $0x0  }
0x1b1: {  	s17 =	simm.s32 $0x7;
	[sflag:s11] =	ssyncadd.s32 $0xFFFFFF80  }
0x1b2: {  	_ =	swait.ge [sflag:s17], $0x1000  }
0x1b3: {  	[sflag:s17] =	ssyncset.done $0x0  }
0x1b4: {  	[sflag:s17] =	ssyncadd.s32 $0xFFFFF000  }
0x1b5: {  	[spmem:s1] =	stream.indirect.scatter.add.bf16 [tilespmem:s7], [sflag:$0xD], $0x20, s28, s16, $0xb8;
	[tilespmem:$0x1FCA0] =	vst v63  }
0x1b6: {  	_ =	swait.ge [sflag:s5], $0x80  }
0x1b7: {  	[sflag:s5] =	ssyncset.done $0x0  }
0x1b8: {  	[sflag:s5] =	ssyncadd.s32 $0xFFFFFF80  }
0x1b9: {  	_ =	swait.ge [sflag:s29], $0x1000  }
0x1ba: {  	[sflag:s29] =	ssyncset.done $0x0  }
0x1bb: {  	[sflag:s29] =	ssyncadd.s32 $0xFFFFF000  }
0x1bc: {  	[spmem:s1] =	stream.indirect.scatter.add.bf16 [tilespmem:s13], [sflag:$0xE], $0x20, s0, s16, $0xb8;
	[tilespmem:$0x1FCA0] =	vst v63  }
0x1bd: {  	_ =	swait.ge [sflag:s14], $0x80  }
0x1be: {  	[sflag:s14] =	ssyncset.done $0x0  }
0x1bf: {  	[sflag:s14] =	ssyncadd.s32 $0xFFFFFF80  }
0x1c0: {  	_ =	swait.ge [sflag:s20], $0x1000  }
0x1c1: {  	[sflag:s20] =	ssyncset.done $0x0  }
0x1c2: {  	[sflag:s20] =	ssyncadd.s32 $0xFFFFF000  }
0x1c3: {  	[spmem:s1] =	stream.indirect.scatter.add.bf16 [tilespmem:s25], [sflag:$0xF], $0x20, s6, s16, $0xb8;
	[tilespmem:$0x1FCA0] =	vst v63  }
0x1c4: {  	_ =	swait.ge [sflag:s15], $0x80  }
0x1c5: {  	[sflag:s15] =	ssyncset.done $0x0  }
0x1c6: {  	s23 =	simm.s32 $0xA;
	[sflag:s15] =	ssyncadd.s32 $0xFFFFFF80  }
0x1c7: {  	_ =	swait.ge [sflag:s23], $0x1000  }
0x1c8: {  	[sflag:s23] =	ssyncset.done $0x0  }
0x1c9: {  	[sflag:s23] =	ssyncadd.s32 $0xFFFFF000  }
0x1ca: {  	[spmem:s1] =	stream.indirect.scatter.add.bf16 [tilespmem:s12], [sflag:$0x10], $0x20, s10, s16, $0xb8;
	[tilespmem:$0x1FCA0] =	vst v63  }
0x1cb: {  	_ =	swait.ge [sflag:s19], $0x80  }
0x1cc: {  	[sflag:s19] =	ssyncset.done $0x0  }
0x1cd: {  	s25 =	simm.s32 $0xB;
	[sflag:s19] =	ssyncadd.s32 $0xFFFFFF80  }
0x1ce: {  	_ =	swait.ge [sflag:s25], $0x1000  }
0x1cf: {  	[sflag:s25] =	ssyncset.done $0x0  }
0x1d0: {  	[sflag:s25] =	ssyncadd.s32 $0xFFFFF000  }
0x1d1: {  	[spmem:s1] =	stream.indirect.scatter.add.bf16 [tilespmem:s8], [sflag:$0x11], $0x20, s26, s16, $0xb8;
	[tilespmem:$0x1FCA0] =	vst v63  }
0x1d2: {  	_ =	swait.ge [sflag:s21], $0x80  }
0x1d3: {  	[sflag:s21] =	ssyncset.done $0x0  }
0x1d4: {  	s30 =	simm.s32 $0xC;
	[sflag:s21] =	ssyncadd.s32 $0xFFFFFF80  }
0x1d5: {  	_ =	swait.ge [sflag:s30], $0x1000  }
0x1d6: {  	[sflag:s30] =	ssyncset.done $0x0  }
0x1d7: {  	[sflag:s30] =	ssyncadd.s32 $0xFFFFF000  }
0x1d8: {  	[spmem:s1] =	stream.indirect.scatter.add.bf16 [tilespmem:s2], [sflag:$0x12], $0x20, s24, s16, $0xb8;
	[tilespmem:$0x1FCA0] =	vst v63  }
0x1d9: {  	_ =	swait.ge [sflag:s11], $0x1000  }
0x1da: {  	[sflag:s11] =	ssyncset.done $0x0  }
0x1db: {  	[sflag:s11] =	ssyncadd.s32 $0xFFFFF000  }
0x1dc: {  	_ =	swait.ge [sflag:s5], $0x1000  }
0x1dd: {  	[sflag:s5] =	ssyncset.done $0x0  }
0x1de: {  	[sflag:s5] =	ssyncadd.s32 $0xFFFFF000  }
0x1df: {  	_ =	swait.ge [sflag:s14], $0x1000  }
0x1e0: {  	[sflag:s14] =	ssyncset.done $0x0  }
0x1e1: {  	[sflag:s14] =	ssyncadd.s32 $0xFFFFF000  }
0x1e2: {  	_ =	swait.ge [sflag:s15], $0x1000  }
0x1e3: {  	[sflag:s15] =	ssyncset.done $0x0  }
0x1e4: {  	[sflag:s15] =	ssyncadd.s32 $0xFFFFF000  }
0x1e5: {  	_ =	swait.ge [sflag:s19], $0x1000  }
0x1e6: {  	[sflag:s19] =	ssyncset.done $0x0  }
0x1e7: {  	[sflag:s19] =	ssyncadd.s32 $0xFFFFF000  }
0x1e8: {  	_ =	swait.ge [sflag:s21], $0x1000  }
0x1e9: {  	[sflag:s21] =	ssyncset.done $0x0  }
0x1ea: {  	s30 =	simm.s32 $0x13;
	s0 =	rddreg [dreg:$0x8];
	[sflag:s21] =	ssyncadd.s32 $0xFFFFF000  }
0x1eb: {  	[tilespmem:s3], [sflag:$0x13] =	stream.linear.gather [hbm4b:s0+s3], $0x80, $0x38;
	[tilespmem:$0x1FCA0] =	vst v63  }
0x1ec: {  	_ =	swait.ge [sflag:s30], $0x80  }
0x1ed: {  	[sflag:s30] =	ssyncset.done $0x0  }
0x1ee: {  	s6 =	rddreg [dreg:$0x9];
	[sflag:s30] =	ssyncadd.s32 $0xFFFFFF80  }
0x1ef: {  	[tilespmem:s28], [sflag:$0x13] =	stream.linear.gather [hbm4b:s6+s3], $0x80, $0x38;
	[tilespmem:$0x1FCA0] =	vst v63  }
0x1f0: {  	_ =	swait.ge [sflag:s30], $0x80  }
0x1f1: {  	[sflag:s30] =	ssyncset.done $0x0  }
0x1f2: {  	[sflag:s30] =	ssyncadd.s32 $0xFFFFFF80  }
0x1f3: {  	[tilespmem:s7], [sflag:$0x7] =	stream.indirect.gather [hbm4b:s4+s16], $0x20, s3, s16, $0xb8;
	[tilespmem:$0x1FCA0] =	vst v63  }
0x1f4: {  	_ =	swait.ge [sflag:s17], $0x1000  }
0x1f5: {  	[sflag:s17] =	ssyncset.done $0x0  }
0x1f6: {  	[sflag:s17] =	ssyncadd.s32 $0xFFFFF000  }
0x1f7: {  	[spmem:s1] =	stream.indirect.scatter.add.bf16 [tilespmem:s7], [sflag:$0x13], $0x20, s28, s16, $0xb8;
	[tilespmem:$0x1FCA0] =	vst v63  }
0x1f8: {  	_ =	swait.ge [sflag:s30], $0x1000  }
0x1f9: {  	[sflag:s30] =	ssyncset.done $0x0  }
0x1fa: {  	s8 =	rddreg [dreg:$0xa];
	[sflag:s30] =	ssyncadd.s32 $0xFFFFF000  }
0x1fb: {  	[tilespmem:s3], [sflag:$0x13] =	stream.linear.gather [hbm4b:s8+s3], $0x80, $0x38;
	[tilespmem:$0x1FCA0] =	vst v63  }
0x1fc: {  	_ =	swait.ge [sflag:s30], $0x80  }
0x1fd: {  	[sflag:s30] =	ssyncset.done $0x0  }
0x1fe: {  	s9 =	rddreg [dreg:$0xb];
	[sflag:s30] =	ssyncadd.s32 $0xFFFFFF80  }
0x1ff: {  	[tilespmem:s28], [sflag:$0x13] =	stream.linear.gather [hbm4b:s9+s3], $0x80, $0x38;
	[tilespmem:$0x1FCA0] =	vst v63  }
0x200: {  	_ =	swait.ge [sflag:s30], $0x80  }
0x201: {  	[sflag:s30] =	ssyncset.done $0x0  }
0x202: {  	[sflag:s30] =	ssyncadd.s32 $0xFFFFFF80  }
0x203: {  	[tilespmem:s7], [sflag:$0x7] =	stream.indirect.gather [hbm4b:s4+s16], $0x20, s3, s16, $0xb8;
	[tilespmem:$0x1FCA0] =	vst v63  }
0x204: {  	_ =	swait.ge [sflag:s17], $0x1000  }
0x205: {  	[sflag:s17] =	ssyncset.done $0x0  }
0x206: {  	[sflag:s17] =	ssyncadd.s32 $0xFFFFF000  }
0x207: {  	[spmem:s1] =	stream.indirect.scatter.add.bf16 [tilespmem:s7], [sflag:$0x13], $0x20, s28, s16, $0xb8;
	[tilespmem:$0x1FCA0] =	vst v63  }
0x208: {  	_ =	swait.ge [sflag:s30], $0x1000  }
0x209: {  	[sflag:s30] =	ssyncset.done $0x0  }
0x20a: {  	s10 =	rddreg [dreg:$0xc];
	[sflag:s30] =	ssyncadd.s32 $0xFFFFF000  }
0x20b: {  	[tilespmem:s3], [sflag:$0x13] =	stream.linear.gather [hbm4b:s10+s3], $0x80, $0x38;
	[tilespmem:$0x1FCA0] =	vst v63  }
0x20c: {  	_ =	swait.ge [sflag:s30], $0x80  }
0x20d: {  	[sflag:s30] =	ssyncset.done $0x0  }
0x20e: {  	s12 =	rddreg [dreg:$0xd];
	[sflag:s30] =	ssyncadd.s32 $0xFFFFFF80  }
0x20f: {  	[tilespmem:s28], [sflag:$0x13] =	stream.linear.gather [hbm4b:s12+s3], $0x80, $0x38;
	[tilespmem:$0x1FCA0] =	vst v63  }
0x210: {  	_ =	swait.ge [sflag:s30], $0x80  }
0x211: {  	[sflag:s30] =	ssyncset.done $0x0  }
0x212: {  	[sflag:s30] =	ssyncadd.s32 $0xFFFFFF80  }
0x213: {  	[tilespmem:s7], [sflag:$0x7] =	stream.indirect.gather [hbm4b:s4+s16], $0x20, s3, s16, $0xb8;
	[tilespmem:$0x1FCA0] =	vst v63  }
0x214: {  	_ =	swait.ge [sflag:s17], $0x1000  }
0x215: {  	[sflag:s17] =	ssyncset.done $0x0  }
0x216: {  	[sflag:s17] =	ssyncadd.s32 $0xFFFFF000  }
0x217: {  	[spmem:s1] =	stream.indirect.scatter.add.bf16 [tilespmem:s7], [sflag:$0x13], $0x20, s28, s16, $0xb8;
	[tilespmem:$0x1FCA0] =	vst v63  }
0x218: {  	_ =	swait.ge [sflag:s30], $0x1000  }
0x219: {  	[sflag:s30] =	ssyncset.done $0x0  }
0x21a: {  	s23 =	simm.s32 @!p0 $0x0;
	s24 =	rddreg [dreg:$0xe];
	[sflag:s30] =	ssyncadd.s32 $0xFFFFF000  }
0x21b: {  	[tilespmem:s23], [sflag:$0x13] =	stream.linear.gather @!p0 [hbm4b:s24+s23], $0x80, $0x38;
	[tilespmem:$0x1FCA0] =	vst v63  }
0x21c: {  	s24 =	simm.s32 @!p0 $0x13  }
0x21d: {  	_ =	swait.ge @!p0 [sflag:s24], $0x80  }
0x21e: {  	[sflag:s24] =	ssyncset.done @!p0 $0x0  }
0x21f: {  	s0 =	simm.s32 @!p0 $0x300;
	s28 =	rddreg [dreg:$0xf];
	[sflag:s24] =	ssyncadd.s32 @!p0 $0xFFFFFF80  }
0x220: {  	[tilespmem:s0], [sflag:$0x13] =	stream.linear.gather @!p0 [hbm4b:s28+s23], $0x80, $0x38;
	[tilespmem:$0x1FCA0] =	vst v63  }
0x221: {  	_ =	swait.ge @!p0 [sflag:s24], $0x80  }
0x222: {  	[sflag:s24] =	ssyncset.done @!p0 $0x0  }
0x223: {  	s25 =	simm.s32 @!p0 $0x19CA0;
	s28 =	simm.s32 @!p0 $0x80;
	[sflag:s24] =	ssyncadd.s32 @!p0 $0xFFFFFF80  }
0x224: {  	[tilespmem:s25], [sflag:$0x7] =	stream.indirect.gather @!p0 [hbm4b:s4+s28], $0x20, s23, s28, $0xb8;
	[tilespmem:$0x1FCA0] =	vst v63  }
0x225: {  	s23 =	simm.s32 @!p0 $0x7  }
0x226: {  	_ =	swait.ge @!p0 [sflag:s23], $0x1000  }
0x227: {  	[sflag:s23] =	ssyncset.done @!p0 $0x0  }
0x228: {  	[sflag:s23] =	ssyncadd.s32 @!p0 $0xFFFFF000  }
0x229: {  	[spmem:s1] =	stream.indirect.scatter.add.bf16 @!p0 [tilespmem:s25], [sflag:$0x13], $0x20, s0, s28, $0xb8;
	[tilespmem:$0x1FCA0] =	vst v63  }
0x22a: {  	_ =	swait.ge @!p0 [sflag:s24], $0x1000  }
0x22b: {  	[sflag:s24] =	ssyncset.done @!p0 $0x0  }
0x22c: {  	[sflag:s24] =	ssyncadd.s32 @!p0 $0xFFFFF000  }
0x22d: {  	s13 =	stileid.u32;
	[bflag:$0x0] =	sbarrier.arrive $0xFFFF  }
0x22e: {  	s23 =	sshll.u32 s13, $0x6;
	s28 =	rddreg [dreg:$0x6]  }
0x22f: {  	s23 =	sor.u32 $0x1C13, s23;
	s20 =	rddreg [dreg:$0x10];
	s17 =	sshrl.u32 s28, $0x3  }
0x230: {  	[hbm:s20], [sflag:s23] =	dma.local [spmem:s17], $0x30D4  }
0x231: {  	_ =	swait.ge [sflag:s30], $0x30D4  }
0x232: {  	s25 =	sld [smem:$0x7F4];
	_ =	sdelay $0x2  }
0x233: {  	s26 =	rddreg [dreg:$0x11];
	s0 =	sadd.s32 $0x1, s25  }
0x234: {  	p1 =	sne.s32 s0, s26  }
.Ltmp2:
0x235: {  	_ = 	snop;
	(pc) =	sbr.rel @p1 .LBB2_1-.Ltmp2, $3  }
0x236: {  	_ =	sdelay $0x1  }
0x237: {  	[sflag:s30] =	ssyncset.done $0x0  }
0x238: {  	s2 =	simm.s32 $0x1DCA0;
	[sflag:s30] =	ssyncadd.s32 $0xFFFFCF2C  }
0x239: {  	_ =	sfence.sel $0x180000  }
0x23a: {  	[bflag:$0x0] =	sbarrier.arrive $0xFFFF  }
0x23b: {  	_ =	strace $0x9000004A  }
0x23c: {  	s0 =	stileid.u32;
	[bflag:$0x2] =	sbarrier.arrive $0xFFFF  }
0x23d: {  	p0 =	sne.s32 s0, $0x0;
	s0 =	rddreg [dreg:$0x3]  }
0x23e: {  	s0 =	sadd.s32 @!p0 $0x100000, s0  }
0x23f: {  	[sflag:s0] =	ssyncadd.tile.s32 @!p0 $0x1;
	_ =	shalt  }
.Lfunc_end2:
_tile_overlayer_lowered:
.L_overlay_start_2:
0x240: {  	(tag) =	ssettag $0x2  }
0x241: {  	s0 =	rddreg [dreg:$0x0];
	s2 =	stileid.u32  }
0x242: {  	s1 =	rddreg [dreg:$0x1];
	p0 =	sne.s32 s2, $0x0  }
0x243: {  	s3 =	rddreg [dreg:$0x2];
	[bflag:$0x3] =	sbarrier.arrive $0xFFFF;
	s2 =	simm.s32 @!p0 $0x1C13  }
0x244: {  	[timem:s3], [sflag:s2] =	dma.local @!p0 [hbm:s0], s1  }
0x245: {  	s0 =	simm.s32 @!p0 $0x13  }
0x246: {  	_ =	swait.ge @!p0 [sflag:s0], s1  }
0x247: {  	s1 =	ssub.s32 @!p0 $0x0, s1;
	[sflag:s0] =	ssyncset.done @!p0 $0x0  }
0x248: {  	[sflag:s0] =	ssyncadd.s32 @!p0 s1  }
0x249: {  	[bflag:$0x3] =	sbarrier.arrive $0xFFFF  }
0x24a: {  	_ =	shalt  }

</sc_bundles>
